<compile_context>
chip_gen: v7x
topology: tpu7x:2x2x1
jax: 0.10.2.dev20260603
libtpu: 0.0.44.dev20260713+nightly
codegen_flags: <defaults>
</compile_context>

<pallas_src>
import functools

import jax
import jax.numpy as jnp
from jax import lax
from jax.experimental import pallas as pl
from jax.experimental.pallas import tpu as pltpu
from jax.experimental.pallas import tpu_sc as plsc

N_AXES = 4
PER_AXIS = 32
TABLE_ROWS = 4096
NUM_WORKERS = 32
TOK_PER_WORKER = 1024
CHUNK_TOK = 256
N_CHUNKS = TOK_PER_WORKER // CHUNK_TOK
IDS_PER_ROW = 128
ROWS_PER_AXIS = CHUNK_TOK // IDS_PER_ROW
NBUF = 3


def _embed_body(ids_hbm, w0_hbm, w1_hbm, w2_hbm, w3_hbm, out_hbm,
                idx_v, rows_v, sems):
    w_hbm = [w0_hbm, w1_hbm, w2_hbm, w3_hbm]
    wid = lax.axis_index("s") * 2 + lax.axis_index("c")
    seq = out_hbm.shape[2]
    wpb = seq // TOK_PER_WORKER
    b = wid // wpb
    s0 = (wid % wpb) * TOK_PER_WORKER

    def load_chunk(c, buf):
        blk0 = s0 // IDS_PER_ROW + c * ROWS_PER_AXIS
        for i in range(N_AXES):
            pltpu.sync_copy(ids_hbm.at[b, pl.ds(blk0, ROWS_PER_AXIS), i],
                            idx_v.at[buf, i])
        for i in range(N_AXES):
            for j in range(ROWS_PER_AXIS):
                pltpu.make_async_copy(
                    w_hbm[i].at[idx_v.at[buf, i, j]],
                    rows_v.at[buf, i, pl.ds(j * IDS_PER_ROW, IDS_PER_ROW)],
                    sems.at[buf],
                ).start()

    def drain_chunk(c, buf):
        for i in range(N_AXES):
            for j in range(ROWS_PER_AXIS):
                pltpu.make_async_copy(
                    w_hbm[i].at[idx_v.at[buf, i, j]],
                    rows_v.at[buf, i, pl.ds(j * IDS_PER_ROW, IDS_PER_ROW)],
                    sems.at[buf],
                ).wait()
        for i in range(N_AXES):
            pltpu.sync_copy(
                rows_v.at[buf, i],
                out_hbm.at[b, 0, pl.ds(s0 + c * CHUNK_TOK, CHUNK_TOK),
                           pl.ds(i * PER_AXIS, PER_AXIS)])

    load_chunk(0, 0)
    load_chunk(1, 1)
    for c in range(N_CHUNKS):
        if c + 2 < N_CHUNKS:
            load_chunk(c + 2, (c + 2) % NBUF)
        drain_chunk(c, c % NBUF)


def kernel(ids, W0, W1, W2, W3):
    batch, seq, n_axes = ids.shape
    ids_b = ids.astype(jnp.int32).reshape(
        batch, seq // IDS_PER_ROW, IDS_PER_ROW, n_axes).transpose(0, 1, 3, 2)

    mesh = plsc.VectorSubcoreMesh(core_axis_name="c", subcore_axis_name="s")
    run = functools.partial(
        pl.kernel,
        out_type=jax.ShapeDtypeStruct((batch, 1, seq, N_AXES * PER_AXIS),
                                      jnp.float32),
        mesh=mesh,
        scratch_types=[
            pltpu.VMEM((NBUF, N_AXES, ROWS_PER_AXIS, IDS_PER_ROW), jnp.int32),
            pltpu.VMEM((NBUF, N_AXES, CHUNK_TOK, PER_AXIS), jnp.float32),
            pltpu.SemaphoreType.DMA((NBUF,)),
        ],
        compiler_params=pltpu.CompilerParams(
            use_tc_tiling_on_sc=False, needs_layout_passes=False),
    )(_embed_body)
    return run(ids_b, W0, W1, W2, W3)

# --- scband reference (transcript-rebuilt; emitter-appended) ---
"""Pipeline reference for scband-embed-nd-89928025244494 (READ-ONLY COPY).

The authoritative reference and input builder live on the scoring server;
editing this copy changes nothing except your own understanding.
"""

import jax, jax.numpy as jnp
import numpy as np

DIM = 128
AXES_DIM = [4096, 4096, 4096, 4096]
N_AXES = len(AXES_DIM)
PER_AXIS = DIM // N_AXES  # 32


def setup_inputs(seed: int = 0) -> dict:
    key = jax.random.key(seed)
    k_ids, k0, k1, k2, k3 = jax.random.split(key, 5)
    ids = jax.random.randint(k_ids, (4, 8192, N_AXES), 0, 4096, dtype=jnp.int64)
    W0 = jax.random.normal(k0, (AXES_DIM[0], PER_AXIS), dtype=jnp.float32)
    W1 = jax.random.normal(k1, (AXES_DIM[1], PER_AXIS), dtype=jnp.float32)
    W2 = jax.random.normal(k2, (AXES_DIM[2], PER_AXIS), dtype=jnp.float32)
    W3 = jax.random.normal(k3, (AXES_DIM[3], PER_AXIS), dtype=jnp.float32)
    return {"ids": ids, "W0": W0, "W1": W1, "W2": W2, "W3": W3}


def reference(ids, W0, W1, W2, W3):
    tables = [W0, W1, W2, W3]
    # per-axis embedding lookup (gather), concat along last dim
    emb = jnp.concatenate([jnp.take(tables[i], ids[..., i], axis=0) for i in range(N_AXES)], axis=-1)
    # unsqueeze(1)
    return emb[:, None, :, :]

if __name__ == "__main__":
    import jax
    _d = setup_inputs()
    print(jax.jit(kernel)(*tuple(_d.values())))

</pallas_src>

<mosaic_0001>
#map = affine_map<(d0, d1) -> (0, 0, 0, 0)>
#map1 = affine_map<(d0, d1) -> (0, 0)>
module attributes {stable_mosaic.version = 14 : i64} {
  func.func @_embed_body(%arg0: i32, %arg1: i32, %arg2: memref<4x64x4x128xi32, #tpu.memory_space<hbm>>, %arg3: memref<4096x32xf32, #tpu.memory_space<hbm>>, %arg4: memref<4096x32xf32, #tpu.memory_space<hbm>>, %arg5: memref<4096x32xf32, #tpu.memory_space<hbm>>, %arg6: memref<4096x32xf32, #tpu.memory_space<hbm>>, %arg7: memref<4x1x8192x128xf32, #tpu.memory_space<hbm>>, %arg8: memref<3x4x2x128xi32, #tpu.memory_space<vmem>>, %arg9: memref<3x4x256x32xf32, #tpu.memory_space<vmem>>, %arg10: memref<3x!tpu.dma_semaphore, #tpu.memory_space<semaphore_mem>>) attributes {dimension_semantics = [#tpu.dimension_semantics<core_parallel>, #tpu.dimension_semantics<subcore_parallel>], iteration_bounds = array<i64: 2, 16>, scalar_prefetch = 0 : i64, scratch_operands = 3 : i64, tpu.core_type = #tpu.core_type<sc_vector_subcore>, window_params = [{transform_indices = #map}, {transform_indices = #map1}, {transform_indices = #map1}, {transform_indices = #map1}, {transform_indices = #map1}, {transform_indices = #map}]} {
    %mul3A = arith.constant 2 : i32
    %mul3A_0 = arith.muli %arg1, %mul3A : i32
    %add3A = arith.addi %mul3A_0, %arg0 : i32
    %jit3A = arith.constant 8 : i32
    %div3A = arith.divsi %add3A, %jit3A : i32
    %sign3A = arith.constant 0 : i32
    %sign3A_1 = arith.cmpi sgt, %add3A, %sign3A : i32
    %sign3A_2 = arith.extui %sign3A_1 : i1 to i32
    %sign3A_3 = arith.constant 0 : i32
    %sign3A_4 = arith.cmpi slt, %add3A, %sign3A_3 : i32
    %sign3A_5 = arith.extui %sign3A_4 : i1 to i32
    %sign3A_6 = arith.subi %sign3A_2, %sign3A_5 : i32
    %sign3A_7 = arith.constant 0 : i32
    %sign3A_8 = arith.cmpi sgt, %jit3A, %sign3A_7 : i32
    %sign3A_9 = arith.extui %sign3A_8 : i1 to i32
    %sign3A_10 = arith.constant 0 : i32
    %sign3A_11 = arith.cmpi slt, %jit3A, %sign3A_10 : i32
    %sign3A_12 = arith.extui %sign3A_11 : i1 to i32
    %sign3A_13 = arith.subi %sign3A_9, %sign3A_12 : i32
    %ne3A = arith.cmpi ne, %sign3A_6, %sign3A_13 : i32
    %rem3A = arith.remsi %add3A, %jit3A : i32
    %ne3A_14 = arith.constant 0 : i32
    %ne3A_15 = arith.cmpi ne, %rem3A, %ne3A_14 : i32
    %and3A = arith.andi %ne3A, %ne3A_15 : i1
    %sub3A = arith.constant 1 : i32
    %sub3A_16 = arith.subi %div3A, %sub3A : i32
    %select_n3A = arith.select %and3A, %sub3A_16, %div3A : i32
    %jit3A_17 = arith.constant 8 : i32
    %eq3A = arith.constant 0 : i32
    %eq3A_18 = arith.cmpi eq, %jit3A_17, %eq3A : i32
    %jit3A_19 = arith.constant 1 : i32
    %select_n3A_20 = arith.select %eq3A_18, %jit3A_19, %jit3A_17 : i32
    %rem3A_21 = arith.remsi %add3A, %select_n3A_20 : i32
    %ne3A_22 = arith.constant 0 : i32
    %ne3A_23 = arith.cmpi ne, %rem3A_21, %ne3A_22 : i32
    %lt3A = arith.constant 0 : i32
    %lt3A_24 = arith.cmpi slt, %rem3A_21, %lt3A : i32
    %lt3A_25 = arith.constant 0 : i32
    %lt3A_26 = arith.cmpi slt, %select_n3A_20, %lt3A_25 : i32
    %ne3A_27 = arith.xori %lt3A_24, %lt3A_26 : i1
    %and3A_28 = arith.andi %ne3A_27, %ne3A_23 : i1
    %add3A_29 = arith.addi %rem3A_21, %select_n3A_20 : i32
    %select_n3A_30 = arith.select %and3A_28, %add3A_29, %rem3A_21 : i32
    %mul3A_31 = arith.constant 1024 : i32
    %mul3A_32 = arith.muli %select_n3A_30, %mul3A_31 : i32
    %jit3A_33 = arith.constant 128 : i32
    %div3A_34 = arith.divsi %mul3A_32, %jit3A_33 : i32
    %sign3A_35 = arith.constant 0 : i32
    %sign3A_36 = arith.cmpi sgt, %mul3A_32, %sign3A_35 : i32
    %sign3A_37 = arith.extui %sign3A_36 : i1 to i32
    %sign3A_38 = arith.constant 0 : i32
    %sign3A_39 = arith.cmpi slt, %mul3A_32, %sign3A_38 : i32
    %sign3A_40 = arith.extui %sign3A_39 : i1 to i32
    %sign3A_41 = arith.subi %sign3A_37, %sign3A_40 : i32
    %sign3A_42 = arith.constant 0 : i32
    %sign3A_43 = arith.cmpi sgt, %jit3A_33, %sign3A_42 : i32
    %sign3A_44 = arith.extui %sign3A_43 : i1 to i32
    %sign3A_45 = arith.constant 0 : i32
    %sign3A_46 = arith.cmpi slt, %jit3A_33, %sign3A_45 : i32
    %sign3A_47 = arith.extui %sign3A_46 : i1 to i32
    %sign3A_48 = arith.subi %sign3A_44, %sign3A_47 : i32
    %ne3A_49 = arith.cmpi ne, %sign3A_41, %sign3A_48 : i32
    %rem3A_50 = arith.remsi %mul3A_32, %jit3A_33 : i32
    %ne3A_51 = arith.constant 0 : i32
    %ne3A_52 = arith.cmpi ne, %rem3A_50, %ne3A_51 : i32
    %and3A_53 = arith.andi %ne3A_49, %ne3A_52 : i1
    %sub3A_54 = arith.constant 1 : i32
    %sub3A_55 = arith.subi %div3A_34, %sub3A_54 : i32
    %select_n3A_56 = arith.select %and3A_53, %sub3A_55, %div3A_34 : i32
    %add3A_57 = arith.constant 0 : i32
    %add3A_58 = arith.addi %select_n3A_56, %add3A_57 : i32
    %run_scoped3A = arith.constant 0 : i32
    %run_scoped3A_59 = arith.constant 0 : i32
    %run_scoped3A_60 = arith.constant 0 : i32
    "tpu.region"() ({
      %run_scoped3A_1414 = tpu.sem_alloc : memref<!tpu.dma_semaphore, #tpu.memory_space<semaphore_mem>>
      %dma_start3A_1415 = arith.constant 0 : i32
      %dma_start3A_1416 = arith.constant 0 : i32
      %dma_start3A_1417 = tpu.memref_slice %arg8[%run_scoped3A_59, %run_scoped3A_60, %dma_start3A_1415, %dma_start3A_1416] : memref<3x4x2x128xi32, #tpu.memory_space<vmem>> -> memref<1x1x2x128xi32, #tpu.memory_space<vmem>>
      %dma_start3A_1418 = tpu.memref_squeeze %dma_start3A_1417 : memref<1x1x2x128xi32, #tpu.memory_space<vmem>> -> memref<2x128xi32, #tpu.memory_space<vmem>>
      %dma_start3A_1419 = arith.constant 0 : i32
      %dma_start3A_1420 = tpu.memref_slice %arg2[%select_n3A, %add3A_58, %run_scoped3A, %dma_start3A_1419] : memref<4x64x4x128xi32, #tpu.memory_space<hbm>> -> memref<1x2x1x128xi32, #tpu.memory_space<hbm>>
      %dma_start3A_1421 = tpu.memref_squeeze %dma_start3A_1420 : memref<1x2x1x128xi32, #tpu.memory_space<hbm>> -> memref<2x128xi32, #tpu.memory_space<hbm>>
      %dma_start3A_1422 = arith.constant 0 : i32
      %dma_start3A_1423 = arith.constant 0 : i32
      %dma_start3A_1424 = tpu.memref_slice %arg8[%run_scoped3A_59, %run_scoped3A_60, %dma_start3A_1422, %dma_start3A_1423] : memref<3x4x2x128xi32, #tpu.memory_space<vmem>> -> memref<1x1x2x128xi32, #tpu.memory_space<vmem>>
      %dma_start3A_1425 = tpu.memref_squeeze %dma_start3A_1424 : memref<1x1x2x128xi32, #tpu.memory_space<vmem>> -> memref<2x128xi32, #tpu.memory_space<vmem>>
      %dma_start3A_1426 = arith.constant 0 : i32
      %dma_start3A_1427 = tpu.memref_slice %arg2[%select_n3A, %add3A_58, %run_scoped3A, %dma_start3A_1426] : memref<4x64x4x128xi32, #tpu.memory_space<hbm>> -> memref<1x2x1x128xi32, #tpu.memory_space<hbm>>
      %dma_start3A_1428 = tpu.memref_squeeze %dma_start3A_1427 : memref<1x2x1x128xi32, #tpu.memory_space<hbm>> -> memref<2x128xi32, #tpu.memory_space<hbm>>
      tpu.enqueue_dma source(%dma_start3A_1428 : memref<2x128xi32, #tpu.memory_space<hbm>>) target(%dma_start3A_1425 : memref<2x128xi32, #tpu.memory_space<vmem>>) target_semaphore(%run_scoped3A_1414 : memref<!tpu.dma_semaphore, #tpu.memory_space<semaphore_mem>>)
      %dma_wait3A_1429 = arith.constant 0 : i32
      %dma_wait3A_1430 = arith.constant 0 : i32
      %dma_wait3A_1431 = tpu.memref_slice %arg8[%run_scoped3A_59, %run_scoped3A_60, %dma_wait3A_1429, %dma_wait3A_1430] : memref<3x4x2x128xi32, #tpu.memory_space<vmem>> -> memref<1x1x2x128xi32, #tpu.memory_space<vmem>>
      %dma_wait3A_1432 = tpu.memref_squeeze %dma_wait3A_1431 : memref<1x1x2x128xi32, #tpu.memory_space<vmem>> -> memref<2x128xi32, #tpu.memory_space<vmem>>
      %dma_wait3A_1433 = arith.constant 0 : i32
      %dma_wait3A_1434 = tpu.memref_slice %arg2[%select_n3A, %add3A_58, %run_scoped3A, %dma_wait3A_1433] : memref<4x64x4x128xi32, #tpu.memory_space<hbm>> -> memref<1x2x1x128xi32, #tpu.memory_space<hbm>>
      %dma_wait3A_1435 = tpu.memref_squeeze %dma_wait3A_1434 : memref<1x2x1x128xi32, #tpu.memory_space<hbm>> -> memref<2x128xi32, #tpu.memory_space<hbm>>
      %dma_wait3A_1436 = arith.constant 0 : i32
      %dma_wait3A_1437 = arith.constant 0 : i32
      %dma_wait3A_1438 = tpu.memref_slice %arg8[%run_scoped3A_59, %run_scoped3A_60, %dma_wait3A_1436, %dma_wait3A_1437] : memref<3x4x2x128xi32, #tpu.memory_space<vmem>> -> memref<1x1x2x128xi32, #tpu.memory_space<vmem>>
      %dma_wait3A_1439 = tpu.memref_squeeze %dma_wait3A_1438 : memref<1x1x2x128xi32, #tpu.memory_space<vmem>> -> memref<2x128xi32, #tpu.memory_space<vmem>>
      %dma_wait3A_1440 = arith.constant 0 : i32
      %dma_wait3A_1441 = tpu.memref_slice %arg2[%select_n3A, %add3A_58, %run_scoped3A, %dma_wait3A_1440] : memref<4x64x4x128xi32, #tpu.memory_space<hbm>> -> memref<1x2x1x128xi32, #tpu.memory_space<hbm>>
      %dma_wait3A_1442 = tpu.memref_squeeze %dma_wait3A_1441 : memref<1x2x1x128xi32, #tpu.memory_space<hbm>> -> memref<2x128xi32, #tpu.memory_space<hbm>>
      tpu.wait_dma2 semaphore(%run_scoped3A_1414 : memref<!tpu.dma_semaphore, #tpu.memory_space<semaphore_mem>>) src(%dma_wait3A_1442 : memref<2x128xi32, #tpu.memory_space<hbm>>) dst(%dma_wait3A_1439 : memref<2x128xi32, #tpu.memory_space<vmem>>)
      tpu.yield
    }) : () -> ()
    %run_scoped3A_61 = arith.constant 1 : i32
    %run_scoped3A_62 = arith.constant 0 : i32
    %run_scoped3A_63 = arith.constant 1 : i32
    "tpu.region"() ({
      %run_scoped3A_1414 = tpu.sem_alloc : memref<!tpu.dma_semaphore, #tpu.memory_space<semaphore_mem>>
      %dma_start3A_1415 = arith.constant 0 : i32
      %dma_start3A_1416 = arith.constant 0 : i32
      %dma_start3A_1417 = tpu.memref_slice %arg8[%run_scoped3A_62, %run_scoped3A_63, %dma_start3A_1415, %dma_start3A_1416] : memref<3x4x2x128xi32, #tpu.memory_space<vmem>> -> memref<1x1x2x128xi32, #tpu.memory_space<vmem>>
      %dma_start3A_1418 = tpu.memref_squeeze %dma_start3A_1417 : memref<1x1x2x128xi32, #tpu.memory_space<vmem>> -> memref<2x128xi32, #tpu.memory_space<vmem>>
      %dma_start3A_1419 = arith.constant 0 : i32
      %dma_start3A_1420 = tpu.memref_slice %arg2[%select_n3A, %add3A_58, %run_scoped3A_61, %dma_start3A_1419] : memref<4x64x4x128xi32, #tpu.memory_space<hbm>> -> memref<1x2x1x128xi32, #tpu.memory_space<hbm>>
      %dma_start3A_1421 = tpu.memref_squeeze %dma_start3A_1420 : memref<1x2x1x128xi32, #tpu.memory_space<hbm>> -> memref<2x128xi32, #tpu.memory_space<hbm>>
      %dma_start3A_1422 = arith.constant 0 : i32
      %dma_start3A_1423 = arith.constant 0 : i32
      %dma_start3A_1424 = tpu.memref_slice %arg8[%run_scoped3A_62, %run_scoped3A_63, %dma_start3A_1422, %dma_start3A_1423] : memref<3x4x2x128xi32, #tpu.memory_space<vmem>> -> memref<1x1x2x128xi32, #tpu.memory_space<vmem>>
      %dma_start3A_1425 = tpu.memref_squeeze %dma_start3A_1424 : memref<1x1x2x128xi32, #tpu.memory_space<vmem>> -> memref<2x128xi32, #tpu.memory_space<vmem>>
      %dma_start3A_1426 = arith.constant 0 : i32
      %dma_start3A_1427 = tpu.memref_slice %arg2[%select_n3A, %add3A_58, %run_scoped3A_61, %dma_start3A_1426] : memref<4x64x4x128xi32, #tpu.memory_space<hbm>> -> memref<1x2x1x128xi32, #tpu.memory_space<hbm>>
      %dma_start3A_1428 = tpu.memref_squeeze %dma_start3A_1427 : memref<1x2x1x128xi32, #tpu.memory_space<hbm>> -> memref<2x128xi32, #tpu.memory_space<hbm>>
      tpu.enqueue_dma source(%dma_start3A_1428 : memref<2x128xi32, #tpu.memory_space<hbm>>) target(%dma_start3A_1425 : memref<2x128xi32, #tpu.memory_space<vmem>>) target_semaphore(%run_scoped3A_1414 : memref<!tpu.dma_semaphore, #tpu.memory_space<semaphore_mem>>)
      %dma_wait3A_1429 = arith.constant 0 : i32
      %dma_wait3A_1430 = arith.constant 0 : i32
      %dma_wait3A_1431 = tpu.memref_slice %arg8[%run_scoped3A_62, %run_scoped3A_63, %dma_wait3A_1429, %dma_wait3A_1430] : memref<3x4x2x128xi32, #tpu.memory_space<vmem>> -> memref<1x1x2x128xi32, #tpu.memory_space<vmem>>
      %dma_wait3A_1432 = tpu.memref_squeeze %dma_wait3A_1431 : memref<1x1x2x128xi32, #tpu.memory_space<vmem>> -> memref<2x128xi32, #tpu.memory_space<vmem>>
      %dma_wait3A_1433 = arith.constant 0 : i32
      %dma_wait3A_1434 = tpu.memref_slice %arg2[%select_n3A, %add3A_58, %run_scoped3A_61, %dma_wait3A_1433] : memref<4x64x4x128xi32, #tpu.memory_space<hbm>> -> memref<1x2x1x128xi32, #tpu.memory_space<hbm>>
      %dma_wait3A_1435 = tpu.memref_squeeze %dma_wait3A_1434 : memref<1x2x1x128xi32, #tpu.memory_space<hbm>> -> memref<2x128xi32, #tpu.memory_space<hbm>>
      %dma_wait3A_1436 = arith.constant 0 : i32
      %dma_wait3A_1437 = arith.constant 0 : i32
      %dma_wait3A_1438 = tpu.memref_slice %arg8[%run_scoped3A_62, %run_scoped3A_63, %dma_wait3A_1436, %dma_wait3A_1437] : memref<3x4x2x128xi32, #tpu.memory_space<vmem>> -> memref<1x1x2x128xi32, #tpu.memory_space<vmem>>
      %dma_wait3A_1439 = tpu.memref_squeeze %dma_wait3A_1438 : memref<1x1x2x128xi32, #tpu.memory_space<vmem>> -> memref<2x128xi32, #tpu.memory_space<vmem>>
      %dma_wait3A_1440 = arith.constant 0 : i32
      %dma_wait3A_1441 = tpu.memref_slice %arg2[%select_n3A, %add3A_58, %run_scoped3A_61, %dma_wait3A_1440] : memref<4x64x4x128xi32, #tpu.memory_space<hbm>> -> memref<1x2x1x128xi32, #tpu.memory_space<hbm>>
      %dma_wait3A_1442 = tpu.memref_squeeze %dma_wait3A_1441 : memref<1x2x1x128xi32, #tpu.memory_space<hbm>> -> memref<2x128xi32, #tpu.memory_space<hbm>>
      tpu.wait_dma2 semaphore(%run_scoped3A_1414 : memref<!tpu.dma_semaphore, #tpu.memory_space<semaphore_mem>>) src(%dma_wait3A_1442 : memref<2x128xi32, #tpu.memory_space<hbm>>) dst(%dma_wait3A_1439 : memref<2x128xi32, #tpu.memory_space<vmem>>)
      tpu.yield
    }) : () -> ()
    %run_scoped3A_64 = arith.constant 2 : i32
    %run_scoped3A_65 = arith.constant 0 : i32
    %run_scoped3A_66 = arith.constant 2 : i32
    "tpu.region"() ({
      %run_scoped3A_1414 = tpu.sem_alloc : memref<!tpu.dma_semaphore, #tpu.memory_space<semaphore_mem>>
      %dma_start3A_1415 = arith.constant 0 : i32
      %dma_start3A_1416 = arith.constant 0 : i32
      %dma_start3A_1417 = tpu.memref_slice %arg8[%run_scoped3A_65, %run_scoped3A_66, %dma_start3A_1415, %dma_start3A_1416] : memref<3x4x2x128xi32, #tpu.memory_space<vmem>> -> memref<1x1x2x128xi32, #tpu.memory_space<vmem>>
      %dma_start3A_1418 = tpu.memref_squeeze %dma_start3A_1417 : memref<1x1x2x128xi32, #tpu.memory_space<vmem>> -> memref<2x128xi32, #tpu.memory_space<vmem>>
      %dma_start3A_1419 = arith.constant 0 : i32
      %dma_start3A_1420 = tpu.memref_slice %arg2[%select_n3A, %add3A_58, %run_scoped3A_64, %dma_start3A_1419] : memref<4x64x4x128xi32, #tpu.memory_space<hbm>> -> memref<1x2x1x128xi32, #tpu.memory_space<hbm>>
      %dma_start3A_1421 = tpu.memref_squeeze %dma_start3A_1420 : memref<1x2x1x128xi32, #tpu.memory_space<hbm>> -> memref<2x128xi32, #tpu.memory_space<hbm>>
      %dma_start3A_1422 = arith.constant 0 : i32
      %dma_start3A_1423 = arith.constant 0 : i32
      %dma_start3A_1424 = tpu.memref_slice %arg8[%run_scoped3A_65, %run_scoped3A_66, %dma_start3A_1422, %dma_start3A_1423] : memref<3x4x2x128xi32, #tpu.memory_space<vmem>> -> memref<1x1x2x128xi32, #tpu.memory_space<vmem>>
      %dma_start3A_1425 = tpu.memref_squeeze %dma_start3A_1424 : memref<1x1x2x128xi32, #tpu.memory_space<vmem>> -> memref<2x128xi32, #tpu.memory_space<vmem>>
      %dma_start3A_1426 = arith.constant 0 : i32
      %dma_start3A_1427 = tpu.memref_slice %arg2[%select_n3A, %add3A_58, %run_scoped3A_64, %dma_start3A_1426] : memref<4x64x4x128xi32, #tpu.memory_space<hbm>> -> memref<1x2x1x128xi32, #tpu.memory_space<hbm>>
      %dma_start3A_1428 = tpu.memref_squeeze %dma_start3A_1427 : memref<1x2x1x128xi32, #tpu.memory_space<hbm>> -> memref<2x128xi32, #tpu.memory_space<hbm>>
      tpu.enqueue_dma source(%dma_start3A_1428 : memref<2x128xi32, #tpu.memory_space<hbm>>) target(%dma_start3A_1425 : memref<2x128xi32, #tpu.memory_space<vmem>>) target_semaphore(%run_scoped3A_1414 : memref<!tpu.dma_semaphore, #tpu.memory_space<semaphore_mem>>)
      %dma_wait3A_1429 = arith.constant 0 : i32
      %dma_wait3A_1430 = arith.constant 0 : i32
      %dma_wait3A_1431 = tpu.memref_slice %arg8[%run_scoped3A_65, %run_scoped3A_66, %dma_wait3A_1429, %dma_wait3A_1430] : memref<3x4x2x128xi32, #tpu.memory_space<vmem>> -> memref<1x1x2x128xi32, #tpu.memory_space<vmem>>
      %dma_wait3A_1432 = tpu.memref_squeeze %dma_wait3A_1431 : memref<1x1x2x128xi32, #tpu.memory_space<vmem>> -> memref<2x128xi32, #tpu.memory_space<vmem>>
      %dma_wait3A_1433 = arith.constant 0 : i32
      %dma_wait3A_1434 = tpu.memref_slice %arg2[%select_n3A, %add3A_58, %run_scoped3A_64, %dma_wait3A_1433] : memref<4x64x4x128xi32, #tpu.memory_space<hbm>> -> memref<1x2x1x128xi32, #tpu.memory_space<hbm>>
      %dma_wait3A_1435 = tpu.memref_squeeze %dma_wait3A_1434 : memref<1x2x1x128xi32, #tpu.memory_space<hbm>> -> memref<2x128xi32, #tpu.memory_space<hbm>>
      %dma_wait3A_1436 = arith.constant 0 : i32
      %dma_wait3A_1437 = arith.constant 0 : i32
      %dma_wait3A_1438 = tpu.memref_slice %arg8[%run_scoped3A_65, %run_scoped3A_66, %dma_wait3A_1436, %dma_wait3A_1437] : memref<3x4x2x128xi32, #tpu.memory_space<vmem>> -> memref<1x1x2x128xi32, #tpu.memory_space<vmem>>
      %dma_wait3A_1439 = tpu.memref_squeeze %dma_wait3A_1438 : memref<1x1x2x128xi32, #tpu.memory_space<vmem>> -> memref<2x128xi32, #tpu.memory_space<vmem>>
      %dma_wait3A_1440 = arith.constant 0 : i32
      %dma_wait3A_1441 = tpu.memref_slice %arg2[%select_n3A, %add3A_58, %run_scoped3A_64, %dma_wait3A_1440] : memref<4x64x4x128xi32, #tpu.memory_space<hbm>> -> memref<1x2x1x128xi32, #tpu.memory_space<hbm>>
      %dma_wait3A_1442 = tpu.memref_squeeze %dma_wait3A_1441 : memref<1x2x1x128xi32, #tpu.memory_space<hbm>> -> memref<2x128xi32, #tpu.memory_space<hbm>>
      tpu.wait_dma2 semaphore(%run_scoped3A_1414 : memref<!tpu.dma_semaphore, #tpu.memory_space<semaphore_mem>>) src(%dma_wait3A_1442 : memref<2x128xi32, #tpu.memory_space<hbm>>) dst(%dma_wait3A_1439 : memref<2x128xi32, #tpu.memory_space<vmem>>)
      tpu.yield
    }) : () -> ()
    %run_scoped3A_67 = arith.constant 3 : i32
    %run_scoped3A_68 = arith.constant 0 : i32
    %run_scoped3A_69 = arith.constant 3 : i32
    "tpu.region"() ({
      %run_scoped3A_1414 = tpu.sem_alloc : memref<!tpu.dma_semaphore, #tpu.memory_space<semaphore_mem>>
      %dma_start3A_1415 = arith.constant 0 : i32
      %dma_start3A_1416 = arith.constant 0 : i32
      %dma_start3A_1417 = tpu.memref_slice %arg8[%run_scoped3A_68, %run_scoped3A_69, %dma_start3A_1415, %dma_start3A_1416] : memref<3x4x2x128xi32, #tpu.memory_space<vmem>> -> memref<1x1x2x128xi32, #tpu.memory_space<vmem>>
      %dma_start3A_1418 = tpu.memref_squeeze %dma_start3A_1417 : memref<1x1x2x128xi32, #tpu.memory_space<vmem>> -> memref<2x128xi32, #tpu.memory_space<vmem>>
      %dma_start3A_1419 = arith.constant 0 : i32
      %dma_start3A_1420 = tpu.memref_slice %arg2[%select_n3A, %add3A_58, %run_scoped3A_67, %dma_start3A_1419] : memref<4x64x4x128xi32, #tpu.memory_space<hbm>> -> memref<1x2x1x128xi32, #tpu.memory_space<hbm>>
      %dma_start3A_1421 = tpu.memref_squeeze %dma_start3A_1420 : memref<1x2x1x128xi32, #tpu.memory_space<hbm>> -> memref<2x128xi32, #tpu.memory_space<hbm>>
      %dma_start3A_1422 = arith.constant 0 : i32
      %dma_start3A_1423 = arith.constant 0 : i32
      %dma_start3A_1424 = tpu.memref_slice %arg8[%run_scoped3A_68, %run_scoped3A_69, %dma_start3A_1422, %dma_start3A_1423] : memref<3x4x2x128xi32, #tpu.memory_space<vmem>> -> memref<1x1x2x128xi32, #tpu.memory_space<vmem>>
      %dma_start3A_1425 = tpu.memref_squeeze %dma_start3A_1424 : memref<1x1x2x128xi32, #tpu.memory_space<vmem>> -> memref<2x128xi32, #tpu.memory_space<vmem>>
      %dma_start3A_1426 = arith.constant 0 : i32
      %dma_start3A_1427 = tpu.memref_slice %arg2[%select_n3A, %add3A_58, %run_scoped3A_67, %dma_start3A_1426] : memref<4x64x4x128xi32, #tpu.memory_space<hbm>> -> memref<1x2x1x128xi32, #tpu.memory_space<hbm>>
      %dma_start3A_1428 = tpu.memref_squeeze %dma_start3A_1427 : memref<1x2x1x128xi32, #tpu.memory_space<hbm>> -> memref<2x128xi32, #tpu.memory_space<hbm>>
      tpu.enqueue_dma source(%dma_start3A_1428 : memref<2x128xi32, #tpu.memory_space<hbm>>) target(%dma_start3A_1425 : memref<2x128xi32, #tpu.memory_space<vmem>>) target_semaphore(%run_scoped3A_1414 : memref<!tpu.dma_semaphore, #tpu.memory_space<semaphore_mem>>)
      %dma_wait3A_1429 = arith.constant 0 : i32
      %dma_wait3A_1430 = arith.constant 0 : i32
      %dma_wait3A_1431 = tpu.memref_slice %arg8[%run_scoped3A_68, %run_scoped3A_69, %dma_wait3A_1429, %dma_wait3A_1430] : memref<3x4x2x128xi32, #tpu.memory_space<vmem>> -> memref<1x1x2x128xi32, #tpu.memory_space<vmem>>
      %dma_wait3A_1432 = tpu.memref_squeeze %dma_wait3A_1431 : memref<1x1x2x128xi32, #tpu.memory_space<vmem>> -> memref<2x128xi32, #tpu.memory_space<vmem>>
      %dma_wait3A_1433 = arith.constant 0 : i32
      %dma_wait3A_1434 = tpu.memref_slice %arg2[%select_n3A, %add3A_58, %run_scoped3A_67, %dma_wait3A_1433] : memref<4x64x4x128xi32, #tpu.memory_space<hbm>> -> memref<1x2x1x128xi32, #tpu.memory_space<hbm>>
      %dma_wait3A_1435 = tpu.memref_squeeze %dma_wait3A_1434 : memref<1x2x1x128xi32, #tpu.memory_space<hbm>> -> memref<2x128xi32, #tpu.memory_space<hbm>>
      %dma_wait3A_1436 = arith.constant 0 : i32
      %dma_wait3A_1437 = arith.constant 0 : i32
      %dma_wait3A_1438 = tpu.memref_slice %arg8[%run_scoped3A_68, %run_scoped3A_69, %dma_wait3A_1436, %dma_wait3A_1437] : memref<3x4x2x128xi32, #tpu.memory_space<vmem>> -> memref<1x1x2x128xi32, #tpu.memory_space<vmem>>
      %dma_wait3A_1439 = tpu.memref_squeeze %dma_wait3A_1438 : memref<1x1x2x128xi32, #tpu.memory_space<vmem>> -> memref<2x128xi32, #tpu.memory_space<vmem>>
      %dma_wait3A_1440 = arith.constant 0 : i32
      %dma_wait3A_1441 = tpu.memref_slice %arg2[%select_n3A, %add3A_58, %run_scoped3A_67, %dma_wait3A_1440] : memref<4x64x4x128xi32, #tpu.memory_space<hbm>> -> memref<1x2x1x128xi32, #tpu.memory_space<hbm>>
      %dma_wait3A_1442 = tpu.memref_squeeze %dma_wait3A_1441 : memref<1x2x1x128xi32, #tpu.memory_space<hbm>> -> memref<2x128xi32, #tpu.memory_space<hbm>>
      tpu.wait_dma2 semaphore(%run_scoped3A_1414 : memref<!tpu.dma_semaphore, #tpu.memory_space<semaphore_mem>>) src(%dma_wait3A_1442 : memref<2x128xi32, #tpu.memory_space<hbm>>) dst(%dma_wait3A_1439 : memref<2x128xi32, #tpu.memory_space<vmem>>)
      tpu.yield
    }) : () -> ()
    %dma_start3A = arith.constant 0 : i32
    %dma_start3A_70 = arith.constant 0 : i32
    %dma_start3A_71 = arith.constant 0 : i32
    %dma_start3A_72 = arith.constant 0 : i32
    %dma_start3A_73 = arith.constant 0 : i32
    %dma_start3A_74 = arith.constant 0 : i32
    %dma_start3A_75 = arith.constant 0 : i32
    %dma_start3A_76 = arith.constant 0 : i32
    %dma_start3A_77 = tpu.memref_slice %arg9[%dma_start3A_72, %dma_start3A_73, %dma_start3A_75, %dma_start3A_76] : memref<3x4x256x32xf32, #tpu.memory_space<vmem>> -> memref<1x1x128x32xf32, #tpu.memory_space<vmem>>
    %dma_start3A_78 = tpu.memref_squeeze %dma_start3A_77 : memref<1x1x128x32xf32, #tpu.memory_space<vmem>> -> memref<128x32xf32, #tpu.memory_space<vmem>>
    %dma_start3A_79 = arith.constant 0 : i32
    %dma_start3A_80 = tpu.memref_slice %arg8[%dma_start3A, %dma_start3A_70, %dma_start3A_71, %dma_start3A_79] : memref<3x4x2x128xi32, #tpu.memory_space<vmem>> -> memref<1x1x1x128xi32, #tpu.memory_space<vmem>>
    %dma_start3A_81 = tpu.memref_squeeze %dma_start3A_80 : memref<1x1x1x128xi32, #tpu.memory_space<vmem>> -> memref<128xi32, #tpu.memory_space<vmem>>
    %dma_start3A_82 = arith.constant 0 : i32
    %dma_start3A_83 = arith.constant 0 : i32
    %dma_start3A_84 = tpu.memref_slice %arg3[%dma_start3A_82, %dma_start3A_83] : memref<4096x32xf32, #tpu.memory_space<hbm>> -> memref<4096x32xf32, #tpu.memory_space<hbm>>
    %dma_start3A_85 = tpu.memref_slice %arg10[%dma_start3A_74] : memref<3x!tpu.dma_semaphore, #tpu.memory_space<semaphore_mem>> -> memref<1x!tpu.dma_semaphore, #tpu.memory_space<semaphore_mem>>
    %dma_start3A_86 = tpu.memref_squeeze %dma_start3A_85 : memref<1x!tpu.dma_semaphore, #tpu.memory_space<semaphore_mem>> -> memref<!tpu.dma_semaphore, #tpu.memory_space<semaphore_mem>>
    tpu.enqueue_indirect_dma source(%dma_start3A_84 : memref<4096x32xf32, #tpu.memory_space<hbm>>) target(%dma_start3A_78 : memref<128x32xf32, #tpu.memory_space<vmem>>) offsets(%dma_start3A_81 : memref<128xi32, #tpu.memory_space<vmem>>) semaphore(%dma_start3A_86 : memref<!tpu.dma_semaphore, #tpu.memory_space<semaphore_mem>>)
    %dma_start3A_87 = arith.constant 0 : i32
    %dma_start3A_88 = arith.constant 0 : i32
    %dma_start3A_89 = arith.constant 1 : i32
    %dma_start3A_90 = arith.constant 0 : i32
    %dma_start3A_91 = arith.constant 0 : i32
    %dma_start3A_92 = arith.constant 0 : i32
    %dma_start3A_93 = arith.constant 128 : i32
    %dma_start3A_94 = arith.constant 0 : i32
    %dma_start3A_95 = tpu.memref_slice %arg9[%dma_start3A_90, %dma_start3A_91, %dma_start3A_93, %dma_start3A_94] : memref<3x4x256x32xf32, #tpu.memory_space<vmem>> -> memref<1x1x128x32xf32, #tpu.memory_space<vmem>>
    %dma_start3A_96 = tpu.memref_squeeze %dma_start3A_95 : memref<1x1x128x32xf32, #tpu.memory_space<vmem>> -> memref<128x32xf32, #tpu.memory_space<vmem>>
    %dma_start3A_97 = arith.constant 0 : i32
    %dma_start3A_98 = tpu.memref_slice %arg8[%dma_start3A_87, %dma_start3A_88, %dma_start3A_89, %dma_start3A_97] : memref<3x4x2x128xi32, #tpu.memory_space<vmem>> -> memref<1x1x1x128xi32, #tpu.memory_space<vmem>>
    %dma_start3A_99 = tpu.memref_squeeze %dma_start3A_98 : memref<1x1x1x128xi32, #tpu.memory_space<vmem>> -> memref<128xi32, #tpu.memory_space<vmem>>
    %dma_start3A_100 = arith.constant 0 : i32
    %dma_start3A_101 = arith.constant 0 : i32
    %dma_start3A_102 = tpu.memref_slice %arg3[%dma_start3A_100, %dma_start3A_101] : memref<4096x32xf32, #tpu.memory_space<hbm>> -> memref<4096x32xf32, #tpu.memory_space<hbm>>
    %dma_start3A_103 = tpu.memref_slice %arg10[%dma_start3A_92] : memref<3x!tpu.dma_semaphore, #tpu.memory_space<semaphore_mem>> -> memref<1x!tpu.dma_semaphore, #tpu.memory_space<semaphore_mem>>
    %dma_start3A_104 = tpu.memref_squeeze %dma_start3A_103 : memref<1x!tpu.dma_semaphore, #tpu.memory_space<semaphore_mem>> -> memref<!tpu.dma_semaphore, #tpu.memory_space<semaphore_mem>>
    tpu.enqueue_indirect_dma source(%dma_start3A_102 : memref<4096x32xf32, #tpu.memory_space<hbm>>) target(%dma_start3A_96 : memref<128x32xf32, #tpu.memory_space<vmem>>) offsets(%dma_start3A_99 : memref<128xi32, #tpu.memory_space<vmem>>) semaphore(%dma_start3A_104 : memref<!tpu.dma_semaphore, #tpu.memory_space<semaphore_mem>>)
    %dma_start3A_105 = arith.constant 0 : i32
    %dma_start3A_106 = arith.constant 1 : i32
    %dma_start3A_107 = arith.constant 0 : i32
    %dma_start3A_108 = arith.constant 0 : i32
    %dma_start3A_109 = arith.constant 1 : i32
    %dma_start3A_110 = arith.constant 0 : i32
    %dma_start3A_111 = arith.constant 0 : i32
    %dma_start3A_112 = arith.constant 0 : i32
    %dma_start3A_113 = tpu.memref_slice %arg9[%dma_start3A_108, %dma_start3A_109, %dma_start3A_111, %dma_start3A_112] : memref<3x4x256x32xf32, #tpu.memory_space<vmem>> -> memref<1x1x128x32xf32, #tpu.memory_space<vmem>>
    %dma_start3A_114 = tpu.memref_squeeze %dma_start3A_113 : memref<1x1x128x32xf32, #tpu.memory_space<vmem>> -> memref<128x32xf32, #tpu.memory_space<vmem>>
    %dma_start3A_115 = arith.constant 0 : i32
    %dma_start3A_116 = tpu.memref_slice %arg8[%dma_start3A_105, %dma_start3A_106, %dma_start3A_107, %dma_start3A_115] : memref<3x4x2x128xi32, #tpu.memory_space<vmem>> -> memref<1x1x1x128xi32, #tpu.memory_space<vmem>>
    %dma_start3A_117 = tpu.memref_squeeze %dma_start3A_116 : memref<1x1x1x128xi32, #tpu.memory_space<vmem>> -> memref<128xi32, #tpu.memory_space<vmem>>
    %dma_start3A_118 = arith.constant 0 : i32
    %dma_start3A_119 = arith.constant 0 : i32
    %dma_start3A_120 = tpu.memref_slice %arg4[%dma_start3A_118, %dma_start3A_119] : memref<4096x32xf32, #tpu.memory_space<hbm>> -> memref<4096x32xf32, #tpu.memory_space<hbm>>
    %dma_start3A_121 = tpu.memref_slice %arg10[%dma_start3A_110] : memref<3x!tpu.dma_semaphore, #tpu.memory_space<semaphore_mem>> -> memref<1x!tpu.dma_semaphore, #tpu.memory_space<semaphore_mem>>
    %dma_start3A_122 = tpu.memref_squeeze %dma_start3A_121 : memref<1x!tpu.dma_semaphore, #tpu.memory_space<semaphore_mem>> -> memref<!tpu.dma_semaphore, #tpu.memory_space<semaphore_mem>>
    tpu.enqueue_indirect_dma source(%dma_start3A_120 : memref<4096x32xf32, #tpu.memory_space<hbm>>) target(%dma_start3A_114 : memref<128x32xf32, #tpu.memory_space<vmem>>) offsets(%dma_start3A_117 : memref<128xi32, #tpu.memory_space<vmem>>) semaphore(%dma_start3A_122 : memref<!tpu.dma_semaphore, #tpu.memory_space<semaphore_mem>>)
    %dma_start3A_123 = arith.constant 0 : i32
    %dma_start3A_124 = arith.constant 1 : i32
    %dma_start3A_125 = arith.constant 1 : i32
    %dma_start3A_126 = arith.constant 0 : i32
    %dma_start3A_127 = arith.constant 1 : i32
    %dma_start3A_128 = arith.constant 0 : i32
    %dma_start3A_129 = arith.constant 128 : i32
    %dma_start3A_130 = arith.constant 0 : i32
    %dma_start3A_131 = tpu.memref_slice %arg9[%dma_start3A_126, %dma_start3A_127, %dma_start3A_129, %dma_start3A_130] : memref<3x4x256x32xf32, #tpu.memory_space<vmem>> -> memref<1x1x128x32xf32, #tpu.memory_space<vmem>>
    %dma_start3A_132 = tpu.memref_squeeze %dma_start3A_131 : memref<1x1x128x32xf32, #tpu.memory_space<vmem>> -> memref<128x32xf32, #tpu.memory_space<vmem>>
    %dma_start3A_133 = arith.constant 0 : i32
    %dma_start3A_134 = tpu.memref_slice %arg8[%dma_start3A_123, %dma_start3A_124, %dma_start3A_125, %dma_start3A_133] : memref<3x4x2x128xi32, #tpu.memory_space<vmem>> -> memref<1x1x1x128xi32, #tpu.memory_space<vmem>>
    %dma_start3A_135 = tpu.memref_squeeze %dma_start3A_134 : memref<1x1x1x128xi32, #tpu.memory_space<vmem>> -> memref<128xi32, #tpu.memory_space<vmem>>
    %dma_start3A_136 = arith.constant 0 : i32
    %dma_start3A_137 = arith.constant 0 : i32
    %dma_start3A_138 = tpu.memref_slice %arg4[%dma_start3A_136, %dma_start3A_137] : memref<4096x32xf32, #tpu.memory_space<hbm>> -> memref<4096x32xf32, #tpu.memory_space<hbm>>
    %dma_start3A_139 = tpu.memref_slice %arg10[%dma_start3A_128] : memref<3x!tpu.dma_semaphore, #tpu.memory_space<semaphore_mem>> -> memref<1x!tpu.dma_semaphore, #tpu.memory_space<semaphore_mem>>
    %dma_start3A_140 = tpu.memref_squeeze %dma_start3A_139 : memref<1x!tpu.dma_semaphore, #tpu.memory_space<semaphore_mem>> -> memref<!tpu.dma_semaphore, #tpu.memory_space<semaphore_mem>>
    tpu.enqueue_indirect_dma source(%dma_start3A_138 : memref<4096x32xf32, #tpu.memory_space<hbm>>) target(%dma_start3A_132 : memref<128x32xf32, #tpu.memory_space<vmem>>) offsets(%dma_start3A_135 : memref<128xi32, #tpu.memory_space<vmem>>) semaphore(%dma_start3A_140 : memref<!tpu.dma_semaphore, #tpu.memory_space<semaphore_mem>>)
    %dma_start3A_141 = arith.constant 0 : i32
    %dma_start3A_142 = arith.constant 2 : i32
    %dma_start3A_143 = arith.constant 0 : i32
    %dma_start3A_144 = arith.constant 0 : i32
    %dma_start3A_145 = arith.constant 2 : i32
    %dma_start3A_146 = arith.constant 0 : i32
    %dma_start3A_147 = arith.constant 0 : i32
    %dma_start3A_148 = arith.constant 0 : i32
    %dma_start3A_149 = tpu.memref_slice %arg9[%dma_start3A_144, %dma_start3A_145, %dma_start3A_147, %dma_start3A_148] : memref<3x4x256x32xf32, #tpu.memory_space<vmem>> -> memref<1x1x128x32xf32, #tpu.memory_space<vmem>>
    %dma_start3A_150 = tpu.memref_squeeze %dma_start3A_149 : memref<1x1x128x32xf32, #tpu.memory_space<vmem>> -> memref<128x32xf32, #tpu.memory_space<vmem>>
    %dma_start3A_151 = arith.constant 0 : i32
    %dma_start3A_152 = tpu.memref_slice %arg8[%dma_start3A_141, %dma_start3A_142, %dma_start3A_143, %dma_start3A_151] : memref<3x4x2x128xi32, #tpu.memory_space<vmem>> -> memref<1x1x1x128xi32, #tpu.memory_space<vmem>>
    %dma_start3A_153 = tpu.memref_squeeze %dma_start3A_152 : memref<1x1x1x128xi32, #tpu.memory_space<vmem>> -> memref<128xi32, #tpu.memory_space<vmem>>
    %dma_start3A_154 = arith.constant 0 : i32
    %dma_start3A_155 = arith.constant 0 : i32
    %dma_start3A_156 = tpu.memref_slice %arg5[%dma_start3A_154, %dma_start3A_155] : memref<4096x32xf32, #tpu.memory_space<hbm>> -> memref<4096x32xf32, #tpu.memory_space<hbm>>
    %dma_start3A_157 = tpu.memref_slice %arg10[%dma_start3A_146] : memref<3x!tpu.dma_semaphore, #tpu.memory_space<semaphore_mem>> -> memref<1x!tpu.dma_semaphore, #tpu.memory_space<semaphore_mem>>
    %dma_start3A_158 = tpu.memref_squeeze %dma_start3A_157 : memref<1x!tpu.dma_semaphore, #tpu.memory_space<semaphore_mem>> -> memref<!tpu.dma_semaphore, #tpu.memory_space<semaphore_mem>>
    tpu.enqueue_indirect_dma source(%dma_start3A_156 : memref<4096x32xf32, #tpu.memory_space<hbm>>) target(%dma_start3A_150 : memref<128x32xf32, #tpu.memory_space<vmem>>) offsets(%dma_start3A_153 : memref<128xi32, #tpu.memory_space<vmem>>) semaphore(%dma_start3A_158 : memref<!tpu.dma_semaphore, #tpu.memory_space<semaphore_mem>>)
    %dma_start3A_159 = arith.constant 0 : i32
    %dma_start3A_160 = arith.constant 2 : i32
    %dma_start3A_161 = arith.constant 1 : i32
    %dma_start3A_162 = arith.constant 0 : i32
    %dma_start3A_163 = arith.constant 2 : i32
    %dma_start3A_164 = arith.constant 0 : i32
    %dma_start3A_165 = arith.constant 128 : i32
    %dma_start3A_166 = arith.constant 0 : i32
    %dma_start3A_167 = tpu.memref_slice %arg9[%dma_start3A_162, %dma_start3A_163, %dma_start3A_165, %dma_start3A_166] : memref<3x4x256x32xf32, #tpu.memory_space<vmem>> -> memref<1x1x128x32xf32, #tpu.memory_space<vmem>>
    %dma_start3A_168 = tpu.memref_squeeze %dma_start3A_167 : memref<1x1x128x32xf32, #tpu.memory_space<vmem>> -> memref<128x32xf32, #tpu.memory_space<vmem>>
    %dma_start3A_169 = arith.constant 0 : i32
    %dma_start3A_170 = tpu.memref_slice %arg8[%dma_start3A_159, %dma_start3A_160, %dma_start3A_161, %dma_start3A_169] : memref<3x4x2x128xi32, #tpu.memory_space<vmem>> -> memref<1x1x1x128xi32, #tpu.memory_space<vmem>>
    %dma_start3A_171 = tpu.memref_squeeze %dma_start3A_170 : memref<1x1x1x128xi32, #tpu.memory_space<vmem>> -> memref<128xi32, #tpu.memory_space<vmem>>
    %dma_start3A_172 = arith.constant 0 : i32
    %dma_start3A_173 = arith.constant 0 : i32
    %dma_start3A_174 = tpu.memref_slice %arg5[%dma_start3A_172, %dma_start3A_173] : memref<4096x32xf32, #tpu.memory_space<hbm>> -> memref<4096x32xf32, #tpu.memory_space<hbm>>
    %dma_start3A_175 = tpu.memref_slice %arg10[%dma_start3A_164] : memref<3x!tpu.dma_semaphore, #tpu.memory_space<semaphore_mem>> -> memref<1x!tpu.dma_semaphore, #tpu.memory_space<semaphore_mem>>
    %dma_start3A_176 = tpu.memref_squeeze %dma_start3A_175 : memref<1x!tpu.dma_semaphore, #tpu.memory_space<semaphore_mem>> -> memref<!tpu.dma_semaphore, #tpu.memory_space<semaphore_mem>>
    tpu.enqueue_indirect_dma source(%dma_start3A_174 : memref<4096x32xf32, #tpu.memory_space<hbm>>) target(%dma_start3A_168 : memref<128x32xf32, #tpu.memory_space<vmem>>) offsets(%dma_start3A_171 : memref<128xi32, #tpu.memory_space<vmem>>) semaphore(%dma_start3A_176 : memref<!tpu.dma_semaphore, #tpu.memory_space<semaphore_mem>>)
    %dma_start3A_177 = arith.constant 0 : i32
    %dma_start3A_178 = arith.constant 3 : i32
    %dma_start3A_179 = arith.constant 0 : i32
    %dma_start3A_180 = arith.constant 0 : i32
    %dma_start3A_181 = arith.constant 3 : i32
    %dma_start3A_182 = arith.constant 0 : i32
    %dma_start3A_183 = arith.constant 0 : i32
    %dma_start3A_184 = arith.constant 0 : i32
    %dma_start3A_185 = tpu.memref_slice %arg9[%dma_start3A_180, %dma_start3A_181, %dma_start3A_183, %dma_start3A_184] : memref<3x4x256x32xf32, #tpu.memory_space<vmem>> -> memref<1x1x128x32xf32, #tpu.memory_space<vmem>>
    %dma_start3A_186 = tpu.memref_squeeze %dma_start3A_185 : memref<1x1x128x32xf32, #tpu.memory_space<vmem>> -> memref<128x32xf32, #tpu.memory_space<vmem>>
    %dma_start3A_187 = arith.constant 0 : i32
    %dma_start3A_188 = tpu.memref_slice %arg8[%dma_start3A_177, %dma_start3A_178, %dma_start3A_179, %dma_start3A_187] : memref<3x4x2x128xi32, #tpu.memory_space<vmem>> -> memref<1x1x1x128xi32, #tpu.memory_space<vmem>>
    %dma_start3A_189 = tpu.memref_squeeze %dma_start3A_188 : memref<1x1x1x128xi32, #tpu.memory_space<vmem>> -> memref<128xi32, #tpu.memory_space<vmem>>
    %dma_start3A_190 = arith.constant 0 : i32
    %dma_start3A_191 = arith.constant 0 : i32
    %dma_start3A_192 = tpu.memref_slice %arg6[%dma_start3A_190, %dma_start3A_191] : memref<4096x32xf32, #tpu.memory_space<hbm>> -> memref<4096x32xf32, #tpu.memory_space<hbm>>
    %dma_start3A_193 = tpu.memref_slice %arg10[%dma_start3A_182] : memref<3x!tpu.dma_semaphore, #tpu.memory_space<semaphore_mem>> -> memref<1x!tpu.dma_semaphore, #tpu.memory_space<semaphore_mem>>
    %dma_start3A_194 = tpu.memref_squeeze %dma_start3A_193 : memref<1x!tpu.dma_semaphore, #tpu.memory_space<semaphore_mem>> -> memref<!tpu.dma_semaphore, #tpu.memory_space<semaphore_mem>>
    tpu.enqueue_indirect_dma source(%dma_start3A_192 : memref<4096x32xf32, #tpu.memory_space<hbm>>) target(%dma_start3A_186 : memref<128x32xf32, #tpu.memory_space<vmem>>) offsets(%dma_start3A_189 : memref<128xi32, #tpu.memory_space<vmem>>) semaphore(%dma_start3A_194 : memref<!tpu.dma_semaphore, #tpu.memory_space<semaphore_mem>>)
    %dma_start3A_195 = arith.constant 0 : i32
    %dma_start3A_196 = arith.constant 3 : i32
    %dma_start3A_197 = arith.constant 1 : i32
    %dma_start3A_198 = arith.constant 0 : i32
    %dma_start3A_199 = arith.constant 3 : i32
    %dma_start3A_200 = arith.constant 0 : i32
    %dma_start3A_201 = arith.constant 128 : i32
    %dma_start3A_202 = arith.constant 0 : i32
    %dma_start3A_203 = tpu.memref_slice %arg9[%dma_start3A_198, %dma_start3A_199, %dma_start3A_201, %dma_start3A_202] : memref<3x4x256x32xf32, #tpu.memory_space<vmem>> -> memref<1x1x128x32xf32, #tpu.memory_space<vmem>>
    %dma_start3A_204 = tpu.memref_squeeze %dma_start3A_203 : memref<1x1x128x32xf32, #tpu.memory_space<vmem>> -> memref<128x32xf32, #tpu.memory_space<vmem>>
    %dma_start3A_205 = arith.constant 0 : i32
    %dma_start3A_206 = tpu.memref_slice %arg8[%dma_start3A_195, %dma_start3A_196, %dma_start3A_197, %dma_start3A_205] : memref<3x4x2x128xi32, #tpu.memory_space<vmem>> -> memref<1x1x1x128xi32, #tpu.memory_space<vmem>>
    %dma_start3A_207 = tpu.memref_squeeze %dma_start3A_206 : memref<1x1x1x128xi32, #tpu.memory_space<vmem>> -> memref<128xi32, #tpu.memory_space<vmem>>
    %dma_start3A_208 = arith.constant 0 : i32
    %dma_start3A_209 = arith.constant 0 : i32
    %dma_start3A_210 = tpu.memref_slice %arg6[%dma_start3A_208, %dma_start3A_209] : memref<4096x32xf32, #tpu.memory_space<hbm>> -> memref<4096x32xf32, #tpu.memory_space<hbm>>
    %dma_start3A_211 = tpu.memref_slice %arg10[%dma_start3A_200] : memref<3x!tpu.dma_semaphore, #tpu.memory_space<semaphore_mem>> -> memref<1x!tpu.dma_semaphore, #tpu.memory_space<semaphore_mem>>
    %dma_start3A_212 = tpu.memref_squeeze %dma_start3A_211 : memref<1x!tpu.dma_semaphore, #tpu.memory_space<semaphore_mem>> -> memref<!tpu.dma_semaphore, #tpu.memory_space<semaphore_mem>>
    tpu.enqueue_indirect_dma source(%dma_start3A_210 : memref<4096x32xf32, #tpu.memory_space<hbm>>) target(%dma_start3A_204 : memref<128x32xf32, #tpu.memory_space<vmem>>) offsets(%dma_start3A_207 : memref<128xi32, #tpu.memory_space<vmem>>) semaphore(%dma_start3A_212 : memref<!tpu.dma_semaphore, #tpu.memory_space<semaphore_mem>>)
    %jit3A_213 = arith.constant 128 : i32
    %div3A_214 = arith.divsi %mul3A_32, %jit3A_213 : i32
    %sign3A_215 = arith.constant 0 : i32
    %sign3A_216 = arith.cmpi sgt, %mul3A_32, %sign3A_215 : i32
    %sign3A_217 = arith.extui %sign3A_216 : i1 to i32
    %sign3A_218 = arith.constant 0 : i32
    %sign3A_219 = arith.cmpi slt, %mul3A_32, %sign3A_218 : i32
    %sign3A_220 = arith.extui %sign3A_219 : i1 to i32
    %sign3A_221 = arith.subi %sign3A_217, %sign3A_220 : i32
    %sign3A_222 = arith.constant 0 : i32
    %sign3A_223 = arith.cmpi sgt, %jit3A_213, %sign3A_222 : i32
    %sign3A_224 = arith.extui %sign3A_223 : i1 to i32
    %sign3A_225 = arith.constant 0 : i32
    %sign3A_226 = arith.cmpi slt, %jit3A_213, %sign3A_225 : i32
    %sign3A_227 = arith.extui %sign3A_226 : i1 to i32
    %sign3A_228 = arith.subi %sign3A_224, %sign3A_227 : i32
    %ne3A_229 = arith.cmpi ne, %sign3A_221, %sign3A_228 : i32
    %rem3A_230 = arith.remsi %mul3A_32, %jit3A_213 : i32
    %ne3A_231 = arith.constant 0 : i32
    %ne3A_232 = arith.cmpi ne, %rem3A_230, %ne3A_231 : i32
    %and3A_233 = arith.andi %ne3A_229, %ne3A_232 : i1
    %sub3A_234 = arith.constant 1 : i32
    %sub3A_235 = arith.subi %div3A_214, %sub3A_234 : i32
    %select_n3A_236 = arith.select %and3A_233, %sub3A_235, %div3A_214 : i32
    %add3A_237 = arith.constant 2 : i32
    %add3A_238 = arith.addi %select_n3A_236, %add3A_237 : i32
    %run_scoped3A_239 = arith.constant 0 : i32
    %run_scoped3A_240 = arith.constant 1 : i32
    %run_scoped3A_241 = arith.constant 0 : i32
    "tpu.region"() ({
      %run_scoped3A_1414 = tpu.sem_alloc : memref<!tpu.dma_semaphore, #tpu.memory_space<semaphore_mem>>
      %dma_start3A_1415 = arith.constant 0 : i32
      %dma_start3A_1416 = arith.constant 0 : i32
      %dma_start3A_1417 = tpu.memref_slice %arg8[%run_scoped3A_240, %run_scoped3A_241, %dma_start3A_1415, %dma_start3A_1416] : memref<3x4x2x128xi32, #tpu.memory_space<vmem>> -> memref<1x1x2x128xi32, #tpu.memory_space<vmem>>
      %dma_start3A_1418 = tpu.memref_squeeze %dma_start3A_1417 : memref<1x1x2x128xi32, #tpu.memory_space<vmem>> -> memref<2x128xi32, #tpu.memory_space<vmem>>
      %dma_start3A_1419 = arith.constant 0 : i32
      %dma_start3A_1420 = tpu.memref_slice %arg2[%select_n3A, %add3A_238, %run_scoped3A_239, %dma_start3A_1419] : memref<4x64x4x128xi32, #tpu.memory_space<hbm>> -> memref<1x2x1x128xi32, #tpu.memory_space<hbm>>
      %dma_start3A_1421 = tpu.memref_squeeze %dma_start3A_1420 : memref<1x2x1x128xi32, #tpu.memory_space<hbm>> -> memref<2x128xi32, #tpu.memory_space<hbm>>
      %dma_start3A_1422 = arith.constant 0 : i32
      %dma_start3A_1423 = arith.constant 0 : i32
      %dma_start3A_1424 = tpu.memref_slice %arg8[%run_scoped3A_240, %run_scoped3A_241, %dma_start3A_1422, %dma_start3A_1423] : memref<3x4x2x128xi32, #tpu.memory_space<vmem>> -> memref<1x1x2x128xi32, #tpu.memory_space<vmem>>
      %dma_start3A_1425 = tpu.memref_squeeze %dma_start3A_1424 : memref<1x1x2x128xi32, #tpu.memory_space<vmem>> -> memref<2x128xi32, #tpu.memory_space<vmem>>
      %dma_start3A_1426 = arith.constant 0 : i32
      %dma_start3A_1427 = tpu.memref_slice %arg2[%select_n3A, %add3A_238, %run_scoped3A_239, %dma_start3A_1426] : memref<4x64x4x128xi32, #tpu.memory_space<hbm>> -> memref<1x2x1x128xi32, #tpu.memory_space<hbm>>
      %dma_start3A_1428 = tpu.memref_squeeze %dma_start3A_1427 : memref<1x2x1x128xi32, #tpu.memory_space<hbm>> -> memref<2x128xi32, #tpu.memory_space<hbm>>
      tpu.enqueue_dma source(%dma_start3A_1428 : memref<2x128xi32, #tpu.memory_space<hbm>>) target(%dma_start3A_1425 : memref<2x128xi32, #tpu.memory_space<vmem>>) target_semaphore(%run_scoped3A_1414 : memref<!tpu.dma_semaphore, #tpu.memory_space<semaphore_mem>>)
      %dma_wait3A_1429 = arith.constant 0 : i32
      %dma_wait3A_1430 = arith.constant 0 : i32
      %dma_wait3A_1431 = tpu.memref_slice %arg8[%run_scoped3A_240, %run_scoped3A_241, %dma_wait3A_1429, %dma_wait3A_1430] : memref<3x4x2x128xi32, #tpu.memory_space<vmem>> -> memref<1x1x2x128xi32, #tpu.memory_space<vmem>>
      %dma_wait3A_1432 = tpu.memref_squeeze %dma_wait3A_1431 : memref<1x1x2x128xi32, #tpu.memory_space<vmem>> -> memref<2x128xi32, #tpu.memory_space<vmem>>
      %dma_wait3A_1433 = arith.constant 0 : i32
      %dma_wait3A_1434 = tpu.memref_slice %arg2[%select_n3A, %add3A_238, %run_scoped3A_239, %dma_wait3A_1433] : memref<4x64x4x128xi32, #tpu.memory_space<hbm>> -> memref<1x2x1x128xi32, #tpu.memory_space<hbm>>
      %dma_wait3A_1435 = tpu.memref_squeeze %dma_wait3A_1434 : memref<1x2x1x128xi32, #tpu.memory_space<hbm>> -> memref<2x128xi32, #tpu.memory_space<hbm>>
      %dma_wait3A_1436 = arith.constant 0 : i32
      %dma_wait3A_1437 = arith.constant 0 : i32
      %dma_wait3A_1438 = tpu.memref_slice %arg8[%run_scoped3A_240, %run_scoped3A_241, %dma_wait3A_1436, %dma_wait3A_1437] : memref<3x4x2x128xi32, #tpu.memory_space<vmem>> -> memref<1x1x2x128xi32, #tpu.memory_space<vmem>>
      %dma_wait3A_1439 = tpu.memref_squeeze %dma_wait3A_1438 : memref<1x1x2x128xi32, #tpu.memory_space<vmem>> -> memref<2x128xi32, #tpu.memory_space<vmem>>
      %dma_wait3A_1440 = arith.constant 0 : i32
      %dma_wait3A_1441 = tpu.memref_slice %arg2[%select_n3A, %add3A_238, %run_scoped3A_239, %dma_wait3A_1440] : memref<4x64x4x128xi32, #tpu.memory_space<hbm>> -> memref<1x2x1x128xi32, #tpu.memory_space<hbm>>
      %dma_wait3A_1442 = tpu.memref_squeeze %dma_wait3A_1441 : memref<1x2x1x128xi32, #tpu.memory_space<hbm>> -> memref<2x128xi32, #tpu.memory_space<hbm>>
      tpu.wait_dma2 semaphore(%run_scoped3A_1414 : memref<!tpu.dma_semaphore, #tpu.memory_space<semaphore_mem>>) src(%dma_wait3A_1442 : memref<2x128xi32, #tpu.memory_space<hbm>>) dst(%dma_wait3A_1439 : memref<2x128xi32, #tpu.memory_space<vmem>>)
      tpu.yield
    }) : () -> ()
    %run_scoped3A_242 = arith.constant 1 : i32
    %run_scoped3A_243 = arith.constant 1 : i32
    %run_scoped3A_244 = arith.constant 1 : i32
    "tpu.region"() ({
      %run_scoped3A_1414 = tpu.sem_alloc : memref<!tpu.dma_semaphore, #tpu.memory_space<semaphore_mem>>
      %dma_start3A_1415 = arith.constant 0 : i32
      %dma_start3A_1416 = arith.constant 0 : i32
      %dma_start3A_1417 = tpu.memref_slice %arg8[%run_scoped3A_243, %run_scoped3A_244, %dma_start3A_1415, %dma_start3A_1416] : memref<3x4x2x128xi32, #tpu.memory_space<vmem>> -> memref<1x1x2x128xi32, #tpu.memory_space<vmem>>
      %dma_start3A_1418 = tpu.memref_squeeze %dma_start3A_1417 : memref<1x1x2x128xi32, #tpu.memory_space<vmem>> -> memref<2x128xi32, #tpu.memory_space<vmem>>
      %dma_start3A_1419 = arith.constant 0 : i32
      %dma_start3A_1420 = tpu.memref_slice %arg2[%select_n3A, %add3A_238, %run_scoped3A_242, %dma_start3A_1419] : memref<4x64x4x128xi32, #tpu.memory_space<hbm>> -> memref<1x2x1x128xi32, #tpu.memory_space<hbm>>
      %dma_start3A_1421 = tpu.memref_squeeze %dma_start3A_1420 : memref<1x2x1x128xi32, #tpu.memory_space<hbm>> -> memref<2x128xi32, #tpu.memory_space<hbm>>
      %dma_start3A_1422 = arith.constant 0 : i32
      %dma_start3A_1423 = arith.constant 0 : i32
      %dma_start3A_1424 = tpu.memref_slice %arg8[%run_scoped3A_243, %run_scoped3A_244, %dma_start3A_1422, %dma_start3A_1423] : memref<3x4x2x128xi32, #tpu.memory_space<vmem>> -> memref<1x1x2x128xi32, #tpu.memory_space<vmem>>
      %dma_start3A_1425 = tpu.memref_squeeze %dma_start3A_1424 : memref<1x1x2x128xi32, #tpu.memory_space<vmem>> -> memref<2x128xi32, #tpu.memory_space<vmem>>
      %dma_start3A_1426 = arith.constant 0 : i32
      %dma_start3A_1427 = tpu.memref_slice %arg2[%select_n3A, %add3A_238, %run_scoped3A_242, %dma_start3A_1426] : memref<4x64x4x128xi32, #tpu.memory_space<hbm>> -> memref<1x2x1x128xi32, #tpu.memory_space<hbm>>
      %dma_start3A_1428 = tpu.memref_squeeze %dma_start3A_1427 : memref<1x2x1x128xi32, #tpu.memory_space<hbm>> -> memref<2x128xi32, #tpu.memory_space<hbm>>
      tpu.enqueue_dma source(%dma_start3A_1428 : memref<2x128xi32, #tpu.memory_space<hbm>>) target(%dma_start3A_1425 : memref<2x128xi32, #tpu.memory_space<vmem>>) target_semaphore(%run_scoped3A_1414 : memref<!tpu.dma_semaphore, #tpu.memory_space<semaphore_mem>>)
      %dma_wait3A_1429 = arith.constant 0 : i32
      %dma_wait3A_1430 = arith.constant 0 : i32
      %dma_wait3A_1431 = tpu.memref_slice %arg8[%run_scoped3A_243, %run_scoped3A_244, %dma_wait3A_1429, %dma_wait3A_1430] : memref<3x4x2x128xi32, #tpu.memory_space<vmem>> -> memref<1x1x2x128xi32, #tpu.memory_space<vmem>>
      %dma_wait3A_1432 = tpu.memref_squeeze %dma_wait3A_1431 : memref<1x1x2x128xi32, #tpu.memory_space<vmem>> -> memref<2x128xi32, #tpu.memory_space<vmem>>
      %dma_wait3A_1433 = arith.constant 0 : i32
      %dma_wait3A_1434 = tpu.memref_slice %arg2[%select_n3A, %add3A_238, %run_scoped3A_242, %dma_wait3A_1433] : memref<4x64x4x128xi32, #tpu.memory_space<hbm>> -> memref<1x2x1x128xi32, #tpu.memory_space<hbm>>
      %dma_wait3A_1435 = tpu.memref_squeeze %dma_wait3A_1434 : memref<1x2x1x128xi32, #tpu.memory_space<hbm>> -> memref<2x128xi32, #tpu.memory_space<hbm>>
      %dma_wait3A_1436 = arith.constant 0 : i32
      %dma_wait3A_1437 = arith.constant 0 : i32
      %dma_wait3A_1438 = tpu.memref_slice %arg8[%run_scoped3A_243, %run_scoped3A_244, %dma_wait3A_1436, %dma_wait3A_1437] : memref<3x4x2x128xi32, #tpu.memory_space<vmem>> -> memref<1x1x2x128xi32, #tpu.memory_space<vmem>>
      %dma_wait3A_1439 = tpu.memref_squeeze %dma_wait3A_1438 : memref<1x1x2x128xi32, #tpu.memory_space<vmem>> -> memref<2x128xi32, #tpu.memory_space<vmem>>
      %dma_wait3A_1440 = arith.constant 0 : i32
      %dma_wait3A_1441 = tpu.memref_slice %arg2[%select_n3A, %add3A_238, %run_scoped3A_242, %dma_wait3A_1440] : memref<4x64x4x128xi32, #tpu.memory_space<hbm>> -> memref<1x2x1x128xi32, #tpu.memory_space<hbm>>
      %dma_wait3A_1442 = tpu.memref_squeeze %dma_wait3A_1441 : memref<1x2x1x128xi32, #tpu.memory_space<hbm>> -> memref<2x128xi32, #tpu.memory_space<hbm>>
      tpu.wait_dma2 semaphore(%run_scoped3A_1414 : memref<!tpu.dma_semaphore, #tpu.memory_space<semaphore_mem>>) src(%dma_wait3A_1442 : memref<2x128xi32, #tpu.memory_space<hbm>>) dst(%dma_wait3A_1439 : memref<2x128xi32, #tpu.memory_space<vmem>>)
      tpu.yield
    }) : () -> ()
    %run_scoped3A_245 = arith.constant 2 : i32
    %run_scoped3A_246 = arith.constant 1 : i32
    %run_scoped3A_247 = arith.constant 2 : i32
    "tpu.region"() ({
      %run_scoped3A_1414 = tpu.sem_alloc : memref<!tpu.dma_semaphore, #tpu.memory_space<semaphore_mem>>
      %dma_start3A_1415 = arith.constant 0 : i32
      %dma_start3A_1416 = arith.constant 0 : i32
      %dma_start3A_1417 = tpu.memref_slice %arg8[%run_scoped3A_246, %run_scoped3A_247, %dma_start3A_1415, %dma_start3A_1416] : memref<3x4x2x128xi32, #tpu.memory_space<vmem>> -> memref<1x1x2x128xi32, #tpu.memory_space<vmem>>
      %dma_start3A_1418 = tpu.memref_squeeze %dma_start3A_1417 : memref<1x1x2x128xi32, #tpu.memory_space<vmem>> -> memref<2x128xi32, #tpu.memory_space<vmem>>
      %dma_start3A_1419 = arith.constant 0 : i32
      %dma_start3A_1420 = tpu.memref_slice %arg2[%select_n3A, %add3A_238, %run_scoped3A_245, %dma_start3A_1419] : memref<4x64x4x128xi32, #tpu.memory_space<hbm>> -> memref<1x2x1x128xi32, #tpu.memory_space<hbm>>
      %dma_start3A_1421 = tpu.memref_squeeze %dma_start3A_1420 : memref<1x2x1x128xi32, #tpu.memory_space<hbm>> -> memref<2x128xi32, #tpu.memory_space<hbm>>
      %dma_start3A_1422 = arith.constant 0 : i32
      %dma_start3A_1423 = arith.constant 0 : i32
      %dma_start3A_1424 = tpu.memref_slice %arg8[%run_scoped3A_246, %run_scoped3A_247, %dma_start3A_1422, %dma_start3A_1423] : memref<3x4x2x128xi32, #tpu.memory_space<vmem>> -> memref<1x1x2x128xi32, #tpu.memory_space<vmem>>
      %dma_start3A_1425 = tpu.memref_squeeze %dma_start3A_1424 : memref<1x1x2x128xi32, #tpu.memory_space<vmem>> -> memref<2x128xi32, #tpu.memory_space<vmem>>
      %dma_start3A_1426 = arith.constant 0 : i32
      %dma_start3A_1427 = tpu.memref_slice %arg2[%select_n3A, %add3A_238, %run_scoped3A_245, %dma_start3A_1426] : memref<4x64x4x128xi32, #tpu.memory_space<hbm>> -> memref<1x2x1x128xi32, #tpu.memory_space<hbm>>
      %dma_start3A_1428 = tpu.memref_squeeze %dma_start3A_1427 : memref<1x2x1x128xi32, #tpu.memory_space<hbm>> -> memref<2x128xi32, #tpu.memory_space<hbm>>
      tpu.enqueue_dma source(%dma_start3A_1428 : memref<2x128xi32, #tpu.memory_space<hbm>>) target(%dma_start3A_1425 : memref<2x128xi32, #tpu.memory_space<vmem>>) target_semaphore(%run_scoped3A_1414 : memref<!tpu.dma_semaphore, #tpu.memory_space<semaphore_mem>>)
      %dma_wait3A_1429 = arith.constant 0 : i32
      %dma_wait3A_1430 = arith.constant 0 : i32
      %dma_wait3A_1431 = tpu.memref_slice %arg8[%run_scoped3A_246, %run_scoped3A_247, %dma_wait3A_1429, %dma_wait3A_1430] : memref<3x4x2x128xi32, #tpu.memory_space<vmem>> -> memref<1x1x2x128xi32, #tpu.memory_space<vmem>>
      %dma_wait3A_1432 = tpu.memref_squeeze %dma_wait3A_1431 : memref<1x1x2x128xi32, #tpu.memory_space<vmem>> -> memref<2x128xi32, #tpu.memory_space<vmem>>
      %dma_wait3A_1433 = arith.constant 0 : i32
      %dma_wait3A_1434 = tpu.memref_slice %arg2[%select_n3A, %add3A_238, %run_scoped3A_245, %dma_wait3A_1433] : memref<4x64x4x128xi32, #tpu.memory_space<hbm>> -> memref<1x2x1x128xi32, #tpu.memory_space<hbm>>
      %dma_wait3A_1435 = tpu.memref_squeeze %dma_wait3A_1434 : memref<1x2x1x128xi32, #tpu.memory_space<hbm>> -> memref<2x128xi32, #tpu.memory_space<hbm>>
      %dma_wait3A_1436 = arith.constant 0 : i32
      %dma_wait3A_1437 = arith.constant 0 : i32
      %dma_wait3A_1438 = tpu.memref_slice %arg8[%run_scoped3A_246, %run_scoped3A_247, %dma_wait3A_1436, %dma_wait3A_1437] : memref<3x4x2x128xi32, #tpu.memory_space<vmem>> -> memref<1x1x2x128xi32, #tpu.memory_space<vmem>>
      %dma_wait3A_1439 = tpu.memref_squeeze %dma_wait3A_1438 : memref<1x1x2x128xi32, #tpu.memory_space<vmem>> -> memref<2x128xi32, #tpu.memory_space<vmem>>
      %dma_wait3A_1440 = arith.constant 0 : i32
      %dma_wait3A_1441 = tpu.memref_slice %arg2[%select_n3A, %add3A_238, %run_scoped3A_245, %dma_wait3A_1440] : memref<4x64x4x128xi32, #tpu.memory_space<hbm>> -> memref<1x2x1x128xi32, #tpu.memory_space<hbm>>
      %dma_wait3A_1442 = tpu.memref_squeeze %dma_wait3A_1441 : memref<1x2x1x128xi32, #tpu.memory_space<hbm>> -> memref<2x128xi32, #tpu.memory_space<hbm>>
      tpu.wait_dma2 semaphore(%run_scoped3A_1414 : memref<!tpu.dma_semaphore, #tpu.memory_space<semaphore_mem>>) src(%dma_wait3A_1442 : memref<2x128xi32, #tpu.memory_space<hbm>>) dst(%dma_wait3A_1439 : memref<2x128xi32, #tpu.memory_space<vmem>>)
      tpu.yield
    }) : () -> ()
    %run_scoped3A_248 = arith.constant 3 : i32
    %run_scoped3A_249 = arith.constant 1 : i32
    %run_scoped3A_250 = arith.constant 3 : i32
    "tpu.region"() ({
      %run_scoped3A_1414 = tpu.sem_alloc : memref<!tpu.dma_semaphore, #tpu.memory_space<semaphore_mem>>
      %dma_start3A_1415 = arith.constant 0 : i32
      %dma_start3A_1416 = arith.constant 0 : i32
      %dma_start3A_1417 = tpu.memref_slice %arg8[%run_scoped3A_249, %run_scoped3A_250, %dma_start3A_1415, %dma_start3A_1416] : memref<3x4x2x128xi32, #tpu.memory_space<vmem>> -> memref<1x1x2x128xi32, #tpu.memory_space<vmem>>
      %dma_start3A_1418 = tpu.memref_squeeze %dma_start3A_1417 : memref<1x1x2x128xi32, #tpu.memory_space<vmem>> -> memref<2x128xi32, #tpu.memory_space<vmem>>
      %dma_start3A_1419 = arith.constant 0 : i32
      %dma_start3A_1420 = tpu.memref_slice %arg2[%select_n3A, %add3A_238, %run_scoped3A_248, %dma_start3A_1419] : memref<4x64x4x128xi32, #tpu.memory_space<hbm>> -> memref<1x2x1x128xi32, #tpu.memory_space<hbm>>
      %dma_start3A_1421 = tpu.memref_squeeze %dma_start3A_1420 : memref<1x2x1x128xi32, #tpu.memory_space<hbm>> -> memref<2x128xi32, #tpu.memory_space<hbm>>
      %dma_start3A_1422 = arith.constant 0 : i32
      %dma_start3A_1423 = arith.constant 0 : i32
      %dma_start3A_1424 = tpu.memref_slice %arg8[%run_scoped3A_249, %run_scoped3A_250, %dma_start3A_1422, %dma_start3A_1423] : memref<3x4x2x128xi32, #tpu.memory_space<vmem>> -> memref<1x1x2x128xi32, #tpu.memory_space<vmem>>
      %dma_start3A_1425 = tpu.memref_squeeze %dma_start3A_1424 : memref<1x1x2x128xi32, #tpu.memory_space<vmem>> -> memref<2x128xi32, #tpu.memory_space<vmem>>
      %dma_start3A_1426 = arith.constant 0 : i32
      %dma_start3A_1427 = tpu.memref_slice %arg2[%select_n3A, %add3A_238, %run_scoped3A_248, %dma_start3A_1426] : memref<4x64x4x128xi32, #tpu.memory_space<hbm>> -> memref<1x2x1x128xi32, #tpu.memory_space<hbm>>
      %dma_start3A_1428 = tpu.memref_squeeze %dma_start3A_1427 : memref<1x2x1x128xi32, #tpu.memory_space<hbm>> -> memref<2x128xi32, #tpu.memory_space<hbm>>
      tpu.enqueue_dma source(%dma_start3A_1428 : memref<2x128xi32, #tpu.memory_space<hbm>>) target(%dma_start3A_1425 : memref<2x128xi32, #tpu.memory_space<vmem>>) target_semaphore(%run_scoped3A_1414 : memref<!tpu.dma_semaphore, #tpu.memory_space<semaphore_mem>>)
      %dma_wait3A_1429 = arith.constant 0 : i32
      %dma_wait3A_1430 = arith.constant 0 : i32
      %dma_wait3A_1431 = tpu.memref_slice %arg8[%run_scoped3A_249, %run_scoped3A_250, %dma_wait3A_1429, %dma_wait3A_1430] : memref<3x4x2x128xi32, #tpu.memory_space<vmem>> -> memref<1x1x2x128xi32, #tpu.memory_space<vmem>>
      %dma_wait3A_1432 = tpu.memref_squeeze %dma_wait3A_1431 : memref<1x1x2x128xi32, #tpu.memory_space<vmem>> -> memref<2x128xi32, #tpu.memory_space<vmem>>
      %dma_wait3A_1433 = arith.constant 0 : i32
      %dma_wait3A_1434 = tpu.memref_slice %arg2[%select_n3A, %add3A_238, %run_scoped3A_248, %dma_wait3A_1433] : memref<4x64x4x128xi32, #tpu.memory_space<hbm>> -> memref<1x2x1x128xi32, #tpu.memory_space<hbm>>
      %dma_wait3A_1435 = tpu.memref_squeeze %dma_wait3A_1434 : memref<1x2x1x128xi32, #tpu.memory_space<hbm>> -> memref<2x128xi32, #tpu.memory_space<hbm>>
      %dma_wait3A_1436 = arith.constant 0 : i32
      %dma_wait3A_1437 = arith.constant 0 : i32
      %dma_wait3A_1438 = tpu.memref_slice %arg8[%run_scoped3A_249, %run_scoped3A_250, %dma_wait3A_1436, %dma_wait3A_1437] : memref<3x4x2x128xi32, #tpu.memory_space<vmem>> -> memref<1x1x2x128xi32, #tpu.memory_space<vmem>>
      %dma_wait3A_1439 = tpu.memref_squeeze %dma_wait3A_1438 : memref<1x1x2x128xi32, #tpu.memory_space<vmem>> -> memref<2x128xi32, #tpu.memory_space<vmem>>
      %dma_wait3A_1440 = arith.constant 0 : i32
      %dma_wait3A_1441 = tpu.memref_slice %arg2[%select_n3A, %add3A_238, %run_scoped3A_248, %dma_wait3A_1440] : memref<4x64x4x128xi32, #tpu.memory_space<hbm>> -> memref<1x2x1x128xi32, #tpu.memory_space<hbm>>
      %dma_wait3A_1442 = tpu.memref_squeeze %dma_wait3A_1441 : memref<1x2x1x128xi32, #tpu.memory_space<hbm>> -> memref<2x128xi32, #tpu.memory_space<hbm>>
      tpu.wait_dma2 semaphore(%run_scoped3A_1414 : memref<!tpu.dma_semaphore, #tpu.memory_space<semaphore_mem>>) src(%dma_wait3A_1442 : memref<2x128xi32, #tpu.memory_space<hbm>>) dst(%dma_wait3A_1439 : memref<2x128xi32, #tpu.memory_space<vmem>>)
      tpu.yield
    }) : () -> ()
    %dma_start3A_251 = arith.constant 1 : i32
    %dma_start3A_252 = arith.constant 0 : i32
    %dma_start3A_253 = arith.constant 0 : i32
    %dma_start3A_254 = arith.constant 1 : i32
    %dma_start3A_255 = arith.constant 0 : i32
    %dma_start3A_256 = arith.constant 1 : i32
    %dma_start3A_257 = arith.constant 0 : i32
    %dma_start3A_258 = arith.constant 0 : i32
    %dma_start3A_259 = tpu.memref_slice %arg9[%dma_start3A_254, %dma_start3A_255, %dma_start3A_257, %dma_start3A_258] : memref<3x4x256x32xf32, #tpu.memory_space<vmem>> -> memref<1x1x128x32xf32, #tpu.memory_space<vmem>>
    %dma_start3A_260 = tpu.memref_squeeze %dma_start3A_259 : memref<1x1x128x32xf32, #tpu.memory_space<vmem>> -> memref<128x32xf32, #tpu.memory_space<vmem>>
    %dma_start3A_261 = arith.constant 0 : i32
    %dma_start3A_262 = tpu.memref_slice %arg8[%dma_start3A_251, %dma_start3A_252, %dma_start3A_253, %dma_start3A_261] : memref<3x4x2x128xi32, #tpu.memory_space<vmem>> -> memref<1x1x1x128xi32, #tpu.memory_space<vmem>>
    %dma_start3A_263 = tpu.memref_squeeze %dma_start3A_262 : memref<1x1x1x128xi32, #tpu.memory_space<vmem>> -> memref<128xi32, #tpu.memory_space<vmem>>
    %dma_start3A_264 = arith.constant 0 : i32
    %dma_start3A_265 = arith.constant 0 : i32
    %dma_start3A_266 = tpu.memref_slice %arg3[%dma_start3A_264, %dma_start3A_265] : memref<4096x32xf32, #tpu.memory_space<hbm>> -> memref<4096x32xf32, #tpu.memory_space<hbm>>
    %dma_start3A_267 = tpu.memref_slice %arg10[%dma_start3A_256] : memref<3x!tpu.dma_semaphore, #tpu.memory_space<semaphore_mem>> -> memref<1x!tpu.dma_semaphore, #tpu.memory_space<semaphore_mem>>
    %dma_start3A_268 = tpu.memref_squeeze %dma_start3A_267 : memref<1x!tpu.dma_semaphore, #tpu.memory_space<semaphore_mem>> -> memref<!tpu.dma_semaphore, #tpu.memory_space<semaphore_mem>>
    tpu.enqueue_indirect_dma source(%dma_start3A_266 : memref<4096x32xf32, #tpu.memory_space<hbm>>) target(%dma_start3A_260 : memref<128x32xf32, #tpu.memory_space<vmem>>) offsets(%dma_start3A_263 : memref<128xi32, #tpu.memory_space<vmem>>) semaphore(%dma_start3A_268 : memref<!tpu.dma_semaphore, #tpu.memory_space<semaphore_mem>>)
    %dma_start3A_269 = arith.constant 1 : i32
    %dma_start3A_270 = arith.constant 0 : i32
    %dma_start3A_271 = arith.constant 1 : i32
    %dma_start3A_272 = arith.constant 1 : i32
    %dma_start3A_273 = arith.constant 0 : i32
    %dma_start3A_274 = arith.constant 1 : i32
    %dma_start3A_275 = arith.constant 128 : i32
    %dma_start3A_276 = arith.constant 0 : i32
    %dma_start3A_277 = tpu.memref_slice %arg9[%dma_start3A_272, %dma_start3A_273, %dma_start3A_275, %dma_start3A_276] : memref<3x4x256x32xf32, #tpu.memory_space<vmem>> -> memref<1x1x128x32xf32, #tpu.memory_space<vmem>>
    %dma_start3A_278 = tpu.memref_squeeze %dma_start3A_277 : memref<1x1x128x32xf32, #tpu.memory_space<vmem>> -> memref<128x32xf32, #tpu.memory_space<vmem>>
    %dma_start3A_279 = arith.constant 0 : i32
    %dma_start3A_280 = tpu.memref_slice %arg8[%dma_start3A_269, %dma_start3A_270, %dma_start3A_271, %dma_start3A_279] : memref<3x4x2x128xi32, #tpu.memory_space<vmem>> -> memref<1x1x1x128xi32, #tpu.memory_space<vmem>>
    %dma_start3A_281 = tpu.memref_squeeze %dma_start3A_280 : memref<1x1x1x128xi32, #tpu.memory_space<vmem>> -> memref<128xi32, #tpu.memory_space<vmem>>
    %dma_start3A_282 = arith.constant 0 : i32
    %dma_start3A_283 = arith.constant 0 : i32
    %dma_start3A_284 = tpu.memref_slice %arg3[%dma_start3A_282, %dma_start3A_283] : memref<4096x32xf32, #tpu.memory_space<hbm>> -> memref<4096x32xf32, #tpu.memory_space<hbm>>
    %dma_start3A_285 = tpu.memref_slice %arg10[%dma_start3A_274] : memref<3x!tpu.dma_semaphore, #tpu.memory_space<semaphore_mem>> -> memref<1x!tpu.dma_semaphore, #tpu.memory_space<semaphore_mem>>
    %dma_start3A_286 = tpu.memref_squeeze %dma_start3A_285 : memref<1x!tpu.dma_semaphore, #tpu.memory_space<semaphore_mem>> -> memref<!tpu.dma_semaphore, #tpu.memory_space<semaphore_mem>>
    tpu.enqueue_indirect_dma source(%dma_start3A_284 : memref<4096x32xf32, #tpu.memory_space<hbm>>) target(%dma_start3A_278 : memref<128x32xf32, #tpu.memory_space<vmem>>) offsets(%dma_start3A_281 : memref<128xi32, #tpu.memory_space<vmem>>) semaphore(%dma_start3A_286 : memref<!tpu.dma_semaphore, #tpu.memory_space<semaphore_mem>>)
    %dma_start3A_287 = arith.constant 1 : i32
    %dma_start3A_288 = arith.constant 1 : i32
    %dma_start3A_289 = arith.constant 0 : i32
    %dma_start3A_290 = arith.constant 1 : i32
    %dma_start3A_291 = arith.constant 1 : i32
    %dma_start3A_292 = arith.constant 1 : i32
    %dma_start3A_293 = arith.constant 0 : i32
    %dma_start3A_294 = arith.constant 0 : i32
    %dma_start3A_295 = tpu.memref_slice %arg9[%dma_start3A_290, %dma_start3A_291, %dma_start3A_293, %dma_start3A_294] : memref<3x4x256x32xf32, #tpu.memory_space<vmem>> -> memref<1x1x128x32xf32, #tpu.memory_space<vmem>>
    %dma_start3A_296 = tpu.memref_squeeze %dma_start3A_295 : memref<1x1x128x32xf32, #tpu.memory_space<vmem>> -> memref<128x32xf32, #tpu.memory_space<vmem>>
    %dma_start3A_297 = arith.constant 0 : i32
    %dma_start3A_298 = tpu.memref_slice %arg8[%dma_start3A_287, %dma_start3A_288, %dma_start3A_289, %dma_start3A_297] : memref<3x4x2x128xi32, #tpu.memory_space<vmem>> -> memref<1x1x1x128xi32, #tpu.memory_space<vmem>>
    %dma_start3A_299 = tpu.memref_squeeze %dma_start3A_298 : memref<1x1x1x128xi32, #tpu.memory_space<vmem>> -> memref<128xi32, #tpu.memory_space<vmem>>
    %dma_start3A_300 = arith.constant 0 : i32
    %dma_start3A_301 = arith.constant 0 : i32
    %dma_start3A_302 = tpu.memref_slice %arg4[%dma_start3A_300, %dma_start3A_301] : memref<4096x32xf32, #tpu.memory_space<hbm>> -> memref<4096x32xf32, #tpu.memory_space<hbm>>
    %dma_start3A_303 = tpu.memref_slice %arg10[%dma_start3A_292] : memref<3x!tpu.dma_semaphore, #tpu.memory_space<semaphore_mem>> -> memref<1x!tpu.dma_semaphore, #tpu.memory_space<semaphore_mem>>
    %dma_start3A_304 = tpu.memref_squeeze %dma_start3A_303 : memref<1x!tpu.dma_semaphore, #tpu.memory_space<semaphore_mem>> -> memref<!tpu.dma_semaphore, #tpu.memory_space<semaphore_mem>>
    tpu.enqueue_indirect_dma source(%dma_start3A_302 : memref<4096x32xf32, #tpu.memory_space<hbm>>) target(%dma_start3A_296 : memref<128x32xf32, #tpu.memory_space<vmem>>) offsets(%dma_start3A_299 : memref<128xi32, #tpu.memory_space<vmem>>) semaphore(%dma_start3A_304 : memref<!tpu.dma_semaphore, #tpu.memory_space<semaphore_mem>>)
    %dma_start3A_305 = arith.constant 1 : i32
    %dma_start3A_306 = arith.constant 1 : i32
    %dma_start3A_307 = arith.constant 1 : i32
    %dma_start3A_308 = arith.constant 1 : i32
    %dma_start3A_309 = arith.constant 1 : i32
    %dma_start3A_310 = arith.constant 1 : i32
    %dma_start3A_311 = arith.constant 128 : i32
    %dma_start3A_312 = arith.constant 0 : i32
    %dma_start3A_313 = tpu.memref_slice %arg9[%dma_start3A_308, %dma_start3A_309, %dma_start3A_311, %dma_start3A_312] : memref<3x4x256x32xf32, #tpu.memory_space<vmem>> -> memref<1x1x128x32xf32, #tpu.memory_space<vmem>>
    %dma_start3A_314 = tpu.memref_squeeze %dma_start3A_313 : memref<1x1x128x32xf32, #tpu.memory_space<vmem>> -> memref<128x32xf32, #tpu.memory_space<vmem>>
    %dma_start3A_315 = arith.constant 0 : i32
    %dma_start3A_316 = tpu.memref_slice %arg8[%dma_start3A_305, %dma_start3A_306, %dma_start3A_307, %dma_start3A_315] : memref<3x4x2x128xi32, #tpu.memory_space<vmem>> -> memref<1x1x1x128xi32, #tpu.memory_space<vmem>>
    %dma_start3A_317 = tpu.memref_squeeze %dma_start3A_316 : memref<1x1x1x128xi32, #tpu.memory_space<vmem>> -> memref<128xi32, #tpu.memory_space<vmem>>
    %dma_start3A_318 = arith.constant 0 : i32
    %dma_start3A_319 = arith.constant 0 : i32
    %dma_start3A_320 = tpu.memref_slice %arg4[%dma_start3A_318, %dma_start3A_319] : memref<4096x32xf32, #tpu.memory_space<hbm>> -> memref<4096x32xf32, #tpu.memory_space<hbm>>
    %dma_start3A_321 = tpu.memref_slice %arg10[%dma_start3A_310] : memref<3x!tpu.dma_semaphore, #tpu.memory_space<semaphore_mem>> -> memref<1x!tpu.dma_semaphore, #tpu.memory_space<semaphore_mem>>
    %dma_start3A_322 = tpu.memref_squeeze %dma_start3A_321 : memref<1x!tpu.dma_semaphore, #tpu.memory_space<semaphore_mem>> -> memref<!tpu.dma_semaphore, #tpu.memory_space<semaphore_mem>>
    tpu.enqueue_indirect_dma source(%dma_start3A_320 : memref<4096x32xf32, #tpu.memory_space<hbm>>) target(%dma_start3A_314 : memref<128x32xf32, #tpu.memory_space<vmem>>) offsets(%dma_start3A_317 : memref<128xi32, #tpu.memory_space<vmem>>) semaphore(%dma_start3A_322 : memref<!tpu.dma_semaphore, #tpu.memory_space<semaphore_mem>>)
    %dma_start3A_323 = arith.constant 1 : i32
    %dma_start3A_324 = arith.constant 2 : i32
    %dma_start3A_325 = arith.constant 0 : i32
    %dma_start3A_326 = arith.constant 1 : i32
    %dma_start3A_327 = arith.constant 2 : i32
    %dma_start3A_328 = arith.constant 1 : i32
    %dma_start3A_329 = arith.constant 0 : i32
    %dma_start3A_330 = arith.constant 0 : i32
    %dma_start3A_331 = tpu.memref_slice %arg9[%dma_start3A_326, %dma_start3A_327, %dma_start3A_329, %dma_start3A_330] : memref<3x4x256x32xf32, #tpu.memory_space<vmem>> -> memref<1x1x128x32xf32, #tpu.memory_space<vmem>>
    %dma_start3A_332 = tpu.memref_squeeze %dma_start3A_331 : memref<1x1x128x32xf32, #tpu.memory_space<vmem>> -> memref<128x32xf32, #tpu.memory_space<vmem>>
    %dma_start3A_333 = arith.constant 0 : i32
    %dma_start3A_334 = tpu.memref_slice %arg8[%dma_start3A_323, %dma_start3A_324, %dma_start3A_325, %dma_start3A_333] : memref<3x4x2x128xi32, #tpu.memory_space<vmem>> -> memref<1x1x1x128xi32, #tpu.memory_space<vmem>>
    %dma_start3A_335 = tpu.memref_squeeze %dma_start3A_334 : memref<1x1x1x128xi32, #tpu.memory_space<vmem>> -> memref<128xi32, #tpu.memory_space<vmem>>
    %dma_start3A_336 = arith.constant 0 : i32
    %dma_start3A_337 = arith.constant 0 : i32
    %dma_start3A_338 = tpu.memref_slice %arg5[%dma_start3A_336, %dma_start3A_337] : memref<4096x32xf32, #tpu.memory_space<hbm>> -> memref<4096x32xf32, #tpu.memory_space<hbm>>
    %dma_start3A_339 = tpu.memref_slice %arg10[%dma_start3A_328] : memref<3x!tpu.dma_semaphore, #tpu.memory_space<semaphore_mem>> -> memref<1x!tpu.dma_semaphore, #tpu.memory_space<semaphore_mem>>
    %dma_start3A_340 = tpu.memref_squeeze %dma_start3A_339 : memref<1x!tpu.dma_semaphore, #tpu.memory_space<semaphore_mem>> -> memref<!tpu.dma_semaphore, #tpu.memory_space<semaphore_mem>>
    tpu.enqueue_indirect_dma source(%dma_start3A_338 : memref<4096x32xf32, #tpu.memory_space<hbm>>) target(%dma_start3A_332 : memref<128x32xf32, #tpu.memory_space<vmem>>) offsets(%dma_start3A_335 : memref<128xi32, #tpu.memory_space<vmem>>) semaphore(%dma_start3A_340 : memref<!tpu.dma_semaphore, #tpu.memory_space<semaphore_mem>>)
    %dma_start3A_341 = arith.constant 1 : i32
    %dma_start3A_342 = arith.constant 2 : i32
    %dma_start3A_343 = arith.constant 1 : i32
    %dma_start3A_344 = arith.constant 1 : i32
    %dma_start3A_345 = arith.constant 2 : i32
    %dma_start3A_346 = arith.constant 1 : i32
    %dma_start3A_347 = arith.constant 128 : i32
    %dma_start3A_348 = arith.constant 0 : i32
    %dma_start3A_349 = tpu.memref_slice %arg9[%dma_start3A_344, %dma_start3A_345, %dma_start3A_347, %dma_start3A_348] : memref<3x4x256x32xf32, #tpu.memory_space<vmem>> -> memref<1x1x128x32xf32, #tpu.memory_space<vmem>>
    %dma_start3A_350 = tpu.memref_squeeze %dma_start3A_349 : memref<1x1x128x32xf32, #tpu.memory_space<vmem>> -> memref<128x32xf32, #tpu.memory_space<vmem>>
    %dma_start3A_351 = arith.constant 0 : i32
    %dma_start3A_352 = tpu.memref_slice %arg8[%dma_start3A_341, %dma_start3A_342, %dma_start3A_343, %dma_start3A_351] : memref<3x4x2x128xi32, #tpu.memory_space<vmem>> -> memref<1x1x1x128xi32, #tpu.memory_space<vmem>>
    %dma_start3A_353 = tpu.memref_squeeze %dma_start3A_352 : memref<1x1x1x128xi32, #tpu.memory_space<vmem>> -> memref<128xi32, #tpu.memory_space<vmem>>
    %dma_start3A_354 = arith.constant 0 : i32
    %dma_start3A_355 = arith.constant 0 : i32
    %dma_start3A_356 = tpu.memref_slice %arg5[%dma_start3A_354, %dma_start3A_355] : memref<4096x32xf32, #tpu.memory_space<hbm>> -> memref<4096x32xf32, #tpu.memory_space<hbm>>
    %dma_start3A_357 = tpu.memref_slice %arg10[%dma_start3A_346] : memref<3x!tpu.dma_semaphore, #tpu.memory_space<semaphore_mem>> -> memref<1x!tpu.dma_semaphore, #tpu.memory_space<semaphore_mem>>
    %dma_start3A_358 = tpu.memref_squeeze %dma_start3A_357 : memref<1x!tpu.dma_semaphore, #tpu.memory_space<semaphore_mem>> -> memref<!tpu.dma_semaphore, #tpu.memory_space<semaphore_mem>>
    tpu.enqueue_indirect_dma source(%dma_start3A_356 : memref<4096x32xf32, #tpu.memory_space<hbm>>) target(%dma_start3A_350 : memref<128x32xf32, #tpu.memory_space<vmem>>) offsets(%dma_start3A_353 : memref<128xi32, #tpu.memory_space<vmem>>) semaphore(%dma_start3A_358 : memref<!tpu.dma_semaphore, #tpu.memory_space<semaphore_mem>>)
    %dma_start3A_359 = arith.constant 1 : i32
    %dma_start3A_360 = arith.constant 3 : i32
    %dma_start3A_361 = arith.constant 0 : i32
    %dma_start3A_362 = arith.constant 1 : i32
    %dma_start3A_363 = arith.constant 3 : i32
    %dma_start3A_364 = arith.constant 1 : i32
    %dma_start3A_365 = arith.constant 0 : i32
    %dma_start3A_366 = arith.constant 0 : i32
    %dma_start3A_367 = tpu.memref_slice %arg9[%dma_start3A_362, %dma_start3A_363, %dma_start3A_365, %dma_start3A_366] : memref<3x4x256x32xf32, #tpu.memory_space<vmem>> -> memref<1x1x128x32xf32, #tpu.memory_space<vmem>>
    %dma_start3A_368 = tpu.memref_squeeze %dma_start3A_367 : memref<1x1x128x32xf32, #tpu.memory_space<vmem>> -> memref<128x32xf32, #tpu.memory_space<vmem>>
    %dma_start3A_369 = arith.constant 0 : i32
    %dma_start3A_370 = tpu.memref_slice %arg8[%dma_start3A_359, %dma_start3A_360, %dma_start3A_361, %dma_start3A_369] : memref<3x4x2x128xi32, #tpu.memory_space<vmem>> -> memref<1x1x1x128xi32, #tpu.memory_space<vmem>>
    %dma_start3A_371 = tpu.memref_squeeze %dma_start3A_370 : memref<1x1x1x128xi32, #tpu.memory_space<vmem>> -> memref<128xi32, #tpu.memory_space<vmem>>
    %dma_start3A_372 = arith.constant 0 : i32
    %dma_start3A_373 = arith.constant 0 : i32
    %dma_start3A_374 = tpu.memref_slice %arg6[%dma_start3A_372, %dma_start3A_373] : memref<4096x32xf32, #tpu.memory_space<hbm>> -> memref<4096x32xf32, #tpu.memory_space<hbm>>
    %dma_start3A_375 = tpu.memref_slice %arg10[%dma_start3A_364] : memref<3x!tpu.dma_semaphore, #tpu.memory_space<semaphore_mem>> -> memref<1x!tpu.dma_semaphore, #tpu.memory_space<semaphore_mem>>
    %dma_start3A_376 = tpu.memref_squeeze %dma_start3A_375 : memref<1x!tpu.dma_semaphore, #tpu.memory_space<semaphore_mem>> -> memref<!tpu.dma_semaphore, #tpu.memory_space<semaphore_mem>>
    tpu.enqueue_indirect_dma source(%dma_start3A_374 : memref<4096x32xf32, #tpu.memory_space<hbm>>) target(%dma_start3A_368 : memref<128x32xf32, #tpu.memory_space<vmem>>) offsets(%dma_start3A_371 : memref<128xi32, #tpu.memory_space<vmem>>) semaphore(%dma_start3A_376 : memref<!tpu.dma_semaphore, #tpu.memory_space<semaphore_mem>>)
    %dma_start3A_377 = arith.constant 1 : i32
    %dma_start3A_378 = arith.constant 3 : i32
    %dma_start3A_379 = arith.constant 1 : i32
    %dma_start3A_380 = arith.constant 1 : i32
    %dma_start3A_381 = arith.constant 3 : i32
    %dma_start3A_382 = arith.constant 1 : i32
    %dma_start3A_383 = arith.constant 128 : i32
    %dma_start3A_384 = arith.constant 0 : i32
    %dma_start3A_385 = tpu.memref_slice %arg9[%dma_start3A_380, %dma_start3A_381, %dma_start3A_383, %dma_start3A_384] : memref<3x4x256x32xf32, #tpu.memory_space<vmem>> -> memref<1x1x128x32xf32, #tpu.memory_space<vmem>>
    %dma_start3A_386 = tpu.memref_squeeze %dma_start3A_385 : memref<1x1x128x32xf32, #tpu.memory_space<vmem>> -> memref<128x32xf32, #tpu.memory_space<vmem>>
    %dma_start3A_387 = arith.constant 0 : i32
    %dma_start3A_388 = tpu.memref_slice %arg8[%dma_start3A_377, %dma_start3A_378, %dma_start3A_379, %dma_start3A_387] : memref<3x4x2x128xi32, #tpu.memory_space<vmem>> -> memref<1x1x1x128xi32, #tpu.memory_space<vmem>>
    %dma_start3A_389 = tpu.memref_squeeze %dma_start3A_388 : memref<1x1x1x128xi32, #tpu.memory_space<vmem>> -> memref<128xi32, #tpu.memory_space<vmem>>
    %dma_start3A_390 = arith.constant 0 : i32
    %dma_start3A_391 = arith.constant 0 : i32
    %dma_start3A_392 = tpu.memref_slice %arg6[%dma_start3A_390, %dma_start3A_391] : memref<4096x32xf32, #tpu.memory_space<hbm>> -> memref<4096x32xf32, #tpu.memory_space<hbm>>
    %dma_start3A_393 = tpu.memref_slice %arg10[%dma_start3A_382] : memref<3x!tpu.dma_semaphore, #tpu.memory_space<semaphore_mem>> -> memref<1x!tpu.dma_semaphore, #tpu.memory_space<semaphore_mem>>
    %dma_start3A_394 = tpu.memref_squeeze %dma_start3A_393 : memref<1x!tpu.dma_semaphore, #tpu.memory_space<semaphore_mem>> -> memref<!tpu.dma_semaphore, #tpu.memory_space<semaphore_mem>>
    tpu.enqueue_indirect_dma source(%dma_start3A_392 : memref<4096x32xf32, #tpu.memory_space<hbm>>) target(%dma_start3A_386 : memref<128x32xf32, #tpu.memory_space<vmem>>) offsets(%dma_start3A_389 : memref<128xi32, #tpu.memory_space<vmem>>) semaphore(%dma_start3A_394 : memref<!tpu.dma_semaphore, #tpu.memory_space<semaphore_mem>>)
    %jit3A_395 = arith.constant 128 : i32
    %div3A_396 = arith.divsi %mul3A_32, %jit3A_395 : i32
    %sign3A_397 = arith.constant 0 : i32
    %sign3A_398 = arith.cmpi sgt, %mul3A_32, %sign3A_397 : i32
    %sign3A_399 = arith.extui %sign3A_398 : i1 to i32
    %sign3A_400 = arith.constant 0 : i32
    %sign3A_401 = arith.cmpi slt, %mul3A_32, %sign3A_400 : i32
    %sign3A_402 = arith.extui %sign3A_401 : i1 to i32
    %sign3A_403 = arith.subi %sign3A_399, %sign3A_402 : i32
    %sign3A_404 = arith.constant 0 : i32
    %sign3A_405 = arith.cmpi sgt, %jit3A_395, %sign3A_404 : i32
    %sign3A_406 = arith.extui %sign3A_405 : i1 to i32
    %sign3A_407 = arith.constant 0 : i32
    %sign3A_408 = arith.cmpi slt, %jit3A_395, %sign3A_407 : i32
    %sign3A_409 = arith.extui %sign3A_408 : i1 to i32
    %sign3A_410 = arith.subi %sign3A_406, %sign3A_409 : i32
    %ne3A_411 = arith.cmpi ne, %sign3A_403, %sign3A_410 : i32
    %rem3A_412 = arith.remsi %mul3A_32, %jit3A_395 : i32
    %ne3A_413 = arith.constant 0 : i32
    %ne3A_414 = arith.cmpi ne, %rem3A_412, %ne3A_413 : i32
    %and3A_415 = arith.andi %ne3A_411, %ne3A_414 : i1
    %sub3A_416 = arith.constant 1 : i32
    %sub3A_417 = arith.subi %div3A_396, %sub3A_416 : i32
    %select_n3A_418 = arith.select %and3A_415, %sub3A_417, %div3A_396 : i32
    %add3A_419 = arith.constant 4 : i32
    %add3A_420 = arith.addi %select_n3A_418, %add3A_419 : i32
    %run_scoped3A_421 = arith.constant 0 : i32
    %run_scoped3A_422 = arith.constant 2 : i32
    %run_scoped3A_423 = arith.constant 0 : i32
    "tpu.region"() ({
      %run_scoped3A_1414 = tpu.sem_alloc : memref<!tpu.dma_semaphore, #tpu.memory_space<semaphore_mem>>
      %dma_start3A_1415 = arith.constant 0 : i32
      %dma_start3A_1416 = arith.constant 0 : i32
      %dma_start3A_1417 = tpu.memref_slice %arg8[%run_scoped3A_422, %run_scoped3A_423, %dma_start3A_1415, %dma_start3A_1416] : memref<3x4x2x128xi32, #tpu.memory_space<vmem>> -> memref<1x1x2x128xi32, #tpu.memory_space<vmem>>
      %dma_start3A_1418 = tpu.memref_squeeze %dma_start3A_1417 : memref<1x1x2x128xi32, #tpu.memory_space<vmem>> -> memref<2x128xi32, #tpu.memory_space<vmem>>
      %dma_start3A_1419 = arith.constant 0 : i32
      %dma_start3A_1420 = tpu.memref_slice %arg2[%select_n3A, %add3A_420, %run_scoped3A_421, %dma_start3A_1419] : memref<4x64x4x128xi32, #tpu.memory_space<hbm>> -> memref<1x2x1x128xi32, #tpu.memory_space<hbm>>
      %dma_start3A_1421 = tpu.memref_squeeze %dma_start3A_1420 : memref<1x2x1x128xi32, #tpu.memory_space<hbm>> -> memref<2x128xi32, #tpu.memory_space<hbm>>
      %dma_start3A_1422 = arith.constant 0 : i32
      %dma_start3A_1423 = arith.constant 0 : i32
      %dma_start3A_1424 = tpu.memref_slice %arg8[%run_scoped3A_422, %run_scoped3A_423, %dma_start3A_1422, %dma_start3A_1423] : memref<3x4x2x128xi32, #tpu.memory_space<vmem>> -> memref<1x1x2x128xi32, #tpu.memory_space<vmem>>
      %dma_start3A_1425 = tpu.memref_squeeze %dma_start3A_1424 : memref<1x1x2x128xi32, #tpu.memory_space<vmem>> -> memref<2x128xi32, #tpu.memory_space<vmem>>
      %dma_start3A_1426 = arith.constant 0 : i32
      %dma_start3A_1427 = tpu.memref_slice %arg2[%select_n3A, %add3A_420, %run_scoped3A_421, %dma_start3A_1426] : memref<4x64x4x128xi32, #tpu.memory_space<hbm>> -> memref<1x2x1x128xi32, #tpu.memory_space<hbm>>
      %dma_start3A_1428 = tpu.memref_squeeze %dma_start3A_1427 : memref<1x2x1x128xi32, #tpu.memory_space<hbm>> -> memref<2x128xi32, #tpu.memory_space<hbm>>
      tpu.enqueue_dma source(%dma_start3A_1428 : memref<2x128xi32, #tpu.memory_space<hbm>>) target(%dma_start3A_1425 : memref<2x128xi32, #tpu.memory_space<vmem>>) target_semaphore(%run_scoped3A_1414 : memref<!tpu.dma_semaphore, #tpu.memory_space<semaphore_mem>>)
      %dma_wait3A_1429 = arith.constant 0 : i32
      %dma_wait3A_1430 = arith.constant 0 : i32
      %dma_wait3A_1431 = tpu.memref_slice %arg8[%run_scoped3A_422, %run_scoped3A_423, %dma_wait3A_1429, %dma_wait3A_1430] : memref<3x4x2x128xi32, #tpu.memory_space<vmem>> -> memref<1x1x2x128xi32, #tpu.memory_space<vmem>>
      %dma_wait3A_1432 = tpu.memref_squeeze %dma_wait3A_1431 : memref<1x1x2x128xi32, #tpu.memory_space<vmem>> -> memref<2x128xi32, #tpu.memory_space<vmem>>
      %dma_wait3A_1433 = arith.constant 0 : i32
      %dma_wait3A_1434 = tpu.memref_slice %arg2[%select_n3A, %add3A_420, %run_scoped3A_421, %dma_wait3A_1433] : memref<4x64x4x128xi32, #tpu.memory_space<hbm>> -> memref<1x2x1x128xi32, #tpu.memory_space<hbm>>
      %dma_wait3A_1435 = tpu.memref_squeeze %dma_wait3A_1434 : memref<1x2x1x128xi32, #tpu.memory_space<hbm>> -> memref<2x128xi32, #tpu.memory_space<hbm>>
      %dma_wait3A_1436 = arith.constant 0 : i32
      %dma_wait3A_1437 = arith.constant 0 : i32
      %dma_wait3A_1438 = tpu.memref_slice %arg8[%run_scoped3A_422, %run_scoped3A_423, %dma_wait3A_1436, %dma_wait3A_1437] : memref<3x4x2x128xi32, #tpu.memory_space<vmem>> -> memref<1x1x2x128xi32, #tpu.memory_space<vmem>>
      %dma_wait3A_1439 = tpu.memref_squeeze %dma_wait3A_1438 : memref<1x1x2x128xi32, #tpu.memory_space<vmem>> -> memref<2x128xi32, #tpu.memory_space<vmem>>
      %dma_wait3A_1440 = arith.constant 0 : i32
      %dma_wait3A_1441 = tpu.memref_slice %arg2[%select_n3A, %add3A_420, %run_scoped3A_421, %dma_wait3A_1440] : memref<4x64x4x128xi32, #tpu.memory_space<hbm>> -> memref<1x2x1x128xi32, #tpu.memory_space<hbm>>
      %dma_wait3A_1442 = tpu.memref_squeeze %dma_wait3A_1441 : memref<1x2x1x128xi32, #tpu.memory_space<hbm>> -> memref<2x128xi32, #tpu.memory_space<hbm>>
      tpu.wait_dma2 semaphore(%run_scoped3A_1414 : memref<!tpu.dma_semaphore, #tpu.memory_space<semaphore_mem>>) src(%dma_wait3A_1442 : memref<2x128xi32, #tpu.memory_space<hbm>>) dst(%dma_wait3A_1439 : memref<2x128xi32, #tpu.memory_space<vmem>>)
      tpu.yield
    }) : () -> ()
    %run_scoped3A_424 = arith.constant 1 : i32
    %run_scoped3A_425 = arith.constant 2 : i32
    %run_scoped3A_426 = arith.constant 1 : i32
    "tpu.region"() ({
      %run_scoped3A_1414 = tpu.sem_alloc : memref<!tpu.dma_semaphore, #tpu.memory_space<semaphore_mem>>
      %dma_start3A_1415 = arith.constant 0 : i32
      %dma_start3A_1416 = arith.constant 0 : i32
      %dma_start3A_1417 = tpu.memref_slice %arg8[%run_scoped3A_425, %run_scoped3A_426, %dma_start3A_1415, %dma_start3A_1416] : memref<3x4x2x128xi32, #tpu.memory_space<vmem>> -> memref<1x1x2x128xi32, #tpu.memory_space<vmem>>
      %dma_start3A_1418 = tpu.memref_squeeze %dma_start3A_1417 : memref<1x1x2x128xi32, #tpu.memory_space<vmem>> -> memref<2x128xi32, #tpu.memory_space<vmem>>
      %dma_start3A_1419 = arith.constant 0 : i32
      %dma_start3A_1420 = tpu.memref_slice %arg2[%select_n3A, %add3A_420, %run_scoped3A_424, %dma_start3A_1419] : memref<4x64x4x128xi32, #tpu.memory_space<hbm>> -> memref<1x2x1x128xi32, #tpu.memory_space<hbm>>
      %dma_start3A_1421 = tpu.memref_squeeze %dma_start3A_1420 : memref<1x2x1x128xi32, #tpu.memory_space<hbm>> -> memref<2x128xi32, #tpu.memory_space<hbm>>
      %dma_start3A_1422 = arith.constant 0 : i32
      %dma_start3A_1423 = arith.constant 0 : i32
      %dma_start3A_1424 = tpu.memref_slice %arg8[%run_scoped3A_425, %run_scoped3A_426, %dma_start3A_1422, %dma_start3A_1423] : memref<3x4x2x128xi32, #tpu.memory_space<vmem>> -> memref<1x1x2x128xi32, #tpu.memory_space<vmem>>
      %dma_start3A_1425 = tpu.memref_squeeze %dma_start3A_1424 : memref<1x1x2x128xi32, #tpu.memory_space<vmem>> -> memref<2x128xi32, #tpu.memory_space<vmem>>
      %dma_start3A_1426 = arith.constant 0 : i32
      %dma_start3A_1427 = tpu.memref_slice %arg2[%select_n3A, %add3A_420, %run_scoped3A_424, %dma_start3A_1426] : memref<4x64x4x128xi32, #tpu.memory_space<hbm>> -> memref<1x2x1x128xi32, #tpu.memory_space<hbm>>
      %dma_start3A_1428 = tpu.memref_squeeze %dma_start3A_1427 : memref<1x2x1x128xi32, #tpu.memory_space<hbm>> -> memref<2x128xi32, #tpu.memory_space<hbm>>
      tpu.enqueue_dma source(%dma_start3A_1428 : memref<2x128xi32, #tpu.memory_space<hbm>>) target(%dma_start3A_1425 : memref<2x128xi32, #tpu.memory_space<vmem>>) target_semaphore(%run_scoped3A_1414 : memref<!tpu.dma_semaphore, #tpu.memory_space<semaphore_mem>>)
      %dma_wait3A_1429 = arith.constant 0 : i32
      %dma_wait3A_1430 = arith.constant 0 : i32
      %dma_wait3A_1431 = tpu.memref_slice %arg8[%run_scoped3A_425, %run_scoped3A_426, %dma_wait3A_1429, %dma_wait3A_1430] : memref<3x4x2x128xi32, #tpu.memory_space<vmem>> -> memref<1x1x2x128xi32, #tpu.memory_space<vmem>>
      %dma_wait3A_1432 = tpu.memref_squeeze %dma_wait3A_1431 : memref<1x1x2x128xi32, #tpu.memory_space<vmem>> -> memref<2x128xi32, #tpu.memory_space<vmem>>
      %dma_wait3A_1433 = arith.constant 0 : i32
      %dma_wait3A_1434 = tpu.memref_slice %arg2[%select_n3A, %add3A_420, %run_scoped3A_424, %dma_wait3A_1433] : memref<4x64x4x128xi32, #tpu.memory_space<hbm>> -> memref<1x2x1x128xi32, #tpu.memory_space<hbm>>
      %dma_wait3A_1435 = tpu.memref_squeeze %dma_wait3A_1434 : memref<1x2x1x128xi32, #tpu.memory_space<hbm>> -> memref<2x128xi32, #tpu.memory_space<hbm>>
      %dma_wait3A_1436 = arith.constant 0 : i32
      %dma_wait3A_1437 = arith.constant 0 : i32
      %dma_wait3A_1438 = tpu.memref_slice %arg8[%run_scoped3A_425, %run_scoped3A_426, %dma_wait3A_1436, %dma_wait3A_1437] : memref<3x4x2x128xi32, #tpu.memory_space<vmem>> -> memref<1x1x2x128xi32, #tpu.memory_space<vmem>>
      %dma_wait3A_1439 = tpu.memref_squeeze %dma_wait3A_1438 : memref<1x1x2x128xi32, #tpu.memory_space<vmem>> -> memref<2x128xi32, #tpu.memory_space<vmem>>
      %dma_wait3A_1440 = arith.constant 0 : i32
      %dma_wait3A_1441 = tpu.memref_slice %arg2[%select_n3A, %add3A_420, %run_scoped3A_424, %dma_wait3A_1440] : memref<4x64x4x128xi32, #tpu.memory_space<hbm>> -> memref<1x2x1x128xi32, #tpu.memory_space<hbm>>
      %dma_wait3A_1442 = tpu.memref_squeeze %dma_wait3A_1441 : memref<1x2x1x128xi32, #tpu.memory_space<hbm>> -> memref<2x128xi32, #tpu.memory_space<hbm>>
      tpu.wait_dma2 semaphore(%run_scoped3A_1414 : memref<!tpu.dma_semaphore, #tpu.memory_space<semaphore_mem>>) src(%dma_wait3A_1442 : memref<2x128xi32, #tpu.memory_space<hbm>>) dst(%dma_wait3A_1439 : memref<2x128xi32, #tpu.memory_space<vmem>>)
      tpu.yield
    }) : () -> ()
    %run_scoped3A_427 = arith.constant 2 : i32
    %run_scoped3A_428 = arith.constant 2 : i32
    %run_scoped3A_429 = arith.constant 2 : i32
    "tpu.region"() ({
      %run_scoped3A_1414 = tpu.sem_alloc : memref<!tpu.dma_semaphore, #tpu.memory_space<semaphore_mem>>
      %dma_start3A_1415 = arith.constant 0 : i32
      %dma_start3A_1416 = arith.constant 0 : i32
      %dma_start3A_1417 = tpu.memref_slice %arg8[%run_scoped3A_428, %run_scoped3A_429, %dma_start3A_1415, %dma_start3A_1416] : memref<3x4x2x128xi32, #tpu.memory_space<vmem>> -> memref<1x1x2x128xi32, #tpu.memory_space<vmem>>
      %dma_start3A_1418 = tpu.memref_squeeze %dma_start3A_1417 : memref<1x1x2x128xi32, #tpu.memory_space<vmem>> -> memref<2x128xi32, #tpu.memory_space<vmem>>
      %dma_start3A_1419 = arith.constant 0 : i32
      %dma_start3A_1420 = tpu.memref_slice %arg2[%select_n3A, %add3A_420, %run_scoped3A_427, %dma_start3A_1419] : memref<4x64x4x128xi32, #tpu.memory_space<hbm>> -> memref<1x2x1x128xi32, #tpu.memory_space<hbm>>
      %dma_start3A_1421 = tpu.memref_squeeze %dma_start3A_1420 : memref<1x2x1x128xi32, #tpu.memory_space<hbm>> -> memref<2x128xi32, #tpu.memory_space<hbm>>
      %dma_start3A_1422 = arith.constant 0 : i32
      %dma_start3A_1423 = arith.constant 0 : i32
      %dma_start3A_1424 = tpu.memref_slice %arg8[%run_scoped3A_428, %run_scoped3A_429, %dma_start3A_1422, %dma_start3A_1423] : memref<3x4x2x128xi32, #tpu.memory_space<vmem>> -> memref<1x1x2x128xi32, #tpu.memory_space<vmem>>
      %dma_start3A_1425 = tpu.memref_squeeze %dma_start3A_1424 : memref<1x1x2x128xi32, #tpu.memory_space<vmem>> -> memref<2x128xi32, #tpu.memory_space<vmem>>
      %dma_start3A_1426 = arith.constant 0 : i32
      %dma_start3A_1427 = tpu.memref_slice %arg2[%select_n3A, %add3A_420, %run_scoped3A_427, %dma_start3A_1426] : memref<4x64x4x128xi32, #tpu.memory_space<hbm>> -> memref<1x2x1x128xi32, #tpu.memory_space<hbm>>
      %dma_start3A_1428 = tpu.memref_squeeze %dma_start3A_1427 : memref<1x2x1x128xi32, #tpu.memory_space<hbm>> -> memref<2x128xi32, #tpu.memory_space<hbm>>
      tpu.enqueue_dma source(%dma_start3A_1428 : memref<2x128xi32, #tpu.memory_space<hbm>>) target(%dma_start3A_1425 : memref<2x128xi32, #tpu.memory_space<vmem>>) target_semaphore(%run_scoped3A_1414 : memref<!tpu.dma_semaphore, #tpu.memory_space<semaphore_mem>>)
      %dma_wait3A_1429 = arith.constant 0 : i32
      %dma_wait3A_1430 = arith.constant 0 : i32
      %dma_wait3A_1431 = tpu.memref_slice %arg8[%run_scoped3A_428, %run_scoped3A_429, %dma_wait3A_1429, %dma_wait3A_1430] : memref<3x4x2x128xi32, #tpu.memory_space<vmem>> -> memref<1x1x2x128xi32, #tpu.memory_space<vmem>>
      %dma_wait3A_1432 = tpu.memref_squeeze %dma_wait3A_1431 : memref<1x1x2x128xi32, #tpu.memory_space<vmem>> -> memref<2x128xi32, #tpu.memory_space<vmem>>
      %dma_wait3A_1433 = arith.constant 0 : i32
      %dma_wait3A_1434 = tpu.memref_slice %arg2[%select_n3A, %add3A_420, %run_scoped3A_427, %dma_wait3A_1433] : memref<4x64x4x128xi32, #tpu.memory_space<hbm>> -> memref<1x2x1x128xi32, #tpu.memory_space<hbm>>
      %dma_wait3A_1435 = tpu.memref_squeeze %dma_wait3A_1434 : memref<1x2x1x128xi32, #tpu.memory_space<hbm>> -> memref<2x128xi32, #tpu.memory_space<hbm>>
      %dma_wait3A_1436 = arith.constant 0 : i32
      %dma_wait3A_1437 = arith.constant 0 : i32
      %dma_wait3A_1438 = tpu.memref_slice %arg8[%run_scoped3A_428, %run_scoped3A_429, %dma_wait3A_1436, %dma_wait3A_1437] : memref<3x4x2x128xi32, #tpu.memory_space<vmem>> -> memref<1x1x2x128xi32, #tpu.memory_space<vmem>>
      %dma_wait3A_1439 = tpu.memref_squeeze %dma_wait3A_1438 : memref<1x1x2x128xi32, #tpu.memory_space<vmem>> -> memref<2x128xi32, #tpu.memory_space<vmem>>
      %dma_wait3A_1440 = arith.constant 0 : i32
      %dma_wait3A_1441 = tpu.memref_slice %arg2[%select_n3A, %add3A_420, %run_scoped3A_427, %dma_wait3A_1440] : memref<4x64x4x128xi32, #tpu.memory_space<hbm>> -> memref<1x2x1x128xi32, #tpu.memory_space<hbm>>
      %dma_wait3A_1442 = tpu.memref_squeeze %dma_wait3A_1441 : memref<1x2x1x128xi32, #tpu.memory_space<hbm>> -> memref<2x128xi32, #tpu.memory_space<hbm>>
      tpu.wait_dma2 semaphore(%run_scoped3A_1414 : memref<!tpu.dma_semaphore, #tpu.memory_space<semaphore_mem>>) src(%dma_wait3A_1442 : memref<2x128xi32, #tpu.memory_space<hbm>>) dst(%dma_wait3A_1439 : memref<2x128xi32, #tpu.memory_space<vmem>>)
      tpu.yield
    }) : () -> ()
    %run_scoped3A_430 = arith.constant 3 : i32
    %run_scoped3A_431 = arith.constant 2 : i32
    %run_scoped3A_432 = arith.constant 3 : i32
    "tpu.region"() ({
      %run_scoped3A_1414 = tpu.sem_alloc : memref<!tpu.dma_semaphore, #tpu.memory_space<semaphore_mem>>
      %dma_start3A_1415 = arith.constant 0 : i32
      %dma_start3A_1416 = arith.constant 0 : i32
      %dma_start3A_1417 = tpu.memref_slice %arg8[%run_scoped3A_431, %run_scoped3A_432, %dma_start3A_1415, %dma_start3A_1416] : memref<3x4x2x128xi32, #tpu.memory_space<vmem>> -> memref<1x1x2x128xi32, #tpu.memory_space<vmem>>
      %dma_start3A_1418 = tpu.memref_squeeze %dma_start3A_1417 : memref<1x1x2x128xi32, #tpu.memory_space<vmem>> -> memref<2x128xi32, #tpu.memory_space<vmem>>
      %dma_start3A_1419 = arith.constant 0 : i32
      %dma_start3A_1420 = tpu.memref_slice %arg2[%select_n3A, %add3A_420, %run_scoped3A_430, %dma_start3A_1419] : memref<4x64x4x128xi32, #tpu.memory_space<hbm>> -> memref<1x2x1x128xi32, #tpu.memory_space<hbm>>
      %dma_start3A_1421 = tpu.memref_squeeze %dma_start3A_1420 : memref<1x2x1x128xi32, #tpu.memory_space<hbm>> -> memref<2x128xi32, #tpu.memory_space<hbm>>
      %dma_start3A_1422 = arith.constant 0 : i32
      %dma_start3A_1423 = arith.constant 0 : i32
      %dma_start3A_1424 = tpu.memref_slice %arg8[%run_scoped3A_431, %run_scoped3A_432, %dma_start3A_1422, %dma_start3A_1423] : memref<3x4x2x128xi32, #tpu.memory_space<vmem>> -> memref<1x1x2x128xi32, #tpu.memory_space<vmem>>
      %dma_start3A_1425 = tpu.memref_squeeze %dma_start3A_1424 : memref<1x1x2x128xi32, #tpu.memory_space<vmem>> -> memref<2x128xi32, #tpu.memory_space<vmem>>
      %dma_start3A_1426 = arith.constant 0 : i32
      %dma_start3A_1427 = tpu.memref_slice %arg2[%select_n3A, %add3A_420, %run_scoped3A_430, %dma_start3A_1426] : memref<4x64x4x128xi32, #tpu.memory_space<hbm>> -> memref<1x2x1x128xi32, #tpu.memory_space<hbm>>
      %dma_start3A_1428 = tpu.memref_squeeze %dma_start3A_1427 : memref<1x2x1x128xi32, #tpu.memory_space<hbm>> -> memref<2x128xi32, #tpu.memory_space<hbm>>
      tpu.enqueue_dma source(%dma_start3A_1428 : memref<2x128xi32, #tpu.memory_space<hbm>>) target(%dma_start3A_1425 : memref<2x128xi32, #tpu.memory_space<vmem>>) target_semaphore(%run_scoped3A_1414 : memref<!tpu.dma_semaphore, #tpu.memory_space<semaphore_mem>>)
      %dma_wait3A_1429 = arith.constant 0 : i32
      %dma_wait3A_1430 = arith.constant 0 : i32
      %dma_wait3A_1431 = tpu.memref_slice %arg8[%run_scoped3A_431, %run_scoped3A_432, %dma_wait3A_1429, %dma_wait3A_1430] : memref<3x4x2x128xi32, #tpu.memory_space<vmem>> -> memref<1x1x2x128xi32, #tpu.memory_space<vmem>>
      %dma_wait3A_1432 = tpu.memref_squeeze %dma_wait3A_1431 : memref<1x1x2x128xi32, #tpu.memory_space<vmem>> -> memref<2x128xi32, #tpu.memory_space<vmem>>
      %dma_wait3A_1433 = arith.constant 0 : i32
      %dma_wait3A_1434 = tpu.memref_slice %arg2[%select_n3A, %add3A_420, %run_scoped3A_430, %dma_wait3A_1433] : memref<4x64x4x128xi32, #tpu.memory_space<hbm>> -> memref<1x2x1x128xi32, #tpu.memory_space<hbm>>
      %dma_wait3A_1435 = tpu.memref_squeeze %dma_wait3A_1434 : memref<1x2x1x128xi32, #tpu.memory_space<hbm>> -> memref<2x128xi32, #tpu.memory_space<hbm>>
      %dma_wait3A_1436 = arith.constant 0 : i32
      %dma_wait3A_1437 = arith.constant 0 : i32
      %dma_wait3A_1438 = tpu.memref_slice %arg8[%run_scoped3A_431, %run_scoped3A_432, %dma_wait3A_1436, %dma_wait3A_1437] : memref<3x4x2x128xi32, #tpu.memory_space<vmem>> -> memref<1x1x2x128xi32, #tpu.memory_space<vmem>>
      %dma_wait3A_1439 = tpu.memref_squeeze %dma_wait3A_1438 : memref<1x1x2x128xi32, #tpu.memory_space<vmem>> -> memref<2x128xi32, #tpu.memory_space<vmem>>
      %dma_wait3A_1440 = arith.constant 0 : i32
      %dma_wait3A_1441 = tpu.memref_slice %arg2[%select_n3A, %add3A_420, %run_scoped3A_430, %dma_wait3A_1440] : memref<4x64x4x128xi32, #tpu.memory_space<hbm>> -> memref<1x2x1x128xi32, #tpu.memory_space<hbm>>
      %dma_wait3A_1442 = tpu.memref_squeeze %dma_wait3A_1441 : memref<1x2x1x128xi32, #tpu.memory_space<hbm>> -> memref<2x128xi32, #tpu.memory_space<hbm>>
      tpu.wait_dma2 semaphore(%run_scoped3A_1414 : memref<!tpu.dma_semaphore, #tpu.memory_space<semaphore_mem>>) src(%dma_wait3A_1442 : memref<2x128xi32, #tpu.memory_space<hbm>>) dst(%dma_wait3A_1439 : memref<2x128xi32, #tpu.memory_space<vmem>>)
      tpu.yield
    }) : () -> ()
    %dma_start3A_433 = arith.constant 2 : i32
    %dma_start3A_434 = arith.constant 0 : i32
    %dma_start3A_435 = arith.constant 0 : i32
    %dma_start3A_436 = arith.constant 2 : i32
    %dma_start3A_437 = arith.constant 0 : i32
    %dma_start3A_438 = arith.constant 2 : i32
    %dma_start3A_439 = arith.constant 0 : i32
    %dma_start3A_440 = arith.constant 0 : i32
    %dma_start3A_441 = tpu.memref_slice %arg9[%dma_start3A_436, %dma_start3A_437, %dma_start3A_439, %dma_start3A_440] : memref<3x4x256x32xf32, #tpu.memory_space<vmem>> -> memref<1x1x128x32xf32, #tpu.memory_space<vmem>>
    %dma_start3A_442 = tpu.memref_squeeze %dma_start3A_441 : memref<1x1x128x32xf32, #tpu.memory_space<vmem>> -> memref<128x32xf32, #tpu.memory_space<vmem>>
    %dma_start3A_443 = arith.constant 0 : i32
    %dma_start3A_444 = tpu.memref_slice %arg8[%dma_start3A_433, %dma_start3A_434, %dma_start3A_435, %dma_start3A_443] : memref<3x4x2x128xi32, #tpu.memory_space<vmem>> -> memref<1x1x1x128xi32, #tpu.memory_space<vmem>>
    %dma_start3A_445 = tpu.memref_squeeze %dma_start3A_444 : memref<1x1x1x128xi32, #tpu.memory_space<vmem>> -> memref<128xi32, #tpu.memory_space<vmem>>
    %dma_start3A_446 = arith.constant 0 : i32
    %dma_start3A_447 = arith.constant 0 : i32
    %dma_start3A_448 = tpu.memref_slice %arg3[%dma_start3A_446, %dma_start3A_447] : memref<4096x32xf32, #tpu.memory_space<hbm>> -> memref<4096x32xf32, #tpu.memory_space<hbm>>
    %dma_start3A_449 = tpu.memref_slice %arg10[%dma_start3A_438] : memref<3x!tpu.dma_semaphore, #tpu.memory_space<semaphore_mem>> -> memref<1x!tpu.dma_semaphore, #tpu.memory_space<semaphore_mem>>
    %dma_start3A_450 = tpu.memref_squeeze %dma_start3A_449 : memref<1x!tpu.dma_semaphore, #tpu.memory_space<semaphore_mem>> -> memref<!tpu.dma_semaphore, #tpu.memory_space<semaphore_mem>>
    tpu.enqueue_indirect_dma source(%dma_start3A_448 : memref<4096x32xf32, #tpu.memory_space<hbm>>) target(%dma_start3A_442 : memref<128x32xf32, #tpu.memory_space<vmem>>) offsets(%dma_start3A_445 : memref<128xi32, #tpu.memory_space<vmem>>) semaphore(%dma_start3A_450 : memref<!tpu.dma_semaphore, #tpu.memory_space<semaphore_mem>>)
    %dma_start3A_451 = arith.constant 2 : i32
    %dma_start3A_452 = arith.constant 0 : i32
    %dma_start3A_453 = arith.constant 1 : i32
    %dma_start3A_454 = arith.constant 2 : i32
    %dma_start3A_455 = arith.constant 0 : i32
    %dma_start3A_456 = arith.constant 2 : i32
    %dma_start3A_457 = arith.constant 128 : i32
    %dma_start3A_458 = arith.constant 0 : i32
    %dma_start3A_459 = tpu.memref_slice %arg9[%dma_start3A_454, %dma_start3A_455, %dma_start3A_457, %dma_start3A_458] : memref<3x4x256x32xf32, #tpu.memory_space<vmem>> -> memref<1x1x128x32xf32, #tpu.memory_space<vmem>>
    %dma_start3A_460 = tpu.memref_squeeze %dma_start3A_459 : memref<1x1x128x32xf32, #tpu.memory_space<vmem>> -> memref<128x32xf32, #tpu.memory_space<vmem>>
    %dma_start3A_461 = arith.constant 0 : i32
    %dma_start3A_462 = tpu.memref_slice %arg8[%dma_start3A_451, %dma_start3A_452, %dma_start3A_453, %dma_start3A_461] : memref<3x4x2x128xi32, #tpu.memory_space<vmem>> -> memref<1x1x1x128xi32, #tpu.memory_space<vmem>>
    %dma_start3A_463 = tpu.memref_squeeze %dma_start3A_462 : memref<1x1x1x128xi32, #tpu.memory_space<vmem>> -> memref<128xi32, #tpu.memory_space<vmem>>
    %dma_start3A_464 = arith.constant 0 : i32
    %dma_start3A_465 = arith.constant 0 : i32
    %dma_start3A_466 = tpu.memref_slice %arg3[%dma_start3A_464, %dma_start3A_465] : memref<4096x32xf32, #tpu.memory_space<hbm>> -> memref<4096x32xf32, #tpu.memory_space<hbm>>
    %dma_start3A_467 = tpu.memref_slice %arg10[%dma_start3A_456] : memref<3x!tpu.dma_semaphore, #tpu.memory_space<semaphore_mem>> -> memref<1x!tpu.dma_semaphore, #tpu.memory_space<semaphore_mem>>
    %dma_start3A_468 = tpu.memref_squeeze %dma_start3A_467 : memref<1x!tpu.dma_semaphore, #tpu.memory_space<semaphore_mem>> -> memref<!tpu.dma_semaphore, #tpu.memory_space<semaphore_mem>>
    tpu.enqueue_indirect_dma source(%dma_start3A_466 : memref<4096x32xf32, #tpu.memory_space<hbm>>) target(%dma_start3A_460 : memref<128x32xf32, #tpu.memory_space<vmem>>) offsets(%dma_start3A_463 : memref<128xi32, #tpu.memory_space<vmem>>) semaphore(%dma_start3A_468 : memref<!tpu.dma_semaphore, #tpu.memory_space<semaphore_mem>>)
    %dma_start3A_469 = arith.constant 2 : i32
    %dma_start3A_470 = arith.constant 1 : i32
    %dma_start3A_471 = arith.constant 0 : i32
    %dma_start3A_472 = arith.constant 2 : i32
    %dma_start3A_473 = arith.constant 1 : i32
    %dma_start3A_474 = arith.constant 2 : i32
    %dma_start3A_475 = arith.constant 0 : i32
    %dma_start3A_476 = arith.constant 0 : i32
    %dma_start3A_477 = tpu.memref_slice %arg9[%dma_start3A_472, %dma_start3A_473, %dma_start3A_475, %dma_start3A_476] : memref<3x4x256x32xf32, #tpu.memory_space<vmem>> -> memref<1x1x128x32xf32, #tpu.memory_space<vmem>>
    %dma_start3A_478 = tpu.memref_squeeze %dma_start3A_477 : memref<1x1x128x32xf32, #tpu.memory_space<vmem>> -> memref<128x32xf32, #tpu.memory_space<vmem>>
    %dma_start3A_479 = arith.constant 0 : i32
    %dma_start3A_480 = tpu.memref_slice %arg8[%dma_start3A_469, %dma_start3A_470, %dma_start3A_471, %dma_start3A_479] : memref<3x4x2x128xi32, #tpu.memory_space<vmem>> -> memref<1x1x1x128xi32, #tpu.memory_space<vmem>>
    %dma_start3A_481 = tpu.memref_squeeze %dma_start3A_480 : memref<1x1x1x128xi32, #tpu.memory_space<vmem>> -> memref<128xi32, #tpu.memory_space<vmem>>
    %dma_start3A_482 = arith.constant 0 : i32
    %dma_start3A_483 = arith.constant 0 : i32
    %dma_start3A_484 = tpu.memref_slice %arg4[%dma_start3A_482, %dma_start3A_483] : memref<4096x32xf32, #tpu.memory_space<hbm>> -> memref<4096x32xf32, #tpu.memory_space<hbm>>
    %dma_start3A_485 = tpu.memref_slice %arg10[%dma_start3A_474] : memref<3x!tpu.dma_semaphore, #tpu.memory_space<semaphore_mem>> -> memref<1x!tpu.dma_semaphore, #tpu.memory_space<semaphore_mem>>
    %dma_start3A_486 = tpu.memref_squeeze %dma_start3A_485 : memref<1x!tpu.dma_semaphore, #tpu.memory_space<semaphore_mem>> -> memref<!tpu.dma_semaphore, #tpu.memory_space<semaphore_mem>>
    tpu.enqueue_indirect_dma source(%dma_start3A_484 : memref<4096x32xf32, #tpu.memory_space<hbm>>) target(%dma_start3A_478 : memref<128x32xf32, #tpu.memory_space<vmem>>) offsets(%dma_start3A_481 : memref<128xi32, #tpu.memory_space<vmem>>) semaphore(%dma_start3A_486 : memref<!tpu.dma_semaphore, #tpu.memory_space<semaphore_mem>>)
    %dma_start3A_487 = arith.constant 2 : i32
    %dma_start3A_488 = arith.constant 1 : i32
    %dma_start3A_489 = arith.constant 1 : i32
    %dma_start3A_490 = arith.constant 2 : i32
    %dma_start3A_491 = arith.constant 1 : i32
    %dma_start3A_492 = arith.constant 2 : i32
    %dma_start3A_493 = arith.constant 128 : i32
    %dma_start3A_494 = arith.constant 0 : i32
    %dma_start3A_495 = tpu.memref_slice %arg9[%dma_start3A_490, %dma_start3A_491, %dma_start3A_493, %dma_start3A_494] : memref<3x4x256x32xf32, #tpu.memory_space<vmem>> -> memref<1x1x128x32xf32, #tpu.memory_space<vmem>>
    %dma_start3A_496 = tpu.memref_squeeze %dma_start3A_495 : memref<1x1x128x32xf32, #tpu.memory_space<vmem>> -> memref<128x32xf32, #tpu.memory_space<vmem>>
    %dma_start3A_497 = arith.constant 0 : i32
    %dma_start3A_498 = tpu.memref_slice %arg8[%dma_start3A_487, %dma_start3A_488, %dma_start3A_489, %dma_start3A_497] : memref<3x4x2x128xi32, #tpu.memory_space<vmem>> -> memref<1x1x1x128xi32, #tpu.memory_space<vmem>>
    %dma_start3A_499 = tpu.memref_squeeze %dma_start3A_498 : memref<1x1x1x128xi32, #tpu.memory_space<vmem>> -> memref<128xi32, #tpu.memory_space<vmem>>
    %dma_start3A_500 = arith.constant 0 : i32
    %dma_start3A_501 = arith.constant 0 : i32
    %dma_start3A_502 = tpu.memref_slice %arg4[%dma_start3A_500, %dma_start3A_501] : memref<4096x32xf32, #tpu.memory_space<hbm>> -> memref<4096x32xf32, #tpu.memory_space<hbm>>
    %dma_start3A_503 = tpu.memref_slice %arg10[%dma_start3A_492] : memref<3x!tpu.dma_semaphore, #tpu.memory_space<semaphore_mem>> -> memref<1x!tpu.dma_semaphore, #tpu.memory_space<semaphore_mem>>
    %dma_start3A_504 = tpu.memref_squeeze %dma_start3A_503 : memref<1x!tpu.dma_semaphore, #tpu.memory_space<semaphore_mem>> -> memref<!tpu.dma_semaphore, #tpu.memory_space<semaphore_mem>>
    tpu.enqueue_indirect_dma source(%dma_start3A_502 : memref<4096x32xf32, #tpu.memory_space<hbm>>) target(%dma_start3A_496 : memref<128x32xf32, #tpu.memory_space<vmem>>) offsets(%dma_start3A_499 : memref<128xi32, #tpu.memory_space<vmem>>) semaphore(%dma_start3A_504 : memref<!tpu.dma_semaphore, #tpu.memory_space<semaphore_mem>>)
    %dma_start3A_505 = arith.constant 2 : i32
    %dma_start3A_506 = arith.constant 2 : i32
    %dma_start3A_507 = arith.constant 0 : i32
    %dma_start3A_508 = arith.constant 2 : i32
    %dma_start3A_509 = arith.constant 2 : i32
    %dma_start3A_510 = arith.constant 2 : i32
    %dma_start3A_511 = arith.constant 0 : i32
    %dma_start3A_512 = arith.constant 0 : i32
    %dma_start3A_513 = tpu.memref_slice %arg9[%dma_start3A_508, %dma_start3A_509, %dma_start3A_511, %dma_start3A_512] : memref<3x4x256x32xf32, #tpu.memory_space<vmem>> -> memref<1x1x128x32xf32, #tpu.memory_space<vmem>>
    %dma_start3A_514 = tpu.memref_squeeze %dma_start3A_513 : memref<1x1x128x32xf32, #tpu.memory_space<vmem>> -> memref<128x32xf32, #tpu.memory_space<vmem>>
    %dma_start3A_515 = arith.constant 0 : i32
    %dma_start3A_516 = tpu.memref_slice %arg8[%dma_start3A_505, %dma_start3A_506, %dma_start3A_507, %dma_start3A_515] : memref<3x4x2x128xi32, #tpu.memory_space<vmem>> -> memref<1x1x1x128xi32, #tpu.memory_space<vmem>>
    %dma_start3A_517 = tpu.memref_squeeze %dma_start3A_516 : memref<1x1x1x128xi32, #tpu.memory_space<vmem>> -> memref<128xi32, #tpu.memory_space<vmem>>
    %dma_start3A_518 = arith.constant 0 : i32
    %dma_start3A_519 = arith.constant 0 : i32
    %dma_start3A_520 = tpu.memref_slice %arg5[%dma_start3A_518, %dma_start3A_519] : memref<4096x32xf32, #tpu.memory_space<hbm>> -> memref<4096x32xf32, #tpu.memory_space<hbm>>
    %dma_start3A_521 = tpu.memref_slice %arg10[%dma_start3A_510] : memref<3x!tpu.dma_semaphore, #tpu.memory_space<semaphore_mem>> -> memref<1x!tpu.dma_semaphore, #tpu.memory_space<semaphore_mem>>
    %dma_start3A_522 = tpu.memref_squeeze %dma_start3A_521 : memref<1x!tpu.dma_semaphore, #tpu.memory_space<semaphore_mem>> -> memref<!tpu.dma_semaphore, #tpu.memory_space<semaphore_mem>>
    tpu.enqueue_indirect_dma source(%dma_start3A_520 : memref<4096x32xf32, #tpu.memory_space<hbm>>) target(%dma_start3A_514 : memref<128x32xf32, #tpu.memory_space<vmem>>) offsets(%dma_start3A_517 : memref<128xi32, #tpu.memory_space<vmem>>) semaphore(%dma_start3A_522 : memref<!tpu.dma_semaphore, #tpu.memory_space<semaphore_mem>>)
    %dma_start3A_523 = arith.constant 2 : i32
    %dma_start3A_524 = arith.constant 2 : i32
    %dma_start3A_525 = arith.constant 1 : i32
    %dma_start3A_526 = arith.constant 2 : i32
    %dma_start3A_527 = arith.constant 2 : i32
    %dma_start3A_528 = arith.constant 2 : i32
    %dma_start3A_529 = arith.constant 128 : i32
    %dma_start3A_530 = arith.constant 0 : i32
    %dma_start3A_531 = tpu.memref_slice %arg9[%dma_start3A_526, %dma_start3A_527, %dma_start3A_529, %dma_start3A_530] : memref<3x4x256x32xf32, #tpu.memory_space<vmem>> -> memref<1x1x128x32xf32, #tpu.memory_space<vmem>>
    %dma_start3A_532 = tpu.memref_squeeze %dma_start3A_531 : memref<1x1x128x32xf32, #tpu.memory_space<vmem>> -> memref<128x32xf32, #tpu.memory_space<vmem>>
    %dma_start3A_533 = arith.constant 0 : i32
    %dma_start3A_534 = tpu.memref_slice %arg8[%dma_start3A_523, %dma_start3A_524, %dma_start3A_525, %dma_start3A_533] : memref<3x4x2x128xi32, #tpu.memory_space<vmem>> -> memref<1x1x1x128xi32, #tpu.memory_space<vmem>>
    %dma_start3A_535 = tpu.memref_squeeze %dma_start3A_534 : memref<1x1x1x128xi32, #tpu.memory_space<vmem>> -> memref<128xi32, #tpu.memory_space<vmem>>
    %dma_start3A_536 = arith.constant 0 : i32
    %dma_start3A_537 = arith.constant 0 : i32
    %dma_start3A_538 = tpu.memref_slice %arg5[%dma_start3A_536, %dma_start3A_537] : memref<4096x32xf32, #tpu.memory_space<hbm>> -> memref<4096x32xf32, #tpu.memory_space<hbm>>
    %dma_start3A_539 = tpu.memref_slice %arg10[%dma_start3A_528] : memref<3x!tpu.dma_semaphore, #tpu.memory_space<semaphore_mem>> -> memref<1x!tpu.dma_semaphore, #tpu.memory_space<semaphore_mem>>
    %dma_start3A_540 = tpu.memref_squeeze %dma_start3A_539 : memref<1x!tpu.dma_semaphore, #tpu.memory_space<semaphore_mem>> -> memref<!tpu.dma_semaphore, #tpu.memory_space<semaphore_mem>>
    tpu.enqueue_indirect_dma source(%dma_start3A_538 : memref<4096x32xf32, #tpu.memory_space<hbm>>) target(%dma_start3A_532 : memref<128x32xf32, #tpu.memory_space<vmem>>) offsets(%dma_start3A_535 : memref<128xi32, #tpu.memory_space<vmem>>) semaphore(%dma_start3A_540 : memref<!tpu.dma_semaphore, #tpu.memory_space<semaphore_mem>>)
    %dma_start3A_541 = arith.constant 2 : i32
    %dma_start3A_542 = arith.constant 3 : i32
    %dma_start3A_543 = arith.constant 0 : i32
    %dma_start3A_544 = arith.constant 2 : i32
    %dma_start3A_545 = arith.constant 3 : i32
    %dma_start3A_546 = arith.constant 2 : i32
    %dma_start3A_547 = arith.constant 0 : i32
    %dma_start3A_548 = arith.constant 0 : i32
    %dma_start3A_549 = tpu.memref_slice %arg9[%dma_start3A_544, %dma_start3A_545, %dma_start3A_547, %dma_start3A_548] : memref<3x4x256x32xf32, #tpu.memory_space<vmem>> -> memref<1x1x128x32xf32, #tpu.memory_space<vmem>>
    %dma_start3A_550 = tpu.memref_squeeze %dma_start3A_549 : memref<1x1x128x32xf32, #tpu.memory_space<vmem>> -> memref<128x32xf32, #tpu.memory_space<vmem>>
    %dma_start3A_551 = arith.constant 0 : i32
    %dma_start3A_552 = tpu.memref_slice %arg8[%dma_start3A_541, %dma_start3A_542, %dma_start3A_543, %dma_start3A_551] : memref<3x4x2x128xi32, #tpu.memory_space<vmem>> -> memref<1x1x1x128xi32, #tpu.memory_space<vmem>>
    %dma_start3A_553 = tpu.memref_squeeze %dma_start3A_552 : memref<1x1x1x128xi32, #tpu.memory_space<vmem>> -> memref<128xi32, #tpu.memory_space<vmem>>
    %dma_start3A_554 = arith.constant 0 : i32
    %dma_start3A_555 = arith.constant 0 : i32
    %dma_start3A_556 = tpu.memref_slice %arg6[%dma_start3A_554, %dma_start3A_555] : memref<4096x32xf32, #tpu.memory_space<hbm>> -> memref<4096x32xf32, #tpu.memory_space<hbm>>
    %dma_start3A_557 = tpu.memref_slice %arg10[%dma_start3A_546] : memref<3x!tpu.dma_semaphore, #tpu.memory_space<semaphore_mem>> -> memref<1x!tpu.dma_semaphore, #tpu.memory_space<semaphore_mem>>
    %dma_start3A_558 = tpu.memref_squeeze %dma_start3A_557 : memref<1x!tpu.dma_semaphore, #tpu.memory_space<semaphore_mem>> -> memref<!tpu.dma_semaphore, #tpu.memory_space<semaphore_mem>>
    tpu.enqueue_indirect_dma source(%dma_start3A_556 : memref<4096x32xf32, #tpu.memory_space<hbm>>) target(%dma_start3A_550 : memref<128x32xf32, #tpu.memory_space<vmem>>) offsets(%dma_start3A_553 : memref<128xi32, #tpu.memory_space<vmem>>) semaphore(%dma_start3A_558 : memref<!tpu.dma_semaphore, #tpu.memory_space<semaphore_mem>>)
    %dma_start3A_559 = arith.constant 2 : i32
    %dma_start3A_560 = arith.constant 3 : i32
    %dma_start3A_561 = arith.constant 1 : i32
    %dma_start3A_562 = arith.constant 2 : i32
    %dma_start3A_563 = arith.constant 3 : i32
    %dma_start3A_564 = arith.constant 2 : i32
    %dma_start3A_565 = arith.constant 128 : i32
    %dma_start3A_566 = arith.constant 0 : i32
    %dma_start3A_567 = tpu.memref_slice %arg9[%dma_start3A_562, %dma_start3A_563, %dma_start3A_565, %dma_start3A_566] : memref<3x4x256x32xf32, #tpu.memory_space<vmem>> -> memref<1x1x128x32xf32, #tpu.memory_space<vmem>>
    %dma_start3A_568 = tpu.memref_squeeze %dma_start3A_567 : memref<1x1x128x32xf32, #tpu.memory_space<vmem>> -> memref<128x32xf32, #tpu.memory_space<vmem>>
    %dma_start3A_569 = arith.constant 0 : i32
    %dma_start3A_570 = tpu.memref_slice %arg8[%dma_start3A_559, %dma_start3A_560, %dma_start3A_561, %dma_start3A_569] : memref<3x4x2x128xi32, #tpu.memory_space<vmem>> -> memref<1x1x1x128xi32, #tpu.memory_space<vmem>>
    %dma_start3A_571 = tpu.memref_squeeze %dma_start3A_570 : memref<1x1x1x128xi32, #tpu.memory_space<vmem>> -> memref<128xi32, #tpu.memory_space<vmem>>
    %dma_start3A_572 = arith.constant 0 : i32
    %dma_start3A_573 = arith.constant 0 : i32
    %dma_start3A_574 = tpu.memref_slice %arg6[%dma_start3A_572, %dma_start3A_573] : memref<4096x32xf32, #tpu.memory_space<hbm>> -> memref<4096x32xf32, #tpu.memory_space<hbm>>
    %dma_start3A_575 = tpu.memref_slice %arg10[%dma_start3A_564] : memref<3x!tpu.dma_semaphore, #tpu.memory_space<semaphore_mem>> -> memref<1x!tpu.dma_semaphore, #tpu.memory_space<semaphore_mem>>
    %dma_start3A_576 = tpu.memref_squeeze %dma_start3A_575 : memref<1x!tpu.dma_semaphore, #tpu.memory_space<semaphore_mem>> -> memref<!tpu.dma_semaphore, #tpu.memory_space<semaphore_mem>>
    tpu.enqueue_indirect_dma source(%dma_start3A_574 : memref<4096x32xf32, #tpu.memory_space<hbm>>) target(%dma_start3A_568 : memref<128x32xf32, #tpu.memory_space<vmem>>) offsets(%dma_start3A_571 : memref<128xi32, #tpu.memory_space<vmem>>) semaphore(%dma_start3A_576 : memref<!tpu.dma_semaphore, #tpu.memory_space<semaphore_mem>>)
    %dma_wait3A = arith.constant 0 : i32
    %dma_wait3A_577 = arith.constant 0 : i32
    %dma_wait3A_578 = arith.constant 0 : i32
    %dma_wait3A_579 = arith.constant 0 : i32
    %dma_wait3A_580 = arith.constant 0 : i32
    %dma_wait3A_581 = arith.constant 0 : i32
    %dma_wait3A_582 = arith.constant 0 : i32
    %dma_wait3A_583 = arith.constant 0 : i32
    %dma_wait3A_584 = tpu.memref_slice %arg9[%dma_wait3A_579, %dma_wait3A_580, %dma_wait3A_582, %dma_wait3A_583] : memref<3x4x256x32xf32, #tpu.memory_space<vmem>> -> memref<1x1x128x32xf32, #tpu.memory_space<vmem>>
    %dma_wait3A_585 = tpu.memref_squeeze %dma_wait3A_584 : memref<1x1x128x32xf32, #tpu.memory_space<vmem>> -> memref<128x32xf32, #tpu.memory_space<vmem>>
    %dma_wait3A_586 = arith.constant 0 : i32
    %dma_wait3A_587 = tpu.memref_slice %arg8[%dma_wait3A, %dma_wait3A_577, %dma_wait3A_578, %dma_wait3A_586] : memref<3x4x2x128xi32, #tpu.memory_space<vmem>> -> memref<1x1x1x128xi32, #tpu.memory_space<vmem>>
    %dma_wait3A_588 = tpu.memref_squeeze %dma_wait3A_587 : memref<1x1x1x128xi32, #tpu.memory_space<vmem>> -> memref<128xi32, #tpu.memory_space<vmem>>
    %dma_wait3A_589 = arith.constant 0 : i32
    %dma_wait3A_590 = arith.constant 0 : i32
    %dma_wait3A_591 = tpu.memref_slice %arg3[%dma_wait3A_589, %dma_wait3A_590] : memref<4096x32xf32, #tpu.memory_space<hbm>> -> memref<4096x32xf32, #tpu.memory_space<hbm>>
    %dma_wait3A_592 = tpu.memref_slice %arg10[%dma_wait3A_581] : memref<3x!tpu.dma_semaphore, #tpu.memory_space<semaphore_mem>> -> memref<1x!tpu.dma_semaphore, #tpu.memory_space<semaphore_mem>>
    %dma_wait3A_593 = tpu.memref_squeeze %dma_wait3A_592 : memref<1x!tpu.dma_semaphore, #tpu.memory_space<semaphore_mem>> -> memref<!tpu.dma_semaphore, #tpu.memory_space<semaphore_mem>>
    tpu.wait_indirect_dma semaphore(%dma_wait3A_593 : memref<!tpu.dma_semaphore, #tpu.memory_space<semaphore_mem>>) src(%dma_wait3A_591 : memref<4096x32xf32, #tpu.memory_space<hbm>>) dst(%dma_wait3A_585 : memref<128x32xf32, #tpu.memory_space<vmem>>)
    %dma_wait3A_594 = arith.constant 0 : i32
    %dma_wait3A_595 = arith.constant 0 : i32
    %dma_wait3A_596 = arith.constant 1 : i32
    %dma_wait3A_597 = arith.constant 0 : i32
    %dma_wait3A_598 = arith.constant 0 : i32
    %dma_wait3A_599 = arith.constant 0 : i32
    %dma_wait3A_600 = arith.constant 128 : i32
    %dma_wait3A_601 = arith.constant 0 : i32
    %dma_wait3A_602 = tpu.memref_slice %arg9[%dma_wait3A_597, %dma_wait3A_598, %dma_wait3A_600, %dma_wait3A_601] : memref<3x4x256x32xf32, #tpu.memory_space<vmem>> -> memref<1x1x128x32xf32, #tpu.memory_space<vmem>>
    %dma_wait3A_603 = tpu.memref_squeeze %dma_wait3A_602 : memref<1x1x128x32xf32, #tpu.memory_space<vmem>> -> memref<128x32xf32, #tpu.memory_space<vmem>>
    %dma_wait3A_604 = arith.constant 0 : i32
    %dma_wait3A_605 = tpu.memref_slice %arg8[%dma_wait3A_594, %dma_wait3A_595, %dma_wait3A_596, %dma_wait3A_604] : memref<3x4x2x128xi32, #tpu.memory_space<vmem>> -> memref<1x1x1x128xi32, #tpu.memory_space<vmem>>
    %dma_wait3A_606 = tpu.memref_squeeze %dma_wait3A_605 : memref<1x1x1x128xi32, #tpu.memory_space<vmem>> -> memref<128xi32, #tpu.memory_space<vmem>>
    %dma_wait3A_607 = arith.constant 0 : i32
    %dma_wait3A_608 = arith.constant 0 : i32
    %dma_wait3A_609 = tpu.memref_slice %arg3[%dma_wait3A_607, %dma_wait3A_608] : memref<4096x32xf32, #tpu.memory_space<hbm>> -> memref<4096x32xf32, #tpu.memory_space<hbm>>
    %dma_wait3A_610 = tpu.memref_slice %arg10[%dma_wait3A_599] : memref<3x!tpu.dma_semaphore, #tpu.memory_space<semaphore_mem>> -> memref<1x!tpu.dma_semaphore, #tpu.memory_space<semaphore_mem>>
    %dma_wait3A_611 = tpu.memref_squeeze %dma_wait3A_610 : memref<1x!tpu.dma_semaphore, #tpu.memory_space<semaphore_mem>> -> memref<!tpu.dma_semaphore, #tpu.memory_space<semaphore_mem>>
    tpu.wait_indirect_dma semaphore(%dma_wait3A_611 : memref<!tpu.dma_semaphore, #tpu.memory_space<semaphore_mem>>) src(%dma_wait3A_609 : memref<4096x32xf32, #tpu.memory_space<hbm>>) dst(%dma_wait3A_603 : memref<128x32xf32, #tpu.memory_space<vmem>>)
    %dma_wait3A_612 = arith.constant 0 : i32
    %dma_wait3A_613 = arith.constant 1 : i32
    %dma_wait3A_614 = arith.constant 0 : i32
    %dma_wait3A_615 = arith.constant 0 : i32
    %dma_wait3A_616 = arith.constant 1 : i32
    %dma_wait3A_617 = arith.constant 0 : i32
    %dma_wait3A_618 = arith.constant 0 : i32
    %dma_wait3A_619 = arith.constant 0 : i32
    %dma_wait3A_620 = tpu.memref_slice %arg9[%dma_wait3A_615, %dma_wait3A_616, %dma_wait3A_618, %dma_wait3A_619] : memref<3x4x256x32xf32, #tpu.memory_space<vmem>> -> memref<1x1x128x32xf32, #tpu.memory_space<vmem>>
    %dma_wait3A_621 = tpu.memref_squeeze %dma_wait3A_620 : memref<1x1x128x32xf32, #tpu.memory_space<vmem>> -> memref<128x32xf32, #tpu.memory_space<vmem>>
    %dma_wait3A_622 = arith.constant 0 : i32
    %dma_wait3A_623 = tpu.memref_slice %arg8[%dma_wait3A_612, %dma_wait3A_613, %dma_wait3A_614, %dma_wait3A_622] : memref<3x4x2x128xi32, #tpu.memory_space<vmem>> -> memref<1x1x1x128xi32, #tpu.memory_space<vmem>>
    %dma_wait3A_624 = tpu.memref_squeeze %dma_wait3A_623 : memref<1x1x1x128xi32, #tpu.memory_space<vmem>> -> memref<128xi32, #tpu.memory_space<vmem>>
    %dma_wait3A_625 = arith.constant 0 : i32
    %dma_wait3A_626 = arith.constant 0 : i32
    %dma_wait3A_627 = tpu.memref_slice %arg4[%dma_wait3A_625, %dma_wait3A_626] : memref<4096x32xf32, #tpu.memory_space<hbm>> -> memref<4096x32xf32, #tpu.memory_space<hbm>>
    %dma_wait3A_628 = tpu.memref_slice %arg10[%dma_wait3A_617] : memref<3x!tpu.dma_semaphore, #tpu.memory_space<semaphore_mem>> -> memref<1x!tpu.dma_semaphore, #tpu.memory_space<semaphore_mem>>
    %dma_wait3A_629 = tpu.memref_squeeze %dma_wait3A_628 : memref<1x!tpu.dma_semaphore, #tpu.memory_space<semaphore_mem>> -> memref<!tpu.dma_semaphore, #tpu.memory_space<semaphore_mem>>
    tpu.wait_indirect_dma semaphore(%dma_wait3A_629 : memref<!tpu.dma_semaphore, #tpu.memory_space<semaphore_mem>>) src(%dma_wait3A_627 : memref<4096x32xf32, #tpu.memory_space<hbm>>) dst(%dma_wait3A_621 : memref<128x32xf32, #tpu.memory_space<vmem>>)
    %dma_wait3A_630 = arith.constant 0 : i32
    %dma_wait3A_631 = arith.constant 1 : i32
    %dma_wait3A_632 = arith.constant 1 : i32
    %dma_wait3A_633 = arith.constant 0 : i32
    %dma_wait3A_634 = arith.constant 1 : i32
    %dma_wait3A_635 = arith.constant 0 : i32
    %dma_wait3A_636 = arith.constant 128 : i32
    %dma_wait3A_637 = arith.constant 0 : i32
    %dma_wait3A_638 = tpu.memref_slice %arg9[%dma_wait3A_633, %dma_wait3A_634, %dma_wait3A_636, %dma_wait3A_637] : memref<3x4x256x32xf32, #tpu.memory_space<vmem>> -> memref<1x1x128x32xf32, #tpu.memory_space<vmem>>
    %dma_wait3A_639 = tpu.memref_squeeze %dma_wait3A_638 : memref<1x1x128x32xf32, #tpu.memory_space<vmem>> -> memref<128x32xf32, #tpu.memory_space<vmem>>
    %dma_wait3A_640 = arith.constant 0 : i32
    %dma_wait3A_641 = tpu.memref_slice %arg8[%dma_wait3A_630, %dma_wait3A_631, %dma_wait3A_632, %dma_wait3A_640] : memref<3x4x2x128xi32, #tpu.memory_space<vmem>> -> memref<1x1x1x128xi32, #tpu.memory_space<vmem>>
    %dma_wait3A_642 = tpu.memref_squeeze %dma_wait3A_641 : memref<1x1x1x128xi32, #tpu.memory_space<vmem>> -> memref<128xi32, #tpu.memory_space<vmem>>
    %dma_wait3A_643 = arith.constant 0 : i32
    %dma_wait3A_644 = arith.constant 0 : i32
    %dma_wait3A_645 = tpu.memref_slice %arg4[%dma_wait3A_643, %dma_wait3A_644] : memref<4096x32xf32, #tpu.memory_space<hbm>> -> memref<4096x32xf32, #tpu.memory_space<hbm>>
    %dma_wait3A_646 = tpu.memref_slice %arg10[%dma_wait3A_635] : memref<3x!tpu.dma_semaphore, #tpu.memory_space<semaphore_mem>> -> memref<1x!tpu.dma_semaphore, #tpu.memory_space<semaphore_mem>>
    %dma_wait3A_647 = tpu.memref_squeeze %dma_wait3A_646 : memref<1x!tpu.dma_semaphore, #tpu.memory_space<semaphore_mem>> -> memref<!tpu.dma_semaphore, #tpu.memory_space<semaphore_mem>>
    tpu.wait_indirect_dma semaphore(%dma_wait3A_647 : memref<!tpu.dma_semaphore, #tpu.memory_space<semaphore_mem>>) src(%dma_wait3A_645 : memref<4096x32xf32, #tpu.memory_space<hbm>>) dst(%dma_wait3A_639 : memref<128x32xf32, #tpu.memory_space<vmem>>)
    %dma_wait3A_648 = arith.constant 0 : i32
    %dma_wait3A_649 = arith.constant 2 : i32
    %dma_wait3A_650 = arith.constant 0 : i32
    %dma_wait3A_651 = arith.constant 0 : i32
    %dma_wait3A_652 = arith.constant 2 : i32
    %dma_wait3A_653 = arith.constant 0 : i32
    %dma_wait3A_654 = arith.constant 0 : i32
    %dma_wait3A_655 = arith.constant 0 : i32
    %dma_wait3A_656 = tpu.memref_slice %arg9[%dma_wait3A_651, %dma_wait3A_652, %dma_wait3A_654, %dma_wait3A_655] : memref<3x4x256x32xf32, #tpu.memory_space<vmem>> -> memref<1x1x128x32xf32, #tpu.memory_space<vmem>>
    %dma_wait3A_657 = tpu.memref_squeeze %dma_wait3A_656 : memref<1x1x128x32xf32, #tpu.memory_space<vmem>> -> memref<128x32xf32, #tpu.memory_space<vmem>>
    %dma_wait3A_658 = arith.constant 0 : i32
    %dma_wait3A_659 = tpu.memref_slice %arg8[%dma_wait3A_648, %dma_wait3A_649, %dma_wait3A_650, %dma_wait3A_658] : memref<3x4x2x128xi32, #tpu.memory_space<vmem>> -> memref<1x1x1x128xi32, #tpu.memory_space<vmem>>
    %dma_wait3A_660 = tpu.memref_squeeze %dma_wait3A_659 : memref<1x1x1x128xi32, #tpu.memory_space<vmem>> -> memref<128xi32, #tpu.memory_space<vmem>>
    %dma_wait3A_661 = arith.constant 0 : i32
    %dma_wait3A_662 = arith.constant 0 : i32
    %dma_wait3A_663 = tpu.memref_slice %arg5[%dma_wait3A_661, %dma_wait3A_662] : memref<4096x32xf32, #tpu.memory_space<hbm>> -> memref<4096x32xf32, #tpu.memory_space<hbm>>
    %dma_wait3A_664 = tpu.memref_slice %arg10[%dma_wait3A_653] : memref<3x!tpu.dma_semaphore, #tpu.memory_space<semaphore_mem>> -> memref<1x!tpu.dma_semaphore, #tpu.memory_space<semaphore_mem>>
    %dma_wait3A_665 = tpu.memref_squeeze %dma_wait3A_664 : memref<1x!tpu.dma_semaphore, #tpu.memory_space<semaphore_mem>> -> memref<!tpu.dma_semaphore, #tpu.memory_space<semaphore_mem>>
    tpu.wait_indirect_dma semaphore(%dma_wait3A_665 : memref<!tpu.dma_semaphore, #tpu.memory_space<semaphore_mem>>) src(%dma_wait3A_663 : memref<4096x32xf32, #tpu.memory_space<hbm>>) dst(%dma_wait3A_657 : memref<128x32xf32, #tpu.memory_space<vmem>>)
    %dma_wait3A_666 = arith.constant 0 : i32
    %dma_wait3A_667 = arith.constant 2 : i32
    %dma_wait3A_668 = arith.constant 1 : i32
    %dma_wait3A_669 = arith.constant 0 : i32
    %dma_wait3A_670 = arith.constant 2 : i32
    %dma_wait3A_671 = arith.constant 0 : i32
    %dma_wait3A_672 = arith.constant 128 : i32
    %dma_wait3A_673 = arith.constant 0 : i32
    %dma_wait3A_674 = tpu.memref_slice %arg9[%dma_wait3A_669, %dma_wait3A_670, %dma_wait3A_672, %dma_wait3A_673] : memref<3x4x256x32xf32, #tpu.memory_space<vmem>> -> memref<1x1x128x32xf32, #tpu.memory_space<vmem>>
    %dma_wait3A_675 = tpu.memref_squeeze %dma_wait3A_674 : memref<1x1x128x32xf32, #tpu.memory_space<vmem>> -> memref<128x32xf32, #tpu.memory_space<vmem>>
    %dma_wait3A_676 = arith.constant 0 : i32
    %dma_wait3A_677 = tpu.memref_slice %arg8[%dma_wait3A_666, %dma_wait3A_667, %dma_wait3A_668, %dma_wait3A_676] : memref<3x4x2x128xi32, #tpu.memory_space<vmem>> -> memref<1x1x1x128xi32, #tpu.memory_space<vmem>>
    %dma_wait3A_678 = tpu.memref_squeeze %dma_wait3A_677 : memref<1x1x1x128xi32, #tpu.memory_space<vmem>> -> memref<128xi32, #tpu.memory_space<vmem>>
    %dma_wait3A_679 = arith.constant 0 : i32
    %dma_wait3A_680 = arith.constant 0 : i32
    %dma_wait3A_681 = tpu.memref_slice %arg5[%dma_wait3A_679, %dma_wait3A_680] : memref<4096x32xf32, #tpu.memory_space<hbm>> -> memref<4096x32xf32, #tpu.memory_space<hbm>>
    %dma_wait3A_682 = tpu.memref_slice %arg10[%dma_wait3A_671] : memref<3x!tpu.dma_semaphore, #tpu.memory_space<semaphore_mem>> -> memref<1x!tpu.dma_semaphore, #tpu.memory_space<semaphore_mem>>
    %dma_wait3A_683 = tpu.memref_squeeze %dma_wait3A_682 : memref<1x!tpu.dma_semaphore, #tpu.memory_space<semaphore_mem>> -> memref<!tpu.dma_semaphore, #tpu.memory_space<semaphore_mem>>
    tpu.wait_indirect_dma semaphore(%dma_wait3A_683 : memref<!tpu.dma_semaphore, #tpu.memory_space<semaphore_mem>>) src(%dma_wait3A_681 : memref<4096x32xf32, #tpu.memory_space<hbm>>) dst(%dma_wait3A_675 : memref<128x32xf32, #tpu.memory_space<vmem>>)
    %dma_wait3A_684 = arith.constant 0 : i32
    %dma_wait3A_685 = arith.constant 3 : i32
    %dma_wait3A_686 = arith.constant 0 : i32
    %dma_wait3A_687 = arith.constant 0 : i32
    %dma_wait3A_688 = arith.constant 3 : i32
    %dma_wait3A_689 = arith.constant 0 : i32
    %dma_wait3A_690 = arith.constant 0 : i32
    %dma_wait3A_691 = arith.constant 0 : i32
    %dma_wait3A_692 = tpu.memref_slice %arg9[%dma_wait3A_687, %dma_wait3A_688, %dma_wait3A_690, %dma_wait3A_691] : memref<3x4x256x32xf32, #tpu.memory_space<vmem>> -> memref<1x1x128x32xf32, #tpu.memory_space<vmem>>
    %dma_wait3A_693 = tpu.memref_squeeze %dma_wait3A_692 : memref<1x1x128x32xf32, #tpu.memory_space<vmem>> -> memref<128x32xf32, #tpu.memory_space<vmem>>
    %dma_wait3A_694 = arith.constant 0 : i32
    %dma_wait3A_695 = tpu.memref_slice %arg8[%dma_wait3A_684, %dma_wait3A_685, %dma_wait3A_686, %dma_wait3A_694] : memref<3x4x2x128xi32, #tpu.memory_space<vmem>> -> memref<1x1x1x128xi32, #tpu.memory_space<vmem>>
    %dma_wait3A_696 = tpu.memref_squeeze %dma_wait3A_695 : memref<1x1x1x128xi32, #tpu.memory_space<vmem>> -> memref<128xi32, #tpu.memory_space<vmem>>
    %dma_wait3A_697 = arith.constant 0 : i32
    %dma_wait3A_698 = arith.constant 0 : i32
    %dma_wait3A_699 = tpu.memref_slice %arg6[%dma_wait3A_697, %dma_wait3A_698] : memref<4096x32xf32, #tpu.memory_space<hbm>> -> memref<4096x32xf32, #tpu.memory_space<hbm>>
    %dma_wait3A_700 = tpu.memref_slice %arg10[%dma_wait3A_689] : memref<3x!tpu.dma_semaphore, #tpu.memory_space<semaphore_mem>> -> memref<1x!tpu.dma_semaphore, #tpu.memory_space<semaphore_mem>>
    %dma_wait3A_701 = tpu.memref_squeeze %dma_wait3A_700 : memref<1x!tpu.dma_semaphore, #tpu.memory_space<semaphore_mem>> -> memref<!tpu.dma_semaphore, #tpu.memory_space<semaphore_mem>>
    tpu.wait_indirect_dma semaphore(%dma_wait3A_701 : memref<!tpu.dma_semaphore, #tpu.memory_space<semaphore_mem>>) src(%dma_wait3A_699 : memref<4096x32xf32, #tpu.memory_space<hbm>>) dst(%dma_wait3A_693 : memref<128x32xf32, #tpu.memory_space<vmem>>)
    %dma_wait3A_702 = arith.constant 0 : i32
    %dma_wait3A_703 = arith.constant 3 : i32
    %dma_wait3A_704 = arith.constant 1 : i32
    %dma_wait3A_705 = arith.constant 0 : i32
    %dma_wait3A_706 = arith.constant 3 : i32
    %dma_wait3A_707 = arith.constant 0 : i32
    %dma_wait3A_708 = arith.constant 128 : i32
    %dma_wait3A_709 = arith.constant 0 : i32
    %dma_wait3A_710 = tpu.memref_slice %arg9[%dma_wait3A_705, %dma_wait3A_706, %dma_wait3A_708, %dma_wait3A_709] : memref<3x4x256x32xf32, #tpu.memory_space<vmem>> -> memref<1x1x128x32xf32, #tpu.memory_space<vmem>>
    %dma_wait3A_711 = tpu.memref_squeeze %dma_wait3A_710 : memref<1x1x128x32xf32, #tpu.memory_space<vmem>> -> memref<128x32xf32, #tpu.memory_space<vmem>>
    %dma_wait3A_712 = arith.constant 0 : i32
    %dma_wait3A_713 = tpu.memref_slice %arg8[%dma_wait3A_702, %dma_wait3A_703, %dma_wait3A_704, %dma_wait3A_712] : memref<3x4x2x128xi32, #tpu.memory_space<vmem>> -> memref<1x1x1x128xi32, #tpu.memory_space<vmem>>
    %dma_wait3A_714 = tpu.memref_squeeze %dma_wait3A_713 : memref<1x1x1x128xi32, #tpu.memory_space<vmem>> -> memref<128xi32, #tpu.memory_space<vmem>>
    %dma_wait3A_715 = arith.constant 0 : i32
    %dma_wait3A_716 = arith.constant 0 : i32
    %dma_wait3A_717 = tpu.memref_slice %arg6[%dma_wait3A_715, %dma_wait3A_716] : memref<4096x32xf32, #tpu.memory_space<hbm>> -> memref<4096x32xf32, #tpu.memory_space<hbm>>
    %dma_wait3A_718 = tpu.memref_slice %arg10[%dma_wait3A_707] : memref<3x!tpu.dma_semaphore, #tpu.memory_space<semaphore_mem>> -> memref<1x!tpu.dma_semaphore, #tpu.memory_space<semaphore_mem>>
    %dma_wait3A_719 = tpu.memref_squeeze %dma_wait3A_718 : memref<1x!tpu.dma_semaphore, #tpu.memory_space<semaphore_mem>> -> memref<!tpu.dma_semaphore, #tpu.memory_space<semaphore_mem>>
    tpu.wait_indirect_dma semaphore(%dma_wait3A_719 : memref<!tpu.dma_semaphore, #tpu.memory_space<semaphore_mem>>) src(%dma_wait3A_717 : memref<4096x32xf32, #tpu.memory_space<hbm>>) dst(%dma_wait3A_711 : memref<128x32xf32, #tpu.memory_space<vmem>>)
    %add3A_720 = arith.constant 0 : i32
    %add3A_721 = arith.addi %mul3A_32, %add3A_720 : i32
    %run_scoped3A_722 = arith.constant 0 : i32
    %run_scoped3A_723 = arith.constant 0 : i32
    %run_scoped3A_724 = arith.constant 0 : i32
    "tpu.region"() ({
      %run_scoped3A_1414 = tpu.sem_alloc : memref<!tpu.dma_semaphore, #tpu.memory_space<semaphore_mem>>
      %dma_start3A_1415 = arith.constant 0 : i32
      %dma_start3A_1416 = arith.constant 0 : i32
      %dma_start3A_1417 = tpu.memref_slice %arg9[%run_scoped3A_722, %run_scoped3A_723, %dma_start3A_1415, %dma_start3A_1416] : memref<3x4x256x32xf32, #tpu.memory_space<vmem>> -> memref<1x1x256x32xf32, #tpu.memory_space<vmem>>
      %dma_start3A_1418 = tpu.memref_squeeze %dma_start3A_1417 : memref<1x1x256x32xf32, #tpu.memory_space<vmem>> -> memref<256x32xf32, #tpu.memory_space<vmem>>
      %dma_start3A_1419 = arith.constant 0 : i32
      %dma_start3A_1420 = tpu.memref_slice %arg7[%select_n3A, %run_scoped3A_724, %add3A_721, %dma_start3A_1419] : memref<4x1x8192x128xf32, #tpu.memory_space<hbm>> -> memref<1x1x256x32xf32, #tpu.memory_space<hbm>>
      %dma_start3A_1421 = tpu.memref_squeeze %dma_start3A_1420 : memref<1x1x256x32xf32, #tpu.memory_space<hbm>> -> memref<256x32xf32, #tpu.memory_space<hbm>>
      %dma_start3A_1422 = arith.constant 0 : i32
      %dma_start3A_1423 = tpu.memref_slice %arg7[%select_n3A, %run_scoped3A_724, %add3A_721, %dma_start3A_1422] : memref<4x1x8192x128xf32, #tpu.memory_space<hbm>> -> memref<1x1x256x32xf32, #tpu.memory_space<hbm>>
      %dma_start3A_1424 = tpu.memref_squeeze %dma_start3A_1423 : memref<1x1x256x32xf32, #tpu.memory_space<hbm>> -> memref<256x32xf32, #tpu.memory_space<hbm>>
      %dma_start3A_1425 = arith.constant 0 : i32
      %dma_start3A_1426 = arith.constant 0 : i32
      %dma_start3A_1427 = tpu.memref_slice %arg9[%run_scoped3A_722, %run_scoped3A_723, %dma_start3A_1425, %dma_start3A_1426] : memref<3x4x256x32xf32, #tpu.memory_space<vmem>> -> memref<1x1x256x32xf32, #tpu.memory_space<vmem>>
      %dma_start3A_1428 = tpu.memref_squeeze %dma_start3A_1427 : memref<1x1x256x32xf32, #tpu.memory_space<vmem>> -> memref<256x32xf32, #tpu.memory_space<vmem>>
      tpu.enqueue_dma source(%dma_start3A_1428 : memref<256x32xf32, #tpu.memory_space<vmem>>) target(%dma_start3A_1424 : memref<256x32xf32, #tpu.memory_space<hbm>>) target_semaphore(%run_scoped3A_1414 : memref<!tpu.dma_semaphore, #tpu.memory_space<semaphore_mem>>)
      %dma_wait3A_1429 = arith.constant 0 : i32
      %dma_wait3A_1430 = arith.constant 0 : i32
      %dma_wait3A_1431 = tpu.memref_slice %arg9[%run_scoped3A_722, %run_scoped3A_723, %dma_wait3A_1429, %dma_wait3A_1430] : memref<3x4x256x32xf32, #tpu.memory_space<vmem>> -> memref<1x1x256x32xf32, #tpu.memory_space<vmem>>
      %dma_wait3A_1432 = tpu.memref_squeeze %dma_wait3A_1431 : memref<1x1x256x32xf32, #tpu.memory_space<vmem>> -> memref<256x32xf32, #tpu.memory_space<vmem>>
      %dma_wait3A_1433 = arith.constant 0 : i32
      %dma_wait3A_1434 = tpu.memref_slice %arg7[%select_n3A, %run_scoped3A_724, %add3A_721, %dma_wait3A_1433] : memref<4x1x8192x128xf32, #tpu.memory_space<hbm>> -> memref<1x1x256x32xf32, #tpu.memory_space<hbm>>
      %dma_wait3A_1435 = tpu.memref_squeeze %dma_wait3A_1434 : memref<1x1x256x32xf32, #tpu.memory_space<hbm>> -> memref<256x32xf32, #tpu.memory_space<hbm>>
      %dma_wait3A_1436 = arith.constant 0 : i32
      %dma_wait3A_1437 = tpu.memref_slice %arg7[%select_n3A, %run_scoped3A_724, %add3A_721, %dma_wait3A_1436] : memref<4x1x8192x128xf32, #tpu.memory_space<hbm>> -> memref<1x1x256x32xf32, #tpu.memory_space<hbm>>
      %dma_wait3A_1438 = tpu.memref_squeeze %dma_wait3A_1437 : memref<1x1x256x32xf32, #tpu.memory_space<hbm>> -> memref<256x32xf32, #tpu.memory_space<hbm>>
      %dma_wait3A_1439 = arith.constant 0 : i32
      %dma_wait3A_1440 = arith.constant 0 : i32
      %dma_wait3A_1441 = tpu.memref_slice %arg9[%run_scoped3A_722, %run_scoped3A_723, %dma_wait3A_1439, %dma_wait3A_1440] : memref<3x4x256x32xf32, #tpu.memory_space<vmem>> -> memref<1x1x256x32xf32, #tpu.memory_space<vmem>>
      %dma_wait3A_1442 = tpu.memref_squeeze %dma_wait3A_1441 : memref<1x1x256x32xf32, #tpu.memory_space<vmem>> -> memref<256x32xf32, #tpu.memory_space<vmem>>
      tpu.wait_dma2 semaphore(%run_scoped3A_1414 : memref<!tpu.dma_semaphore, #tpu.memory_space<semaphore_mem>>) src(%dma_wait3A_1442 : memref<256x32xf32, #tpu.memory_space<vmem>>) dst(%dma_wait3A_1438 : memref<256x32xf32, #tpu.memory_space<hbm>>)
      tpu.yield
    }) : () -> ()
    %add3A_725 = arith.constant 0 : i32
    %add3A_726 = arith.addi %mul3A_32, %add3A_725 : i32
    %run_scoped3A_727 = arith.constant 0 : i32
    %run_scoped3A_728 = arith.constant 1 : i32
    %run_scoped3A_729 = arith.constant 0 : i32
    "tpu.region"() ({
      %run_scoped3A_1414 = tpu.sem_alloc : memref<!tpu.dma_semaphore, #tpu.memory_space<semaphore_mem>>
      %dma_start3A_1415 = arith.constant 0 : i32
      %dma_start3A_1416 = arith.constant 0 : i32
      %dma_start3A_1417 = tpu.memref_slice %arg9[%run_scoped3A_727, %run_scoped3A_728, %dma_start3A_1415, %dma_start3A_1416] : memref<3x4x256x32xf32, #tpu.memory_space<vmem>> -> memref<1x1x256x32xf32, #tpu.memory_space<vmem>>
      %dma_start3A_1418 = tpu.memref_squeeze %dma_start3A_1417 : memref<1x1x256x32xf32, #tpu.memory_space<vmem>> -> memref<256x32xf32, #tpu.memory_space<vmem>>
      %dma_start3A_1419 = arith.constant 32 : i32
      %dma_start3A_1420 = tpu.memref_slice %arg7[%select_n3A, %run_scoped3A_729, %add3A_726, %dma_start3A_1419] : memref<4x1x8192x128xf32, #tpu.memory_space<hbm>> -> memref<1x1x256x32xf32, #tpu.memory_space<hbm>>
      %dma_start3A_1421 = tpu.memref_squeeze %dma_start3A_1420 : memref<1x1x256x32xf32, #tpu.memory_space<hbm>> -> memref<256x32xf32, #tpu.memory_space<hbm>>
      %dma_start3A_1422 = arith.constant 32 : i32
      %dma_start3A_1423 = tpu.memref_slice %arg7[%select_n3A, %run_scoped3A_729, %add3A_726, %dma_start3A_1422] : memref<4x1x8192x128xf32, #tpu.memory_space<hbm>> -> memref<1x1x256x32xf32, #tpu.memory_space<hbm>>
      %dma_start3A_1424 = tpu.memref_squeeze %dma_start3A_1423 : memref<1x1x256x32xf32, #tpu.memory_space<hbm>> -> memref<256x32xf32, #tpu.memory_space<hbm>>
      %dma_start3A_1425 = arith.constant 0 : i32
      %dma_start3A_1426 = arith.constant 0 : i32
      %dma_start3A_1427 = tpu.memref_slice %arg9[%run_scoped3A_727, %run_scoped3A_728, %dma_start3A_1425, %dma_start3A_1426] : memref<3x4x256x32xf32, #tpu.memory_space<vmem>> -> memref<1x1x256x32xf32, #tpu.memory_space<vmem>>
      %dma_start3A_1428 = tpu.memref_squeeze %dma_start3A_1427 : memref<1x1x256x32xf32, #tpu.memory_space<vmem>> -> memref<256x32xf32, #tpu.memory_space<vmem>>
      tpu.enqueue_dma source(%dma_start3A_1428 : memref<256x32xf32, #tpu.memory_space<vmem>>) target(%dma_start3A_1424 : memref<256x32xf32, #tpu.memory_space<hbm>>) target_semaphore(%run_scoped3A_1414 : memref<!tpu.dma_semaphore, #tpu.memory_space<semaphore_mem>>)
      %dma_wait3A_1429 = arith.constant 0 : i32
      %dma_wait3A_1430 = arith.constant 0 : i32
      %dma_wait3A_1431 = tpu.memref_slice %arg9[%run_scoped3A_727, %run_scoped3A_728, %dma_wait3A_1429, %dma_wait3A_1430] : memref<3x4x256x32xf32, #tpu.memory_space<vmem>> -> memref<1x1x256x32xf32, #tpu.memory_space<vmem>>
      %dma_wait3A_1432 = tpu.memref_squeeze %dma_wait3A_1431 : memref<1x1x256x32xf32, #tpu.memory_space<vmem>> -> memref<256x32xf32, #tpu.memory_space<vmem>>
      %dma_wait3A_1433 = arith.constant 32 : i32
      %dma_wait3A_1434 = tpu.memref_slice %arg7[%select_n3A, %run_scoped3A_729, %add3A_726, %dma_wait3A_1433] : memref<4x1x8192x128xf32, #tpu.memory_space<hbm>> -> memref<1x1x256x32xf32, #tpu.memory_space<hbm>>
      %dma_wait3A_1435 = tpu.memref_squeeze %dma_wait3A_1434 : memref<1x1x256x32xf32, #tpu.memory_space<hbm>> -> memref<256x32xf32, #tpu.memory_space<hbm>>
      %dma_wait3A_1436 = arith.constant 32 : i32
      %dma_wait3A_1437 = tpu.memref_slice %arg7[%select_n3A, %run_scoped3A_729, %add3A_726, %dma_wait3A_1436] : memref<4x1x8192x128xf32, #tpu.memory_space<hbm>> -> memref<1x1x256x32xf32, #tpu.memory_space<hbm>>
      %dma_wait3A_1438 = tpu.memref_squeeze %dma_wait3A_1437 : memref<1x1x256x32xf32, #tpu.memory_space<hbm>> -> memref<256x32xf32, #tpu.memory_space<hbm>>
      %dma_wait3A_1439 = arith.constant 0 : i32
      %dma_wait3A_1440 = arith.constant 0 : i32
      %dma_wait3A_1441 = tpu.memref_slice %arg9[%run_scoped3A_727, %run_scoped3A_728, %dma_wait3A_1439, %dma_wait3A_1440] : memref<3x4x256x32xf32, #tpu.memory_space<vmem>> -> memref<1x1x256x32xf32, #tpu.memory_space<vmem>>
      %dma_wait3A_1442 = tpu.memref_squeeze %dma_wait3A_1441 : memref<1x1x256x32xf32, #tpu.memory_space<vmem>> -> memref<256x32xf32, #tpu.memory_space<vmem>>
      tpu.wait_dma2 semaphore(%run_scoped3A_1414 : memref<!tpu.dma_semaphore, #tpu.memory_space<semaphore_mem>>) src(%dma_wait3A_1442 : memref<256x32xf32, #tpu.memory_space<vmem>>) dst(%dma_wait3A_1438 : memref<256x32xf32, #tpu.memory_space<hbm>>)
      tpu.yield
    }) : () -> ()
    %add3A_730 = arith.constant 0 : i32
    %add3A_731 = arith.addi %mul3A_32, %add3A_730 : i32
    %run_scoped3A_732 = arith.constant 0 : i32
    %run_scoped3A_733 = arith.constant 2 : i32
    %run_scoped3A_734 = arith.constant 0 : i32
    "tpu.region"() ({
      %run_scoped3A_1414 = tpu.sem_alloc : memref<!tpu.dma_semaphore, #tpu.memory_space<semaphore_mem>>
      %dma_start3A_1415 = arith.constant 0 : i32
      %dma_start3A_1416 = arith.constant 0 : i32
      %dma_start3A_1417 = tpu.memref_slice %arg9[%run_scoped3A_732, %run_scoped3A_733, %dma_start3A_1415, %dma_start3A_1416] : memref<3x4x256x32xf32, #tpu.memory_space<vmem>> -> memref<1x1x256x32xf32, #tpu.memory_space<vmem>>
      %dma_start3A_1418 = tpu.memref_squeeze %dma_start3A_1417 : memref<1x1x256x32xf32, #tpu.memory_space<vmem>> -> memref<256x32xf32, #tpu.memory_space<vmem>>
      %dma_start3A_1419 = arith.constant 64 : i32
      %dma_start3A_1420 = tpu.memref_slice %arg7[%select_n3A, %run_scoped3A_734, %add3A_731, %dma_start3A_1419] : memref<4x1x8192x128xf32, #tpu.memory_space<hbm>> -> memref<1x1x256x32xf32, #tpu.memory_space<hbm>>
      %dma_start3A_1421 = tpu.memref_squeeze %dma_start3A_1420 : memref<1x1x256x32xf32, #tpu.memory_space<hbm>> -> memref<256x32xf32, #tpu.memory_space<hbm>>
      %dma_start3A_1422 = arith.constant 64 : i32
      %dma_start3A_1423 = tpu.memref_slice %arg7[%select_n3A, %run_scoped3A_734, %add3A_731, %dma_start3A_1422] : memref<4x1x8192x128xf32, #tpu.memory_space<hbm>> -> memref<1x1x256x32xf32, #tpu.memory_space<hbm>>
      %dma_start3A_1424 = tpu.memref_squeeze %dma_start3A_1423 : memref<1x1x256x32xf32, #tpu.memory_space<hbm>> -> memref<256x32xf32, #tpu.memory_space<hbm>>
      %dma_start3A_1425 = arith.constant 0 : i32
      %dma_start3A_1426 = arith.constant 0 : i32
      %dma_start3A_1427 = tpu.memref_slice %arg9[%run_scoped3A_732, %run_scoped3A_733, %dma_start3A_1425, %dma_start3A_1426] : memref<3x4x256x32xf32, #tpu.memory_space<vmem>> -> memref<1x1x256x32xf32, #tpu.memory_space<vmem>>
      %dma_start3A_1428 = tpu.memref_squeeze %dma_start3A_1427 : memref<1x1x256x32xf32, #tpu.memory_space<vmem>> -> memref<256x32xf32, #tpu.memory_space<vmem>>
      tpu.enqueue_dma source(%dma_start3A_1428 : memref<256x32xf32, #tpu.memory_space<vmem>>) target(%dma_start3A_1424 : memref<256x32xf32, #tpu.memory_space<hbm>>) target_semaphore(%run_scoped3A_1414 : memref<!tpu.dma_semaphore, #tpu.memory_space<semaphore_mem>>)
      %dma_wait3A_1429 = arith.constant 0 : i32
      %dma_wait3A_1430 = arith.constant 0 : i32
      %dma_wait3A_1431 = tpu.memref_slice %arg9[%run_scoped3A_732, %run_scoped3A_733, %dma_wait3A_1429, %dma_wait3A_1430] : memref<3x4x256x32xf32, #tpu.memory_space<vmem>> -> memref<1x1x256x32xf32, #tpu.memory_space<vmem>>
      %dma_wait3A_1432 = tpu.memref_squeeze %dma_wait3A_1431 : memref<1x1x256x32xf32, #tpu.memory_space<vmem>> -> memref<256x32xf32, #tpu.memory_space<vmem>>
      %dma_wait3A_1433 = arith.constant 64 : i32
      %dma_wait3A_1434 = tpu.memref_slice %arg7[%select_n3A, %run_scoped3A_734, %add3A_731, %dma_wait3A_1433] : memref<4x1x8192x128xf32, #tpu.memory_space<hbm>> -> memref<1x1x256x32xf32, #tpu.memory_space<hbm>>
      %dma_wait3A_1435 = tpu.memref_squeeze %dma_wait3A_1434 : memref<1x1x256x32xf32, #tpu.memory_space<hbm>> -> memref<256x32xf32, #tpu.memory_space<hbm>>
      %dma_wait3A_1436 = arith.constant 64 : i32
      %dma_wait3A_1437 = tpu.memref_slice %arg7[%select_n3A, %run_scoped3A_734, %add3A_731, %dma_wait3A_1436] : memref<4x1x8192x128xf32, #tpu.memory_space<hbm>> -> memref<1x1x256x32xf32, #tpu.memory_space<hbm>>
      %dma_wait3A_1438 = tpu.memref_squeeze %dma_wait3A_1437 : memref<1x1x256x32xf32, #tpu.memory_space<hbm>> -> memref<256x32xf32, #tpu.memory_space<hbm>>
      %dma_wait3A_1439 = arith.constant 0 : i32
      %dma_wait3A_1440 = arith.constant 0 : i32
      %dma_wait3A_1441 = tpu.memref_slice %arg9[%run_scoped3A_732, %run_scoped3A_733, %dma_wait3A_1439, %dma_wait3A_1440] : memref<3x4x256x32xf32, #tpu.memory_space<vmem>> -> memref<1x1x256x32xf32, #tpu.memory_space<vmem>>
      %dma_wait3A_1442 = tpu.memref_squeeze %dma_wait3A_1441 : memref<1x1x256x32xf32, #tpu.memory_space<vmem>> -> memref<256x32xf32, #tpu.memory_space<vmem>>
      tpu.wait_dma2 semaphore(%run_scoped3A_1414 : memref<!tpu.dma_semaphore, #tpu.memory_space<semaphore_mem>>) src(%dma_wait3A_1442 : memref<256x32xf32, #tpu.memory_space<vmem>>) dst(%dma_wait3A_1438 : memref<256x32xf32, #tpu.memory_space<hbm>>)
      tpu.yield
    }) : () -> ()
    %add3A_735 = arith.constant 0 : i32
    %add3A_736 = arith.addi %mul3A_32, %add3A_735 : i32
    %run_scoped3A_737 = arith.constant 0 : i32
    %run_scoped3A_738 = arith.constant 3 : i32
    %run_scoped3A_739 = arith.constant 0 : i32
    "tpu.region"() ({
      %run_scoped3A_1414 = tpu.sem_alloc : memref<!tpu.dma_semaphore, #tpu.memory_space<semaphore_mem>>
      %dma_start3A_1415 = arith.constant 0 : i32
      %dma_start3A_1416 = arith.constant 0 : i32
      %dma_start3A_1417 = tpu.memref_slice %arg9[%run_scoped3A_737, %run_scoped3A_738, %dma_start3A_1415, %dma_start3A_1416] : memref<3x4x256x32xf32, #tpu.memory_space<vmem>> -> memref<1x1x256x32xf32, #tpu.memory_space<vmem>>
      %dma_start3A_1418 = tpu.memref_squeeze %dma_start3A_1417 : memref<1x1x256x32xf32, #tpu.memory_space<vmem>> -> memref<256x32xf32, #tpu.memory_space<vmem>>
      %dma_start3A_1419 = arith.constant 96 : i32
      %dma_start3A_1420 = tpu.memref_slice %arg7[%select_n3A, %run_scoped3A_739, %add3A_736, %dma_start3A_1419] : memref<4x1x8192x128xf32, #tpu.memory_space<hbm>> -> memref<1x1x256x32xf32, #tpu.memory_space<hbm>>
      %dma_start3A_1421 = tpu.memref_squeeze %dma_start3A_1420 : memref<1x1x256x32xf32, #tpu.memory_space<hbm>> -> memref<256x32xf32, #tpu.memory_space<hbm>>
      %dma_start3A_1422 = arith.constant 96 : i32
      %dma_start3A_1423 = tpu.memref_slice %arg7[%select_n3A, %run_scoped3A_739, %add3A_736, %dma_start3A_1422] : memref<4x1x8192x128xf32, #tpu.memory_space<hbm>> -> memref<1x1x256x32xf32, #tpu.memory_space<hbm>>
      %dma_start3A_1424 = tpu.memref_squeeze %dma_start3A_1423 : memref<1x1x256x32xf32, #tpu.memory_space<hbm>> -> memref<256x32xf32, #tpu.memory_space<hbm>>
      %dma_start3A_1425 = arith.constant 0 : i32
      %dma_start3A_1426 = arith.constant 0 : i32
      %dma_start3A_1427 = tpu.memref_slice %arg9[%run_scoped3A_737, %run_scoped3A_738, %dma_start3A_1425, %dma_start3A_1426] : memref<3x4x256x32xf32, #tpu.memory_space<vmem>> -> memref<1x1x256x32xf32, #tpu.memory_space<vmem>>
      %dma_start3A_1428 = tpu.memref_squeeze %dma_start3A_1427 : memref<1x1x256x32xf32, #tpu.memory_space<vmem>> -> memref<256x32xf32, #tpu.memory_space<vmem>>
      tpu.enqueue_dma source(%dma_start3A_1428 : memref<256x32xf32, #tpu.memory_space<vmem>>) target(%dma_start3A_1424 : memref<256x32xf32, #tpu.memory_space<hbm>>) target_semaphore(%run_scoped3A_1414 : memref<!tpu.dma_semaphore, #tpu.memory_space<semaphore_mem>>)
      %dma_wait3A_1429 = arith.constant 0 : i32
      %dma_wait3A_1430 = arith.constant 0 : i32
      %dma_wait3A_1431 = tpu.memref_slice %arg9[%run_scoped3A_737, %run_scoped3A_738, %dma_wait3A_1429, %dma_wait3A_1430] : memref<3x4x256x32xf32, #tpu.memory_space<vmem>> -> memref<1x1x256x32xf32, #tpu.memory_space<vmem>>
      %dma_wait3A_1432 = tpu.memref_squeeze %dma_wait3A_1431 : memref<1x1x256x32xf32, #tpu.memory_space<vmem>> -> memref<256x32xf32, #tpu.memory_space<vmem>>
      %dma_wait3A_1433 = arith.constant 96 : i32
      %dma_wait3A_1434 = tpu.memref_slice %arg7[%select_n3A, %run_scoped3A_739, %add3A_736, %dma_wait3A_1433] : memref<4x1x8192x128xf32, #tpu.memory_space<hbm>> -> memref<1x1x256x32xf32, #tpu.memory_space<hbm>>
      %dma_wait3A_1435 = tpu.memref_squeeze %dma_wait3A_1434 : memref<1x1x256x32xf32, #tpu.memory_space<hbm>> -> memref<256x32xf32, #tpu.memory_space<hbm>>
      %dma_wait3A_1436 = arith.constant 96 : i32
      %dma_wait3A_1437 = tpu.memref_slice %arg7[%select_n3A, %run_scoped3A_739, %add3A_736, %dma_wait3A_1436] : memref<4x1x8192x128xf32, #tpu.memory_space<hbm>> -> memref<1x1x256x32xf32, #tpu.memory_space<hbm>>
      %dma_wait3A_1438 = tpu.memref_squeeze %dma_wait3A_1437 : memref<1x1x256x32xf32, #tpu.memory_space<hbm>> -> memref<256x32xf32, #tpu.memory_space<hbm>>
      %dma_wait3A_1439 = arith.constant 0 : i32
      %dma_wait3A_1440 = arith.constant 0 : i32
      %dma_wait3A_1441 = tpu.memref_slice %arg9[%run_scoped3A_737, %run_scoped3A_738, %dma_wait3A_1439, %dma_wait3A_1440] : memref<3x4x256x32xf32, #tpu.memory_space<vmem>> -> memref<1x1x256x32xf32, #tpu.memory_space<vmem>>
      %dma_wait3A_1442 = tpu.memref_squeeze %dma_wait3A_1441 : memref<1x1x256x32xf32, #tpu.memory_space<vmem>> -> memref<256x32xf32, #tpu.memory_space<vmem>>
      tpu.wait_dma2 semaphore(%run_scoped3A_1414 : memref<!tpu.dma_semaphore, #tpu.memory_space<semaphore_mem>>) src(%dma_wait3A_1442 : memref<256x32xf32, #tpu.memory_space<vmem>>) dst(%dma_wait3A_1438 : memref<256x32xf32, #tpu.memory_space<hbm>>)
      tpu.yield
    }) : () -> ()
    %jit3A_740 = arith.constant 128 : i32
    %div3A_741 = arith.divsi %mul3A_32, %jit3A_740 : i32
    %sign3A_742 = arith.constant 0 : i32
    %sign3A_743 = arith.cmpi sgt, %mul3A_32, %sign3A_742 : i32
    %sign3A_744 = arith.extui %sign3A_743 : i1 to i32
    %sign3A_745 = arith.constant 0 : i32
    %sign3A_746 = arith.cmpi slt, %mul3A_32, %sign3A_745 : i32
    %sign3A_747 = arith.extui %sign3A_746 : i1 to i32
    %sign3A_748 = arith.subi %sign3A_744, %sign3A_747 : i32
    %sign3A_749 = arith.constant 0 : i32
    %sign3A_750 = arith.cmpi sgt, %jit3A_740, %sign3A_749 : i32
    %sign3A_751 = arith.extui %sign3A_750 : i1 to i32
    %sign3A_752 = arith.constant 0 : i32
    %sign3A_753 = arith.cmpi slt, %jit3A_740, %sign3A_752 : i32
    %sign3A_754 = arith.extui %sign3A_753 : i1 to i32
    %sign3A_755 = arith.subi %sign3A_751, %sign3A_754 : i32
    %ne3A_756 = arith.cmpi ne, %sign3A_748, %sign3A_755 : i32
    %rem3A_757 = arith.remsi %mul3A_32, %jit3A_740 : i32
    %ne3A_758 = arith.constant 0 : i32
    %ne3A_759 = arith.cmpi ne, %rem3A_757, %ne3A_758 : i32
    %and3A_760 = arith.andi %ne3A_756, %ne3A_759 : i1
    %sub3A_761 = arith.constant 1 : i32
    %sub3A_762 = arith.subi %div3A_741, %sub3A_761 : i32
    %select_n3A_763 = arith.select %and3A_760, %sub3A_762, %div3A_741 : i32
    %add3A_764 = arith.constant 6 : i32
    %add3A_765 = arith.addi %select_n3A_763, %add3A_764 : i32
    %run_scoped3A_766 = arith.constant 0 : i32
    %run_scoped3A_767 = arith.constant 0 : i32
    %run_scoped3A_768 = arith.constant 0 : i32
    "tpu.region"() ({
      %run_scoped3A_1414 = tpu.sem_alloc : memref<!tpu.dma_semaphore, #tpu.memory_space<semaphore_mem>>
      %dma_start3A_1415 = arith.constant 0 : i32
      %dma_start3A_1416 = arith.constant 0 : i32
      %dma_start3A_1417 = tpu.memref_slice %arg8[%run_scoped3A_767, %run_scoped3A_768, %dma_start3A_1415, %dma_start3A_1416] : memref<3x4x2x128xi32, #tpu.memory_space<vmem>> -> memref<1x1x2x128xi32, #tpu.memory_space<vmem>>
      %dma_start3A_1418 = tpu.memref_squeeze %dma_start3A_1417 : memref<1x1x2x128xi32, #tpu.memory_space<vmem>> -> memref<2x128xi32, #tpu.memory_space<vmem>>
      %dma_start3A_1419 = arith.constant 0 : i32
      %dma_start3A_1420 = tpu.memref_slice %arg2[%select_n3A, %add3A_765, %run_scoped3A_766, %dma_start3A_1419] : memref<4x64x4x128xi32, #tpu.memory_space<hbm>> -> memref<1x2x1x128xi32, #tpu.memory_space<hbm>>
      %dma_start3A_1421 = tpu.memref_squeeze %dma_start3A_1420 : memref<1x2x1x128xi32, #tpu.memory_space<hbm>> -> memref<2x128xi32, #tpu.memory_space<hbm>>
      %dma_start3A_1422 = arith.constant 0 : i32
      %dma_start3A_1423 = arith.constant 0 : i32
      %dma_start3A_1424 = tpu.memref_slice %arg8[%run_scoped3A_767, %run_scoped3A_768, %dma_start3A_1422, %dma_start3A_1423] : memref<3x4x2x128xi32, #tpu.memory_space<vmem>> -> memref<1x1x2x128xi32, #tpu.memory_space<vmem>>
      %dma_start3A_1425 = tpu.memref_squeeze %dma_start3A_1424 : memref<1x1x2x128xi32, #tpu.memory_space<vmem>> -> memref<2x128xi32, #tpu.memory_space<vmem>>
      %dma_start3A_1426 = arith.constant 0 : i32
      %dma_start3A_1427 = tpu.memref_slice %arg2[%select_n3A, %add3A_765, %run_scoped3A_766, %dma_start3A_1426] : memref<4x64x4x128xi32, #tpu.memory_space<hbm>> -> memref<1x2x1x128xi32, #tpu.memory_space<hbm>>
      %dma_start3A_1428 = tpu.memref_squeeze %dma_start3A_1427 : memref<1x2x1x128xi32, #tpu.memory_space<hbm>> -> memref<2x128xi32, #tpu.memory_space<hbm>>
      tpu.enqueue_dma source(%dma_start3A_1428 : memref<2x128xi32, #tpu.memory_space<hbm>>) target(%dma_start3A_1425 : memref<2x128xi32, #tpu.memory_space<vmem>>) target_semaphore(%run_scoped3A_1414 : memref<!tpu.dma_semaphore, #tpu.memory_space<semaphore_mem>>)
      %dma_wait3A_1429 = arith.constant 0 : i32
      %dma_wait3A_1430 = arith.constant 0 : i32
      %dma_wait3A_1431 = tpu.memref_slice %arg8[%run_scoped3A_767, %run_scoped3A_768, %dma_wait3A_1429, %dma_wait3A_1430] : memref<3x4x2x128xi32, #tpu.memory_space<vmem>> -> memref<1x1x2x128xi32, #tpu.memory_space<vmem>>
      %dma_wait3A_1432 = tpu.memref_squeeze %dma_wait3A_1431 : memref<1x1x2x128xi32, #tpu.memory_space<vmem>> -> memref<2x128xi32, #tpu.memory_space<vmem>>
      %dma_wait3A_1433 = arith.constant 0 : i32
      %dma_wait3A_1434 = tpu.memref_slice %arg2[%select_n3A, %add3A_765, %run_scoped3A_766, %dma_wait3A_1433] : memref<4x64x4x128xi32, #tpu.memory_space<hbm>> -> memref<1x2x1x128xi32, #tpu.memory_space<hbm>>
      %dma_wait3A_1435 = tpu.memref_squeeze %dma_wait3A_1434 : memref<1x2x1x128xi32, #tpu.memory_space<hbm>> -> memref<2x128xi32, #tpu.memory_space<hbm>>
      %dma_wait3A_1436 = arith.constant 0 : i32
      %dma_wait3A_1437 = arith.constant 0 : i32
      %dma_wait3A_1438 = tpu.memref_slice %arg8[%run_scoped3A_767, %run_scoped3A_768, %dma_wait3A_1436, %dma_wait3A_1437] : memref<3x4x2x128xi32, #tpu.memory_space<vmem>> -> memref<1x1x2x128xi32, #tpu.memory_space<vmem>>
      %dma_wait3A_1439 = tpu.memref_squeeze %dma_wait3A_1438 : memref<1x1x2x128xi32, #tpu.memory_space<vmem>> -> memref<2x128xi32, #tpu.memory_space<vmem>>
      %dma_wait3A_1440 = arith.constant 0 : i32
      %dma_wait3A_1441 = tpu.memref_slice %arg2[%select_n3A, %add3A_765, %run_scoped3A_766, %dma_wait3A_1440] : memref<4x64x4x128xi32, #tpu.memory_space<hbm>> -> memref<1x2x1x128xi32, #tpu.memory_space<hbm>>
      %dma_wait3A_1442 = tpu.memref_squeeze %dma_wait3A_1441 : memref<1x2x1x128xi32, #tpu.memory_space<hbm>> -> memref<2x128xi32, #tpu.memory_space<hbm>>
      tpu.wait_dma2 semaphore(%run_scoped3A_1414 : memref<!tpu.dma_semaphore, #tpu.memory_space<semaphore_mem>>) src(%dma_wait3A_1442 : memref<2x128xi32, #tpu.memory_space<hbm>>) dst(%dma_wait3A_1439 : memref<2x128xi32, #tpu.memory_space<vmem>>)
      tpu.yield
    }) : () -> ()
    %run_scoped3A_769 = arith.constant 1 : i32
    %run_scoped3A_770 = arith.constant 0 : i32
    %run_scoped3A_771 = arith.constant 1 : i32
    "tpu.region"() ({
      %run_scoped3A_1414 = tpu.sem_alloc : memref<!tpu.dma_semaphore, #tpu.memory_space<semaphore_mem>>
      %dma_start3A_1415 = arith.constant 0 : i32
      %dma_start3A_1416 = arith.constant 0 : i32
      %dma_start3A_1417 = tpu.memref_slice %arg8[%run_scoped3A_770, %run_scoped3A_771, %dma_start3A_1415, %dma_start3A_1416] : memref<3x4x2x128xi32, #tpu.memory_space<vmem>> -> memref<1x1x2x128xi32, #tpu.memory_space<vmem>>
      %dma_start3A_1418 = tpu.memref_squeeze %dma_start3A_1417 : memref<1x1x2x128xi32, #tpu.memory_space<vmem>> -> memref<2x128xi32, #tpu.memory_space<vmem>>
      %dma_start3A_1419 = arith.constant 0 : i32
      %dma_start3A_1420 = tpu.memref_slice %arg2[%select_n3A, %add3A_765, %run_scoped3A_769, %dma_start3A_1419] : memref<4x64x4x128xi32, #tpu.memory_space<hbm>> -> memref<1x2x1x128xi32, #tpu.memory_space<hbm>>
      %dma_start3A_1421 = tpu.memref_squeeze %dma_start3A_1420 : memref<1x2x1x128xi32, #tpu.memory_space<hbm>> -> memref<2x128xi32, #tpu.memory_space<hbm>>
      %dma_start3A_1422 = arith.constant 0 : i32
      %dma_start3A_1423 = arith.constant 0 : i32
      %dma_start3A_1424 = tpu.memref_slice %arg8[%run_scoped3A_770, %run_scoped3A_771, %dma_start3A_1422, %dma_start3A_1423] : memref<3x4x2x128xi32, #tpu.memory_space<vmem>> -> memref<1x1x2x128xi32, #tpu.memory_space<vmem>>
      %dma_start3A_1425 = tpu.memref_squeeze %dma_start3A_1424 : memref<1x1x2x128xi32, #tpu.memory_space<vmem>> -> memref<2x128xi32, #tpu.memory_space<vmem>>
      %dma_start3A_1426 = arith.constant 0 : i32
      %dma_start3A_1427 = tpu.memref_slice %arg2[%select_n3A, %add3A_765, %run_scoped3A_769, %dma_start3A_1426] : memref<4x64x4x128xi32, #tpu.memory_space<hbm>> -> memref<1x2x1x128xi32, #tpu.memory_space<hbm>>
      %dma_start3A_1428 = tpu.memref_squeeze %dma_start3A_1427 : memref<1x2x1x128xi32, #tpu.memory_space<hbm>> -> memref<2x128xi32, #tpu.memory_space<hbm>>
      tpu.enqueue_dma source(%dma_start3A_1428 : memref<2x128xi32, #tpu.memory_space<hbm>>) target(%dma_start3A_1425 : memref<2x128xi32, #tpu.memory_space<vmem>>) target_semaphore(%run_scoped3A_1414 : memref<!tpu.dma_semaphore, #tpu.memory_space<semaphore_mem>>)
      %dma_wait3A_1429 = arith.constant 0 : i32
      %dma_wait3A_1430 = arith.constant 0 : i32
      %dma_wait3A_1431 = tpu.memref_slice %arg8[%run_scoped3A_770, %run_scoped3A_771, %dma_wait3A_1429, %dma_wait3A_1430] : memref<3x4x2x128xi32, #tpu.memory_space<vmem>> -> memref<1x1x2x128xi32, #tpu.memory_space<vmem>>
      %dma_wait3A_1432 = tpu.memref_squeeze %dma_wait3A_1431 : memref<1x1x2x128xi32, #tpu.memory_space<vmem>> -> memref<2x128xi32, #tpu.memory_space<vmem>>
      %dma_wait3A_1433 = arith.constant 0 : i32
      %dma_wait3A_1434 = tpu.memref_slice %arg2[%select_n3A, %add3A_765, %run_scoped3A_769, %dma_wait3A_1433] : memref<4x64x4x128xi32, #tpu.memory_space<hbm>> -> memref<1x2x1x128xi32, #tpu.memory_space<hbm>>
      %dma_wait3A_1435 = tpu.memref_squeeze %dma_wait3A_1434 : memref<1x2x1x128xi32, #tpu.memory_space<hbm>> -> memref<2x128xi32, #tpu.memory_space<hbm>>
      %dma_wait3A_1436 = arith.constant 0 : i32
      %dma_wait3A_1437 = arith.constant 0 : i32
      %dma_wait3A_1438 = tpu.memref_slice %arg8[%run_scoped3A_770, %run_scoped3A_771, %dma_wait3A_1436, %dma_wait3A_1437] : memref<3x4x2x128xi32, #tpu.memory_space<vmem>> -> memref<1x1x2x128xi32, #tpu.memory_space<vmem>>
      %dma_wait3A_1439 = tpu.memref_squeeze %dma_wait3A_1438 : memref<1x1x2x128xi32, #tpu.memory_space<vmem>> -> memref<2x128xi32, #tpu.memory_space<vmem>>
      %dma_wait3A_1440 = arith.constant 0 : i32
      %dma_wait3A_1441 = tpu.memref_slice %arg2[%select_n3A, %add3A_765, %run_scoped3A_769, %dma_wait3A_1440] : memref<4x64x4x128xi32, #tpu.memory_space<hbm>> -> memref<1x2x1x128xi32, #tpu.memory_space<hbm>>
      %dma_wait3A_1442 = tpu.memref_squeeze %dma_wait3A_1441 : memref<1x2x1x128xi32, #tpu.memory_space<hbm>> -> memref<2x128xi32, #tpu.memory_space<hbm>>
      tpu.wait_dma2 semaphore(%run_scoped3A_1414 : memref<!tpu.dma_semaphore, #tpu.memory_space<semaphore_mem>>) src(%dma_wait3A_1442 : memref<2x128xi32, #tpu.memory_space<hbm>>) dst(%dma_wait3A_1439 : memref<2x128xi32, #tpu.memory_space<vmem>>)
      tpu.yield
    }) : () -> ()
    %run_scoped3A_772 = arith.constant 2 : i32
    %run_scoped3A_773 = arith.constant 0 : i32
    %run_scoped3A_774 = arith.constant 2 : i32
    "tpu.region"() ({
      %run_scoped3A_1414 = tpu.sem_alloc : memref<!tpu.dma_semaphore, #tpu.memory_space<semaphore_mem>>
      %dma_start3A_1415 = arith.constant 0 : i32
      %dma_start3A_1416 = arith.constant 0 : i32
      %dma_start3A_1417 = tpu.memref_slice %arg8[%run_scoped3A_773, %run_scoped3A_774, %dma_start3A_1415, %dma_start3A_1416] : memref<3x4x2x128xi32, #tpu.memory_space<vmem>> -> memref<1x1x2x128xi32, #tpu.memory_space<vmem>>
      %dma_start3A_1418 = tpu.memref_squeeze %dma_start3A_1417 : memref<1x1x2x128xi32, #tpu.memory_space<vmem>> -> memref<2x128xi32, #tpu.memory_space<vmem>>
      %dma_start3A_1419 = arith.constant 0 : i32
      %dma_start3A_1420 = tpu.memref_slice %arg2[%select_n3A, %add3A_765, %run_scoped3A_772, %dma_start3A_1419] : memref<4x64x4x128xi32, #tpu.memory_space<hbm>> -> memref<1x2x1x128xi32, #tpu.memory_space<hbm>>
      %dma_start3A_1421 = tpu.memref_squeeze %dma_start3A_1420 : memref<1x2x1x128xi32, #tpu.memory_space<hbm>> -> memref<2x128xi32, #tpu.memory_space<hbm>>
      %dma_start3A_1422 = arith.constant 0 : i32
      %dma_start3A_1423 = arith.constant 0 : i32
      %dma_start3A_1424 = tpu.memref_slice %arg8[%run_scoped3A_773, %run_scoped3A_774, %dma_start3A_1422, %dma_start3A_1423] : memref<3x4x2x128xi32, #tpu.memory_space<vmem>> -> memref<1x1x2x128xi32, #tpu.memory_space<vmem>>
      %dma_start3A_1425 = tpu.memref_squeeze %dma_start3A_1424 : memref<1x1x2x128xi32, #tpu.memory_space<vmem>> -> memref<2x128xi32, #tpu.memory_space<vmem>>
      %dma_start3A_1426 = arith.constant 0 : i32
      %dma_start3A_1427 = tpu.memref_slice %arg2[%select_n3A, %add3A_765, %run_scoped3A_772, %dma_start3A_1426] : memref<4x64x4x128xi32, #tpu.memory_space<hbm>> -> memref<1x2x1x128xi32, #tpu.memory_space<hbm>>
      %dma_start3A_1428 = tpu.memref_squeeze %dma_start3A_1427 : memref<1x2x1x128xi32, #tpu.memory_space<hbm>> -> memref<2x128xi32, #tpu.memory_space<hbm>>
      tpu.enqueue_dma source(%dma_start3A_1428 : memref<2x128xi32, #tpu.memory_space<hbm>>) target(%dma_start3A_1425 : memref<2x128xi32, #tpu.memory_space<vmem>>) target_semaphore(%run_scoped3A_1414 : memref<!tpu.dma_semaphore, #tpu.memory_space<semaphore_mem>>)
      %dma_wait3A_1429 = arith.constant 0 : i32
      %dma_wait3A_1430 = arith.constant 0 : i32
      %dma_wait3A_1431 = tpu.memref_slice %arg8[%run_scoped3A_773, %run_scoped3A_774, %dma_wait3A_1429, %dma_wait3A_1430] : memref<3x4x2x128xi32, #tpu.memory_space<vmem>> -> memref<1x1x2x128xi32, #tpu.memory_space<vmem>>
      %dma_wait3A_1432 = tpu.memref_squeeze %dma_wait3A_1431 : memref<1x1x2x128xi32, #tpu.memory_space<vmem>> -> memref<2x128xi32, #tpu.memory_space<vmem>>
      %dma_wait3A_1433 = arith.constant 0 : i32
      %dma_wait3A_1434 = tpu.memref_slice %arg2[%select_n3A, %add3A_765, %run_scoped3A_772, %dma_wait3A_1433] : memref<4x64x4x128xi32, #tpu.memory_space<hbm>> -> memref<1x2x1x128xi32, #tpu.memory_space<hbm>>
      %dma_wait3A_1435 = tpu.memref_squeeze %dma_wait3A_1434 : memref<1x2x1x128xi32, #tpu.memory_space<hbm>> -> memref<2x128xi32, #tpu.memory_space<hbm>>
      %dma_wait3A_1436 = arith.constant 0 : i32
      %dma_wait3A_1437 = arith.constant 0 : i32
      %dma_wait3A_1438 = tpu.memref_slice %arg8[%run_scoped3A_773, %run_scoped3A_774, %dma_wait3A_1436, %dma_wait3A_1437] : memref<3x4x2x128xi32, #tpu.memory_space<vmem>> -> memref<1x1x2x128xi32, #tpu.memory_space<vmem>>
      %dma_wait3A_1439 = tpu.memref_squeeze %dma_wait3A_1438 : memref<1x1x2x128xi32, #tpu.memory_space<vmem>> -> memref<2x128xi32, #tpu.memory_space<vmem>>
      %dma_wait3A_1440 = arith.constant 0 : i32
      %dma_wait3A_1441 = tpu.memref_slice %arg2[%select_n3A, %add3A_765, %run_scoped3A_772, %dma_wait3A_1440] : memref<4x64x4x128xi32, #tpu.memory_space<hbm>> -> memref<1x2x1x128xi32, #tpu.memory_space<hbm>>
      %dma_wait3A_1442 = tpu.memref_squeeze %dma_wait3A_1441 : memref<1x2x1x128xi32, #tpu.memory_space<hbm>> -> memref<2x128xi32, #tpu.memory_space<hbm>>
      tpu.wait_dma2 semaphore(%run_scoped3A_1414 : memref<!tpu.dma_semaphore, #tpu.memory_space<semaphore_mem>>) src(%dma_wait3A_1442 : memref<2x128xi32, #tpu.memory_space<hbm>>) dst(%dma_wait3A_1439 : memref<2x128xi32, #tpu.memory_space<vmem>>)
      tpu.yield
    }) : () -> ()
    %run_scoped3A_775 = arith.constant 3 : i32
    %run_scoped3A_776 = arith.constant 0 : i32
    %run_scoped3A_777 = arith.constant 3 : i32
    "tpu.region"() ({
      %run_scoped3A_1414 = tpu.sem_alloc : memref<!tpu.dma_semaphore, #tpu.memory_space<semaphore_mem>>
      %dma_start3A_1415 = arith.constant 0 : i32
      %dma_start3A_1416 = arith.constant 0 : i32
      %dma_start3A_1417 = tpu.memref_slice %arg8[%run_scoped3A_776, %run_scoped3A_777, %dma_start3A_1415, %dma_start3A_1416] : memref<3x4x2x128xi32, #tpu.memory_space<vmem>> -> memref<1x1x2x128xi32, #tpu.memory_space<vmem>>
      %dma_start3A_1418 = tpu.memref_squeeze %dma_start3A_1417 : memref<1x1x2x128xi32, #tpu.memory_space<vmem>> -> memref<2x128xi32, #tpu.memory_space<vmem>>
      %dma_start3A_1419 = arith.constant 0 : i32
      %dma_start3A_1420 = tpu.memref_slice %arg2[%select_n3A, %add3A_765, %run_scoped3A_775, %dma_start3A_1419] : memref<4x64x4x128xi32, #tpu.memory_space<hbm>> -> memref<1x2x1x128xi32, #tpu.memory_space<hbm>>
      %dma_start3A_1421 = tpu.memref_squeeze %dma_start3A_1420 : memref<1x2x1x128xi32, #tpu.memory_space<hbm>> -> memref<2x128xi32, #tpu.memory_space<hbm>>
      %dma_start3A_1422 = arith.constant 0 : i32
      %dma_start3A_1423 = arith.constant 0 : i32
      %dma_start3A_1424 = tpu.memref_slice %arg8[%run_scoped3A_776, %run_scoped3A_777, %dma_start3A_1422, %dma_start3A_1423] : memref<3x4x2x128xi32, #tpu.memory_space<vmem>> -> memref<1x1x2x128xi32, #tpu.memory_space<vmem>>
      %dma_start3A_1425 = tpu.memref_squeeze %dma_start3A_1424 : memref<1x1x2x128xi32, #tpu.memory_space<vmem>> -> memref<2x128xi32, #tpu.memory_space<vmem>>
      %dma_start3A_1426 = arith.constant 0 : i32
      %dma_start3A_1427 = tpu.memref_slice %arg2[%select_n3A, %add3A_765, %run_scoped3A_775, %dma_start3A_1426] : memref<4x64x4x128xi32, #tpu.memory_space<hbm>> -> memref<1x2x1x128xi32, #tpu.memory_space<hbm>>
      %dma_start3A_1428 = tpu.memref_squeeze %dma_start3A_1427 : memref<1x2x1x128xi32, #tpu.memory_space<hbm>> -> memref<2x128xi32, #tpu.memory_space<hbm>>
      tpu.enqueue_dma source(%dma_start3A_1428 : memref<2x128xi32, #tpu.memory_space<hbm>>) target(%dma_start3A_1425 : memref<2x128xi32, #tpu.memory_space<vmem>>) target_semaphore(%run_scoped3A_1414 : memref<!tpu.dma_semaphore, #tpu.memory_space<semaphore_mem>>)
      %dma_wait3A_1429 = arith.constant 0 : i32
      %dma_wait3A_1430 = arith.constant 0 : i32
      %dma_wait3A_1431 = tpu.memref_slice %arg8[%run_scoped3A_776, %run_scoped3A_777, %dma_wait3A_1429, %dma_wait3A_1430] : memref<3x4x2x128xi32, #tpu.memory_space<vmem>> -> memref<1x1x2x128xi32, #tpu.memory_space<vmem>>
      %dma_wait3A_1432 = tpu.memref_squeeze %dma_wait3A_1431 : memref<1x1x2x128xi32, #tpu.memory_space<vmem>> -> memref<2x128xi32, #tpu.memory_space<vmem>>
      %dma_wait3A_1433 = arith.constant 0 : i32
      %dma_wait3A_1434 = tpu.memref_slice %arg2[%select_n3A, %add3A_765, %run_scoped3A_775, %dma_wait3A_1433] : memref<4x64x4x128xi32, #tpu.memory_space<hbm>> -> memref<1x2x1x128xi32, #tpu.memory_space<hbm>>
      %dma_wait3A_1435 = tpu.memref_squeeze %dma_wait3A_1434 : memref<1x2x1x128xi32, #tpu.memory_space<hbm>> -> memref<2x128xi32, #tpu.memory_space<hbm>>
      %dma_wait3A_1436 = arith.constant 0 : i32
      %dma_wait3A_1437 = arith.constant 0 : i32
      %dma_wait3A_1438 = tpu.memref_slice %arg8[%run_scoped3A_776, %run_scoped3A_777, %dma_wait3A_1436, %dma_wait3A_1437] : memref<3x4x2x128xi32, #tpu.memory_space<vmem>> -> memref<1x1x2x128xi32, #tpu.memory_space<vmem>>
      %dma_wait3A_1439 = tpu.memref_squeeze %dma_wait3A_1438 : memref<1x1x2x128xi32, #tpu.memory_space<vmem>> -> memref<2x128xi32, #tpu.memory_space<vmem>>
      %dma_wait3A_1440 = arith.constant 0 : i32
      %dma_wait3A_1441 = tpu.memref_slice %arg2[%select_n3A, %add3A_765, %run_scoped3A_775, %dma_wait3A_1440] : memref<4x64x4x128xi32, #tpu.memory_space<hbm>> -> memref<1x2x1x128xi32, #tpu.memory_space<hbm>>
      %dma_wait3A_1442 = tpu.memref_squeeze %dma_wait3A_1441 : memref<1x2x1x128xi32, #tpu.memory_space<hbm>> -> memref<2x128xi32, #tpu.memory_space<hbm>>
      tpu.wait_dma2 semaphore(%run_scoped3A_1414 : memref<!tpu.dma_semaphore, #tpu.memory_space<semaphore_mem>>) src(%dma_wait3A_1442 : memref<2x128xi32, #tpu.memory_space<hbm>>) dst(%dma_wait3A_1439 : memref<2x128xi32, #tpu.memory_space<vmem>>)
      tpu.yield
    }) : () -> ()
    %dma_start3A_778 = arith.constant 0 : i32
    %dma_start3A_779 = arith.constant 0 : i32
    %dma_start3A_780 = arith.constant 0 : i32
    %dma_start3A_781 = arith.constant 0 : i32
    %dma_start3A_782 = arith.constant 0 : i32
    %dma_start3A_783 = arith.constant 0 : i32
    %dma_start3A_784 = arith.constant 0 : i32
    %dma_start3A_785 = arith.constant 0 : i32
    %dma_start3A_786 = tpu.memref_slice %arg9[%dma_start3A_781, %dma_start3A_782, %dma_start3A_784, %dma_start3A_785] : memref<3x4x256x32xf32, #tpu.memory_space<vmem>> -> memref<1x1x128x32xf32, #tpu.memory_space<vmem>>
    %dma_start3A_787 = tpu.memref_squeeze %dma_start3A_786 : memref<1x1x128x32xf32, #tpu.memory_space<vmem>> -> memref<128x32xf32, #tpu.memory_space<vmem>>
    %dma_start3A_788 = arith.constant 0 : i32
    %dma_start3A_789 = tpu.memref_slice %arg8[%dma_start3A_778, %dma_start3A_779, %dma_start3A_780, %dma_start3A_788] : memref<3x4x2x128xi32, #tpu.memory_space<vmem>> -> memref<1x1x1x128xi32, #tpu.memory_space<vmem>>
    %dma_start3A_790 = tpu.memref_squeeze %dma_start3A_789 : memref<1x1x1x128xi32, #tpu.memory_space<vmem>> -> memref<128xi32, #tpu.memory_space<vmem>>
    %dma_start3A_791 = arith.constant 0 : i32
    %dma_start3A_792 = arith.constant 0 : i32
    %dma_start3A_793 = tpu.memref_slice %arg3[%dma_start3A_791, %dma_start3A_792] : memref<4096x32xf32, #tpu.memory_space<hbm>> -> memref<4096x32xf32, #tpu.memory_space<hbm>>
    %dma_start3A_794 = tpu.memref_slice %arg10[%dma_start3A_783] : memref<3x!tpu.dma_semaphore, #tpu.memory_space<semaphore_mem>> -> memref<1x!tpu.dma_semaphore, #tpu.memory_space<semaphore_mem>>
    %dma_start3A_795 = tpu.memref_squeeze %dma_start3A_794 : memref<1x!tpu.dma_semaphore, #tpu.memory_space<semaphore_mem>> -> memref<!tpu.dma_semaphore, #tpu.memory_space<semaphore_mem>>
    tpu.enqueue_indirect_dma source(%dma_start3A_793 : memref<4096x32xf32, #tpu.memory_space<hbm>>) target(%dma_start3A_787 : memref<128x32xf32, #tpu.memory_space<vmem>>) offsets(%dma_start3A_790 : memref<128xi32, #tpu.memory_space<vmem>>) semaphore(%dma_start3A_795 : memref<!tpu.dma_semaphore, #tpu.memory_space<semaphore_mem>>)
    %dma_start3A_796 = arith.constant 0 : i32
    %dma_start3A_797 = arith.constant 0 : i32
    %dma_start3A_798 = arith.constant 1 : i32
    %dma_start3A_799 = arith.constant 0 : i32
    %dma_start3A_800 = arith.constant 0 : i32
    %dma_start3A_801 = arith.constant 0 : i32
    %dma_start3A_802 = arith.constant 128 : i32
    %dma_start3A_803 = arith.constant 0 : i32
    %dma_start3A_804 = tpu.memref_slice %arg9[%dma_start3A_799, %dma_start3A_800, %dma_start3A_802, %dma_start3A_803] : memref<3x4x256x32xf32, #tpu.memory_space<vmem>> -> memref<1x1x128x32xf32, #tpu.memory_space<vmem>>
    %dma_start3A_805 = tpu.memref_squeeze %dma_start3A_804 : memref<1x1x128x32xf32, #tpu.memory_space<vmem>> -> memref<128x32xf32, #tpu.memory_space<vmem>>
    %dma_start3A_806 = arith.constant 0 : i32
    %dma_start3A_807 = tpu.memref_slice %arg8[%dma_start3A_796, %dma_start3A_797, %dma_start3A_798, %dma_start3A_806] : memref<3x4x2x128xi32, #tpu.memory_space<vmem>> -> memref<1x1x1x128xi32, #tpu.memory_space<vmem>>
    %dma_start3A_808 = tpu.memref_squeeze %dma_start3A_807 : memref<1x1x1x128xi32, #tpu.memory_space<vmem>> -> memref<128xi32, #tpu.memory_space<vmem>>
    %dma_start3A_809 = arith.constant 0 : i32
    %dma_start3A_810 = arith.constant 0 : i32
    %dma_start3A_811 = tpu.memref_slice %arg3[%dma_start3A_809, %dma_start3A_810] : memref<4096x32xf32, #tpu.memory_space<hbm>> -> memref<4096x32xf32, #tpu.memory_space<hbm>>
    %dma_start3A_812 = tpu.memref_slice %arg10[%dma_start3A_801] : memref<3x!tpu.dma_semaphore, #tpu.memory_space<semaphore_mem>> -> memref<1x!tpu.dma_semaphore, #tpu.memory_space<semaphore_mem>>
    %dma_start3A_813 = tpu.memref_squeeze %dma_start3A_812 : memref<1x!tpu.dma_semaphore, #tpu.memory_space<semaphore_mem>> -> memref<!tpu.dma_semaphore, #tpu.memory_space<semaphore_mem>>
    tpu.enqueue_indirect_dma source(%dma_start3A_811 : memref<4096x32xf32, #tpu.memory_space<hbm>>) target(%dma_start3A_805 : memref<128x32xf32, #tpu.memory_space<vmem>>) offsets(%dma_start3A_808 : memref<128xi32, #tpu.memory_space<vmem>>) semaphore(%dma_start3A_813 : memref<!tpu.dma_semaphore, #tpu.memory_space<semaphore_mem>>)
    %dma_start3A_814 = arith.constant 0 : i32
    %dma_start3A_815 = arith.constant 1 : i32
    %dma_start3A_816 = arith.constant 0 : i32
    %dma_start3A_817 = arith.constant 0 : i32
    %dma_start3A_818 = arith.constant 1 : i32
    %dma_start3A_819 = arith.constant 0 : i32
    %dma_start3A_820 = arith.constant 0 : i32
    %dma_start3A_821 = arith.constant 0 : i32
    %dma_start3A_822 = tpu.memref_slice %arg9[%dma_start3A_817, %dma_start3A_818, %dma_start3A_820, %dma_start3A_821] : memref<3x4x256x32xf32, #tpu.memory_space<vmem>> -> memref<1x1x128x32xf32, #tpu.memory_space<vmem>>
    %dma_start3A_823 = tpu.memref_squeeze %dma_start3A_822 : memref<1x1x128x32xf32, #tpu.memory_space<vmem>> -> memref<128x32xf32, #tpu.memory_space<vmem>>
    %dma_start3A_824 = arith.constant 0 : i32
    %dma_start3A_825 = tpu.memref_slice %arg8[%dma_start3A_814, %dma_start3A_815, %dma_start3A_816, %dma_start3A_824] : memref<3x4x2x128xi32, #tpu.memory_space<vmem>> -> memref<1x1x1x128xi32, #tpu.memory_space<vmem>>
    %dma_start3A_826 = tpu.memref_squeeze %dma_start3A_825 : memref<1x1x1x128xi32, #tpu.memory_space<vmem>> -> memref<128xi32, #tpu.memory_space<vmem>>
    %dma_start3A_827 = arith.constant 0 : i32
    %dma_start3A_828 = arith.constant 0 : i32
    %dma_start3A_829 = tpu.memref_slice %arg4[%dma_start3A_827, %dma_start3A_828] : memref<4096x32xf32, #tpu.memory_space<hbm>> -> memref<4096x32xf32, #tpu.memory_space<hbm>>
    %dma_start3A_830 = tpu.memref_slice %arg10[%dma_start3A_819] : memref<3x!tpu.dma_semaphore, #tpu.memory_space<semaphore_mem>> -> memref<1x!tpu.dma_semaphore, #tpu.memory_space<semaphore_mem>>
    %dma_start3A_831 = tpu.memref_squeeze %dma_start3A_830 : memref<1x!tpu.dma_semaphore, #tpu.memory_space<semaphore_mem>> -> memref<!tpu.dma_semaphore, #tpu.memory_space<semaphore_mem>>
    tpu.enqueue_indirect_dma source(%dma_start3A_829 : memref<4096x32xf32, #tpu.memory_space<hbm>>) target(%dma_start3A_823 : memref<128x32xf32, #tpu.memory_space<vmem>>) offsets(%dma_start3A_826 : memref<128xi32, #tpu.memory_space<vmem>>) semaphore(%dma_start3A_831 : memref<!tpu.dma_semaphore, #tpu.memory_space<semaphore_mem>>)
    %dma_start3A_832 = arith.constant 0 : i32
    %dma_start3A_833 = arith.constant 1 : i32
    %dma_start3A_834 = arith.constant 1 : i32
    %dma_start3A_835 = arith.constant 0 : i32
    %dma_start3A_836 = arith.constant 1 : i32
    %dma_start3A_837 = arith.constant 0 : i32
    %dma_start3A_838 = arith.constant 128 : i32
    %dma_start3A_839 = arith.constant 0 : i32
    %dma_start3A_840 = tpu.memref_slice %arg9[%dma_start3A_835, %dma_start3A_836, %dma_start3A_838, %dma_start3A_839] : memref<3x4x256x32xf32, #tpu.memory_space<vmem>> -> memref<1x1x128x32xf32, #tpu.memory_space<vmem>>
    %dma_start3A_841 = tpu.memref_squeeze %dma_start3A_840 : memref<1x1x128x32xf32, #tpu.memory_space<vmem>> -> memref<128x32xf32, #tpu.memory_space<vmem>>
    %dma_start3A_842 = arith.constant 0 : i32
    %dma_start3A_843 = tpu.memref_slice %arg8[%dma_start3A_832, %dma_start3A_833, %dma_start3A_834, %dma_start3A_842] : memref<3x4x2x128xi32, #tpu.memory_space<vmem>> -> memref<1x1x1x128xi32, #tpu.memory_space<vmem>>
    %dma_start3A_844 = tpu.memref_squeeze %dma_start3A_843 : memref<1x1x1x128xi32, #tpu.memory_space<vmem>> -> memref<128xi32, #tpu.memory_space<vmem>>
    %dma_start3A_845 = arith.constant 0 : i32
    %dma_start3A_846 = arith.constant 0 : i32
    %dma_start3A_847 = tpu.memref_slice %arg4[%dma_start3A_845, %dma_start3A_846] : memref<4096x32xf32, #tpu.memory_space<hbm>> -> memref<4096x32xf32, #tpu.memory_space<hbm>>
    %dma_start3A_848 = tpu.memref_slice %arg10[%dma_start3A_837] : memref<3x!tpu.dma_semaphore, #tpu.memory_space<semaphore_mem>> -> memref<1x!tpu.dma_semaphore, #tpu.memory_space<semaphore_mem>>
    %dma_start3A_849 = tpu.memref_squeeze %dma_start3A_848 : memref<1x!tpu.dma_semaphore, #tpu.memory_space<semaphore_mem>> -> memref<!tpu.dma_semaphore, #tpu.memory_space<semaphore_mem>>
    tpu.enqueue_indirect_dma source(%dma_start3A_847 : memref<4096x32xf32, #tpu.memory_space<hbm>>) target(%dma_start3A_841 : memref<128x32xf32, #tpu.memory_space<vmem>>) offsets(%dma_start3A_844 : memref<128xi32, #tpu.memory_space<vmem>>) semaphore(%dma_start3A_849 : memref<!tpu.dma_semaphore, #tpu.memory_space<semaphore_mem>>)
    %dma_start3A_850 = arith.constant 0 : i32
    %dma_start3A_851 = arith.constant 2 : i32
    %dma_start3A_852 = arith.constant 0 : i32
    %dma_start3A_853 = arith.constant 0 : i32
    %dma_start3A_854 = arith.constant 2 : i32
    %dma_start3A_855 = arith.constant 0 : i32
    %dma_start3A_856 = arith.constant 0 : i32
    %dma_start3A_857 = arith.constant 0 : i32
    %dma_start3A_858 = tpu.memref_slice %arg9[%dma_start3A_853, %dma_start3A_854, %dma_start3A_856, %dma_start3A_857] : memref<3x4x256x32xf32, #tpu.memory_space<vmem>> -> memref<1x1x128x32xf32, #tpu.memory_space<vmem>>
    %dma_start3A_859 = tpu.memref_squeeze %dma_start3A_858 : memref<1x1x128x32xf32, #tpu.memory_space<vmem>> -> memref<128x32xf32, #tpu.memory_space<vmem>>
    %dma_start3A_860 = arith.constant 0 : i32
    %dma_start3A_861 = tpu.memref_slice %arg8[%dma_start3A_850, %dma_start3A_851, %dma_start3A_852, %dma_start3A_860] : memref<3x4x2x128xi32, #tpu.memory_space<vmem>> -> memref<1x1x1x128xi32, #tpu.memory_space<vmem>>
    %dma_start3A_862 = tpu.memref_squeeze %dma_start3A_861 : memref<1x1x1x128xi32, #tpu.memory_space<vmem>> -> memref<128xi32, #tpu.memory_space<vmem>>
    %dma_start3A_863 = arith.constant 0 : i32
    %dma_start3A_864 = arith.constant 0 : i32
    %dma_start3A_865 = tpu.memref_slice %arg5[%dma_start3A_863, %dma_start3A_864] : memref<4096x32xf32, #tpu.memory_space<hbm>> -> memref<4096x32xf32, #tpu.memory_space<hbm>>
    %dma_start3A_866 = tpu.memref_slice %arg10[%dma_start3A_855] : memref<3x!tpu.dma_semaphore, #tpu.memory_space<semaphore_mem>> -> memref<1x!tpu.dma_semaphore, #tpu.memory_space<semaphore_mem>>
    %dma_start3A_867 = tpu.memref_squeeze %dma_start3A_866 : memref<1x!tpu.dma_semaphore, #tpu.memory_space<semaphore_mem>> -> memref<!tpu.dma_semaphore, #tpu.memory_space<semaphore_mem>>
    tpu.enqueue_indirect_dma source(%dma_start3A_865 : memref<4096x32xf32, #tpu.memory_space<hbm>>) target(%dma_start3A_859 : memref<128x32xf32, #tpu.memory_space<vmem>>) offsets(%dma_start3A_862 : memref<128xi32, #tpu.memory_space<vmem>>) semaphore(%dma_start3A_867 : memref<!tpu.dma_semaphore, #tpu.memory_space<semaphore_mem>>)
    %dma_start3A_868 = arith.constant 0 : i32
    %dma_start3A_869 = arith.constant 2 : i32
    %dma_start3A_870 = arith.constant 1 : i32
    %dma_start3A_871 = arith.constant 0 : i32
    %dma_start3A_872 = arith.constant 2 : i32
    %dma_start3A_873 = arith.constant 0 : i32
    %dma_start3A_874 = arith.constant 128 : i32
    %dma_start3A_875 = arith.constant 0 : i32
    %dma_start3A_876 = tpu.memref_slice %arg9[%dma_start3A_871, %dma_start3A_872, %dma_start3A_874, %dma_start3A_875] : memref<3x4x256x32xf32, #tpu.memory_space<vmem>> -> memref<1x1x128x32xf32, #tpu.memory_space<vmem>>
    %dma_start3A_877 = tpu.memref_squeeze %dma_start3A_876 : memref<1x1x128x32xf32, #tpu.memory_space<vmem>> -> memref<128x32xf32, #tpu.memory_space<vmem>>
    %dma_start3A_878 = arith.constant 0 : i32
    %dma_start3A_879 = tpu.memref_slice %arg8[%dma_start3A_868, %dma_start3A_869, %dma_start3A_870, %dma_start3A_878] : memref<3x4x2x128xi32, #tpu.memory_space<vmem>> -> memref<1x1x1x128xi32, #tpu.memory_space<vmem>>
    %dma_start3A_880 = tpu.memref_squeeze %dma_start3A_879 : memref<1x1x1x128xi32, #tpu.memory_space<vmem>> -> memref<128xi32, #tpu.memory_space<vmem>>
    %dma_start3A_881 = arith.constant 0 : i32
    %dma_start3A_882 = arith.constant 0 : i32
    %dma_start3A_883 = tpu.memref_slice %arg5[%dma_start3A_881, %dma_start3A_882] : memref<4096x32xf32, #tpu.memory_space<hbm>> -> memref<4096x32xf32, #tpu.memory_space<hbm>>
    %dma_start3A_884 = tpu.memref_slice %arg10[%dma_start3A_873] : memref<3x!tpu.dma_semaphore, #tpu.memory_space<semaphore_mem>> -> memref<1x!tpu.dma_semaphore, #tpu.memory_space<semaphore_mem>>
    %dma_start3A_885 = tpu.memref_squeeze %dma_start3A_884 : memref<1x!tpu.dma_semaphore, #tpu.memory_space<semaphore_mem>> -> memref<!tpu.dma_semaphore, #tpu.memory_space<semaphore_mem>>
    tpu.enqueue_indirect_dma source(%dma_start3A_883 : memref<4096x32xf32, #tpu.memory_space<hbm>>) target(%dma_start3A_877 : memref<128x32xf32, #tpu.memory_space<vmem>>) offsets(%dma_start3A_880 : memref<128xi32, #tpu.memory_space<vmem>>) semaphore(%dma_start3A_885 : memref<!tpu.dma_semaphore, #tpu.memory_space<semaphore_mem>>)
    %dma_start3A_886 = arith.constant 0 : i32
    %dma_start3A_887 = arith.constant 3 : i32
    %dma_start3A_888 = arith.constant 0 : i32
    %dma_start3A_889 = arith.constant 0 : i32
    %dma_start3A_890 = arith.constant 3 : i32
    %dma_start3A_891 = arith.constant 0 : i32
    %dma_start3A_892 = arith.constant 0 : i32
    %dma_start3A_893 = arith.constant 0 : i32
    %dma_start3A_894 = tpu.memref_slice %arg9[%dma_start3A_889, %dma_start3A_890, %dma_start3A_892, %dma_start3A_893] : memref<3x4x256x32xf32, #tpu.memory_space<vmem>> -> memref<1x1x128x32xf32, #tpu.memory_space<vmem>>
    %dma_start3A_895 = tpu.memref_squeeze %dma_start3A_894 : memref<1x1x128x32xf32, #tpu.memory_space<vmem>> -> memref<128x32xf32, #tpu.memory_space<vmem>>
    %dma_start3A_896 = arith.constant 0 : i32
    %dma_start3A_897 = tpu.memref_slice %arg8[%dma_start3A_886, %dma_start3A_887, %dma_start3A_888, %dma_start3A_896] : memref<3x4x2x128xi32, #tpu.memory_space<vmem>> -> memref<1x1x1x128xi32, #tpu.memory_space<vmem>>
    %dma_start3A_898 = tpu.memref_squeeze %dma_start3A_897 : memref<1x1x1x128xi32, #tpu.memory_space<vmem>> -> memref<128xi32, #tpu.memory_space<vmem>>
    %dma_start3A_899 = arith.constant 0 : i32
    %dma_start3A_900 = arith.constant 0 : i32
    %dma_start3A_901 = tpu.memref_slice %arg6[%dma_start3A_899, %dma_start3A_900] : memref<4096x32xf32, #tpu.memory_space<hbm>> -> memref<4096x32xf32, #tpu.memory_space<hbm>>
    %dma_start3A_902 = tpu.memref_slice %arg10[%dma_start3A_891] : memref<3x!tpu.dma_semaphore, #tpu.memory_space<semaphore_mem>> -> memref<1x!tpu.dma_semaphore, #tpu.memory_space<semaphore_mem>>
    %dma_start3A_903 = tpu.memref_squeeze %dma_start3A_902 : memref<1x!tpu.dma_semaphore, #tpu.memory_space<semaphore_mem>> -> memref<!tpu.dma_semaphore, #tpu.memory_space<semaphore_mem>>
    tpu.enqueue_indirect_dma source(%dma_start3A_901 : memref<4096x32xf32, #tpu.memory_space<hbm>>) target(%dma_start3A_895 : memref<128x32xf32, #tpu.memory_space<vmem>>) offsets(%dma_start3A_898 : memref<128xi32, #tpu.memory_space<vmem>>) semaphore(%dma_start3A_903 : memref<!tpu.dma_semaphore, #tpu.memory_space<semaphore_mem>>)
    %dma_start3A_904 = arith.constant 0 : i32
    %dma_start3A_905 = arith.constant 3 : i32
    %dma_start3A_906 = arith.constant 1 : i32
    %dma_start3A_907 = arith.constant 0 : i32
    %dma_start3A_908 = arith.constant 3 : i32
    %dma_start3A_909 = arith.constant 0 : i32
    %dma_start3A_910 = arith.constant 128 : i32
    %dma_start3A_911 = arith.constant 0 : i32
    %dma_start3A_912 = tpu.memref_slice %arg9[%dma_start3A_907, %dma_start3A_908, %dma_start3A_910, %dma_start3A_911] : memref<3x4x256x32xf32, #tpu.memory_space<vmem>> -> memref<1x1x128x32xf32, #tpu.memory_space<vmem>>
    %dma_start3A_913 = tpu.memref_squeeze %dma_start3A_912 : memref<1x1x128x32xf32, #tpu.memory_space<vmem>> -> memref<128x32xf32, #tpu.memory_space<vmem>>
    %dma_start3A_914 = arith.constant 0 : i32
    %dma_start3A_915 = tpu.memref_slice %arg8[%dma_start3A_904, %dma_start3A_905, %dma_start3A_906, %dma_start3A_914] : memref<3x4x2x128xi32, #tpu.memory_space<vmem>> -> memref<1x1x1x128xi32, #tpu.memory_space<vmem>>
    %dma_start3A_916 = tpu.memref_squeeze %dma_start3A_915 : memref<1x1x1x128xi32, #tpu.memory_space<vmem>> -> memref<128xi32, #tpu.memory_space<vmem>>
    %dma_start3A_917 = arith.constant 0 : i32
    %dma_start3A_918 = arith.constant 0 : i32
    %dma_start3A_919 = tpu.memref_slice %arg6[%dma_start3A_917, %dma_start3A_918] : memref<4096x32xf32, #tpu.memory_space<hbm>> -> memref<4096x32xf32, #tpu.memory_space<hbm>>
    %dma_start3A_920 = tpu.memref_slice %arg10[%dma_start3A_909] : memref<3x!tpu.dma_semaphore, #tpu.memory_space<semaphore_mem>> -> memref<1x!tpu.dma_semaphore, #tpu.memory_space<semaphore_mem>>
    %dma_start3A_921 = tpu.memref_squeeze %dma_start3A_920 : memref<1x!tpu.dma_semaphore, #tpu.memory_space<semaphore_mem>> -> memref<!tpu.dma_semaphore, #tpu.memory_space<semaphore_mem>>
    tpu.enqueue_indirect_dma source(%dma_start3A_919 : memref<4096x32xf32, #tpu.memory_space<hbm>>) target(%dma_start3A_913 : memref<128x32xf32, #tpu.memory_space<vmem>>) offsets(%dma_start3A_916 : memref<128xi32, #tpu.memory_space<vmem>>) semaphore(%dma_start3A_921 : memref<!tpu.dma_semaphore, #tpu.memory_space<semaphore_mem>>)
    %dma_wait3A_922 = arith.constant 1 : i32
    %dma_wait3A_923 = arith.constant 0 : i32
    %dma_wait3A_924 = arith.constant 0 : i32
    %dma_wait3A_925 = arith.constant 1 : i32
    %dma_wait3A_926 = arith.constant 0 : i32
    %dma_wait3A_927 = arith.constant 1 : i32
    %dma_wait3A_928 = arith.constant 0 : i32
    %dma_wait3A_929 = arith.constant 0 : i32
    %dma_wait3A_930 = tpu.memref_slice %arg9[%dma_wait3A_925, %dma_wait3A_926, %dma_wait3A_928, %dma_wait3A_929] : memref<3x4x256x32xf32, #tpu.memory_space<vmem>> -> memref<1x1x128x32xf32, #tpu.memory_space<vmem>>
    %dma_wait3A_931 = tpu.memref_squeeze %dma_wait3A_930 : memref<1x1x128x32xf32, #tpu.memory_space<vmem>> -> memref<128x32xf32, #tpu.memory_space<vmem>>
    %dma_wait3A_932 = arith.constant 0 : i32
    %dma_wait3A_933 = tpu.memref_slice %arg8[%dma_wait3A_922, %dma_wait3A_923, %dma_wait3A_924, %dma_wait3A_932] : memref<3x4x2x128xi32, #tpu.memory_space<vmem>> -> memref<1x1x1x128xi32, #tpu.memory_space<vmem>>
    %dma_wait3A_934 = tpu.memref_squeeze %dma_wait3A_933 : memref<1x1x1x128xi32, #tpu.memory_space<vmem>> -> memref<128xi32, #tpu.memory_space<vmem>>
    %dma_wait3A_935 = arith.constant 0 : i32
    %dma_wait3A_936 = arith.constant 0 : i32
    %dma_wait3A_937 = tpu.memref_slice %arg3[%dma_wait3A_935, %dma_wait3A_936] : memref<4096x32xf32, #tpu.memory_space<hbm>> -> memref<4096x32xf32, #tpu.memory_space<hbm>>
    %dma_wait3A_938 = tpu.memref_slice %arg10[%dma_wait3A_927] : memref<3x!tpu.dma_semaphore, #tpu.memory_space<semaphore_mem>> -> memref<1x!tpu.dma_semaphore, #tpu.memory_space<semaphore_mem>>
    %dma_wait3A_939 = tpu.memref_squeeze %dma_wait3A_938 : memref<1x!tpu.dma_semaphore, #tpu.memory_space<semaphore_mem>> -> memref<!tpu.dma_semaphore, #tpu.memory_space<semaphore_mem>>
    tpu.wait_indirect_dma semaphore(%dma_wait3A_939 : memref<!tpu.dma_semaphore, #tpu.memory_space<semaphore_mem>>) src(%dma_wait3A_937 : memref<4096x32xf32, #tpu.memory_space<hbm>>) dst(%dma_wait3A_931 : memref<128x32xf32, #tpu.memory_space<vmem>>)
    %dma_wait3A_940 = arith.constant 1 : i32
    %dma_wait3A_941 = arith.constant 0 : i32
    %dma_wait3A_942 = arith.constant 1 : i32
    %dma_wait3A_943 = arith.constant 1 : i32
    %dma_wait3A_944 = arith.constant 0 : i32
    %dma_wait3A_945 = arith.constant 1 : i32
    %dma_wait3A_946 = arith.constant 128 : i32
    %dma_wait3A_947 = arith.constant 0 : i32
    %dma_wait3A_948 = tpu.memref_slice %arg9[%dma_wait3A_943, %dma_wait3A_944, %dma_wait3A_946, %dma_wait3A_947] : memref<3x4x256x32xf32, #tpu.memory_space<vmem>> -> memref<1x1x128x32xf32, #tpu.memory_space<vmem>>
    %dma_wait3A_949 = tpu.memref_squeeze %dma_wait3A_948 : memref<1x1x128x32xf32, #tpu.memory_space<vmem>> -> memref<128x32xf32, #tpu.memory_space<vmem>>
    %dma_wait3A_950 = arith.constant 0 : i32
    %dma_wait3A_951 = tpu.memref_slice %arg8[%dma_wait3A_940, %dma_wait3A_941, %dma_wait3A_942, %dma_wait3A_950] : memref<3x4x2x128xi32, #tpu.memory_space<vmem>> -> memref<1x1x1x128xi32, #tpu.memory_space<vmem>>
    %dma_wait3A_952 = tpu.memref_squeeze %dma_wait3A_951 : memref<1x1x1x128xi32, #tpu.memory_space<vmem>> -> memref<128xi32, #tpu.memory_space<vmem>>
    %dma_wait3A_953 = arith.constant 0 : i32
    %dma_wait3A_954 = arith.constant 0 : i32
    %dma_wait3A_955 = tpu.memref_slice %arg3[%dma_wait3A_953, %dma_wait3A_954] : memref<4096x32xf32, #tpu.memory_space<hbm>> -> memref<4096x32xf32, #tpu.memory_space<hbm>>
    %dma_wait3A_956 = tpu.memref_slice %arg10[%dma_wait3A_945] : memref<3x!tpu.dma_semaphore, #tpu.memory_space<semaphore_mem>> -> memref<1x!tpu.dma_semaphore, #tpu.memory_space<semaphore_mem>>
    %dma_wait3A_957 = tpu.memref_squeeze %dma_wait3A_956 : memref<1x!tpu.dma_semaphore, #tpu.memory_space<semaphore_mem>> -> memref<!tpu.dma_semaphore, #tpu.memory_space<semaphore_mem>>
    tpu.wait_indirect_dma semaphore(%dma_wait3A_957 : memref<!tpu.dma_semaphore, #tpu.memory_space<semaphore_mem>>) src(%dma_wait3A_955 : memref<4096x32xf32, #tpu.memory_space<hbm>>) dst(%dma_wait3A_949 : memref<128x32xf32, #tpu.memory_space<vmem>>)
    %dma_wait3A_958 = arith.constant 1 : i32
    %dma_wait3A_959 = arith.constant 1 : i32
    %dma_wait3A_960 = arith.constant 0 : i32
    %dma_wait3A_961 = arith.constant 1 : i32
    %dma_wait3A_962 = arith.constant 1 : i32
    %dma_wait3A_963 = arith.constant 1 : i32
    %dma_wait3A_964 = arith.constant 0 : i32
    %dma_wait3A_965 = arith.constant 0 : i32
    %dma_wait3A_966 = tpu.memref_slice %arg9[%dma_wait3A_961, %dma_wait3A_962, %dma_wait3A_964, %dma_wait3A_965] : memref<3x4x256x32xf32, #tpu.memory_space<vmem>> -> memref<1x1x128x32xf32, #tpu.memory_space<vmem>>
    %dma_wait3A_967 = tpu.memref_squeeze %dma_wait3A_966 : memref<1x1x128x32xf32, #tpu.memory_space<vmem>> -> memref<128x32xf32, #tpu.memory_space<vmem>>
    %dma_wait3A_968 = arith.constant 0 : i32
    %dma_wait3A_969 = tpu.memref_slice %arg8[%dma_wait3A_958, %dma_wait3A_959, %dma_wait3A_960, %dma_wait3A_968] : memref<3x4x2x128xi32, #tpu.memory_space<vmem>> -> memref<1x1x1x128xi32, #tpu.memory_space<vmem>>
    %dma_wait3A_970 = tpu.memref_squeeze %dma_wait3A_969 : memref<1x1x1x128xi32, #tpu.memory_space<vmem>> -> memref<128xi32, #tpu.memory_space<vmem>>
    %dma_wait3A_971 = arith.constant 0 : i32
    %dma_wait3A_972 = arith.constant 0 : i32
    %dma_wait3A_973 = tpu.memref_slice %arg4[%dma_wait3A_971, %dma_wait3A_972] : memref<4096x32xf32, #tpu.memory_space<hbm>> -> memref<4096x32xf32, #tpu.memory_space<hbm>>
    %dma_wait3A_974 = tpu.memref_slice %arg10[%dma_wait3A_963] : memref<3x!tpu.dma_semaphore, #tpu.memory_space<semaphore_mem>> -> memref<1x!tpu.dma_semaphore, #tpu.memory_space<semaphore_mem>>
    %dma_wait3A_975 = tpu.memref_squeeze %dma_wait3A_974 : memref<1x!tpu.dma_semaphore, #tpu.memory_space<semaphore_mem>> -> memref<!tpu.dma_semaphore, #tpu.memory_space<semaphore_mem>>
    tpu.wait_indirect_dma semaphore(%dma_wait3A_975 : memref<!tpu.dma_semaphore, #tpu.memory_space<semaphore_mem>>) src(%dma_wait3A_973 : memref<4096x32xf32, #tpu.memory_space<hbm>>) dst(%dma_wait3A_967 : memref<128x32xf32, #tpu.memory_space<vmem>>)
    %dma_wait3A_976 = arith.constant 1 : i32
    %dma_wait3A_977 = arith.constant 1 : i32
    %dma_wait3A_978 = arith.constant 1 : i32
    %dma_wait3A_979 = arith.constant 1 : i32
    %dma_wait3A_980 = arith.constant 1 : i32
    %dma_wait3A_981 = arith.constant 1 : i32
    %dma_wait3A_982 = arith.constant 128 : i32
    %dma_wait3A_983 = arith.constant 0 : i32
    %dma_wait3A_984 = tpu.memref_slice %arg9[%dma_wait3A_979, %dma_wait3A_980, %dma_wait3A_982, %dma_wait3A_983] : memref<3x4x256x32xf32, #tpu.memory_space<vmem>> -> memref<1x1x128x32xf32, #tpu.memory_space<vmem>>
    %dma_wait3A_985 = tpu.memref_squeeze %dma_wait3A_984 : memref<1x1x128x32xf32, #tpu.memory_space<vmem>> -> memref<128x32xf32, #tpu.memory_space<vmem>>
    %dma_wait3A_986 = arith.constant 0 : i32
    %dma_wait3A_987 = tpu.memref_slice %arg8[%dma_wait3A_976, %dma_wait3A_977, %dma_wait3A_978, %dma_wait3A_986] : memref<3x4x2x128xi32, #tpu.memory_space<vmem>> -> memref<1x1x1x128xi32, #tpu.memory_space<vmem>>
    %dma_wait3A_988 = tpu.memref_squeeze %dma_wait3A_987 : memref<1x1x1x128xi32, #tpu.memory_space<vmem>> -> memref<128xi32, #tpu.memory_space<vmem>>
    %dma_wait3A_989 = arith.constant 0 : i32
    %dma_wait3A_990 = arith.constant 0 : i32
    %dma_wait3A_991 = tpu.memref_slice %arg4[%dma_wait3A_989, %dma_wait3A_990] : memref<4096x32xf32, #tpu.memory_space<hbm>> -> memref<4096x32xf32, #tpu.memory_space<hbm>>
    %dma_wait3A_992 = tpu.memref_slice %arg10[%dma_wait3A_981] : memref<3x!tpu.dma_semaphore, #tpu.memory_space<semaphore_mem>> -> memref<1x!tpu.dma_semaphore, #tpu.memory_space<semaphore_mem>>
    %dma_wait3A_993 = tpu.memref_squeeze %dma_wait3A_992 : memref<1x!tpu.dma_semaphore, #tpu.memory_space<semaphore_mem>> -> memref<!tpu.dma_semaphore, #tpu.memory_space<semaphore_mem>>
    tpu.wait_indirect_dma semaphore(%dma_wait3A_993 : memref<!tpu.dma_semaphore, #tpu.memory_space<semaphore_mem>>) src(%dma_wait3A_991 : memref<4096x32xf32, #tpu.memory_space<hbm>>) dst(%dma_wait3A_985 : memref<128x32xf32, #tpu.memory_space<vmem>>)
    %dma_wait3A_994 = arith.constant 1 : i32
    %dma_wait3A_995 = arith.constant 2 : i32
    %dma_wait3A_996 = arith.constant 0 : i32
    %dma_wait3A_997 = arith.constant 1 : i32
    %dma_wait3A_998 = arith.constant 2 : i32
    %dma_wait3A_999 = arith.constant 1 : i32
    %dma_wait3A_1000 = arith.constant 0 : i32
    %dma_wait3A_1001 = arith.constant 0 : i32
    %dma_wait3A_1002 = tpu.memref_slice %arg9[%dma_wait3A_997, %dma_wait3A_998, %dma_wait3A_1000, %dma_wait3A_1001] : memref<3x4x256x32xf32, #tpu.memory_space<vmem>> -> memref<1x1x128x32xf32, #tpu.memory_space<vmem>>
    %dma_wait3A_1003 = tpu.memref_squeeze %dma_wait3A_1002 : memref<1x1x128x32xf32, #tpu.memory_space<vmem>> -> memref<128x32xf32, #tpu.memory_space<vmem>>
    %dma_wait3A_1004 = arith.constant 0 : i32
    %dma_wait3A_1005 = tpu.memref_slice %arg8[%dma_wait3A_994, %dma_wait3A_995, %dma_wait3A_996, %dma_wait3A_1004] : memref<3x4x2x128xi32, #tpu.memory_space<vmem>> -> memref<1x1x1x128xi32, #tpu.memory_space<vmem>>
    %dma_wait3A_1006 = tpu.memref_squeeze %dma_wait3A_1005 : memref<1x1x1x128xi32, #tpu.memory_space<vmem>> -> memref<128xi32, #tpu.memory_space<vmem>>
    %dma_wait3A_1007 = arith.constant 0 : i32
    %dma_wait3A_1008 = arith.constant 0 : i32
    %dma_wait3A_1009 = tpu.memref_slice %arg5[%dma_wait3A_1007, %dma_wait3A_1008] : memref<4096x32xf32, #tpu.memory_space<hbm>> -> memref<4096x32xf32, #tpu.memory_space<hbm>>
    %dma_wait3A_1010 = tpu.memref_slice %arg10[%dma_wait3A_999] : memref<3x!tpu.dma_semaphore, #tpu.memory_space<semaphore_mem>> -> memref<1x!tpu.dma_semaphore, #tpu.memory_space<semaphore_mem>>
    %dma_wait3A_1011 = tpu.memref_squeeze %dma_wait3A_1010 : memref<1x!tpu.dma_semaphore, #tpu.memory_space<semaphore_mem>> -> memref<!tpu.dma_semaphore, #tpu.memory_space<semaphore_mem>>
    tpu.wait_indirect_dma semaphore(%dma_wait3A_1011 : memref<!tpu.dma_semaphore, #tpu.memory_space<semaphore_mem>>) src(%dma_wait3A_1009 : memref<4096x32xf32, #tpu.memory_space<hbm>>) dst(%dma_wait3A_1003 : memref<128x32xf32, #tpu.memory_space<vmem>>)
    %dma_wait3A_1012 = arith.constant 1 : i32
    %dma_wait3A_1013 = arith.constant 2 : i32
    %dma_wait3A_1014 = arith.constant 1 : i32
    %dma_wait3A_1015 = arith.constant 1 : i32
    %dma_wait3A_1016 = arith.constant 2 : i32
    %dma_wait3A_1017 = arith.constant 1 : i32
    %dma_wait3A_1018 = arith.constant 128 : i32
    %dma_wait3A_1019 = arith.constant 0 : i32
    %dma_wait3A_1020 = tpu.memref_slice %arg9[%dma_wait3A_1015, %dma_wait3A_1016, %dma_wait3A_1018, %dma_wait3A_1019] : memref<3x4x256x32xf32, #tpu.memory_space<vmem>> -> memref<1x1x128x32xf32, #tpu.memory_space<vmem>>
    %dma_wait3A_1021 = tpu.memref_squeeze %dma_wait3A_1020 : memref<1x1x128x32xf32, #tpu.memory_space<vmem>> -> memref<128x32xf32, #tpu.memory_space<vmem>>
    %dma_wait3A_1022 = arith.constant 0 : i32
    %dma_wait3A_1023 = tpu.memref_slice %arg8[%dma_wait3A_1012, %dma_wait3A_1013, %dma_wait3A_1014, %dma_wait3A_1022] : memref<3x4x2x128xi32, #tpu.memory_space<vmem>> -> memref<1x1x1x128xi32, #tpu.memory_space<vmem>>
    %dma_wait3A_1024 = tpu.memref_squeeze %dma_wait3A_1023 : memref<1x1x1x128xi32, #tpu.memory_space<vmem>> -> memref<128xi32, #tpu.memory_space<vmem>>
    %dma_wait3A_1025 = arith.constant 0 : i32
    %dma_wait3A_1026 = arith.constant 0 : i32
    %dma_wait3A_1027 = tpu.memref_slice %arg5[%dma_wait3A_1025, %dma_wait3A_1026] : memref<4096x32xf32, #tpu.memory_space<hbm>> -> memref<4096x32xf32, #tpu.memory_space<hbm>>
    %dma_wait3A_1028 = tpu.memref_slice %arg10[%dma_wait3A_1017] : memref<3x!tpu.dma_semaphore, #tpu.memory_space<semaphore_mem>> -> memref<1x!tpu.dma_semaphore, #tpu.memory_space<semaphore_mem>>
    %dma_wait3A_1029 = tpu.memref_squeeze %dma_wait3A_1028 : memref<1x!tpu.dma_semaphore, #tpu.memory_space<semaphore_mem>> -> memref<!tpu.dma_semaphore, #tpu.memory_space<semaphore_mem>>
    tpu.wait_indirect_dma semaphore(%dma_wait3A_1029 : memref<!tpu.dma_semaphore, #tpu.memory_space<semaphore_mem>>) src(%dma_wait3A_1027 : memref<4096x32xf32, #tpu.memory_space<hbm>>) dst(%dma_wait3A_1021 : memref<128x32xf32, #tpu.memory_space<vmem>>)
    %dma_wait3A_1030 = arith.constant 1 : i32
    %dma_wait3A_1031 = arith.constant 3 : i32
    %dma_wait3A_1032 = arith.constant 0 : i32
    %dma_wait3A_1033 = arith.constant 1 : i32
    %dma_wait3A_1034 = arith.constant 3 : i32
    %dma_wait3A_1035 = arith.constant 1 : i32
    %dma_wait3A_1036 = arith.constant 0 : i32
    %dma_wait3A_1037 = arith.constant 0 : i32
    %dma_wait3A_1038 = tpu.memref_slice %arg9[%dma_wait3A_1033, %dma_wait3A_1034, %dma_wait3A_1036, %dma_wait3A_1037] : memref<3x4x256x32xf32, #tpu.memory_space<vmem>> -> memref<1x1x128x32xf32, #tpu.memory_space<vmem>>
    %dma_wait3A_1039 = tpu.memref_squeeze %dma_wait3A_1038 : memref<1x1x128x32xf32, #tpu.memory_space<vmem>> -> memref<128x32xf32, #tpu.memory_space<vmem>>
    %dma_wait3A_1040 = arith.constant 0 : i32
    %dma_wait3A_1041 = tpu.memref_slice %arg8[%dma_wait3A_1030, %dma_wait3A_1031, %dma_wait3A_1032, %dma_wait3A_1040] : memref<3x4x2x128xi32, #tpu.memory_space<vmem>> -> memref<1x1x1x128xi32, #tpu.memory_space<vmem>>
    %dma_wait3A_1042 = tpu.memref_squeeze %dma_wait3A_1041 : memref<1x1x1x128xi32, #tpu.memory_space<vmem>> -> memref<128xi32, #tpu.memory_space<vmem>>
    %dma_wait3A_1043 = arith.constant 0 : i32
    %dma_wait3A_1044 = arith.constant 0 : i32
    %dma_wait3A_1045 = tpu.memref_slice %arg6[%dma_wait3A_1043, %dma_wait3A_1044] : memref<4096x32xf32, #tpu.memory_space<hbm>> -> memref<4096x32xf32, #tpu.memory_space<hbm>>
    %dma_wait3A_1046 = tpu.memref_slice %arg10[%dma_wait3A_1035] : memref<3x!tpu.dma_semaphore, #tpu.memory_space<semaphore_mem>> -> memref<1x!tpu.dma_semaphore, #tpu.memory_space<semaphore_mem>>
    %dma_wait3A_1047 = tpu.memref_squeeze %dma_wait3A_1046 : memref<1x!tpu.dma_semaphore, #tpu.memory_space<semaphore_mem>> -> memref<!tpu.dma_semaphore, #tpu.memory_space<semaphore_mem>>
    tpu.wait_indirect_dma semaphore(%dma_wait3A_1047 : memref<!tpu.dma_semaphore, #tpu.memory_space<semaphore_mem>>) src(%dma_wait3A_1045 : memref<4096x32xf32, #tpu.memory_space<hbm>>) dst(%dma_wait3A_1039 : memref<128x32xf32, #tpu.memory_space<vmem>>)
    %dma_wait3A_1048 = arith.constant 1 : i32
    %dma_wait3A_1049 = arith.constant 3 : i32
    %dma_wait3A_1050 = arith.constant 1 : i32
    %dma_wait3A_1051 = arith.constant 1 : i32
    %dma_wait3A_1052 = arith.constant 3 : i32
    %dma_wait3A_1053 = arith.constant 1 : i32
    %dma_wait3A_1054 = arith.constant 128 : i32
    %dma_wait3A_1055 = arith.constant 0 : i32
    %dma_wait3A_1056 = tpu.memref_slice %arg9[%dma_wait3A_1051, %dma_wait3A_1052, %dma_wait3A_1054, %dma_wait3A_1055] : memref<3x4x256x32xf32, #tpu.memory_space<vmem>> -> memref<1x1x128x32xf32, #tpu.memory_space<vmem>>
    %dma_wait3A_1057 = tpu.memref_squeeze %dma_wait3A_1056 : memref<1x1x128x32xf32, #tpu.memory_space<vmem>> -> memref<128x32xf32, #tpu.memory_space<vmem>>
    %dma_wait3A_1058 = arith.constant 0 : i32
    %dma_wait3A_1059 = tpu.memref_slice %arg8[%dma_wait3A_1048, %dma_wait3A_1049, %dma_wait3A_1050, %dma_wait3A_1058] : memref<3x4x2x128xi32, #tpu.memory_space<vmem>> -> memref<1x1x1x128xi32, #tpu.memory_space<vmem>>
    %dma_wait3A_1060 = tpu.memref_squeeze %dma_wait3A_1059 : memref<1x1x1x128xi32, #tpu.memory_space<vmem>> -> memref<128xi32, #tpu.memory_space<vmem>>
    %dma_wait3A_1061 = arith.constant 0 : i32
    %dma_wait3A_1062 = arith.constant 0 : i32
    %dma_wait3A_1063 = tpu.memref_slice %arg6[%dma_wait3A_1061, %dma_wait3A_1062] : memref<4096x32xf32, #tpu.memory_space<hbm>> -> memref<4096x32xf32, #tpu.memory_space<hbm>>
    %dma_wait3A_1064 = tpu.memref_slice %arg10[%dma_wait3A_1053] : memref<3x!tpu.dma_semaphore, #tpu.memory_space<semaphore_mem>> -> memref<1x!tpu.dma_semaphore, #tpu.memory_space<semaphore_mem>>
    %dma_wait3A_1065 = tpu.memref_squeeze %dma_wait3A_1064 : memref<1x!tpu.dma_semaphore, #tpu.memory_space<semaphore_mem>> -> memref<!tpu.dma_semaphore, #tpu.memory_space<semaphore_mem>>
    tpu.wait_indirect_dma semaphore(%dma_wait3A_1065 : memref<!tpu.dma_semaphore, #tpu.memory_space<semaphore_mem>>) src(%dma_wait3A_1063 : memref<4096x32xf32, #tpu.memory_space<hbm>>) dst(%dma_wait3A_1057 : memref<128x32xf32, #tpu.memory_space<vmem>>)
    %add3A_1066 = arith.constant 256 : i32
    %add3A_1067 = arith.addi %mul3A_32, %add3A_1066 : i32
    %run_scoped3A_1068 = arith.constant 1 : i32
    %run_scoped3A_1069 = arith.constant 0 : i32
    %run_scoped3A_1070 = arith.constant 0 : i32
    "tpu.region"() ({
      %run_scoped3A_1414 = tpu.sem_alloc : memref<!tpu.dma_semaphore, #tpu.memory_space<semaphore_mem>>
      %dma_start3A_1415 = arith.constant 0 : i32
      %dma_start3A_1416 = arith.constant 0 : i32
      %dma_start3A_1417 = tpu.memref_slice %arg9[%run_scoped3A_1068, %run_scoped3A_1069, %dma_start3A_1415, %dma_start3A_1416] : memref<3x4x256x32xf32, #tpu.memory_space<vmem>> -> memref<1x1x256x32xf32, #tpu.memory_space<vmem>>
      %dma_start3A_1418 = tpu.memref_squeeze %dma_start3A_1417 : memref<1x1x256x32xf32, #tpu.memory_space<vmem>> -> memref<256x32xf32, #tpu.memory_space<vmem>>
      %dma_start3A_1419 = arith.constant 0 : i32
      %dma_start3A_1420 = tpu.memref_slice %arg7[%select_n3A, %run_scoped3A_1070, %add3A_1067, %dma_start3A_1419] : memref<4x1x8192x128xf32, #tpu.memory_space<hbm>> -> memref<1x1x256x32xf32, #tpu.memory_space<hbm>>
      %dma_start3A_1421 = tpu.memref_squeeze %dma_start3A_1420 : memref<1x1x256x32xf32, #tpu.memory_space<hbm>> -> memref<256x32xf32, #tpu.memory_space<hbm>>
      %dma_start3A_1422 = arith.constant 0 : i32
      %dma_start3A_1423 = tpu.memref_slice %arg7[%select_n3A, %run_scoped3A_1070, %add3A_1067, %dma_start3A_1422] : memref<4x1x8192x128xf32, #tpu.memory_space<hbm>> -> memref<1x1x256x32xf32, #tpu.memory_space<hbm>>
      %dma_start3A_1424 = tpu.memref_squeeze %dma_start3A_1423 : memref<1x1x256x32xf32, #tpu.memory_space<hbm>> -> memref<256x32xf32, #tpu.memory_space<hbm>>
      %dma_start3A_1425 = arith.constant 0 : i32
      %dma_start3A_1426 = arith.constant 0 : i32
      %dma_start3A_1427 = tpu.memref_slice %arg9[%run_scoped3A_1068, %run_scoped3A_1069, %dma_start3A_1425, %dma_start3A_1426] : memref<3x4x256x32xf32, #tpu.memory_space<vmem>> -> memref<1x1x256x32xf32, #tpu.memory_space<vmem>>
      %dma_start3A_1428 = tpu.memref_squeeze %dma_start3A_1427 : memref<1x1x256x32xf32, #tpu.memory_space<vmem>> -> memref<256x32xf32, #tpu.memory_space<vmem>>
      tpu.enqueue_dma source(%dma_start3A_1428 : memref<256x32xf32, #tpu.memory_space<vmem>>) target(%dma_start3A_1424 : memref<256x32xf32, #tpu.memory_space<hbm>>) target_semaphore(%run_scoped3A_1414 : memref<!tpu.dma_semaphore, #tpu.memory_space<semaphore_mem>>)
      %dma_wait3A_1429 = arith.constant 0 : i32
      %dma_wait3A_1430 = arith.constant 0 : i32
      %dma_wait3A_1431 = tpu.memref_slice %arg9[%run_scoped3A_1068, %run_scoped3A_1069, %dma_wait3A_1429, %dma_wait3A_1430] : memref<3x4x256x32xf32, #tpu.memory_space<vmem>> -> memref<1x1x256x32xf32, #tpu.memory_space<vmem>>
      %dma_wait3A_1432 = tpu.memref_squeeze %dma_wait3A_1431 : memref<1x1x256x32xf32, #tpu.memory_space<vmem>> -> memref<256x32xf32, #tpu.memory_space<vmem>>
      %dma_wait3A_1433 = arith.constant 0 : i32
      %dma_wait3A_1434 = tpu.memref_slice %arg7[%select_n3A, %run_scoped3A_1070, %add3A_1067, %dma_wait3A_1433] : memref<4x1x8192x128xf32, #tpu.memory_space<hbm>> -> memref<1x1x256x32xf32, #tpu.memory_space<hbm>>
      %dma_wait3A_1435 = tpu.memref_squeeze %dma_wait3A_1434 : memref<1x1x256x32xf32, #tpu.memory_space<hbm>> -> memref<256x32xf32, #tpu.memory_space<hbm>>
      %dma_wait3A_1436 = arith.constant 0 : i32
      %dma_wait3A_1437 = tpu.memref_slice %arg7[%select_n3A, %run_scoped3A_1070, %add3A_1067, %dma_wait3A_1436] : memref<4x1x8192x128xf32, #tpu.memory_space<hbm>> -> memref<1x1x256x32xf32, #tpu.memory_space<hbm>>
      %dma_wait3A_1438 = tpu.memref_squeeze %dma_wait3A_1437 : memref<1x1x256x32xf32, #tpu.memory_space<hbm>> -> memref<256x32xf32, #tpu.memory_space<hbm>>
      %dma_wait3A_1439 = arith.constant 0 : i32
      %dma_wait3A_1440 = arith.constant 0 : i32
      %dma_wait3A_1441 = tpu.memref_slice %arg9[%run_scoped3A_1068, %run_scoped3A_1069, %dma_wait3A_1439, %dma_wait3A_1440] : memref<3x4x256x32xf32, #tpu.memory_space<vmem>> -> memref<1x1x256x32xf32, #tpu.memory_space<vmem>>
      %dma_wait3A_1442 = tpu.memref_squeeze %dma_wait3A_1441 : memref<1x1x256x32xf32, #tpu.memory_space<vmem>> -> memref<256x32xf32, #tpu.memory_space<vmem>>
      tpu.wait_dma2 semaphore(%run_scoped3A_1414 : memref<!tpu.dma_semaphore, #tpu.memory_space<semaphore_mem>>) src(%dma_wait3A_1442 : memref<256x32xf32, #tpu.memory_space<vmem>>) dst(%dma_wait3A_1438 : memref<256x32xf32, #tpu.memory_space<hbm>>)
      tpu.yield
    }) : () -> ()
    %add3A_1071 = arith.constant 256 : i32
    %add3A_1072 = arith.addi %mul3A_32, %add3A_1071 : i32
    %run_scoped3A_1073 = arith.constant 1 : i32
    %run_scoped3A_1074 = arith.constant 1 : i32
    %run_scoped3A_1075 = arith.constant 0 : i32
    "tpu.region"() ({
      %run_scoped3A_1414 = tpu.sem_alloc : memref<!tpu.dma_semaphore, #tpu.memory_space<semaphore_mem>>
      %dma_start3A_1415 = arith.constant 0 : i32
      %dma_start3A_1416 = arith.constant 0 : i32
      %dma_start3A_1417 = tpu.memref_slice %arg9[%run_scoped3A_1073, %run_scoped3A_1074, %dma_start3A_1415, %dma_start3A_1416] : memref<3x4x256x32xf32, #tpu.memory_space<vmem>> -> memref<1x1x256x32xf32, #tpu.memory_space<vmem>>
      %dma_start3A_1418 = tpu.memref_squeeze %dma_start3A_1417 : memref<1x1x256x32xf32, #tpu.memory_space<vmem>> -> memref<256x32xf32, #tpu.memory_space<vmem>>
      %dma_start3A_1419 = arith.constant 32 : i32
      %dma_start3A_1420 = tpu.memref_slice %arg7[%select_n3A, %run_scoped3A_1075, %add3A_1072, %dma_start3A_1419] : memref<4x1x8192x128xf32, #tpu.memory_space<hbm>> -> memref<1x1x256x32xf32, #tpu.memory_space<hbm>>
      %dma_start3A_1421 = tpu.memref_squeeze %dma_start3A_1420 : memref<1x1x256x32xf32, #tpu.memory_space<hbm>> -> memref<256x32xf32, #tpu.memory_space<hbm>>
      %dma_start3A_1422 = arith.constant 32 : i32
      %dma_start3A_1423 = tpu.memref_slice %arg7[%select_n3A, %run_scoped3A_1075, %add3A_1072, %dma_start3A_1422] : memref<4x1x8192x128xf32, #tpu.memory_space<hbm>> -> memref<1x1x256x32xf32, #tpu.memory_space<hbm>>
      %dma_start3A_1424 = tpu.memref_squeeze %dma_start3A_1423 : memref<1x1x256x32xf32, #tpu.memory_space<hbm>> -> memref<256x32xf32, #tpu.memory_space<hbm>>
      %dma_start3A_1425 = arith.constant 0 : i32
      %dma_start3A_1426 = arith.constant 0 : i32
      %dma_start3A_1427 = tpu.memref_slice %arg9[%run_scoped3A_1073, %run_scoped3A_1074, %dma_start3A_1425, %dma_start3A_1426] : memref<3x4x256x32xf32, #tpu.memory_space<vmem>> -> memref<1x1x256x32xf32, #tpu.memory_space<vmem>>
      %dma_start3A_1428 = tpu.memref_squeeze %dma_start3A_1427 : memref<1x1x256x32xf32, #tpu.memory_space<vmem>> -> memref<256x32xf32, #tpu.memory_space<vmem>>
      tpu.enqueue_dma source(%dma_start3A_1428 : memref<256x32xf32, #tpu.memory_space<vmem>>) target(%dma_start3A_1424 : memref<256x32xf32, #tpu.memory_space<hbm>>) target_semaphore(%run_scoped3A_1414 : memref<!tpu.dma_semaphore, #tpu.memory_space<semaphore_mem>>)
      %dma_wait3A_1429 = arith.constant 0 : i32
      %dma_wait3A_1430 = arith.constant 0 : i32
      %dma_wait3A_1431 = tpu.memref_slice %arg9[%run_scoped3A_1073, %run_scoped3A_1074, %dma_wait3A_1429, %dma_wait3A_1430] : memref<3x4x256x32xf32, #tpu.memory_space<vmem>> -> memref<1x1x256x32xf32, #tpu.memory_space<vmem>>
      %dma_wait3A_1432 = tpu.memref_squeeze %dma_wait3A_1431 : memref<1x1x256x32xf32, #tpu.memory_space<vmem>> -> memref<256x32xf32, #tpu.memory_space<vmem>>
      %dma_wait3A_1433 = arith.constant 32 : i32
      %dma_wait3A_1434 = tpu.memref_slice %arg7[%select_n3A, %run_scoped3A_1075, %add3A_1072, %dma_wait3A_1433] : memref<4x1x8192x128xf32, #tpu.memory_space<hbm>> -> memref<1x1x256x32xf32, #tpu.memory_space<hbm>>
      %dma_wait3A_1435 = tpu.memref_squeeze %dma_wait3A_1434 : memref<1x1x256x32xf32, #tpu.memory_space<hbm>> -> memref<256x32xf32, #tpu.memory_space<hbm>>
      %dma_wait3A_1436 = arith.constant 32 : i32
      %dma_wait3A_1437 = tpu.memref_slice %arg7[%select_n3A, %run_scoped3A_1075, %add3A_1072, %dma_wait3A_1436] : memref<4x1x8192x128xf32, #tpu.memory_space<hbm>> -> memref<1x1x256x32xf32, #tpu.memory_space<hbm>>
      %dma_wait3A_1438 = tpu.memref_squeeze %dma_wait3A_1437 : memref<1x1x256x32xf32, #tpu.memory_space<hbm>> -> memref<256x32xf32, #tpu.memory_space<hbm>>
      %dma_wait3A_1439 = arith.constant 0 : i32
      %dma_wait3A_1440 = arith.constant 0 : i32
      %dma_wait3A_1441 = tpu.memref_slice %arg9[%run_scoped3A_1073, %run_scoped3A_1074, %dma_wait3A_1439, %dma_wait3A_1440] : memref<3x4x256x32xf32, #tpu.memory_space<vmem>> -> memref<1x1x256x32xf32, #tpu.memory_space<vmem>>
      %dma_wait3A_1442 = tpu.memref_squeeze %dma_wait3A_1441 : memref<1x1x256x32xf32, #tpu.memory_space<vmem>> -> memref<256x32xf32, #tpu.memory_space<vmem>>
      tpu.wait_dma2 semaphore(%run_scoped3A_1414 : memref<!tpu.dma_semaphore, #tpu.memory_space<semaphore_mem>>) src(%dma_wait3A_1442 : memref<256x32xf32, #tpu.memory_space<vmem>>) dst(%dma_wait3A_1438 : memref<256x32xf32, #tpu.memory_space<hbm>>)
      tpu.yield
    }) : () -> ()
    %add3A_1076 = arith.constant 256 : i32
    %add3A_1077 = arith.addi %mul3A_32, %add3A_1076 : i32
    %run_scoped3A_1078 = arith.constant 1 : i32
    %run_scoped3A_1079 = arith.constant 2 : i32
    %run_scoped3A_1080 = arith.constant 0 : i32
    "tpu.region"() ({
      %run_scoped3A_1414 = tpu.sem_alloc : memref<!tpu.dma_semaphore, #tpu.memory_space<semaphore_mem>>
      %dma_start3A_1415 = arith.constant 0 : i32
      %dma_start3A_1416 = arith.constant 0 : i32
      %dma_start3A_1417 = tpu.memref_slice %arg9[%run_scoped3A_1078, %run_scoped3A_1079, %dma_start3A_1415, %dma_start3A_1416] : memref<3x4x256x32xf32, #tpu.memory_space<vmem>> -> memref<1x1x256x32xf32, #tpu.memory_space<vmem>>
      %dma_start3A_1418 = tpu.memref_squeeze %dma_start3A_1417 : memref<1x1x256x32xf32, #tpu.memory_space<vmem>> -> memref<256x32xf32, #tpu.memory_space<vmem>>
      %dma_start3A_1419 = arith.constant 64 : i32
      %dma_start3A_1420 = tpu.memref_slice %arg7[%select_n3A, %run_scoped3A_1080, %add3A_1077, %dma_start3A_1419] : memref<4x1x8192x128xf32, #tpu.memory_space<hbm>> -> memref<1x1x256x32xf32, #tpu.memory_space<hbm>>
      %dma_start3A_1421 = tpu.memref_squeeze %dma_start3A_1420 : memref<1x1x256x32xf32, #tpu.memory_space<hbm>> -> memref<256x32xf32, #tpu.memory_space<hbm>>
      %dma_start3A_1422 = arith.constant 64 : i32
      %dma_start3A_1423 = tpu.memref_slice %arg7[%select_n3A, %run_scoped3A_1080, %add3A_1077, %dma_start3A_1422] : memref<4x1x8192x128xf32, #tpu.memory_space<hbm>> -> memref<1x1x256x32xf32, #tpu.memory_space<hbm>>
      %dma_start3A_1424 = tpu.memref_squeeze %dma_start3A_1423 : memref<1x1x256x32xf32, #tpu.memory_space<hbm>> -> memref<256x32xf32, #tpu.memory_space<hbm>>
      %dma_start3A_1425 = arith.constant 0 : i32
      %dma_start3A_1426 = arith.constant 0 : i32
      %dma_start3A_1427 = tpu.memref_slice %arg9[%run_scoped3A_1078, %run_scoped3A_1079, %dma_start3A_1425, %dma_start3A_1426] : memref<3x4x256x32xf32, #tpu.memory_space<vmem>> -> memref<1x1x256x32xf32, #tpu.memory_space<vmem>>
      %dma_start3A_1428 = tpu.memref_squeeze %dma_start3A_1427 : memref<1x1x256x32xf32, #tpu.memory_space<vmem>> -> memref<256x32xf32, #tpu.memory_space<vmem>>
      tpu.enqueue_dma source(%dma_start3A_1428 : memref<256x32xf32, #tpu.memory_space<vmem>>) target(%dma_start3A_1424 : memref<256x32xf32, #tpu.memory_space<hbm>>) target_semaphore(%run_scoped3A_1414 : memref<!tpu.dma_semaphore, #tpu.memory_space<semaphore_mem>>)
      %dma_wait3A_1429 = arith.constant 0 : i32
      %dma_wait3A_1430 = arith.constant 0 : i32
      %dma_wait3A_1431 = tpu.memref_slice %arg9[%run_scoped3A_1078, %run_scoped3A_1079, %dma_wait3A_1429, %dma_wait3A_1430] : memref<3x4x256x32xf32, #tpu.memory_space<vmem>> -> memref<1x1x256x32xf32, #tpu.memory_space<vmem>>
      %dma_wait3A_1432 = tpu.memref_squeeze %dma_wait3A_1431 : memref<1x1x256x32xf32, #tpu.memory_space<vmem>> -> memref<256x32xf32, #tpu.memory_space<vmem>>
      %dma_wait3A_1433 = arith.constant 64 : i32
      %dma_wait3A_1434 = tpu.memref_slice %arg7[%select_n3A, %run_scoped3A_1080, %add3A_1077, %dma_wait3A_1433] : memref<4x1x8192x128xf32, #tpu.memory_space<hbm>> -> memref<1x1x256x32xf32, #tpu.memory_space<hbm>>
      %dma_wait3A_1435 = tpu.memref_squeeze %dma_wait3A_1434 : memref<1x1x256x32xf32, #tpu.memory_space<hbm>> -> memref<256x32xf32, #tpu.memory_space<hbm>>
      %dma_wait3A_1436 = arith.constant 64 : i32
      %dma_wait3A_1437 = tpu.memref_slice %arg7[%select_n3A, %run_scoped3A_1080, %add3A_1077, %dma_wait3A_1436] : memref<4x1x8192x128xf32, #tpu.memory_space<hbm>> -> memref<1x1x256x32xf32, #tpu.memory_space<hbm>>
      %dma_wait3A_1438 = tpu.memref_squeeze %dma_wait3A_1437 : memref<1x1x256x32xf32, #tpu.memory_space<hbm>> -> memref<256x32xf32, #tpu.memory_space<hbm>>
      %dma_wait3A_1439 = arith.constant 0 : i32
      %dma_wait3A_1440 = arith.constant 0 : i32
      %dma_wait3A_1441 = tpu.memref_slice %arg9[%run_scoped3A_1078, %run_scoped3A_1079, %dma_wait3A_1439, %dma_wait3A_1440] : memref<3x4x256x32xf32, #tpu.memory_space<vmem>> -> memref<1x1x256x32xf32, #tpu.memory_space<vmem>>
      %dma_wait3A_1442 = tpu.memref_squeeze %dma_wait3A_1441 : memref<1x1x256x32xf32, #tpu.memory_space<vmem>> -> memref<256x32xf32, #tpu.memory_space<vmem>>
      tpu.wait_dma2 semaphore(%run_scoped3A_1414 : memref<!tpu.dma_semaphore, #tpu.memory_space<semaphore_mem>>) src(%dma_wait3A_1442 : memref<256x32xf32, #tpu.memory_space<vmem>>) dst(%dma_wait3A_1438 : memref<256x32xf32, #tpu.memory_space<hbm>>)
      tpu.yield
    }) : () -> ()
    %add3A_1081 = arith.constant 256 : i32
    %add3A_1082 = arith.addi %mul3A_32, %add3A_1081 : i32
    %run_scoped3A_1083 = arith.constant 1 : i32
    %run_scoped3A_1084 = arith.constant 3 : i32
    %run_scoped3A_1085 = arith.constant 0 : i32
    "tpu.region"() ({
      %run_scoped3A_1414 = tpu.sem_alloc : memref<!tpu.dma_semaphore, #tpu.memory_space<semaphore_mem>>
      %dma_start3A_1415 = arith.constant 0 : i32
      %dma_start3A_1416 = arith.constant 0 : i32
      %dma_start3A_1417 = tpu.memref_slice %arg9[%run_scoped3A_1083, %run_scoped3A_1084, %dma_start3A_1415, %dma_start3A_1416] : memref<3x4x256x32xf32, #tpu.memory_space<vmem>> -> memref<1x1x256x32xf32, #tpu.memory_space<vmem>>
      %dma_start3A_1418 = tpu.memref_squeeze %dma_start3A_1417 : memref<1x1x256x32xf32, #tpu.memory_space<vmem>> -> memref<256x32xf32, #tpu.memory_space<vmem>>
      %dma_start3A_1419 = arith.constant 96 : i32
      %dma_start3A_1420 = tpu.memref_slice %arg7[%select_n3A, %run_scoped3A_1085, %add3A_1082, %dma_start3A_1419] : memref<4x1x8192x128xf32, #tpu.memory_space<hbm>> -> memref<1x1x256x32xf32, #tpu.memory_space<hbm>>
      %dma_start3A_1421 = tpu.memref_squeeze %dma_start3A_1420 : memref<1x1x256x32xf32, #tpu.memory_space<hbm>> -> memref<256x32xf32, #tpu.memory_space<hbm>>
      %dma_start3A_1422 = arith.constant 96 : i32
      %dma_start3A_1423 = tpu.memref_slice %arg7[%select_n3A, %run_scoped3A_1085, %add3A_1082, %dma_start3A_1422] : memref<4x1x8192x128xf32, #tpu.memory_space<hbm>> -> memref<1x1x256x32xf32, #tpu.memory_space<hbm>>
      %dma_start3A_1424 = tpu.memref_squeeze %dma_start3A_1423 : memref<1x1x256x32xf32, #tpu.memory_space<hbm>> -> memref<256x32xf32, #tpu.memory_space<hbm>>
      %dma_start3A_1425 = arith.constant 0 : i32
      %dma_start3A_1426 = arith.constant 0 : i32
      %dma_start3A_1427 = tpu.memref_slice %arg9[%run_scoped3A_1083, %run_scoped3A_1084, %dma_start3A_1425, %dma_start3A_1426] : memref<3x4x256x32xf32, #tpu.memory_space<vmem>> -> memref<1x1x256x32xf32, #tpu.memory_space<vmem>>
      %dma_start3A_1428 = tpu.memref_squeeze %dma_start3A_1427 : memref<1x1x256x32xf32, #tpu.memory_space<vmem>> -> memref<256x32xf32, #tpu.memory_space<vmem>>
      tpu.enqueue_dma source(%dma_start3A_1428 : memref<256x32xf32, #tpu.memory_space<vmem>>) target(%dma_start3A_1424 : memref<256x32xf32, #tpu.memory_space<hbm>>) target_semaphore(%run_scoped3A_1414 : memref<!tpu.dma_semaphore, #tpu.memory_space<semaphore_mem>>)
      %dma_wait3A_1429 = arith.constant 0 : i32
      %dma_wait3A_1430 = arith.constant 0 : i32
      %dma_wait3A_1431 = tpu.memref_slice %arg9[%run_scoped3A_1083, %run_scoped3A_1084, %dma_wait3A_1429, %dma_wait3A_1430] : memref<3x4x256x32xf32, #tpu.memory_space<vmem>> -> memref<1x1x256x32xf32, #tpu.memory_space<vmem>>
      %dma_wait3A_1432 = tpu.memref_squeeze %dma_wait3A_1431 : memref<1x1x256x32xf32, #tpu.memory_space<vmem>> -> memref<256x32xf32, #tpu.memory_space<vmem>>
      %dma_wait3A_1433 = arith.constant 96 : i32
      %dma_wait3A_1434 = tpu.memref_slice %arg7[%select_n3A, %run_scoped3A_1085, %add3A_1082, %dma_wait3A_1433] : memref<4x1x8192x128xf32, #tpu.memory_space<hbm>> -> memref<1x1x256x32xf32, #tpu.memory_space<hbm>>
      %dma_wait3A_1435 = tpu.memref_squeeze %dma_wait3A_1434 : memref<1x1x256x32xf32, #tpu.memory_space<hbm>> -> memref<256x32xf32, #tpu.memory_space<hbm>>
      %dma_wait3A_1436 = arith.constant 96 : i32
      %dma_wait3A_1437 = tpu.memref_slice %arg7[%select_n3A, %run_scoped3A_1085, %add3A_1082, %dma_wait3A_1436] : memref<4x1x8192x128xf32, #tpu.memory_space<hbm>> -> memref<1x1x256x32xf32, #tpu.memory_space<hbm>>
      %dma_wait3A_1438 = tpu.memref_squeeze %dma_wait3A_1437 : memref<1x1x256x32xf32, #tpu.memory_space<hbm>> -> memref<256x32xf32, #tpu.memory_space<hbm>>
      %dma_wait3A_1439 = arith.constant 0 : i32
      %dma_wait3A_1440 = arith.constant 0 : i32
      %dma_wait3A_1441 = tpu.memref_slice %arg9[%run_scoped3A_1083, %run_scoped3A_1084, %dma_wait3A_1439, %dma_wait3A_1440] : memref<3x4x256x32xf32, #tpu.memory_space<vmem>> -> memref<1x1x256x32xf32, #tpu.memory_space<vmem>>
      %dma_wait3A_1442 = tpu.memref_squeeze %dma_wait3A_1441 : memref<1x1x256x32xf32, #tpu.memory_space<vmem>> -> memref<256x32xf32, #tpu.memory_space<vmem>>
      tpu.wait_dma2 semaphore(%run_scoped3A_1414 : memref<!tpu.dma_semaphore, #tpu.memory_space<semaphore_mem>>) src(%dma_wait3A_1442 : memref<256x32xf32, #tpu.memory_space<vmem>>) dst(%dma_wait3A_1438 : memref<256x32xf32, #tpu.memory_space<hbm>>)
      tpu.yield
    }) : () -> ()
    %dma_wait3A_1086 = arith.constant 2 : i32
    %dma_wait3A_1087 = arith.constant 0 : i32
    %dma_wait3A_1088 = arith.constant 0 : i32
    %dma_wait3A_1089 = arith.constant 2 : i32
    %dma_wait3A_1090 = arith.constant 0 : i32
    %dma_wait3A_1091 = arith.constant 2 : i32
    %dma_wait3A_1092 = arith.constant 0 : i32
    %dma_wait3A_1093 = arith.constant 0 : i32
    %dma_wait3A_1094 = tpu.memref_slice %arg9[%dma_wait3A_1089, %dma_wait3A_1090, %dma_wait3A_1092, %dma_wait3A_1093] : memref<3x4x256x32xf32, #tpu.memory_space<vmem>> -> memref<1x1x128x32xf32, #tpu.memory_space<vmem>>
    %dma_wait3A_1095 = tpu.memref_squeeze %dma_wait3A_1094 : memref<1x1x128x32xf32, #tpu.memory_space<vmem>> -> memref<128x32xf32, #tpu.memory_space<vmem>>
    %dma_wait3A_1096 = arith.constant 0 : i32
    %dma_wait3A_1097 = tpu.memref_slice %arg8[%dma_wait3A_1086, %dma_wait3A_1087, %dma_wait3A_1088, %dma_wait3A_1096] : memref<3x4x2x128xi32, #tpu.memory_space<vmem>> -> memref<1x1x1x128xi32, #tpu.memory_space<vmem>>
    %dma_wait3A_1098 = tpu.memref_squeeze %dma_wait3A_1097 : memref<1x1x1x128xi32, #tpu.memory_space<vmem>> -> memref<128xi32, #tpu.memory_space<vmem>>
    %dma_wait3A_1099 = arith.constant 0 : i32
    %dma_wait3A_1100 = arith.constant 0 : i32
    %dma_wait3A_1101 = tpu.memref_slice %arg3[%dma_wait3A_1099, %dma_wait3A_1100] : memref<4096x32xf32, #tpu.memory_space<hbm>> -> memref<4096x32xf32, #tpu.memory_space<hbm>>
    %dma_wait3A_1102 = tpu.memref_slice %arg10[%dma_wait3A_1091] : memref<3x!tpu.dma_semaphore, #tpu.memory_space<semaphore_mem>> -> memref<1x!tpu.dma_semaphore, #tpu.memory_space<semaphore_mem>>
    %dma_wait3A_1103 = tpu.memref_squeeze %dma_wait3A_1102 : memref<1x!tpu.dma_semaphore, #tpu.memory_space<semaphore_mem>> -> memref<!tpu.dma_semaphore, #tpu.memory_space<semaphore_mem>>
    tpu.wait_indirect_dma semaphore(%dma_wait3A_1103 : memref<!tpu.dma_semaphore, #tpu.memory_space<semaphore_mem>>) src(%dma_wait3A_1101 : memref<4096x32xf32, #tpu.memory_space<hbm>>) dst(%dma_wait3A_1095 : memref<128x32xf32, #tpu.memory_space<vmem>>)
    %dma_wait3A_1104 = arith.constant 2 : i32
    %dma_wait3A_1105 = arith.constant 0 : i32
    %dma_wait3A_1106 = arith.constant 1 : i32
    %dma_wait3A_1107 = arith.constant 2 : i32
    %dma_wait3A_1108 = arith.constant 0 : i32
    %dma_wait3A_1109 = arith.constant 2 : i32
    %dma_wait3A_1110 = arith.constant 128 : i32
    %dma_wait3A_1111 = arith.constant 0 : i32
    %dma_wait3A_1112 = tpu.memref_slice %arg9[%dma_wait3A_1107, %dma_wait3A_1108, %dma_wait3A_1110, %dma_wait3A_1111] : memref<3x4x256x32xf32, #tpu.memory_space<vmem>> -> memref<1x1x128x32xf32, #tpu.memory_space<vmem>>
    %dma_wait3A_1113 = tpu.memref_squeeze %dma_wait3A_1112 : memref<1x1x128x32xf32, #tpu.memory_space<vmem>> -> memref<128x32xf32, #tpu.memory_space<vmem>>
    %dma_wait3A_1114 = arith.constant 0 : i32
    %dma_wait3A_1115 = tpu.memref_slice %arg8[%dma_wait3A_1104, %dma_wait3A_1105, %dma_wait3A_1106, %dma_wait3A_1114] : memref<3x4x2x128xi32, #tpu.memory_space<vmem>> -> memref<1x1x1x128xi32, #tpu.memory_space<vmem>>
    %dma_wait3A_1116 = tpu.memref_squeeze %dma_wait3A_1115 : memref<1x1x1x128xi32, #tpu.memory_space<vmem>> -> memref<128xi32, #tpu.memory_space<vmem>>
    %dma_wait3A_1117 = arith.constant 0 : i32
    %dma_wait3A_1118 = arith.constant 0 : i32
    %dma_wait3A_1119 = tpu.memref_slice %arg3[%dma_wait3A_1117, %dma_wait3A_1118] : memref<4096x32xf32, #tpu.memory_space<hbm>> -> memref<4096x32xf32, #tpu.memory_space<hbm>>
    %dma_wait3A_1120 = tpu.memref_slice %arg10[%dma_wait3A_1109] : memref<3x!tpu.dma_semaphore, #tpu.memory_space<semaphore_mem>> -> memref<1x!tpu.dma_semaphore, #tpu.memory_space<semaphore_mem>>
    %dma_wait3A_1121 = tpu.memref_squeeze %dma_wait3A_1120 : memref<1x!tpu.dma_semaphore, #tpu.memory_space<semaphore_mem>> -> memref<!tpu.dma_semaphore, #tpu.memory_space<semaphore_mem>>
    tpu.wait_indirect_dma semaphore(%dma_wait3A_1121 : memref<!tpu.dma_semaphore, #tpu.memory_space<semaphore_mem>>) src(%dma_wait3A_1119 : memref<4096x32xf32, #tpu.memory_space<hbm>>) dst(%dma_wait3A_1113 : memref<128x32xf32, #tpu.memory_space<vmem>>)
    %dma_wait3A_1122 = arith.constant 2 : i32
    %dma_wait3A_1123 = arith.constant 1 : i32
    %dma_wait3A_1124 = arith.constant 0 : i32
    %dma_wait3A_1125 = arith.constant 2 : i32
    %dma_wait3A_1126 = arith.constant 1 : i32
    %dma_wait3A_1127 = arith.constant 2 : i32
    %dma_wait3A_1128 = arith.constant 0 : i32
    %dma_wait3A_1129 = arith.constant 0 : i32
    %dma_wait3A_1130 = tpu.memref_slice %arg9[%dma_wait3A_1125, %dma_wait3A_1126, %dma_wait3A_1128, %dma_wait3A_1129] : memref<3x4x256x32xf32, #tpu.memory_space<vmem>> -> memref<1x1x128x32xf32, #tpu.memory_space<vmem>>
    %dma_wait3A_1131 = tpu.memref_squeeze %dma_wait3A_1130 : memref<1x1x128x32xf32, #tpu.memory_space<vmem>> -> memref<128x32xf32, #tpu.memory_space<vmem>>
    %dma_wait3A_1132 = arith.constant 0 : i32
    %dma_wait3A_1133 = tpu.memref_slice %arg8[%dma_wait3A_1122, %dma_wait3A_1123, %dma_wait3A_1124, %dma_wait3A_1132] : memref<3x4x2x128xi32, #tpu.memory_space<vmem>> -> memref<1x1x1x128xi32, #tpu.memory_space<vmem>>
    %dma_wait3A_1134 = tpu.memref_squeeze %dma_wait3A_1133 : memref<1x1x1x128xi32, #tpu.memory_space<vmem>> -> memref<128xi32, #tpu.memory_space<vmem>>
    %dma_wait3A_1135 = arith.constant 0 : i32
    %dma_wait3A_1136 = arith.constant 0 : i32
    %dma_wait3A_1137 = tpu.memref_slice %arg4[%dma_wait3A_1135, %dma_wait3A_1136] : memref<4096x32xf32, #tpu.memory_space<hbm>> -> memref<4096x32xf32, #tpu.memory_space<hbm>>
    %dma_wait3A_1138 = tpu.memref_slice %arg10[%dma_wait3A_1127] : memref<3x!tpu.dma_semaphore, #tpu.memory_space<semaphore_mem>> -> memref<1x!tpu.dma_semaphore, #tpu.memory_space<semaphore_mem>>
    %dma_wait3A_1139 = tpu.memref_squeeze %dma_wait3A_1138 : memref<1x!tpu.dma_semaphore, #tpu.memory_space<semaphore_mem>> -> memref<!tpu.dma_semaphore, #tpu.memory_space<semaphore_mem>>
    tpu.wait_indirect_dma semaphore(%dma_wait3A_1139 : memref<!tpu.dma_semaphore, #tpu.memory_space<semaphore_mem>>) src(%dma_wait3A_1137 : memref<4096x32xf32, #tpu.memory_space<hbm>>) dst(%dma_wait3A_1131 : memref<128x32xf32, #tpu.memory_space<vmem>>)
    %dma_wait3A_1140 = arith.constant 2 : i32
    %dma_wait3A_1141 = arith.constant 1 : i32
    %dma_wait3A_1142 = arith.constant 1 : i32
    %dma_wait3A_1143 = arith.constant 2 : i32
    %dma_wait3A_1144 = arith.constant 1 : i32
    %dma_wait3A_1145 = arith.constant 2 : i32
    %dma_wait3A_1146 = arith.constant 128 : i32
    %dma_wait3A_1147 = arith.constant 0 : i32
    %dma_wait3A_1148 = tpu.memref_slice %arg9[%dma_wait3A_1143, %dma_wait3A_1144, %dma_wait3A_1146, %dma_wait3A_1147] : memref<3x4x256x32xf32, #tpu.memory_space<vmem>> -> memref<1x1x128x32xf32, #tpu.memory_space<vmem>>
    %dma_wait3A_1149 = tpu.memref_squeeze %dma_wait3A_1148 : memref<1x1x128x32xf32, #tpu.memory_space<vmem>> -> memref<128x32xf32, #tpu.memory_space<vmem>>
    %dma_wait3A_1150 = arith.constant 0 : i32
    %dma_wait3A_1151 = tpu.memref_slice %arg8[%dma_wait3A_1140, %dma_wait3A_1141, %dma_wait3A_1142, %dma_wait3A_1150] : memref<3x4x2x128xi32, #tpu.memory_space<vmem>> -> memref<1x1x1x128xi32, #tpu.memory_space<vmem>>
    %dma_wait3A_1152 = tpu.memref_squeeze %dma_wait3A_1151 : memref<1x1x1x128xi32, #tpu.memory_space<vmem>> -> memref<128xi32, #tpu.memory_space<vmem>>
    %dma_wait3A_1153 = arith.constant 0 : i32
    %dma_wait3A_1154 = arith.constant 0 : i32
    %dma_wait3A_1155 = tpu.memref_slice %arg4[%dma_wait3A_1153, %dma_wait3A_1154] : memref<4096x32xf32, #tpu.memory_space<hbm>> -> memref<4096x32xf32, #tpu.memory_space<hbm>>
    %dma_wait3A_1156 = tpu.memref_slice %arg10[%dma_wait3A_1145] : memref<3x!tpu.dma_semaphore, #tpu.memory_space<semaphore_mem>> -> memref<1x!tpu.dma_semaphore, #tpu.memory_space<semaphore_mem>>
    %dma_wait3A_1157 = tpu.memref_squeeze %dma_wait3A_1156 : memref<1x!tpu.dma_semaphore, #tpu.memory_space<semaphore_mem>> -> memref<!tpu.dma_semaphore, #tpu.memory_space<semaphore_mem>>
    tpu.wait_indirect_dma semaphore(%dma_wait3A_1157 : memref<!tpu.dma_semaphore, #tpu.memory_space<semaphore_mem>>) src(%dma_wait3A_1155 : memref<4096x32xf32, #tpu.memory_space<hbm>>) dst(%dma_wait3A_1149 : memref<128x32xf32, #tpu.memory_space<vmem>>)
    %dma_wait3A_1158 = arith.constant 2 : i32
    %dma_wait3A_1159 = arith.constant 2 : i32
    %dma_wait3A_1160 = arith.constant 0 : i32
    %dma_wait3A_1161 = arith.constant 2 : i32
    %dma_wait3A_1162 = arith.constant 2 : i32
    %dma_wait3A_1163 = arith.constant 2 : i32
    %dma_wait3A_1164 = arith.constant 0 : i32
    %dma_wait3A_1165 = arith.constant 0 : i32
    %dma_wait3A_1166 = tpu.memref_slice %arg9[%dma_wait3A_1161, %dma_wait3A_1162, %dma_wait3A_1164, %dma_wait3A_1165] : memref<3x4x256x32xf32, #tpu.memory_space<vmem>> -> memref<1x1x128x32xf32, #tpu.memory_space<vmem>>
    %dma_wait3A_1167 = tpu.memref_squeeze %dma_wait3A_1166 : memref<1x1x128x32xf32, #tpu.memory_space<vmem>> -> memref<128x32xf32, #tpu.memory_space<vmem>>
    %dma_wait3A_1168 = arith.constant 0 : i32
    %dma_wait3A_1169 = tpu.memref_slice %arg8[%dma_wait3A_1158, %dma_wait3A_1159, %dma_wait3A_1160, %dma_wait3A_1168] : memref<3x4x2x128xi32, #tpu.memory_space<vmem>> -> memref<1x1x1x128xi32, #tpu.memory_space<vmem>>
    %dma_wait3A_1170 = tpu.memref_squeeze %dma_wait3A_1169 : memref<1x1x1x128xi32, #tpu.memory_space<vmem>> -> memref<128xi32, #tpu.memory_space<vmem>>
    %dma_wait3A_1171 = arith.constant 0 : i32
    %dma_wait3A_1172 = arith.constant 0 : i32
    %dma_wait3A_1173 = tpu.memref_slice %arg5[%dma_wait3A_1171, %dma_wait3A_1172] : memref<4096x32xf32, #tpu.memory_space<hbm>> -> memref<4096x32xf32, #tpu.memory_space<hbm>>
    %dma_wait3A_1174 = tpu.memref_slice %arg10[%dma_wait3A_1163] : memref<3x!tpu.dma_semaphore, #tpu.memory_space<semaphore_mem>> -> memref<1x!tpu.dma_semaphore, #tpu.memory_space<semaphore_mem>>
    %dma_wait3A_1175 = tpu.memref_squeeze %dma_wait3A_1174 : memref<1x!tpu.dma_semaphore, #tpu.memory_space<semaphore_mem>> -> memref<!tpu.dma_semaphore, #tpu.memory_space<semaphore_mem>>
    tpu.wait_indirect_dma semaphore(%dma_wait3A_1175 : memref<!tpu.dma_semaphore, #tpu.memory_space<semaphore_mem>>) src(%dma_wait3A_1173 : memref<4096x32xf32, #tpu.memory_space<hbm>>) dst(%dma_wait3A_1167 : memref<128x32xf32, #tpu.memory_space<vmem>>)
    %dma_wait3A_1176 = arith.constant 2 : i32
    %dma_wait3A_1177 = arith.constant 2 : i32
    %dma_wait3A_1178 = arith.constant 1 : i32
    %dma_wait3A_1179 = arith.constant 2 : i32
    %dma_wait3A_1180 = arith.constant 2 : i32
    %dma_wait3A_1181 = arith.constant 2 : i32
    %dma_wait3A_1182 = arith.constant 128 : i32
    %dma_wait3A_1183 = arith.constant 0 : i32
    %dma_wait3A_1184 = tpu.memref_slice %arg9[%dma_wait3A_1179, %dma_wait3A_1180, %dma_wait3A_1182, %dma_wait3A_1183] : memref<3x4x256x32xf32, #tpu.memory_space<vmem>> -> memref<1x1x128x32xf32, #tpu.memory_space<vmem>>
    %dma_wait3A_1185 = tpu.memref_squeeze %dma_wait3A_1184 : memref<1x1x128x32xf32, #tpu.memory_space<vmem>> -> memref<128x32xf32, #tpu.memory_space<vmem>>
    %dma_wait3A_1186 = arith.constant 0 : i32
    %dma_wait3A_1187 = tpu.memref_slice %arg8[%dma_wait3A_1176, %dma_wait3A_1177, %dma_wait3A_1178, %dma_wait3A_1186] : memref<3x4x2x128xi32, #tpu.memory_space<vmem>> -> memref<1x1x1x128xi32, #tpu.memory_space<vmem>>
    %dma_wait3A_1188 = tpu.memref_squeeze %dma_wait3A_1187 : memref<1x1x1x128xi32, #tpu.memory_space<vmem>> -> memref<128xi32, #tpu.memory_space<vmem>>
    %dma_wait3A_1189 = arith.constant 0 : i32
    %dma_wait3A_1190 = arith.constant 0 : i32
    %dma_wait3A_1191 = tpu.memref_slice %arg5[%dma_wait3A_1189, %dma_wait3A_1190] : memref<4096x32xf32, #tpu.memory_space<hbm>> -> memref<4096x32xf32, #tpu.memory_space<hbm>>
    %dma_wait3A_1192 = tpu.memref_slice %arg10[%dma_wait3A_1181] : memref<3x!tpu.dma_semaphore, #tpu.memory_space<semaphore_mem>> -> memref<1x!tpu.dma_semaphore, #tpu.memory_space<semaphore_mem>>
    %dma_wait3A_1193 = tpu.memref_squeeze %dma_wait3A_1192 : memref<1x!tpu.dma_semaphore, #tpu.memory_space<semaphore_mem>> -> memref<!tpu.dma_semaphore, #tpu.memory_space<semaphore_mem>>
    tpu.wait_indirect_dma semaphore(%dma_wait3A_1193 : memref<!tpu.dma_semaphore, #tpu.memory_space<semaphore_mem>>) src(%dma_wait3A_1191 : memref<4096x32xf32, #tpu.memory_space<hbm>>) dst(%dma_wait3A_1185 : memref<128x32xf32, #tpu.memory_space<vmem>>)
    %dma_wait3A_1194 = arith.constant 2 : i32
    %dma_wait3A_1195 = arith.constant 3 : i32
    %dma_wait3A_1196 = arith.constant 0 : i32
    %dma_wait3A_1197 = arith.constant 2 : i32
    %dma_wait3A_1198 = arith.constant 3 : i32
    %dma_wait3A_1199 = arith.constant 2 : i32
    %dma_wait3A_1200 = arith.constant 0 : i32
    %dma_wait3A_1201 = arith.constant 0 : i32
    %dma_wait3A_1202 = tpu.memref_slice %arg9[%dma_wait3A_1197, %dma_wait3A_1198, %dma_wait3A_1200, %dma_wait3A_1201] : memref<3x4x256x32xf32, #tpu.memory_space<vmem>> -> memref<1x1x128x32xf32, #tpu.memory_space<vmem>>
    %dma_wait3A_1203 = tpu.memref_squeeze %dma_wait3A_1202 : memref<1x1x128x32xf32, #tpu.memory_space<vmem>> -> memref<128x32xf32, #tpu.memory_space<vmem>>
    %dma_wait3A_1204 = arith.constant 0 : i32
    %dma_wait3A_1205 = tpu.memref_slice %arg8[%dma_wait3A_1194, %dma_wait3A_1195, %dma_wait3A_1196, %dma_wait3A_1204] : memref<3x4x2x128xi32, #tpu.memory_space<vmem>> -> memref<1x1x1x128xi32, #tpu.memory_space<vmem>>
    %dma_wait3A_1206 = tpu.memref_squeeze %dma_wait3A_1205 : memref<1x1x1x128xi32, #tpu.memory_space<vmem>> -> memref<128xi32, #tpu.memory_space<vmem>>
    %dma_wait3A_1207 = arith.constant 0 : i32
    %dma_wait3A_1208 = arith.constant 0 : i32
    %dma_wait3A_1209 = tpu.memref_slice %arg6[%dma_wait3A_1207, %dma_wait3A_1208] : memref<4096x32xf32, #tpu.memory_space<hbm>> -> memref<4096x32xf32, #tpu.memory_space<hbm>>
    %dma_wait3A_1210 = tpu.memref_slice %arg10[%dma_wait3A_1199] : memref<3x!tpu.dma_semaphore, #tpu.memory_space<semaphore_mem>> -> memref<1x!tpu.dma_semaphore, #tpu.memory_space<semaphore_mem>>
    %dma_wait3A_1211 = tpu.memref_squeeze %dma_wait3A_1210 : memref<1x!tpu.dma_semaphore, #tpu.memory_space<semaphore_mem>> -> memref<!tpu.dma_semaphore, #tpu.memory_space<semaphore_mem>>
    tpu.wait_indirect_dma semaphore(%dma_wait3A_1211 : memref<!tpu.dma_semaphore, #tpu.memory_space<semaphore_mem>>) src(%dma_wait3A_1209 : memref<4096x32xf32, #tpu.memory_space<hbm>>) dst(%dma_wait3A_1203 : memref<128x32xf32, #tpu.memory_space<vmem>>)
    %dma_wait3A_1212 = arith.constant 2 : i32
    %dma_wait3A_1213 = arith.constant 3 : i32
    %dma_wait3A_1214 = arith.constant 1 : i32
    %dma_wait3A_1215 = arith.constant 2 : i32
    %dma_wait3A_1216 = arith.constant 3 : i32
    %dma_wait3A_1217 = arith.constant 2 : i32
    %dma_wait3A_1218 = arith.constant 128 : i32
    %dma_wait3A_1219 = arith.constant 0 : i32
    %dma_wait3A_1220 = tpu.memref_slice %arg9[%dma_wait3A_1215, %dma_wait3A_1216, %dma_wait3A_1218, %dma_wait3A_1219] : memref<3x4x256x32xf32, #tpu.memory_space<vmem>> -> memref<1x1x128x32xf32, #tpu.memory_space<vmem>>
    %dma_wait3A_1221 = tpu.memref_squeeze %dma_wait3A_1220 : memref<1x1x128x32xf32, #tpu.memory_space<vmem>> -> memref<128x32xf32, #tpu.memory_space<vmem>>
    %dma_wait3A_1222 = arith.constant 0 : i32
    %dma_wait3A_1223 = tpu.memref_slice %arg8[%dma_wait3A_1212, %dma_wait3A_1213, %dma_wait3A_1214, %dma_wait3A_1222] : memref<3x4x2x128xi32, #tpu.memory_space<vmem>> -> memref<1x1x1x128xi32, #tpu.memory_space<vmem>>
    %dma_wait3A_1224 = tpu.memref_squeeze %dma_wait3A_1223 : memref<1x1x1x128xi32, #tpu.memory_space<vmem>> -> memref<128xi32, #tpu.memory_space<vmem>>
    %dma_wait3A_1225 = arith.constant 0 : i32
    %dma_wait3A_1226 = arith.constant 0 : i32
    %dma_wait3A_1227 = tpu.memref_slice %arg6[%dma_wait3A_1225, %dma_wait3A_1226] : memref<4096x32xf32, #tpu.memory_space<hbm>> -> memref<4096x32xf32, #tpu.memory_space<hbm>>
    %dma_wait3A_1228 = tpu.memref_slice %arg10[%dma_wait3A_1217] : memref<3x!tpu.dma_semaphore, #tpu.memory_space<semaphore_mem>> -> memref<1x!tpu.dma_semaphore, #tpu.memory_space<semaphore_mem>>
    %dma_wait3A_1229 = tpu.memref_squeeze %dma_wait3A_1228 : memref<1x!tpu.dma_semaphore, #tpu.memory_space<semaphore_mem>> -> memref<!tpu.dma_semaphore, #tpu.memory_space<semaphore_mem>>
    tpu.wait_indirect_dma semaphore(%dma_wait3A_1229 : memref<!tpu.dma_semaphore, #tpu.memory_space<semaphore_mem>>) src(%dma_wait3A_1227 : memref<4096x32xf32, #tpu.memory_space<hbm>>) dst(%dma_wait3A_1221 : memref<128x32xf32, #tpu.memory_space<vmem>>)
    %add3A_1230 = arith.constant 512 : i32
    %add3A_1231 = arith.addi %mul3A_32, %add3A_1230 : i32
    %run_scoped3A_1232 = arith.constant 2 : i32
    %run_scoped3A_1233 = arith.constant 0 : i32
    %run_scoped3A_1234 = arith.constant 0 : i32
    "tpu.region"() ({
      %run_scoped3A_1414 = tpu.sem_alloc : memref<!tpu.dma_semaphore, #tpu.memory_space<semaphore_mem>>
      %dma_start3A_1415 = arith.constant 0 : i32
      %dma_start3A_1416 = arith.constant 0 : i32
      %dma_start3A_1417 = tpu.memref_slice %arg9[%run_scoped3A_1232, %run_scoped3A_1233, %dma_start3A_1415, %dma_start3A_1416] : memref<3x4x256x32xf32, #tpu.memory_space<vmem>> -> memref<1x1x256x32xf32, #tpu.memory_space<vmem>>
      %dma_start3A_1418 = tpu.memref_squeeze %dma_start3A_1417 : memref<1x1x256x32xf32, #tpu.memory_space<vmem>> -> memref<256x32xf32, #tpu.memory_space<vmem>>
      %dma_start3A_1419 = arith.constant 0 : i32
      %dma_start3A_1420 = tpu.memref_slice %arg7[%select_n3A, %run_scoped3A_1234, %add3A_1231, %dma_start3A_1419] : memref<4x1x8192x128xf32, #tpu.memory_space<hbm>> -> memref<1x1x256x32xf32, #tpu.memory_space<hbm>>
      %dma_start3A_1421 = tpu.memref_squeeze %dma_start3A_1420 : memref<1x1x256x32xf32, #tpu.memory_space<hbm>> -> memref<256x32xf32, #tpu.memory_space<hbm>>
      %dma_start3A_1422 = arith.constant 0 : i32
      %dma_start3A_1423 = tpu.memref_slice %arg7[%select_n3A, %run_scoped3A_1234, %add3A_1231, %dma_start3A_1422] : memref<4x1x8192x128xf32, #tpu.memory_space<hbm>> -> memref<1x1x256x32xf32, #tpu.memory_space<hbm>>
      %dma_start3A_1424 = tpu.memref_squeeze %dma_start3A_1423 : memref<1x1x256x32xf32, #tpu.memory_space<hbm>> -> memref<256x32xf32, #tpu.memory_space<hbm>>
      %dma_start3A_1425 = arith.constant 0 : i32
      %dma_start3A_1426 = arith.constant 0 : i32
      %dma_start3A_1427 = tpu.memref_slice %arg9[%run_scoped3A_1232, %run_scoped3A_1233, %dma_start3A_1425, %dma_start3A_1426] : memref<3x4x256x32xf32, #tpu.memory_space<vmem>> -> memref<1x1x256x32xf32, #tpu.memory_space<vmem>>
      %dma_start3A_1428 = tpu.memref_squeeze %dma_start3A_1427 : memref<1x1x256x32xf32, #tpu.memory_space<vmem>> -> memref<256x32xf32, #tpu.memory_space<vmem>>
      tpu.enqueue_dma source(%dma_start3A_1428 : memref<256x32xf32, #tpu.memory_space<vmem>>) target(%dma_start3A_1424 : memref<256x32xf32, #tpu.memory_space<hbm>>) target_semaphore(%run_scoped3A_1414 : memref<!tpu.dma_semaphore, #tpu.memory_space<semaphore_mem>>)
      %dma_wait3A_1429 = arith.constant 0 : i32
      %dma_wait3A_1430 = arith.constant 0 : i32
      %dma_wait3A_1431 = tpu.memref_slice %arg9[%run_scoped3A_1232, %run_scoped3A_1233, %dma_wait3A_1429, %dma_wait3A_1430] : memref<3x4x256x32xf32, #tpu.memory_space<vmem>> -> memref<1x1x256x32xf32, #tpu.memory_space<vmem>>
      %dma_wait3A_1432 = tpu.memref_squeeze %dma_wait3A_1431 : memref<1x1x256x32xf32, #tpu.memory_space<vmem>> -> memref<256x32xf32, #tpu.memory_space<vmem>>
      %dma_wait3A_1433 = arith.constant 0 : i32
      %dma_wait3A_1434 = tpu.memref_slice %arg7[%select_n3A, %run_scoped3A_1234, %add3A_1231, %dma_wait3A_1433] : memref<4x1x8192x128xf32, #tpu.memory_space<hbm>> -> memref<1x1x256x32xf32, #tpu.memory_space<hbm>>
      %dma_wait3A_1435 = tpu.memref_squeeze %dma_wait3A_1434 : memref<1x1x256x32xf32, #tpu.memory_space<hbm>> -> memref<256x32xf32, #tpu.memory_space<hbm>>
      %dma_wait3A_1436 = arith.constant 0 : i32
      %dma_wait3A_1437 = tpu.memref_slice %arg7[%select_n3A, %run_scoped3A_1234, %add3A_1231, %dma_wait3A_1436] : memref<4x1x8192x128xf32, #tpu.memory_space<hbm>> -> memref<1x1x256x32xf32, #tpu.memory_space<hbm>>
      %dma_wait3A_1438 = tpu.memref_squeeze %dma_wait3A_1437 : memref<1x1x256x32xf32, #tpu.memory_space<hbm>> -> memref<256x32xf32, #tpu.memory_space<hbm>>
      %dma_wait3A_1439 = arith.constant 0 : i32
      %dma_wait3A_1440 = arith.constant 0 : i32
      %dma_wait3A_1441 = tpu.memref_slice %arg9[%run_scoped3A_1232, %run_scoped3A_1233, %dma_wait3A_1439, %dma_wait3A_1440] : memref<3x4x256x32xf32, #tpu.memory_space<vmem>> -> memref<1x1x256x32xf32, #tpu.memory_space<vmem>>
      %dma_wait3A_1442 = tpu.memref_squeeze %dma_wait3A_1441 : memref<1x1x256x32xf32, #tpu.memory_space<vmem>> -> memref<256x32xf32, #tpu.memory_space<vmem>>
      tpu.wait_dma2 semaphore(%run_scoped3A_1414 : memref<!tpu.dma_semaphore, #tpu.memory_space<semaphore_mem>>) src(%dma_wait3A_1442 : memref<256x32xf32, #tpu.memory_space<vmem>>) dst(%dma_wait3A_1438 : memref<256x32xf32, #tpu.memory_space<hbm>>)
      tpu.yield
    }) : () -> ()
    %add3A_1235 = arith.constant 512 : i32
    %add3A_1236 = arith.addi %mul3A_32, %add3A_1235 : i32
    %run_scoped3A_1237 = arith.constant 2 : i32
    %run_scoped3A_1238 = arith.constant 1 : i32
    %run_scoped3A_1239 = arith.constant 0 : i32
    "tpu.region"() ({
      %run_scoped3A_1414 = tpu.sem_alloc : memref<!tpu.dma_semaphore, #tpu.memory_space<semaphore_mem>>
      %dma_start3A_1415 = arith.constant 0 : i32
      %dma_start3A_1416 = arith.constant 0 : i32
      %dma_start3A_1417 = tpu.memref_slice %arg9[%run_scoped3A_1237, %run_scoped3A_1238, %dma_start3A_1415, %dma_start3A_1416] : memref<3x4x256x32xf32, #tpu.memory_space<vmem>> -> memref<1x1x256x32xf32, #tpu.memory_space<vmem>>
      %dma_start3A_1418 = tpu.memref_squeeze %dma_start3A_1417 : memref<1x1x256x32xf32, #tpu.memory_space<vmem>> -> memref<256x32xf32, #tpu.memory_space<vmem>>
      %dma_start3A_1419 = arith.constant 32 : i32
      %dma_start3A_1420 = tpu.memref_slice %arg7[%select_n3A, %run_scoped3A_1239, %add3A_1236, %dma_start3A_1419] : memref<4x1x8192x128xf32, #tpu.memory_space<hbm>> -> memref<1x1x256x32xf32, #tpu.memory_space<hbm>>
      %dma_start3A_1421 = tpu.memref_squeeze %dma_start3A_1420 : memref<1x1x256x32xf32, #tpu.memory_space<hbm>> -> memref<256x32xf32, #tpu.memory_space<hbm>>
      %dma_start3A_1422 = arith.constant 32 : i32
      %dma_start3A_1423 = tpu.memref_slice %arg7[%select_n3A, %run_scoped3A_1239, %add3A_1236, %dma_start3A_1422] : memref<4x1x8192x128xf32, #tpu.memory_space<hbm>> -> memref<1x1x256x32xf32, #tpu.memory_space<hbm>>
      %dma_start3A_1424 = tpu.memref_squeeze %dma_start3A_1423 : memref<1x1x256x32xf32, #tpu.memory_space<hbm>> -> memref<256x32xf32, #tpu.memory_space<hbm>>
      %dma_start3A_1425 = arith.constant 0 : i32
      %dma_start3A_1426 = arith.constant 0 : i32
      %dma_start3A_1427 = tpu.memref_slice %arg9[%run_scoped3A_1237, %run_scoped3A_1238, %dma_start3A_1425, %dma_start3A_1426] : memref<3x4x256x32xf32, #tpu.memory_space<vmem>> -> memref<1x1x256x32xf32, #tpu.memory_space<vmem>>
      %dma_start3A_1428 = tpu.memref_squeeze %dma_start3A_1427 : memref<1x1x256x32xf32, #tpu.memory_space<vmem>> -> memref<256x32xf32, #tpu.memory_space<vmem>>
      tpu.enqueue_dma source(%dma_start3A_1428 : memref<256x32xf32, #tpu.memory_space<vmem>>) target(%dma_start3A_1424 : memref<256x32xf32, #tpu.memory_space<hbm>>) target_semaphore(%run_scoped3A_1414 : memref<!tpu.dma_semaphore, #tpu.memory_space<semaphore_mem>>)
      %dma_wait3A_1429 = arith.constant 0 : i32
      %dma_wait3A_1430 = arith.constant 0 : i32
      %dma_wait3A_1431 = tpu.memref_slice %arg9[%run_scoped3A_1237, %run_scoped3A_1238, %dma_wait3A_1429, %dma_wait3A_1430] : memref<3x4x256x32xf32, #tpu.memory_space<vmem>> -> memref<1x1x256x32xf32, #tpu.memory_space<vmem>>
      %dma_wait3A_1432 = tpu.memref_squeeze %dma_wait3A_1431 : memref<1x1x256x32xf32, #tpu.memory_space<vmem>> -> memref<256x32xf32, #tpu.memory_space<vmem>>
      %dma_wait3A_1433 = arith.constant 32 : i32
      %dma_wait3A_1434 = tpu.memref_slice %arg7[%select_n3A, %run_scoped3A_1239, %add3A_1236, %dma_wait3A_1433] : memref<4x1x8192x128xf32, #tpu.memory_space<hbm>> -> memref<1x1x256x32xf32, #tpu.memory_space<hbm>>
      %dma_wait3A_1435 = tpu.memref_squeeze %dma_wait3A_1434 : memref<1x1x256x32xf32, #tpu.memory_space<hbm>> -> memref<256x32xf32, #tpu.memory_space<hbm>>
      %dma_wait3A_1436 = arith.constant 32 : i32
      %dma_wait3A_1437 = tpu.memref_slice %arg7[%select_n3A, %run_scoped3A_1239, %add3A_1236, %dma_wait3A_1436] : memref<4x1x8192x128xf32, #tpu.memory_space<hbm>> -> memref<1x1x256x32xf32, #tpu.memory_space<hbm>>
      %dma_wait3A_1438 = tpu.memref_squeeze %dma_wait3A_1437 : memref<1x1x256x32xf32, #tpu.memory_space<hbm>> -> memref<256x32xf32, #tpu.memory_space<hbm>>
      %dma_wait3A_1439 = arith.constant 0 : i32
      %dma_wait3A_1440 = arith.constant 0 : i32
      %dma_wait3A_1441 = tpu.memref_slice %arg9[%run_scoped3A_1237, %run_scoped3A_1238, %dma_wait3A_1439, %dma_wait3A_1440] : memref<3x4x256x32xf32, #tpu.memory_space<vmem>> -> memref<1x1x256x32xf32, #tpu.memory_space<vmem>>
      %dma_wait3A_1442 = tpu.memref_squeeze %dma_wait3A_1441 : memref<1x1x256x32xf32, #tpu.memory_space<vmem>> -> memref<256x32xf32, #tpu.memory_space<vmem>>
      tpu.wait_dma2 semaphore(%run_scoped3A_1414 : memref<!tpu.dma_semaphore, #tpu.memory_space<semaphore_mem>>) src(%dma_wait3A_1442 : memref<256x32xf32, #tpu.memory_space<vmem>>) dst(%dma_wait3A_1438 : memref<256x32xf32, #tpu.memory_space<hbm>>)
      tpu.yield
    }) : () -> ()
    %add3A_1240 = arith.constant 512 : i32
    %add3A_1241 = arith.addi %mul3A_32, %add3A_1240 : i32
    %run_scoped3A_1242 = arith.constant 2 : i32
    %run_scoped3A_1243 = arith.constant 2 : i32
    %run_scoped3A_1244 = arith.constant 0 : i32
    "tpu.region"() ({
      %run_scoped3A_1414 = tpu.sem_alloc : memref<!tpu.dma_semaphore, #tpu.memory_space<semaphore_mem>>
      %dma_start3A_1415 = arith.constant 0 : i32
      %dma_start3A_1416 = arith.constant 0 : i32
      %dma_start3A_1417 = tpu.memref_slice %arg9[%run_scoped3A_1242, %run_scoped3A_1243, %dma_start3A_1415, %dma_start3A_1416] : memref<3x4x256x32xf32, #tpu.memory_space<vmem>> -> memref<1x1x256x32xf32, #tpu.memory_space<vmem>>
      %dma_start3A_1418 = tpu.memref_squeeze %dma_start3A_1417 : memref<1x1x256x32xf32, #tpu.memory_space<vmem>> -> memref<256x32xf32, #tpu.memory_space<vmem>>
      %dma_start3A_1419 = arith.constant 64 : i32
      %dma_start3A_1420 = tpu.memref_slice %arg7[%select_n3A, %run_scoped3A_1244, %add3A_1241, %dma_start3A_1419] : memref<4x1x8192x128xf32, #tpu.memory_space<hbm>> -> memref<1x1x256x32xf32, #tpu.memory_space<hbm>>
      %dma_start3A_1421 = tpu.memref_squeeze %dma_start3A_1420 : memref<1x1x256x32xf32, #tpu.memory_space<hbm>> -> memref<256x32xf32, #tpu.memory_space<hbm>>
      %dma_start3A_1422 = arith.constant 64 : i32
      %dma_start3A_1423 = tpu.memref_slice %arg7[%select_n3A, %run_scoped3A_1244, %add3A_1241, %dma_start3A_1422] : memref<4x1x8192x128xf32, #tpu.memory_space<hbm>> -> memref<1x1x256x32xf32, #tpu.memory_space<hbm>>
      %dma_start3A_1424 = tpu.memref_squeeze %dma_start3A_1423 : memref<1x1x256x32xf32, #tpu.memory_space<hbm>> -> memref<256x32xf32, #tpu.memory_space<hbm>>
      %dma_start3A_1425 = arith.constant 0 : i32
      %dma_start3A_1426 = arith.constant 0 : i32
      %dma_start3A_1427 = tpu.memref_slice %arg9[%run_scoped3A_1242, %run_scoped3A_1243, %dma_start3A_1425, %dma_start3A_1426] : memref<3x4x256x32xf32, #tpu.memory_space<vmem>> -> memref<1x1x256x32xf32, #tpu.memory_space<vmem>>
      %dma_start3A_1428 = tpu.memref_squeeze %dma_start3A_1427 : memref<1x1x256x32xf32, #tpu.memory_space<vmem>> -> memref<256x32xf32, #tpu.memory_space<vmem>>
      tpu.enqueue_dma source(%dma_start3A_1428 : memref<256x32xf32, #tpu.memory_space<vmem>>) target(%dma_start3A_1424 : memref<256x32xf32, #tpu.memory_space<hbm>>) target_semaphore(%run_scoped3A_1414 : memref<!tpu.dma_semaphore, #tpu.memory_space<semaphore_mem>>)
      %dma_wait3A_1429 = arith.constant 0 : i32
      %dma_wait3A_1430 = arith.constant 0 : i32
      %dma_wait3A_1431 = tpu.memref_slice %arg9[%run_scoped3A_1242, %run_scoped3A_1243, %dma_wait3A_1429, %dma_wait3A_1430] : memref<3x4x256x32xf32, #tpu.memory_space<vmem>> -> memref<1x1x256x32xf32, #tpu.memory_space<vmem>>
      %dma_wait3A_1432 = tpu.memref_squeeze %dma_wait3A_1431 : memref<1x1x256x32xf32, #tpu.memory_space<vmem>> -> memref<256x32xf32, #tpu.memory_space<vmem>>
      %dma_wait3A_1433 = arith.constant 64 : i32
      %dma_wait3A_1434 = tpu.memref_slice %arg7[%select_n3A, %run_scoped3A_1244, %add3A_1241, %dma_wait3A_1433] : memref<4x1x8192x128xf32, #tpu.memory_space<hbm>> -> memref<1x1x256x32xf32, #tpu.memory_space<hbm>>
      %dma_wait3A_1435 = tpu.memref_squeeze %dma_wait3A_1434 : memref<1x1x256x32xf32, #tpu.memory_space<hbm>> -> memref<256x32xf32, #tpu.memory_space<hbm>>
      %dma_wait3A_1436 = arith.constant 64 : i32
      %dma_wait3A_1437 = tpu.memref_slice %arg7[%select_n3A, %run_scoped3A_1244, %add3A_1241, %dma_wait3A_1436] : memref<4x1x8192x128xf32, #tpu.memory_space<hbm>> -> memref<1x1x256x32xf32, #tpu.memory_space<hbm>>
      %dma_wait3A_1438 = tpu.memref_squeeze %dma_wait3A_1437 : memref<1x1x256x32xf32, #tpu.memory_space<hbm>> -> memref<256x32xf32, #tpu.memory_space<hbm>>
      %dma_wait3A_1439 = arith.constant 0 : i32
      %dma_wait3A_1440 = arith.constant 0 : i32
      %dma_wait3A_1441 = tpu.memref_slice %arg9[%run_scoped3A_1242, %run_scoped3A_1243, %dma_wait3A_1439, %dma_wait3A_1440] : memref<3x4x256x32xf32, #tpu.memory_space<vmem>> -> memref<1x1x256x32xf32, #tpu.memory_space<vmem>>
      %dma_wait3A_1442 = tpu.memref_squeeze %dma_wait3A_1441 : memref<1x1x256x32xf32, #tpu.memory_space<vmem>> -> memref<256x32xf32, #tpu.memory_space<vmem>>
      tpu.wait_dma2 semaphore(%run_scoped3A_1414 : memref<!tpu.dma_semaphore, #tpu.memory_space<semaphore_mem>>) src(%dma_wait3A_1442 : memref<256x32xf32, #tpu.memory_space<vmem>>) dst(%dma_wait3A_1438 : memref<256x32xf32, #tpu.memory_space<hbm>>)
      tpu.yield
    }) : () -> ()
    %add3A_1245 = arith.constant 512 : i32
    %add3A_1246 = arith.addi %mul3A_32, %add3A_1245 : i32
    %run_scoped3A_1247 = arith.constant 2 : i32
    %run_scoped3A_1248 = arith.constant 3 : i32
    %run_scoped3A_1249 = arith.constant 0 : i32
    "tpu.region"() ({
      %run_scoped3A_1414 = tpu.sem_alloc : memref<!tpu.dma_semaphore, #tpu.memory_space<semaphore_mem>>
      %dma_start3A_1415 = arith.constant 0 : i32
      %dma_start3A_1416 = arith.constant 0 : i32
      %dma_start3A_1417 = tpu.memref_slice %arg9[%run_scoped3A_1247, %run_scoped3A_1248, %dma_start3A_1415, %dma_start3A_1416] : memref<3x4x256x32xf32, #tpu.memory_space<vmem>> -> memref<1x1x256x32xf32, #tpu.memory_space<vmem>>
      %dma_start3A_1418 = tpu.memref_squeeze %dma_start3A_1417 : memref<1x1x256x32xf32, #tpu.memory_space<vmem>> -> memref<256x32xf32, #tpu.memory_space<vmem>>
      %dma_start3A_1419 = arith.constant 96 : i32
      %dma_start3A_1420 = tpu.memref_slice %arg7[%select_n3A, %run_scoped3A_1249, %add3A_1246, %dma_start3A_1419] : memref<4x1x8192x128xf32, #tpu.memory_space<hbm>> -> memref<1x1x256x32xf32, #tpu.memory_space<hbm>>
      %dma_start3A_1421 = tpu.memref_squeeze %dma_start3A_1420 : memref<1x1x256x32xf32, #tpu.memory_space<hbm>> -> memref<256x32xf32, #tpu.memory_space<hbm>>
      %dma_start3A_1422 = arith.constant 96 : i32
      %dma_start3A_1423 = tpu.memref_slice %arg7[%select_n3A, %run_scoped3A_1249, %add3A_1246, %dma_start3A_1422] : memref<4x1x8192x128xf32, #tpu.memory_space<hbm>> -> memref<1x1x256x32xf32, #tpu.memory_space<hbm>>
      %dma_start3A_1424 = tpu.memref_squeeze %dma_start3A_1423 : memref<1x1x256x32xf32, #tpu.memory_space<hbm>> -> memref<256x32xf32, #tpu.memory_space<hbm>>
      %dma_start3A_1425 = arith.constant 0 : i32
      %dma_start3A_1426 = arith.constant 0 : i32
      %dma_start3A_1427 = tpu.memref_slice %arg9[%run_scoped3A_1247, %run_scoped3A_1248, %dma_start3A_1425, %dma_start3A_1426] : memref<3x4x256x32xf32, #tpu.memory_space<vmem>> -> memref<1x1x256x32xf32, #tpu.memory_space<vmem>>
      %dma_start3A_1428 = tpu.memref_squeeze %dma_start3A_1427 : memref<1x1x256x32xf32, #tpu.memory_space<vmem>> -> memref<256x32xf32, #tpu.memory_space<vmem>>
      tpu.enqueue_dma source(%dma_start3A_1428 : memref<256x32xf32, #tpu.memory_space<vmem>>) target(%dma_start3A_1424 : memref<256x32xf32, #tpu.memory_space<hbm>>) target_semaphore(%run_scoped3A_1414 : memref<!tpu.dma_semaphore, #tpu.memory_space<semaphore_mem>>)
      %dma_wait3A_1429 = arith.constant 0 : i32
      %dma_wait3A_1430 = arith.constant 0 : i32
      %dma_wait3A_1431 = tpu.memref_slice %arg9[%run_scoped3A_1247, %run_scoped3A_1248, %dma_wait3A_1429, %dma_wait3A_1430] : memref<3x4x256x32xf32, #tpu.memory_space<vmem>> -> memref<1x1x256x32xf32, #tpu.memory_space<vmem>>
      %dma_wait3A_1432 = tpu.memref_squeeze %dma_wait3A_1431 : memref<1x1x256x32xf32, #tpu.memory_space<vmem>> -> memref<256x32xf32, #tpu.memory_space<vmem>>
      %dma_wait3A_1433 = arith.constant 96 : i32
      %dma_wait3A_1434 = tpu.memref_slice %arg7[%select_n3A, %run_scoped3A_1249, %add3A_1246, %dma_wait3A_1433] : memref<4x1x8192x128xf32, #tpu.memory_space<hbm>> -> memref<1x1x256x32xf32, #tpu.memory_space<hbm>>
      %dma_wait3A_1435 = tpu.memref_squeeze %dma_wait3A_1434 : memref<1x1x256x32xf32, #tpu.memory_space<hbm>> -> memref<256x32xf32, #tpu.memory_space<hbm>>
      %dma_wait3A_1436 = arith.constant 96 : i32
      %dma_wait3A_1437 = tpu.memref_slice %arg7[%select_n3A, %run_scoped3A_1249, %add3A_1246, %dma_wait3A_1436] : memref<4x1x8192x128xf32, #tpu.memory_space<hbm>> -> memref<1x1x256x32xf32, #tpu.memory_space<hbm>>
      %dma_wait3A_1438 = tpu.memref_squeeze %dma_wait3A_1437 : memref<1x1x256x32xf32, #tpu.memory_space<hbm>> -> memref<256x32xf32, #tpu.memory_space<hbm>>
      %dma_wait3A_1439 = arith.constant 0 : i32
      %dma_wait3A_1440 = arith.constant 0 : i32
      %dma_wait3A_1441 = tpu.memref_slice %arg9[%run_scoped3A_1247, %run_scoped3A_1248, %dma_wait3A_1439, %dma_wait3A_1440] : memref<3x4x256x32xf32, #tpu.memory_space<vmem>> -> memref<1x1x256x32xf32, #tpu.memory_space<vmem>>
      %dma_wait3A_1442 = tpu.memref_squeeze %dma_wait3A_1441 : memref<1x1x256x32xf32, #tpu.memory_space<vmem>> -> memref<256x32xf32, #tpu.memory_space<vmem>>
      tpu.wait_dma2 semaphore(%run_scoped3A_1414 : memref<!tpu.dma_semaphore, #tpu.memory_space<semaphore_mem>>) src(%dma_wait3A_1442 : memref<256x32xf32, #tpu.memory_space<vmem>>) dst(%dma_wait3A_1438 : memref<256x32xf32, #tpu.memory_space<hbm>>)
      tpu.yield
    }) : () -> ()
    %dma_wait3A_1250 = arith.constant 0 : i32
    %dma_wait3A_1251 = arith.constant 0 : i32
    %dma_wait3A_1252 = arith.constant 0 : i32
    %dma_wait3A_1253 = arith.constant 0 : i32
    %dma_wait3A_1254 = arith.constant 0 : i32
    %dma_wait3A_1255 = arith.constant 0 : i32
    %dma_wait3A_1256 = arith.constant 0 : i32
    %dma_wait3A_1257 = arith.constant 0 : i32
    %dma_wait3A_1258 = tpu.memref_slice %arg9[%dma_wait3A_1253, %dma_wait3A_1254, %dma_wait3A_1256, %dma_wait3A_1257] : memref<3x4x256x32xf32, #tpu.memory_space<vmem>> -> memref<1x1x128x32xf32, #tpu.memory_space<vmem>>
    %dma_wait3A_1259 = tpu.memref_squeeze %dma_wait3A_1258 : memref<1x1x128x32xf32, #tpu.memory_space<vmem>> -> memref<128x32xf32, #tpu.memory_space<vmem>>
    %dma_wait3A_1260 = arith.constant 0 : i32
    %dma_wait3A_1261 = tpu.memref_slice %arg8[%dma_wait3A_1250, %dma_wait3A_1251, %dma_wait3A_1252, %dma_wait3A_1260] : memref<3x4x2x128xi32, #tpu.memory_space<vmem>> -> memref<1x1x1x128xi32, #tpu.memory_space<vmem>>
    %dma_wait3A_1262 = tpu.memref_squeeze %dma_wait3A_1261 : memref<1x1x1x128xi32, #tpu.memory_space<vmem>> -> memref<128xi32, #tpu.memory_space<vmem>>
    %dma_wait3A_1263 = arith.constant 0 : i32
    %dma_wait3A_1264 = arith.constant 0 : i32
    %dma_wait3A_1265 = tpu.memref_slice %arg3[%dma_wait3A_1263, %dma_wait3A_1264] : memref<4096x32xf32, #tpu.memory_space<hbm>> -> memref<4096x32xf32, #tpu.memory_space<hbm>>
    %dma_wait3A_1266 = tpu.memref_slice %arg10[%dma_wait3A_1255] : memref<3x!tpu.dma_semaphore, #tpu.memory_space<semaphore_mem>> -> memref<1x!tpu.dma_semaphore, #tpu.memory_space<semaphore_mem>>
    %dma_wait3A_1267 = tpu.memref_squeeze %dma_wait3A_1266 : memref<1x!tpu.dma_semaphore, #tpu.memory_space<semaphore_mem>> -> memref<!tpu.dma_semaphore, #tpu.memory_space<semaphore_mem>>
    tpu.wait_indirect_dma semaphore(%dma_wait3A_1267 : memref<!tpu.dma_semaphore, #tpu.memory_space<semaphore_mem>>) src(%dma_wait3A_1265 : memref<4096x32xf32, #tpu.memory_space<hbm>>) dst(%dma_wait3A_1259 : memref<128x32xf32, #tpu.memory_space<vmem>>)
    %dma_wait3A_1268 = arith.constant 0 : i32
    %dma_wait3A_1269 = arith.constant 0 : i32
    %dma_wait3A_1270 = arith.constant 1 : i32
    %dma_wait3A_1271 = arith.constant 0 : i32
    %dma_wait3A_1272 = arith.constant 0 : i32
    %dma_wait3A_1273 = arith.constant 0 : i32
    %dma_wait3A_1274 = arith.constant 128 : i32
    %dma_wait3A_1275 = arith.constant 0 : i32
    %dma_wait3A_1276 = tpu.memref_slice %arg9[%dma_wait3A_1271, %dma_wait3A_1272, %dma_wait3A_1274, %dma_wait3A_1275] : memref<3x4x256x32xf32, #tpu.memory_space<vmem>> -> memref<1x1x128x32xf32, #tpu.memory_space<vmem>>
    %dma_wait3A_1277 = tpu.memref_squeeze %dma_wait3A_1276 : memref<1x1x128x32xf32, #tpu.memory_space<vmem>> -> memref<128x32xf32, #tpu.memory_space<vmem>>
    %dma_wait3A_1278 = arith.constant 0 : i32
    %dma_wait3A_1279 = tpu.memref_slice %arg8[%dma_wait3A_1268, %dma_wait3A_1269, %dma_wait3A_1270, %dma_wait3A_1278] : memref<3x4x2x128xi32, #tpu.memory_space<vmem>> -> memref<1x1x1x128xi32, #tpu.memory_space<vmem>>
    %dma_wait3A_1280 = tpu.memref_squeeze %dma_wait3A_1279 : memref<1x1x1x128xi32, #tpu.memory_space<vmem>> -> memref<128xi32, #tpu.memory_space<vmem>>
    %dma_wait3A_1281 = arith.constant 0 : i32
    %dma_wait3A_1282 = arith.constant 0 : i32
    %dma_wait3A_1283 = tpu.memref_slice %arg3[%dma_wait3A_1281, %dma_wait3A_1282] : memref<4096x32xf32, #tpu.memory_space<hbm>> -> memref<4096x32xf32, #tpu.memory_space<hbm>>
    %dma_wait3A_1284 = tpu.memref_slice %arg10[%dma_wait3A_1273] : memref<3x!tpu.dma_semaphore, #tpu.memory_space<semaphore_mem>> -> memref<1x!tpu.dma_semaphore, #tpu.memory_space<semaphore_mem>>
    %dma_wait3A_1285 = tpu.memref_squeeze %dma_wait3A_1284 : memref<1x!tpu.dma_semaphore, #tpu.memory_space<semaphore_mem>> -> memref<!tpu.dma_semaphore, #tpu.memory_space<semaphore_mem>>
    tpu.wait_indirect_dma semaphore(%dma_wait3A_1285 : memref<!tpu.dma_semaphore, #tpu.memory_space<semaphore_mem>>) src(%dma_wait3A_1283 : memref<4096x32xf32, #tpu.memory_space<hbm>>) dst(%dma_wait3A_1277 : memref<128x32xf32, #tpu.memory_space<vmem>>)
    %dma_wait3A_1286 = arith.constant 0 : i32
    %dma_wait3A_1287 = arith.constant 1 : i32
    %dma_wait3A_1288 = arith.constant 0 : i32
    %dma_wait3A_1289 = arith.constant 0 : i32
    %dma_wait3A_1290 = arith.constant 1 : i32
    %dma_wait3A_1291 = arith.constant 0 : i32
    %dma_wait3A_1292 = arith.constant 0 : i32
    %dma_wait3A_1293 = arith.constant 0 : i32
    %dma_wait3A_1294 = tpu.memref_slice %arg9[%dma_wait3A_1289, %dma_wait3A_1290, %dma_wait3A_1292, %dma_wait3A_1293] : memref<3x4x256x32xf32, #tpu.memory_space<vmem>> -> memref<1x1x128x32xf32, #tpu.memory_space<vmem>>
    %dma_wait3A_1295 = tpu.memref_squeeze %dma_wait3A_1294 : memref<1x1x128x32xf32, #tpu.memory_space<vmem>> -> memref<128x32xf32, #tpu.memory_space<vmem>>
    %dma_wait3A_1296 = arith.constant 0 : i32
    %dma_wait3A_1297 = tpu.memref_slice %arg8[%dma_wait3A_1286, %dma_wait3A_1287, %dma_wait3A_1288, %dma_wait3A_1296] : memref<3x4x2x128xi32, #tpu.memory_space<vmem>> -> memref<1x1x1x128xi32, #tpu.memory_space<vmem>>
    %dma_wait3A_1298 = tpu.memref_squeeze %dma_wait3A_1297 : memref<1x1x1x128xi32, #tpu.memory_space<vmem>> -> memref<128xi32, #tpu.memory_space<vmem>>
    %dma_wait3A_1299 = arith.constant 0 : i32
    %dma_wait3A_1300 = arith.constant 0 : i32
    %dma_wait3A_1301 = tpu.memref_slice %arg4[%dma_wait3A_1299, %dma_wait3A_1300] : memref<4096x32xf32, #tpu.memory_space<hbm>> -> memref<4096x32xf32, #tpu.memory_space<hbm>>
    %dma_wait3A_1302 = tpu.memref_slice %arg10[%dma_wait3A_1291] : memref<3x!tpu.dma_semaphore, #tpu.memory_space<semaphore_mem>> -> memref<1x!tpu.dma_semaphore, #tpu.memory_space<semaphore_mem>>
    %dma_wait3A_1303 = tpu.memref_squeeze %dma_wait3A_1302 : memref<1x!tpu.dma_semaphore, #tpu.memory_space<semaphore_mem>> -> memref<!tpu.dma_semaphore, #tpu.memory_space<semaphore_mem>>
    tpu.wait_indirect_dma semaphore(%dma_wait3A_1303 : memref<!tpu.dma_semaphore, #tpu.memory_space<semaphore_mem>>) src(%dma_wait3A_1301 : memref<4096x32xf32, #tpu.memory_space<hbm>>) dst(%dma_wait3A_1295 : memref<128x32xf32, #tpu.memory_space<vmem>>)
    %dma_wait3A_1304 = arith.constant 0 : i32
    %dma_wait3A_1305 = arith.constant 1 : i32
    %dma_wait3A_1306 = arith.constant 1 : i32
    %dma_wait3A_1307 = arith.constant 0 : i32
    %dma_wait3A_1308 = arith.constant 1 : i32
    %dma_wait3A_1309 = arith.constant 0 : i32
    %dma_wait3A_1310 = arith.constant 128 : i32
    %dma_wait3A_1311 = arith.constant 0 : i32
    %dma_wait3A_1312 = tpu.memref_slice %arg9[%dma_wait3A_1307, %dma_wait3A_1308, %dma_wait3A_1310, %dma_wait3A_1311] : memref<3x4x256x32xf32, #tpu.memory_space<vmem>> -> memref<1x1x128x32xf32, #tpu.memory_space<vmem>>
    %dma_wait3A_1313 = tpu.memref_squeeze %dma_wait3A_1312 : memref<1x1x128x32xf32, #tpu.memory_space<vmem>> -> memref<128x32xf32, #tpu.memory_space<vmem>>
    %dma_wait3A_1314 = arith.constant 0 : i32
    %dma_wait3A_1315 = tpu.memref_slice %arg8[%dma_wait3A_1304, %dma_wait3A_1305, %dma_wait3A_1306, %dma_wait3A_1314] : memref<3x4x2x128xi32, #tpu.memory_space<vmem>> -> memref<1x1x1x128xi32, #tpu.memory_space<vmem>>
    %dma_wait3A_1316 = tpu.memref_squeeze %dma_wait3A_1315 : memref<1x1x1x128xi32, #tpu.memory_space<vmem>> -> memref<128xi32, #tpu.memory_space<vmem>>
    %dma_wait3A_1317 = arith.constant 0 : i32
    %dma_wait3A_1318 = arith.constant 0 : i32
    %dma_wait3A_1319 = tpu.memref_slice %arg4[%dma_wait3A_1317, %dma_wait3A_1318] : memref<4096x32xf32, #tpu.memory_space<hbm>> -> memref<4096x32xf32, #tpu.memory_space<hbm>>
    %dma_wait3A_1320 = tpu.memref_slice %arg10[%dma_wait3A_1309] : memref<3x!tpu.dma_semaphore, #tpu.memory_space<semaphore_mem>> -> memref<1x!tpu.dma_semaphore, #tpu.memory_space<semaphore_mem>>
    %dma_wait3A_1321 = tpu.memref_squeeze %dma_wait3A_1320 : memref<1x!tpu.dma_semaphore, #tpu.memory_space<semaphore_mem>> -> memref<!tpu.dma_semaphore, #tpu.memory_space<semaphore_mem>>
    tpu.wait_indirect_dma semaphore(%dma_wait3A_1321 : memref<!tpu.dma_semaphore, #tpu.memory_space<semaphore_mem>>) src(%dma_wait3A_1319 : memref<4096x32xf32, #tpu.memory_space<hbm>>) dst(%dma_wait3A_1313 : memref<128x32xf32, #tpu.memory_space<vmem>>)
    %dma_wait3A_1322 = arith.constant 0 : i32
    %dma_wait3A_1323 = arith.constant 2 : i32
    %dma_wait3A_1324 = arith.constant 0 : i32
    %dma_wait3A_1325 = arith.constant 0 : i32
    %dma_wait3A_1326 = arith.constant 2 : i32
    %dma_wait3A_1327 = arith.constant 0 : i32
    %dma_wait3A_1328 = arith.constant 0 : i32
    %dma_wait3A_1329 = arith.constant 0 : i32
    %dma_wait3A_1330 = tpu.memref_slice %arg9[%dma_wait3A_1325, %dma_wait3A_1326, %dma_wait3A_1328, %dma_wait3A_1329] : memref<3x4x256x32xf32, #tpu.memory_space<vmem>> -> memref<1x1x128x32xf32, #tpu.memory_space<vmem>>
    %dma_wait3A_1331 = tpu.memref_squeeze %dma_wait3A_1330 : memref<1x1x128x32xf32, #tpu.memory_space<vmem>> -> memref<128x32xf32, #tpu.memory_space<vmem>>
    %dma_wait3A_1332 = arith.constant 0 : i32
    %dma_wait3A_1333 = tpu.memref_slice %arg8[%dma_wait3A_1322, %dma_wait3A_1323, %dma_wait3A_1324, %dma_wait3A_1332] : memref<3x4x2x128xi32, #tpu.memory_space<vmem>> -> memref<1x1x1x128xi32, #tpu.memory_space<vmem>>
    %dma_wait3A_1334 = tpu.memref_squeeze %dma_wait3A_1333 : memref<1x1x1x128xi32, #tpu.memory_space<vmem>> -> memref<128xi32, #tpu.memory_space<vmem>>
    %dma_wait3A_1335 = arith.constant 0 : i32
    %dma_wait3A_1336 = arith.constant 0 : i32
    %dma_wait3A_1337 = tpu.memref_slice %arg5[%dma_wait3A_1335, %dma_wait3A_1336] : memref<4096x32xf32, #tpu.memory_space<hbm>> -> memref<4096x32xf32, #tpu.memory_space<hbm>>
    %dma_wait3A_1338 = tpu.memref_slice %arg10[%dma_wait3A_1327] : memref<3x!tpu.dma_semaphore, #tpu.memory_space<semaphore_mem>> -> memref<1x!tpu.dma_semaphore, #tpu.memory_space<semaphore_mem>>
    %dma_wait3A_1339 = tpu.memref_squeeze %dma_wait3A_1338 : memref<1x!tpu.dma_semaphore, #tpu.memory_space<semaphore_mem>> -> memref<!tpu.dma_semaphore, #tpu.memory_space<semaphore_mem>>
    tpu.wait_indirect_dma semaphore(%dma_wait3A_1339 : memref<!tpu.dma_semaphore, #tpu.memory_space<semaphore_mem>>) src(%dma_wait3A_1337 : memref<4096x32xf32, #tpu.memory_space<hbm>>) dst(%dma_wait3A_1331 : memref<128x32xf32, #tpu.memory_space<vmem>>)
    %dma_wait3A_1340 = arith.constant 0 : i32
    %dma_wait3A_1341 = arith.constant 2 : i32
    %dma_wait3A_1342 = arith.constant 1 : i32
    %dma_wait3A_1343 = arith.constant 0 : i32
    %dma_wait3A_1344 = arith.constant 2 : i32
    %dma_wait3A_1345 = arith.constant 0 : i32
    %dma_wait3A_1346 = arith.constant 128 : i32
    %dma_wait3A_1347 = arith.constant 0 : i32
    %dma_wait3A_1348 = tpu.memref_slice %arg9[%dma_wait3A_1343, %dma_wait3A_1344, %dma_wait3A_1346, %dma_wait3A_1347] : memref<3x4x256x32xf32, #tpu.memory_space<vmem>> -> memref<1x1x128x32xf32, #tpu.memory_space<vmem>>
    %dma_wait3A_1349 = tpu.memref_squeeze %dma_wait3A_1348 : memref<1x1x128x32xf32, #tpu.memory_space<vmem>> -> memref<128x32xf32, #tpu.memory_space<vmem>>
    %dma_wait3A_1350 = arith.constant 0 : i32
    %dma_wait3A_1351 = tpu.memref_slice %arg8[%dma_wait3A_1340, %dma_wait3A_1341, %dma_wait3A_1342, %dma_wait3A_1350] : memref<3x4x2x128xi32, #tpu.memory_space<vmem>> -> memref<1x1x1x128xi32, #tpu.memory_space<vmem>>
    %dma_wait3A_1352 = tpu.memref_squeeze %dma_wait3A_1351 : memref<1x1x1x128xi32, #tpu.memory_space<vmem>> -> memref<128xi32, #tpu.memory_space<vmem>>
    %dma_wait3A_1353 = arith.constant 0 : i32
    %dma_wait3A_1354 = arith.constant 0 : i32
    %dma_wait3A_1355 = tpu.memref_slice %arg5[%dma_wait3A_1353, %dma_wait3A_1354] : memref<4096x32xf32, #tpu.memory_space<hbm>> -> memref<4096x32xf32, #tpu.memory_space<hbm>>
    %dma_wait3A_1356 = tpu.memref_slice %arg10[%dma_wait3A_1345] : memref<3x!tpu.dma_semaphore, #tpu.memory_space<semaphore_mem>> -> memref<1x!tpu.dma_semaphore, #tpu.memory_space<semaphore_mem>>
    %dma_wait3A_1357 = tpu.memref_squeeze %dma_wait3A_1356 : memref<1x!tpu.dma_semaphore, #tpu.memory_space<semaphore_mem>> -> memref<!tpu.dma_semaphore, #tpu.memory_space<semaphore_mem>>
    tpu.wait_indirect_dma semaphore(%dma_wait3A_1357 : memref<!tpu.dma_semaphore, #tpu.memory_space<semaphore_mem>>) src(%dma_wait3A_1355 : memref<4096x32xf32, #tpu.memory_space<hbm>>) dst(%dma_wait3A_1349 : memref<128x32xf32, #tpu.memory_space<vmem>>)
    %dma_wait3A_1358 = arith.constant 0 : i32
    %dma_wait3A_1359 = arith.constant 3 : i32
    %dma_wait3A_1360 = arith.constant 0 : i32
    %dma_wait3A_1361 = arith.constant 0 : i32
    %dma_wait3A_1362 = arith.constant 3 : i32
    %dma_wait3A_1363 = arith.constant 0 : i32
    %dma_wait3A_1364 = arith.constant 0 : i32
    %dma_wait3A_1365 = arith.constant 0 : i32
    %dma_wait3A_1366 = tpu.memref_slice %arg9[%dma_wait3A_1361, %dma_wait3A_1362, %dma_wait3A_1364, %dma_wait3A_1365] : memref<3x4x256x32xf32, #tpu.memory_space<vmem>> -> memref<1x1x128x32xf32, #tpu.memory_space<vmem>>
    %dma_wait3A_1367 = tpu.memref_squeeze %dma_wait3A_1366 : memref<1x1x128x32xf32, #tpu.memory_space<vmem>> -> memref<128x32xf32, #tpu.memory_space<vmem>>
    %dma_wait3A_1368 = arith.constant 0 : i32
    %dma_wait3A_1369 = tpu.memref_slice %arg8[%dma_wait3A_1358, %dma_wait3A_1359, %dma_wait3A_1360, %dma_wait3A_1368] : memref<3x4x2x128xi32, #tpu.memory_space<vmem>> -> memref<1x1x1x128xi32, #tpu.memory_space<vmem>>
    %dma_wait3A_1370 = tpu.memref_squeeze %dma_wait3A_1369 : memref<1x1x1x128xi32, #tpu.memory_space<vmem>> -> memref<128xi32, #tpu.memory_space<vmem>>
    %dma_wait3A_1371 = arith.constant 0 : i32
    %dma_wait3A_1372 = arith.constant 0 : i32
    %dma_wait3A_1373 = tpu.memref_slice %arg6[%dma_wait3A_1371, %dma_wait3A_1372] : memref<4096x32xf32, #tpu.memory_space<hbm>> -> memref<4096x32xf32, #tpu.memory_space<hbm>>
    %dma_wait3A_1374 = tpu.memref_slice %arg10[%dma_wait3A_1363] : memref<3x!tpu.dma_semaphore, #tpu.memory_space<semaphore_mem>> -> memref<1x!tpu.dma_semaphore, #tpu.memory_space<semaphore_mem>>
    %dma_wait3A_1375 = tpu.memref_squeeze %dma_wait3A_1374 : memref<1x!tpu.dma_semaphore, #tpu.memory_space<semaphore_mem>> -> memref<!tpu.dma_semaphore, #tpu.memory_space<semaphore_mem>>
    tpu.wait_indirect_dma semaphore(%dma_wait3A_1375 : memref<!tpu.dma_semaphore, #tpu.memory_space<semaphore_mem>>) src(%dma_wait3A_1373 : memref<4096x32xf32, #tpu.memory_space<hbm>>) dst(%dma_wait3A_1367 : memref<128x32xf32, #tpu.memory_space<vmem>>)
    %dma_wait3A_1376 = arith.constant 0 : i32
    %dma_wait3A_1377 = arith.constant 3 : i32
    %dma_wait3A_1378 = arith.constant 1 : i32
    %dma_wait3A_1379 = arith.constant 0 : i32
    %dma_wait3A_1380 = arith.constant 3 : i32
    %dma_wait3A_1381 = arith.constant 0 : i32
    %dma_wait3A_1382 = arith.constant 128 : i32
    %dma_wait3A_1383 = arith.constant 0 : i32
    %dma_wait3A_1384 = tpu.memref_slice %arg9[%dma_wait3A_1379, %dma_wait3A_1380, %dma_wait3A_1382, %dma_wait3A_1383] : memref<3x4x256x32xf32, #tpu.memory_space<vmem>> -> memref<1x1x128x32xf32, #tpu.memory_space<vmem>>
    %dma_wait3A_1385 = tpu.memref_squeeze %dma_wait3A_1384 : memref<1x1x128x32xf32, #tpu.memory_space<vmem>> -> memref<128x32xf32, #tpu.memory_space<vmem>>
    %dma_wait3A_1386 = arith.constant 0 : i32
    %dma_wait3A_1387 = tpu.memref_slice %arg8[%dma_wait3A_1376, %dma_wait3A_1377, %dma_wait3A_1378, %dma_wait3A_1386] : memref<3x4x2x128xi32, #tpu.memory_space<vmem>> -> memref<1x1x1x128xi32, #tpu.memory_space<vmem>>
    %dma_wait3A_1388 = tpu.memref_squeeze %dma_wait3A_1387 : memref<1x1x1x128xi32, #tpu.memory_space<vmem>> -> memref<128xi32, #tpu.memory_space<vmem>>
    %dma_wait3A_1389 = arith.constant 0 : i32
    %dma_wait3A_1390 = arith.constant 0 : i32
    %dma_wait3A_1391 = tpu.memref_slice %arg6[%dma_wait3A_1389, %dma_wait3A_1390] : memref<4096x32xf32, #tpu.memory_space<hbm>> -> memref<4096x32xf32, #tpu.memory_space<hbm>>
    %dma_wait3A_1392 = tpu.memref_slice %arg10[%dma_wait3A_1381] : memref<3x!tpu.dma_semaphore, #tpu.memory_space<semaphore_mem>> -> memref<1x!tpu.dma_semaphore, #tpu.memory_space<semaphore_mem>>
    %dma_wait3A_1393 = tpu.memref_squeeze %dma_wait3A_1392 : memref<1x!tpu.dma_semaphore, #tpu.memory_space<semaphore_mem>> -> memref<!tpu.dma_semaphore, #tpu.memory_space<semaphore_mem>>
    tpu.wait_indirect_dma semaphore(%dma_wait3A_1393 : memref<!tpu.dma_semaphore, #tpu.memory_space<semaphore_mem>>) src(%dma_wait3A_1391 : memref<4096x32xf32, #tpu.memory_space<hbm>>) dst(%dma_wait3A_1385 : memref<128x32xf32, #tpu.memory_space<vmem>>)
    %add3A_1394 = arith.constant 768 : i32
    %add3A_1395 = arith.addi %mul3A_32, %add3A_1394 : i32
    %run_scoped3A_1396 = arith.constant 0 : i32
    %run_scoped3A_1397 = arith.constant 0 : i32
    %run_scoped3A_1398 = arith.constant 0 : i32
    "tpu.region"() ({
      %run_scoped3A_1414 = tpu.sem_alloc : memref<!tpu.dma_semaphore, #tpu.memory_space<semaphore_mem>>
      %dma_start3A_1415 = arith.constant 0 : i32
      %dma_start3A_1416 = arith.constant 0 : i32
      %dma_start3A_1417 = tpu.memref_slice %arg9[%run_scoped3A_1396, %run_scoped3A_1397, %dma_start3A_1415, %dma_start3A_1416] : memref<3x4x256x32xf32, #tpu.memory_space<vmem>> -> memref<1x1x256x32xf32, #tpu.memory_space<vmem>>
      %dma_start3A_1418 = tpu.memref_squeeze %dma_start3A_1417 : memref<1x1x256x32xf32, #tpu.memory_space<vmem>> -> memref<256x32xf32, #tpu.memory_space<vmem>>
      %dma_start3A_1419 = arith.constant 0 : i32
      %dma_start3A_1420 = tpu.memref_slice %arg7[%select_n3A, %run_scoped3A_1398, %add3A_1395, %dma_start3A_1419] : memref<4x1x8192x128xf32, #tpu.memory_space<hbm>> -> memref<1x1x256x32xf32, #tpu.memory_space<hbm>>
      %dma_start3A_1421 = tpu.memref_squeeze %dma_start3A_1420 : memref<1x1x256x32xf32, #tpu.memory_space<hbm>> -> memref<256x32xf32, #tpu.memory_space<hbm>>
      %dma_start3A_1422 = arith.constant 0 : i32
      %dma_start3A_1423 = tpu.memref_slice %arg7[%select_n3A, %run_scoped3A_1398, %add3A_1395, %dma_start3A_1422] : memref<4x1x8192x128xf32, #tpu.memory_space<hbm>> -> memref<1x1x256x32xf32, #tpu.memory_space<hbm>>
      %dma_start3A_1424 = tpu.memref_squeeze %dma_start3A_1423 : memref<1x1x256x32xf32, #tpu.memory_space<hbm>> -> memref<256x32xf32, #tpu.memory_space<hbm>>
      %dma_start3A_1425 = arith.constant 0 : i32
      %dma_start3A_1426 = arith.constant 0 : i32
      %dma_start3A_1427 = tpu.memref_slice %arg9[%run_scoped3A_1396, %run_scoped3A_1397, %dma_start3A_1425, %dma_start3A_1426] : memref<3x4x256x32xf32, #tpu.memory_space<vmem>> -> memref<1x1x256x32xf32, #tpu.memory_space<vmem>>
      %dma_start3A_1428 = tpu.memref_squeeze %dma_start3A_1427 : memref<1x1x256x32xf32, #tpu.memory_space<vmem>> -> memref<256x32xf32, #tpu.memory_space<vmem>>
      tpu.enqueue_dma source(%dma_start3A_1428 : memref<256x32xf32, #tpu.memory_space<vmem>>) target(%dma_start3A_1424 : memref<256x32xf32, #tpu.memory_space<hbm>>) target_semaphore(%run_scoped3A_1414 : memref<!tpu.dma_semaphore, #tpu.memory_space<semaphore_mem>>)
      %dma_wait3A_1429 = arith.constant 0 : i32
      %dma_wait3A_1430 = arith.constant 0 : i32
      %dma_wait3A_1431 = tpu.memref_slice %arg9[%run_scoped3A_1396, %run_scoped3A_1397, %dma_wait3A_1429, %dma_wait3A_1430] : memref<3x4x256x32xf32, #tpu.memory_space<vmem>> -> memref<1x1x256x32xf32, #tpu.memory_space<vmem>>
      %dma_wait3A_1432 = tpu.memref_squeeze %dma_wait3A_1431 : memref<1x1x256x32xf32, #tpu.memory_space<vmem>> -> memref<256x32xf32, #tpu.memory_space<vmem>>
      %dma_wait3A_1433 = arith.constant 0 : i32
      %dma_wait3A_1434 = tpu.memref_slice %arg7[%select_n3A, %run_scoped3A_1398, %add3A_1395, %dma_wait3A_1433] : memref<4x1x8192x128xf32, #tpu.memory_space<hbm>> -> memref<1x1x256x32xf32, #tpu.memory_space<hbm>>
      %dma_wait3A_1435 = tpu.memref_squeeze %dma_wait3A_1434 : memref<1x1x256x32xf32, #tpu.memory_space<hbm>> -> memref<256x32xf32, #tpu.memory_space<hbm>>
      %dma_wait3A_1436 = arith.constant 0 : i32
      %dma_wait3A_1437 = tpu.memref_slice %arg7[%select_n3A, %run_scoped3A_1398, %add3A_1395, %dma_wait3A_1436] : memref<4x1x8192x128xf32, #tpu.memory_space<hbm>> -> memref<1x1x256x32xf32, #tpu.memory_space<hbm>>
      %dma_wait3A_1438 = tpu.memref_squeeze %dma_wait3A_1437 : memref<1x1x256x32xf32, #tpu.memory_space<hbm>> -> memref<256x32xf32, #tpu.memory_space<hbm>>
      %dma_wait3A_1439 = arith.constant 0 : i32
      %dma_wait3A_1440 = arith.constant 0 : i32
      %dma_wait3A_1441 = tpu.memref_slice %arg9[%run_scoped3A_1396, %run_scoped3A_1397, %dma_wait3A_1439, %dma_wait3A_1440] : memref<3x4x256x32xf32, #tpu.memory_space<vmem>> -> memref<1x1x256x32xf32, #tpu.memory_space<vmem>>
      %dma_wait3A_1442 = tpu.memref_squeeze %dma_wait3A_1441 : memref<1x1x256x32xf32, #tpu.memory_space<vmem>> -> memref<256x32xf32, #tpu.memory_space<vmem>>
      tpu.wait_dma2 semaphore(%run_scoped3A_1414 : memref<!tpu.dma_semaphore, #tpu.memory_space<semaphore_mem>>) src(%dma_wait3A_1442 : memref<256x32xf32, #tpu.memory_space<vmem>>) dst(%dma_wait3A_1438 : memref<256x32xf32, #tpu.memory_space<hbm>>)
      tpu.yield
    }) : () -> ()
    %add3A_1399 = arith.constant 768 : i32
    %add3A_1400 = arith.addi %mul3A_32, %add3A_1399 : i32
    %run_scoped3A_1401 = arith.constant 0 : i32
    %run_scoped3A_1402 = arith.constant 1 : i32
    %run_scoped3A_1403 = arith.constant 0 : i32
    "tpu.region"() ({
      %run_scoped3A_1414 = tpu.sem_alloc : memref<!tpu.dma_semaphore, #tpu.memory_space<semaphore_mem>>
      %dma_start3A_1415 = arith.constant 0 : i32
      %dma_start3A_1416 = arith.constant 0 : i32
      %dma_start3A_1417 = tpu.memref_slice %arg9[%run_scoped3A_1401, %run_scoped3A_1402, %dma_start3A_1415, %dma_start3A_1416] : memref<3x4x256x32xf32, #tpu.memory_space<vmem>> -> memref<1x1x256x32xf32, #tpu.memory_space<vmem>>
      %dma_start3A_1418 = tpu.memref_squeeze %dma_start3A_1417 : memref<1x1x256x32xf32, #tpu.memory_space<vmem>> -> memref<256x32xf32, #tpu.memory_space<vmem>>
      %dma_start3A_1419 = arith.constant 32 : i32
      %dma_start3A_1420 = tpu.memref_slice %arg7[%select_n3A, %run_scoped3A_1403, %add3A_1400, %dma_start3A_1419] : memref<4x1x8192x128xf32, #tpu.memory_space<hbm>> -> memref<1x1x256x32xf32, #tpu.memory_space<hbm>>
      %dma_start3A_1421 = tpu.memref_squeeze %dma_start3A_1420 : memref<1x1x256x32xf32, #tpu.memory_space<hbm>> -> memref<256x32xf32, #tpu.memory_space<hbm>>
      %dma_start3A_1422 = arith.constant 32 : i32
      %dma_start3A_1423 = tpu.memref_slice %arg7[%select_n3A, %run_scoped3A_1403, %add3A_1400, %dma_start3A_1422] : memref<4x1x8192x128xf32, #tpu.memory_space<hbm>> -> memref<1x1x256x32xf32, #tpu.memory_space<hbm>>
      %dma_start3A_1424 = tpu.memref_squeeze %dma_start3A_1423 : memref<1x1x256x32xf32, #tpu.memory_space<hbm>> -> memref<256x32xf32, #tpu.memory_space<hbm>>
      %dma_start3A_1425 = arith.constant 0 : i32
      %dma_start3A_1426 = arith.constant 0 : i32
      %dma_start3A_1427 = tpu.memref_slice %arg9[%run_scoped3A_1401, %run_scoped3A_1402, %dma_start3A_1425, %dma_start3A_1426] : memref<3x4x256x32xf32, #tpu.memory_space<vmem>> -> memref<1x1x256x32xf32, #tpu.memory_space<vmem>>
      %dma_start3A_1428 = tpu.memref_squeeze %dma_start3A_1427 : memref<1x1x256x32xf32, #tpu.memory_space<vmem>> -> memref<256x32xf32, #tpu.memory_space<vmem>>
      tpu.enqueue_dma source(%dma_start3A_1428 : memref<256x32xf32, #tpu.memory_space<vmem>>) target(%dma_start3A_1424 : memref<256x32xf32, #tpu.memory_space<hbm>>) target_semaphore(%run_scoped3A_1414 : memref<!tpu.dma_semaphore, #tpu.memory_space<semaphore_mem>>)
      %dma_wait3A_1429 = arith.constant 0 : i32
      %dma_wait3A_1430 = arith.constant 0 : i32
      %dma_wait3A_1431 = tpu.memref_slice %arg9[%run_scoped3A_1401, %run_scoped3A_1402, %dma_wait3A_1429, %dma_wait3A_1430] : memref<3x4x256x32xf32, #tpu.memory_space<vmem>> -> memref<1x1x256x32xf32, #tpu.memory_space<vmem>>
      %dma_wait3A_1432 = tpu.memref_squeeze %dma_wait3A_1431 : memref<1x1x256x32xf32, #tpu.memory_space<vmem>> -> memref<256x32xf32, #tpu.memory_space<vmem>>
      %dma_wait3A_1433 = arith.constant 32 : i32
      %dma_wait3A_1434 = tpu.memref_slice %arg7[%select_n3A, %run_scoped3A_1403, %add3A_1400, %dma_wait3A_1433] : memref<4x1x8192x128xf32, #tpu.memory_space<hbm>> -> memref<1x1x256x32xf32, #tpu.memory_space<hbm>>
      %dma_wait3A_1435 = tpu.memref_squeeze %dma_wait3A_1434 : memref<1x1x256x32xf32, #tpu.memory_space<hbm>> -> memref<256x32xf32, #tpu.memory_space<hbm>>
      %dma_wait3A_1436 = arith.constant 32 : i32
      %dma_wait3A_1437 = tpu.memref_slice %arg7[%select_n3A, %run_scoped3A_1403, %add3A_1400, %dma_wait3A_1436] : memref<4x1x8192x128xf32, #tpu.memory_space<hbm>> -> memref<1x1x256x32xf32, #tpu.memory_space<hbm>>
      %dma_wait3A_1438 = tpu.memref_squeeze %dma_wait3A_1437 : memref<1x1x256x32xf32, #tpu.memory_space<hbm>> -> memref<256x32xf32, #tpu.memory_space<hbm>>
      %dma_wait3A_1439 = arith.constant 0 : i32
      %dma_wait3A_1440 = arith.constant 0 : i32
      %dma_wait3A_1441 = tpu.memref_slice %arg9[%run_scoped3A_1401, %run_scoped3A_1402, %dma_wait3A_1439, %dma_wait3A_1440] : memref<3x4x256x32xf32, #tpu.memory_space<vmem>> -> memref<1x1x256x32xf32, #tpu.memory_space<vmem>>
      %dma_wait3A_1442 = tpu.memref_squeeze %dma_wait3A_1441 : memref<1x1x256x32xf32, #tpu.memory_space<vmem>> -> memref<256x32xf32, #tpu.memory_space<vmem>>
      tpu.wait_dma2 semaphore(%run_scoped3A_1414 : memref<!tpu.dma_semaphore, #tpu.memory_space<semaphore_mem>>) src(%dma_wait3A_1442 : memref<256x32xf32, #tpu.memory_space<vmem>>) dst(%dma_wait3A_1438 : memref<256x32xf32, #tpu.memory_space<hbm>>)
      tpu.yield
    }) : () -> ()
    %add3A_1404 = arith.constant 768 : i32
    %add3A_1405 = arith.addi %mul3A_32, %add3A_1404 : i32
    %run_scoped3A_1406 = arith.constant 0 : i32
    %run_scoped3A_1407 = arith.constant 2 : i32
    %run_scoped3A_1408 = arith.constant 0 : i32
    "tpu.region"() ({
      %run_scoped3A_1414 = tpu.sem_alloc : memref<!tpu.dma_semaphore, #tpu.memory_space<semaphore_mem>>
      %dma_start3A_1415 = arith.constant 0 : i32
      %dma_start3A_1416 = arith.constant 0 : i32
      %dma_start3A_1417 = tpu.memref_slice %arg9[%run_scoped3A_1406, %run_scoped3A_1407, %dma_start3A_1415, %dma_start3A_1416] : memref<3x4x256x32xf32, #tpu.memory_space<vmem>> -> memref<1x1x256x32xf32, #tpu.memory_space<vmem>>
      %dma_start3A_1418 = tpu.memref_squeeze %dma_start3A_1417 : memref<1x1x256x32xf32, #tpu.memory_space<vmem>> -> memref<256x32xf32, #tpu.memory_space<vmem>>
      %dma_start3A_1419 = arith.constant 64 : i32
      %dma_start3A_1420 = tpu.memref_slice %arg7[%select_n3A, %run_scoped3A_1408, %add3A_1405, %dma_start3A_1419] : memref<4x1x8192x128xf32, #tpu.memory_space<hbm>> -> memref<1x1x256x32xf32, #tpu.memory_space<hbm>>
      %dma_start3A_1421 = tpu.memref_squeeze %dma_start3A_1420 : memref<1x1x256x32xf32, #tpu.memory_space<hbm>> -> memref<256x32xf32, #tpu.memory_space<hbm>>
      %dma_start3A_1422 = arith.constant 64 : i32
      %dma_start3A_1423 = tpu.memref_slice %arg7[%select_n3A, %run_scoped3A_1408, %add3A_1405, %dma_start3A_1422] : memref<4x1x8192x128xf32, #tpu.memory_space<hbm>> -> memref<1x1x256x32xf32, #tpu.memory_space<hbm>>
      %dma_start3A_1424 = tpu.memref_squeeze %dma_start3A_1423 : memref<1x1x256x32xf32, #tpu.memory_space<hbm>> -> memref<256x32xf32, #tpu.memory_space<hbm>>
      %dma_start3A_1425 = arith.constant 0 : i32
      %dma_start3A_1426 = arith.constant 0 : i32
      %dma_start3A_1427 = tpu.memref_slice %arg9[%run_scoped3A_1406, %run_scoped3A_1407, %dma_start3A_1425, %dma_start3A_1426] : memref<3x4x256x32xf32, #tpu.memory_space<vmem>> -> memref<1x1x256x32xf32, #tpu.memory_space<vmem>>
      %dma_start3A_1428 = tpu.memref_squeeze %dma_start3A_1427 : memref<1x1x256x32xf32, #tpu.memory_space<vmem>> -> memref<256x32xf32, #tpu.memory_space<vmem>>
      tpu.enqueue_dma source(%dma_start3A_1428 : memref<256x32xf32, #tpu.memory_space<vmem>>) target(%dma_start3A_1424 : memref<256x32xf32, #tpu.memory_space<hbm>>) target_semaphore(%run_scoped3A_1414 : memref<!tpu.dma_semaphore, #tpu.memory_space<semaphore_mem>>)
      %dma_wait3A_1429 = arith.constant 0 : i32
      %dma_wait3A_1430 = arith.constant 0 : i32
      %dma_wait3A_1431 = tpu.memref_slice %arg9[%run_scoped3A_1406, %run_scoped3A_1407, %dma_wait3A_1429, %dma_wait3A_1430] : memref<3x4x256x32xf32, #tpu.memory_space<vmem>> -> memref<1x1x256x32xf32, #tpu.memory_space<vmem>>
      %dma_wait3A_1432 = tpu.memref_squeeze %dma_wait3A_1431 : memref<1x1x256x32xf32, #tpu.memory_space<vmem>> -> memref<256x32xf32, #tpu.memory_space<vmem>>
      %dma_wait3A_1433 = arith.constant 64 : i32
      %dma_wait3A_1434 = tpu.memref_slice %arg7[%select_n3A, %run_scoped3A_1408, %add3A_1405, %dma_wait3A_1433] : memref<4x1x8192x128xf32, #tpu.memory_space<hbm>> -> memref<1x1x256x32xf32, #tpu.memory_space<hbm>>
      %dma_wait3A_1435 = tpu.memref_squeeze %dma_wait3A_1434 : memref<1x1x256x32xf32, #tpu.memory_space<hbm>> -> memref<256x32xf32, #tpu.memory_space<hbm>>
      %dma_wait3A_1436 = arith.constant 64 : i32
      %dma_wait3A_1437 = tpu.memref_slice %arg7[%select_n3A, %run_scoped3A_1408, %add3A_1405, %dma_wait3A_1436] : memref<4x1x8192x128xf32, #tpu.memory_space<hbm>> -> memref<1x1x256x32xf32, #tpu.memory_space<hbm>>
      %dma_wait3A_1438 = tpu.memref_squeeze %dma_wait3A_1437 : memref<1x1x256x32xf32, #tpu.memory_space<hbm>> -> memref<256x32xf32, #tpu.memory_space<hbm>>
      %dma_wait3A_1439 = arith.constant 0 : i32
      %dma_wait3A_1440 = arith.constant 0 : i32
      %dma_wait3A_1441 = tpu.memref_slice %arg9[%run_scoped3A_1406, %run_scoped3A_1407, %dma_wait3A_1439, %dma_wait3A_1440] : memref<3x4x256x32xf32, #tpu.memory_space<vmem>> -> memref<1x1x256x32xf32, #tpu.memory_space<vmem>>
      %dma_wait3A_1442 = tpu.memref_squeeze %dma_wait3A_1441 : memref<1x1x256x32xf32, #tpu.memory_space<vmem>> -> memref<256x32xf32, #tpu.memory_space<vmem>>
      tpu.wait_dma2 semaphore(%run_scoped3A_1414 : memref<!tpu.dma_semaphore, #tpu.memory_space<semaphore_mem>>) src(%dma_wait3A_1442 : memref<256x32xf32, #tpu.memory_space<vmem>>) dst(%dma_wait3A_1438 : memref<256x32xf32, #tpu.memory_space<hbm>>)
      tpu.yield
    }) : () -> ()
    %add3A_1409 = arith.constant 768 : i32
    %add3A_1410 = arith.addi %mul3A_32, %add3A_1409 : i32
    %run_scoped3A_1411 = arith.constant 0 : i32
    %run_scoped3A_1412 = arith.constant 3 : i32
    %run_scoped3A_1413 = arith.constant 0 : i32
    "tpu.region"() ({
      %run_scoped3A_1414 = tpu.sem_alloc : memref<!tpu.dma_semaphore, #tpu.memory_space<semaphore_mem>>
      %dma_start3A_1415 = arith.constant 0 : i32
      %dma_start3A_1416 = arith.constant 0 : i32
      %dma_start3A_1417 = tpu.memref_slice %arg9[%run_scoped3A_1411, %run_scoped3A_1412, %dma_start3A_1415, %dma_start3A_1416] : memref<3x4x256x32xf32, #tpu.memory_space<vmem>> -> memref<1x1x256x32xf32, #tpu.memory_space<vmem>>
      %dma_start3A_1418 = tpu.memref_squeeze %dma_start3A_1417 : memref<1x1x256x32xf32, #tpu.memory_space<vmem>> -> memref<256x32xf32, #tpu.memory_space<vmem>>
      %dma_start3A_1419 = arith.constant 96 : i32
      %dma_start3A_1420 = tpu.memref_slice %arg7[%select_n3A, %run_scoped3A_1413, %add3A_1410, %dma_start3A_1419] : memref<4x1x8192x128xf32, #tpu.memory_space<hbm>> -> memref<1x1x256x32xf32, #tpu.memory_space<hbm>>
      %dma_start3A_1421 = tpu.memref_squeeze %dma_start3A_1420 : memref<1x1x256x32xf32, #tpu.memory_space<hbm>> -> memref<256x32xf32, #tpu.memory_space<hbm>>
      %dma_start3A_1422 = arith.constant 96 : i32
      %dma_start3A_1423 = tpu.memref_slice %arg7[%select_n3A, %run_scoped3A_1413, %add3A_1410, %dma_start3A_1422] : memref<4x1x8192x128xf32, #tpu.memory_space<hbm>> -> memref<1x1x256x32xf32, #tpu.memory_space<hbm>>
      %dma_start3A_1424 = tpu.memref_squeeze %dma_start3A_1423 : memref<1x1x256x32xf32, #tpu.memory_space<hbm>> -> memref<256x32xf32, #tpu.memory_space<hbm>>
      %dma_start3A_1425 = arith.constant 0 : i32
      %dma_start3A_1426 = arith.constant 0 : i32
      %dma_start3A_1427 = tpu.memref_slice %arg9[%run_scoped3A_1411, %run_scoped3A_1412, %dma_start3A_1425, %dma_start3A_1426] : memref<3x4x256x32xf32, #tpu.memory_space<vmem>> -> memref<1x1x256x32xf32, #tpu.memory_space<vmem>>
      %dma_start3A_1428 = tpu.memref_squeeze %dma_start3A_1427 : memref<1x1x256x32xf32, #tpu.memory_space<vmem>> -> memref<256x32xf32, #tpu.memory_space<vmem>>
      tpu.enqueue_dma source(%dma_start3A_1428 : memref<256x32xf32, #tpu.memory_space<vmem>>) target(%dma_start3A_1424 : memref<256x32xf32, #tpu.memory_space<hbm>>) target_semaphore(%run_scoped3A_1414 : memref<!tpu.dma_semaphore, #tpu.memory_space<semaphore_mem>>)
      %dma_wait3A_1429 = arith.constant 0 : i32
      %dma_wait3A_1430 = arith.constant 0 : i32
      %dma_wait3A_1431 = tpu.memref_slice %arg9[%run_scoped3A_1411, %run_scoped3A_1412, %dma_wait3A_1429, %dma_wait3A_1430] : memref<3x4x256x32xf32, #tpu.memory_space<vmem>> -> memref<1x1x256x32xf32, #tpu.memory_space<vmem>>
      %dma_wait3A_1432 = tpu.memref_squeeze %dma_wait3A_1431 : memref<1x1x256x32xf32, #tpu.memory_space<vmem>> -> memref<256x32xf32, #tpu.memory_space<vmem>>
      %dma_wait3A_1433 = arith.constant 96 : i32
      %dma_wait3A_1434 = tpu.memref_slice %arg7[%select_n3A, %run_scoped3A_1413, %add3A_1410, %dma_wait3A_1433] : memref<4x1x8192x128xf32, #tpu.memory_space<hbm>> -> memref<1x1x256x32xf32, #tpu.memory_space<hbm>>
      %dma_wait3A_1435 = tpu.memref_squeeze %dma_wait3A_1434 : memref<1x1x256x32xf32, #tpu.memory_space<hbm>> -> memref<256x32xf32, #tpu.memory_space<hbm>>
      %dma_wait3A_1436 = arith.constant 96 : i32
      %dma_wait3A_1437 = tpu.memref_slice %arg7[%select_n3A, %run_scoped3A_1413, %add3A_1410, %dma_wait3A_1436] : memref<4x1x8192x128xf32, #tpu.memory_space<hbm>> -> memref<1x1x256x32xf32, #tpu.memory_space<hbm>>
      %dma_wait3A_1438 = tpu.memref_squeeze %dma_wait3A_1437 : memref<1x1x256x32xf32, #tpu.memory_space<hbm>> -> memref<256x32xf32, #tpu.memory_space<hbm>>
      %dma_wait3A_1439 = arith.constant 0 : i32
      %dma_wait3A_1440 = arith.constant 0 : i32
      %dma_wait3A_1441 = tpu.memref_slice %arg9[%run_scoped3A_1411, %run_scoped3A_1412, %dma_wait3A_1439, %dma_wait3A_1440] : memref<3x4x256x32xf32, #tpu.memory_space<vmem>> -> memref<1x1x256x32xf32, #tpu.memory_space<vmem>>
      %dma_wait3A_1442 = tpu.memref_squeeze %dma_wait3A_1441 : memref<1x1x256x32xf32, #tpu.memory_space<vmem>> -> memref<256x32xf32, #tpu.memory_space<vmem>>
      tpu.wait_dma2 semaphore(%run_scoped3A_1414 : memref<!tpu.dma_semaphore, #tpu.memory_space<semaphore_mem>>) src(%dma_wait3A_1442 : memref<256x32xf32, #tpu.memory_space<vmem>>) dst(%dma_wait3A_1438 : memref<256x32xf32, #tpu.memory_space<hbm>>)
      tpu.yield
    }) : () -> ()
    return
  }
}

</mosaic_0001>

<sc_bundles>
// kernel: kernel.3.cloned.1.call-start
scs
__scs_entry_jumppad:
0x0: {  	(pc) =	sbr.rel $0x88, $3  }
0x1: {  	(tag) =	ssettag $0x0;
	lr =	simm.s32 $0x1  }
0x2: {  	[smem:$0x3F9C] =	sst lr;
	_ =	strace $0xD0000000  }
0x3: {  	_ = 	snop  }
0x4: {  	_ = 	snop  }
0x5: {  	_ = 	snop  }
0x6: {  	_ = 	snop  }
0x7: {  	_ = 	snop  }
__scs_overlays_trampoline_lowered:
0x8: {  	[smem:$0x3FAB] =	sst s0  }
0x9: {  	[smem:$0x3FAC] =	sst s1  }
0xa: {  	[smem:$0x3FAD] =	sst s2  }
0xb: {  	[smem:$0x3FAE] =	sst s3  }
0xc: {  	[smem:$0x3FAF] =	sst s4  }
0xd: {  	[smem:$0x3FB0] =	sst s5  }
0xe: {  	[smem:$0x3FB1] =	sst s6  }
0xf: {  	[smem:$0x3FB2] =	sst s7  }
0x10: {  	[smem:$0x3FB3] =	sst s8  }
0x11: {  	[smem:$0x3FB4] =	sst s9;
	s0 =	simm.s32 @!p0 $0x0  }
0x12: {  	s1 =	sld [smem:$0x3F9A];
	s0 =	simm.s32 @p0 $0x1  }
0x13: {  	[smem:$0x3FB5] =	sst s0;
	s0 =	simm.s32 @!p1 $0x0  }
0x14: {  	s2 =	sld [smem:$0x3F99];
	s0 =	simm.s32 @p1 $0x1  }
0x15: {  	[smem:$0x3FB6] =	sst s0;
	s0 =	simm.s32 @!p2 $0x0  }
0x16: {  	s3 =	sld [smem:$0x3FDB];
	s0 =	simm.s32 @p2 $0x1  }
0x17: {  	s4 =	simm.s32 $0x1BF5;
	[smem:$0x3FB8] =	sst s0  }
0x18: {  	s0 =	sld [smem:$0x3F9B];
	_ =	swait.ge [sflag:s4], $0x0  }
0x19: {  	s7 =	sld [smem:$0x3F9C]  }
0x1a: {  	s8 =	sadd.s32 $0xFFFFE003, lr  }
0x1b: {  	s9 =	sadd.s32 $0xFFFFFEF7, lr;
	s5 =	simm.s32 $0xFFFFFFFF;
	p2 =	slt.u32 s8, $0xFFFFF086  }
0x1c: {  	p1 =	slt.u32 s9, $0xF7A;
	s5 =	simm.s32 @!p2 $0x0  }
0x1d: {  	s5 =	simm.s32 @p1 $0x1;
	p0 =	seq.s32 s7, s2  }
0x1e: {  	s7 =	smul.u32 @!p0 $0xF7A, s2;
	p2 =	seq.s32 @!p0 s5, $0x0  }
0x1f: {  	s9 =	smul.u32 $0xF7A, s1;
	s8 =	simm.s32 @!p0 $0x1BF5;
	p2 =	por !p2, p0  }
0x20: {  	[sflag:s8] =	ssyncset.s32 @!p0 $0xFFFFF086;
	s6 =	sadd.s32 @!p0 s3, s7;
	s7 =	simm.s32 @!p0 $0x108  }
0x21: {  	s3 =	sadd.s32 s3, s9;
	s6 =	sadd.s32 @!p0 $0x88, s6;
	s7 =	simm.s32 @p2 $0x1082  }
0x22: {  	[simem:s7], [sflag:s8] =	dma.local @!p0 [hbm:s6], $0xF7A  }
0x23: {  	s9 =	sor.u32 $0xD0000000, s2;
	s6 =	simm.s32 $0x108;
	_ =	swait.ge @!p0 [sflag:s8], $0x0  }
0x24: {  	s3 =	sadd.s32 $0x88, s3;
	s6 =	simm.s32 @!p1 $0x1082;
	[sflag:s4] =	ssyncset.s32 $0xFFFFF086  }
0x25: {  	[simem:s6], [sflag:s4] =	dma.local [hbm:s3], $0xF7A  }
0x26: {  	[smem:$0x3F9C] =	sst s1;
	(tag) =	ssettag s2;
	_ =	strace s9  }
0x27: {  	s1 =	sld [smem:$0x3FAC]  }
0x28: {  	s2 =	sld [smem:$0x3FAD]  }
0x29: {  	s4 =	sld [smem:$0x3FAF]  }
0x2a: {  	p0 =	seq.s32 s5, $0x0;
	s5 =	sld [smem:$0x3FB0]  }
0x2b: {  	s6 =	sld [smem:$0x3FB1]  }
0x2c: {  	s7 =	sld [smem:$0x3FB2]  }
0x2d: {  	s3 =	simm.s32 $0x108;
	s8 =	sld [smem:$0x3FB3]  }
0x2e: {  	s3 =	simm.s32 @!p0 $0x1082;
	s9 =	sld [smem:$0x3FB4]  }
0x2f: {  	lr =	sadd.s32 s0, s3;
	s0 =	sld [smem:$0x3FAB]  }
0x30: {  	s3 =	sld [smem:$0x3FAE]  }
0x31: {  	[smem:$0x3FB7] =	sst s10  }
0x32: {  	s10 =	sld [smem:$0x3FB5];
	_ =	sdelay $0x3  }
0x33: {  	p0 =	seq.s32 s10, $0x1;
	s10 =	sld [smem:$0x3FB7];
	_ =	sdelay $0x3  }
0x34: {  	[smem:$0x3FB7] =	sst s10  }
0x35: {  	s10 =	sld [smem:$0x3FB6];
	_ =	sdelay $0x3  }
0x36: {  	p1 =	seq.s32 s10, $0x1;
	s10 =	sld [smem:$0x3FB7];
	_ =	sdelay $0x3  }
0x37: {  	[smem:$0x3FB7] =	sst s10  }
0x38: {  	s10 =	sld [smem:$0x3FB8]  }
0x39: {  	_ = 	snop;
	(pc) =	sbr.ind lr, $3  }
0x3a: {  	_ = 	snop  }
0x3b: {  	_ = 	snop  }
0x3c: {  	p2 =	seq.s32 s10, $0x1;
	s10 =	sld [smem:$0x3FB7]  }
0x3d: {  	_ =	shalt  }
0x3e: {  	_ =	shalt  }
0x3f: {  	_ =	shalt  }
0x40: {  	_ =	shalt  }
0x41: {  	_ =	shalt  }
0x42: {  	_ =	shalt  }
0x43: {  	_ =	shalt  }
0x44: {  	_ =	shalt  }
0x45: {  	_ =	shalt  }
0x46: {  	_ =	shalt  }
0x47: {  	_ =	shalt  }
0x48: {  	_ =	shalt  }
0x49: {  	_ =	shalt  }
0x4a: {  	_ =	shalt  }
0x4b: {  	_ =	shalt  }
0x4c: {  	_ =	shalt  }
0x4d: {  	_ =	shalt  }
0x4e: {  	_ =	shalt  }
0x4f: {  	_ =	shalt  }
0x50: {  	_ =	shalt  }
0x51: {  	_ =	shalt  }
0x52: {  	_ =	shalt  }
0x53: {  	_ =	shalt  }
0x54: {  	_ =	shalt  }
0x55: {  	_ =	shalt  }
0x56: {  	_ =	shalt  }
0x57: {  	_ =	shalt  }
0x58: {  	_ =	shalt  }
0x59: {  	_ =	shalt  }
0x5a: {  	_ =	shalt  }
0x5b: {  	_ =	shalt  }
0x5c: {  	_ =	shalt  }
0x5d: {  	_ =	shalt  }
0x5e: {  	_ =	shalt  }
0x5f: {  	_ =	shalt  }
0x60: {  	_ =	shalt  }
0x61: {  	_ =	shalt  }
0x62: {  	_ =	shalt  }
0x63: {  	_ =	shalt  }
0x64: {  	_ =	shalt  }
0x65: {  	_ =	shalt  }
0x66: {  	_ =	shalt  }
0x67: {  	_ =	shalt  }
0x68: {  	_ =	shalt  }
0x69: {  	_ =	shalt  }
0x6a: {  	_ =	shalt  }
0x6b: {  	_ =	shalt  }
0x6c: {  	_ =	shalt  }
0x6d: {  	_ =	shalt  }
0x6e: {  	_ =	shalt  }
0x6f: {  	_ =	shalt  }
0x70: {  	_ =	shalt  }
0x71: {  	_ =	shalt  }
0x72: {  	_ =	shalt  }
0x73: {  	_ =	shalt  }
0x74: {  	_ =	shalt  }
0x75: {  	_ =	shalt  }
0x76: {  	_ =	shalt  }
0x77: {  	_ =	shalt  }
0x78: {  	_ =	shalt  }
0x79: {  	_ =	shalt  }
0x7a: {  	_ =	shalt  }
0x7b: {  	_ =	shalt  }
0x7c: {  	_ =	shalt  }
0x7d: {  	_ =	shalt  }
0x7e: {  	_ =	shalt  }
0x7f: {  	_ =	shalt  }
0x80: {  	_ =	shalt  }
0x81: {  	_ =	shalt  }
0x82: {  	_ =	shalt  }
0x83: {  	_ =	shalt  }
0x84: {  	_ =	shalt  }
0x85: {  	_ =	shalt  }
0x86: {  	_ =	shalt  }
0x87: {  	_ =	shalt  }
.Lfunc_end0:
.L_simem_size_0:
called_computation_lowered:
.L_overlay_start_0:
0x88: {  	s2 =	sld [smem:$0x3FD9]  }
0x89: {  	s3 =	sld [smem:$0x3FFE];
	_ =	sdelay $0x1  }
0x8a: {  	s1 =	srdreg.scid  }
0x8b: {  	s0 =	sand.u32 $0x1, s1  }
0x8c: {  	s17 =	sshll.u32 s0, $0xA;
	s2 =	sadd.s32 s3, s2  }
0x8d: {  	s2 =	sadd.s32 s2, s17  }
0x8e: {  	[smem:$0x3FC3] =	sst s2  }
0x8f: {  	_ = 	snop  }
0x90: {  	s2 =	sld [smem:$0x3FC9]  }
0x91: {  	s18 =	sld [smem:$0x3FD0];
	(tm) =	ssettm $0x1  }
0x92: {  	s4 =	sld [smem:$0x3FFB];
	_ =	sdelay $0x3  }
0x93: {  	_ =	strace s4  }
0x94: {  	s4 =	sld [smem:$0x3FFC];
	_ =	sdelay $0x3  }
0x95: {  	_ =	strace s4  }
0x96: {  	s4 =	sld [smem:$0x3FFD];
	_ =	sdelay $0x3  }
0x97: {  	_ =	strace s4  }
0x98: {  	_ =	strace $0x8FFFFFFF  }
0x99: {  	s19 =	sld [smem:$0x3FDB];
	_ =	sdelay $0x1  }
0x9a: {  	s5 =	simm.s32 $_scs_section_size  }
0x9b: {  	s6 =	simm.s32 $_size__tile_overlayer_lowered;
	s7 =	simm.s32 $_tile_overlayer_lowered  }
0x9c: {  	s22 =	simm.s32 $0x1BFF;
	s21 =	sshll.u32 s7, $0x1;
	s4 =	sadd.s32 s5, s19  }
0x9d: {  	s8 =	simm.s32 $0x0;
	s20 =	sshll.u32 s6, $0x1;
	s6 =	sadd.s32 s21, s4  }
0x9e: {  	[timem:s8], [sflag:s22] =	dma.local [hbm:s6], s20  }
0x9f: {  	_ =	swait.ge [sflag:s22], s20  }
0xa0: {  	s5 =	ssub.s32 $0x0, s20;
	[sflag:s22] =	ssyncset.done $0x0  }
0xa1: {  	[sflag:s22] =	ssyncadd.s32 s5;
	_ =	sdelay $0x1  }
0xa2: {  	s23 =	simm.s32 $0x1B8B  }
0xa3: {  	_ =	swait.ge [sflag:s23], $0x1  }
0xa4: {  	[sflag:s23] =	ssyncset.done $0x0  }
0xa5: {  	s25 =	simm.s32 $0x1B8E;
	s24 =	sld [smem:$0x3FFE];
	[sflag:s23] =	ssyncadd.s32 $0xFFFFFFFF  }
0xa6: {  	s26 =	simm.s32 $execute0_lowered;
	[smem:$0x3FD2] =	sst s25  }
0xa7: {  	s6 =	sshll.u32 s26, $0x1;
	_ =	strace $0x80000046;
	[dreg:$0x1] =	wrdreg $0xFFFFFFFF  }
0xa8: {  	s28 =	simm.s32 $_size_execute0_lowered;
	s4 =	sadd.s32 s4, s6;
	[dreg:$0x0] =	wrdreg $0x0  }
0xa9: {  	s6 =	sshll.u32 s28, $0x1;
	[dreg:$0x2] =	wrdreg s4  }
0xaa: {  	[dreg:$0x3] =	wrdreg s6  }
0xab: {  	[dreg:$0x4] =	wrdreg $0xC0  }
0xac: {  	_ =	task [dreg:s8], $0x5FFFF  }
0xad: {  	[dreg:$0x1] =	wrdreg $0xFFFFFFFF  }
0xae: {  	[dreg:$0x0] =	wrdreg $0x60  }
0xaf: {  	[dreg:$0x2] =	wrdreg s2  }
0xb0: {  	[dreg:$0x3] =	wrdreg s24  }
0xb1: {  	[dreg:$0x4] =	wrdreg s18  }
0xb2: {  	[dreg:$0x5] =	wrdreg $0x9  }
0xb3: {  	_ =	task.clear_ibuf [dreg:s8], $0x6FFFF;
	_ =	strace $0x90000046  }
0xb4: {  	s29 =	simm.s32 $0x9;
	_ =	strace $0x80000048  }
0xb5: {  	_ =	swait.ge [sflag:s29], $0x1  }
0xb6: {  	[sflag:s29] =	ssyncadd.s32 $0xFFFFFFFF  }
0xb7: {  	_ =	strace $0x90000048  }
0xb8: {  	_ =	sfence  }
0xb9: {  	s30 =	sld [smem:$0x0];
	_ =	sdelay $0x2  }
0xba: {  	s31 =	sshll.u32 s1, $0xD;
	s1 =	sshrl.u32 s1, $0x2  }
0xbb: {  	s3 =	sand.u32 $0x4000, s31;
	s1 =	sadd.s32 s1, s30  }
0xbc: {  	s0 =	sor.u32 s3, s0;
	s1 =	sshll.u32 s1, $0x11  }
0xbd: {  	s0 =	sor.u32 s1, s0  }
0xbe: {  	s0 =	sadd.s32 $0x8F2B, s0  }
0xbf: {  	[sflag:s0] =	ssyncadd.remote.s32 $0x1  }
0xc0: {  	_ =	sfence.sel $0xFFFF  }
0xc1: {  	[dreg:$0x0] =	wrdreg $0xFFFFFFFF;
	(pc) =	sbr.abs _section_cstart, $3  }
0xc2: {  	[dreg:$0x1] =	wrdreg $0xFFFFFFFF  }
0xc3: {  	_ =	task.clear_ibuf [dreg:s8], $0x2FFFF;
	_ =	strace $0x9FFFFFFF  }
0xc4: {  	(tm) =	ssettm $0x7FFFFFFF  }
0xc5: {  	_ =	shalt  }
tec
execute0_lowered:
.L_overlay_start_1:
0x0: {  	(tag) =	ssettag $0x1  }
0x1: {  	s3 =	rddreg [dreg:$0x0];
	s5 =	stileid.u32  }
0x2: {  	s0 =	rddreg [dreg:$0x1];
	s2 =	srdreg.scid;
	s4 =	sshll.u32 s5, $0x1  }
0x3: {  	s1 =	rddreg [dreg:$0x2];
	s2 =	sand.u32 $0x1, s2;
	s4 =	sand.u32 $0x6, s4  }
0x4: {  	s8 =	simm.s32 $0x0;
	s5 =	sshrl.u32 s5, $0x2;
	s4 =	sor.u32 s2, s4  }
0x5: {  	[smem:$0x7FF] =	sst s8;
	s6 =	sshll.u32 s5, $0xC;
	s7 =	sshll.u32 s4, $0x9  }
0x6: {  	s9 =	sadd.s32 $0x10, s3;
	s10 =	sadd.s32 $0x20, s3;
	s6 =	sor.u32 s6, s7  }
0x7: {  	s11 =	sadd.s32 $0x30, s3;
	_ =	strace $0x80000047;
	s7 =	sadd.s32 s3, s6  }
0x8: {  	s5 =	sshll.u32 s5, $0x11;
	s14 =	sadd.s32 s6, s9;
	[dreg:$0x4] =	wrdreg s7  }
0x9: {  	s4 =	sshll.u32 s4, $0xE;
	s15 =	sadd.s32 s6, s10;
	[dreg:$0x5] =	wrdreg s14  }
0xa: {  	s4 =	sor.u32 s5, s4;
	s16 =	sadd.s32 s6, s11;
	[dreg:$0x6] =	wrdreg s15  }
0xb: {  	s12 =	sor.u32 $0x80, s6;
	s5 =	sadd.s32 s1, s4;
	[dreg:$0x7] =	wrdreg s16  }
0xc: {  	s17 =	sadd.s32 s3, s12;
	[dreg:$0x10] =	wrdreg s5  }
0xd: {  	s18 =	sadd.s32 s12, s9;
	[dreg:$0x8] =	wrdreg s17  }
0xe: {  	s19 =	sadd.s32 s12, s10;
	[dreg:$0x9] =	wrdreg s18  }
0xf: {  	s21 =	sor.u32 $0x100, s6;
	s20 =	sadd.s32 s12, s11;
	[dreg:$0xa] =	wrdreg s19  }
0x10: {  	s22 =	sadd.s32 s3, s21;
	[dreg:$0xb] =	wrdreg s20  }
0x11: {  	s23 =	sadd.s32 s21, s9;
	[dreg:$0xc] =	wrdreg s22  }
0x12: {  	s24 =	sadd.s32 s21, s10;
	[dreg:$0xd] =	wrdreg s23  }
0x13: {  	s6 =	sor.u32 $0x180, s6;
	s25 =	sadd.s32 s21, s11;
	[dreg:$0xe] =	wrdreg s24  }
0x14: {  	s3 =	sadd.s32 s3, s6;
	[dreg:$0xf] =	wrdreg s25  }
0x15: {  	s15 =	sadd.s32 s6, s9;
	[dreg:$0x14] =	wrdreg s3  }
0x16: {  	s28 =	simm.s32 $0x3C00;
	s7 =	sadd.s32 $0x4, s1;
	[dreg:$0x15] =	wrdreg s15  }
0x17: {  	s14 =	sadd.s32 $0x8, s1;
	s26 =	sadd.s32 s4, s7;
	s31 =	rddreg [dreg:$0x4]  }
0x18: {  	s16 =	sadd.s32 $0xC, s1;
	s12 =	sadd.s32 s4, s14;
	[dreg:$0x11] =	wrdreg s26  }
0x19: {  	s29 =	simm.s32 $0x4C00;
	s13 =	sadd.s32 s4, s16;
	[dreg:$0x12] =	wrdreg s12  }
0x1a: {  	p0 =	por $0x0, $0x0;
	s17 =	sadd.s32 s6, s10;
	[dreg:$0x13] =	wrdreg s13  }
0x1b: {  	s18 =	sadd.s32 s6, s11;
	s19 =	sor.u32 $0x1000, s4;
	[dreg:$0x16] =	wrdreg s17  }
0x1c: {  	s30 =	simm.s32 $0x700;
	[dreg:$0x17] =	wrdreg s18;
	s20 =	sadd.s32 s1, s19  }
0x1d: {  	s2 =	ssub.s32 $0x2, s2;
	s21 =	sadd.s32 s19, s7;
	[dreg:$0x18] =	wrdreg s20  }
0x1e: {  	s5 =	simm.s32 $0xC00;
	s22 =	sadd.s32 s19, s14;
	[dreg:$0x19] =	wrdreg s21  }
0x1f: {  	s24 =	sor.u32 $0x2000, s4;
	s23 =	sadd.s32 s19, s16;
	[dreg:$0x1a] =	wrdreg s22  }
0x20: {  	s4 =	sor.u32 $0x3000, s4;
	s25 =	sadd.s32 s1, s24;
	[dreg:$0x1b] =	wrdreg s23  }
0x21: {  	s15 =	sadd.s32 $0x8A00, s0;
	s26 =	sadd.s32 s24, s7;
	[dreg:$0x1c] =	wrdreg s25  }
0x22: {  	s11 =	sshrl.u32 s2, $0x1;
	s6 =	sadd.s32 s24, s14;
	[dreg:$0x1d] =	wrdreg s26  }
0x23: {  	s3 =	simm.s32 $0x4;
	s9 =	sadd.s32 s24, s16;
	[dreg:$0x1e] =	wrdreg s6  }
0x24: {  	s12 =	sadd.s32 $0xA00, s0;
	s1 =	sadd.s32 s1, s4;
	[dreg:$0x1f] =	wrdreg s9  }
0x25: {  	s13 =	sadd.s32 $0x4A00, s0;
	s10 =	sadd.s32 s4, s7;
	[smem:$0x7EA] =	sst s1  }
0x26: {  	s14 =	sadd.s32 s4, s14;
	s2 =	ssub.s32 s2, s11;
	[smem:$0x7EB] =	sst s10  }
0x27: {  	s17 =	sadd.s32 s4, s16;
	s18 =	sadd.s32 $0xCA00, s0;
	[smem:$0x7EC] =	sst s14  }
0x28: {  	s19 =	simm.s32 $0x480;
	s24 =	simm.s32 $0xBC00;
	[smem:$0x7ED] =	sst s17  }
0x29: {  	s4 =	simm.s32 $0x780;
	s7 =	simm.s32 $0xFC00;
	[smem:$0x7EE] =	sst s19  }
0x2a: {  	s11 =	simm.s32 $0x11C00;
	s16 =	simm.s32 $0x13C00;
	[smem:$0x7F1] =	sst s24  }
0x2b: {  	s9 =	smax.u32 s2, $0x1;
	s2 =	simm.s32 $0x80;
	[smem:$0x7F4] =	sst s4  }
0x2c: {  	s20 =	simm.s32 $0x200;
	s21 =	simm.s32 $0x9C00;
	[smem:$0x7F5] =	sst s7  }
0x2d: {  	s22 =	simm.s32 $0x100;
	s23 =	simm.s32 $0x580;
	[smem:$0x7F7] =	sst s11  }
0x2e: {  	s17 =	simm.s32 $0x300;
	s25 =	simm.s32 $0x680;
	[smem:$0x7F9] =	sst s16  }
0x2f: {  	s26 =	simm.s32 $0x1C00;
	s1 =	simm.s32 $0xDC00;
	[smem:$0x7EF] =	sst s21  }
0x30: {  	s6 =	simm.s32 $0x2C00;
	s10 =	simm.s32 $0x880;
	[smem:$0x7F0] =	sst s23  }
0x31: {  	s14 =	simm.s32 $0x980;
	s7 =	simm.s32 $0x6C00;
	[smem:$0x7F2] =	sst s25  }
0x32: {  	s19 =	simm.s32 $0xA80;
	s24 =	simm.s32 $0x17C00;
	[smem:$0x7F3] =	sst s1  }
0x33: {  	s4 =	simm.s32 $0x8C00;
	[smem:$0x7F6] =	sst s10;
	p1 =	sne.s32 s9, $0x1  }
.Ltmp0:
0x34: {  	s16 =	simm.s32 $0x14C00;
	[smem:$0x7F8] =	sst s14;
	(pc) =	sbr.rel @!p1 .LBB2_1-.Ltmp0, $4  }
0x35: {  	s25 =	simm.s32 $0x180;
	[smem:$0x7FA] =	sst s19;
	s21 =	simm.s32 $0x15C00  }
0x36: {  	s23 =	simm.s32 $0xB80;
	[smem:$0x7FD] =	sst s24;
	s1 =	sadd.s32 $0xFFFFFFFF, s9  }
0x37: {  	s10 =	simm.s32 $0x1;
	s9 =	simm.s32 $0x20;
	[smem:$0x7FB] =	sst s21  }
0x38: {  	s14 =	simm.s32 $0x2;
	s19 =	simm.s32 $0x3;
	[smem:$0x7FC] =	sst s23  }
0x39: {  	[tilespmem:s8], [sflag:$0x4] =	stream.strided.gather [hbm4b:s31+s2], $0x100, s20, s2, $0x38;
	[tilespmem:$0x18C00] =	vst v63  }
0x3a: {  	_ =	swait.ge [sflag:s3], $0x100  }
0x3b: {  	[sflag:s3] =	ssyncset.done $0x0  }
0x3c: {  	s31 =	rddreg [dreg:$0x5];
	[sflag:s3] =	ssyncadd.s32 $0xFFFFFF00  }
0x3d: {  	[tilespmem:s22], [sflag:$0x4] =	stream.strided.gather [hbm4b:s31+s2], $0x100, s20, s2, $0x38;
	[tilespmem:$0x18C00] =	vst v63  }
0x3e: {  	_ =	swait.ge [sflag:s3], $0x100  }
0x3f: {  	[sflag:s3] =	ssyncset.done $0x0  }
0x40: {  	s31 =	rddreg [dreg:$0x6];
	[sflag:s3] =	ssyncadd.s32 $0xFFFFFF00  }
0x41: {  	[tilespmem:s20], [sflag:$0x4] =	stream.strided.gather [hbm4b:s31+s2], $0x100, s20, s2, $0x38;
	[tilespmem:$0x18C00] =	vst v63  }
0x42: {  	_ =	swait.ge [sflag:s3], $0x100  }
0x43: {  	[sflag:s3] =	ssyncset.done $0x0  }
0x44: {  	s31 =	rddreg [dreg:$0x7];
	[sflag:s3] =	ssyncadd.s32 $0xFFFFFF00  }
0x45: {  	[tilespmem:s17], [sflag:$0x4] =	stream.strided.gather [hbm4b:s31+s2], $0x100, s20, s2, $0x38;
	[tilespmem:$0x18C00] =	vst v63  }
0x46: {  	_ =	swait.ge [sflag:s3], $0x100  }
0x47: {  	[sflag:s3] =	ssyncset.done $0x0  }
0x48: {  	[sflag:s3] =	ssyncadd.s32 $0xFFFFFF00  }
0x49: {  	[tilespmem:s5], [sflag:$0x1] =	stream.indirect.gather [hbm4b:s12+s2], $0x20, s8, s2, $0xb8;
	[tilespmem:$0x18C00] =	vst v63  }
0x4a: {  	_ = 	snop  }
0x4b: {  	[tilespmem:s26], [sflag:$0x1] =	stream.indirect.gather [hbm4b:s12+s2], $0x20, s2, s2, $0xb8;
	[tilespmem:$0x18C00] =	vst v63  }
0x4c: {  	_ = 	snop  }
0x4d: {  	[tilespmem:s6], [sflag:$0x1] =	stream.indirect.gather [hbm4b:s13+s2], $0x20, s22, s2, $0xb8;
	[tilespmem:$0x18C00] =	vst v63  }
0x4e: {  	_ = 	snop  }
0x4f: {  	[tilespmem:s28], [sflag:$0x1] =	stream.indirect.gather [hbm4b:s13+s2], $0x20, s25, s2, $0xb8;
	[tilespmem:$0x18C00] =	vst v63  }
0x50: {  	_ = 	snop  }
0x51: {  	[tilespmem:s29], [sflag:$0x1] =	stream.indirect.gather [hbm4b:s15+s2], $0x20, s20, s2, $0xb8;
	[tilespmem:$0x18C00] =	vst v63  }
0x52: {  	s0 =	simm.s32 $0x280;
	s4 =	simm.s32 $0x5C00  }
0x53: {  	[tilespmem:s4], [sflag:$0x1] =	stream.indirect.gather [hbm4b:s15+s2], $0x20, s0, s2, $0xb8;
	[tilespmem:$0x18C00] =	vst v63  }
0x54: {  	_ = 	snop  }
0x55: {  	[tilespmem:s7], [sflag:$0x1] =	stream.indirect.gather [hbm4b:s18+s2], $0x20, s17, s2, $0xb8;
	[tilespmem:$0x18C00] =	vst v63  }
0x56: {  	s23 =	simm.s32 $0x380;
	s24 =	simm.s32 $0x7C00;
	s31 =	rddreg [dreg:$0x8]  }
0x57: {  	[tilespmem:s24], [sflag:$0x1] =	stream.indirect.gather [hbm4b:s18+s2], $0x20, s23, s2, $0xb8;
	[tilespmem:$0x18C00] =	vst v63  }
0x58: {  	[smem:$0x7E9] =	sst s1;
	s0 =	simm.s32 $0x400  }
0x59: {  	[tilespmem:s0], [sflag:$0x4] =	stream.strided.gather [hbm4b:s31+s2], $0x100, s20, s2, $0x38;
	[tilespmem:$0x18C00] =	vst v63  }
0x5a: {  	_ =	swait.ge [sflag:s3], $0x100  }
0x5b: {  	[sflag:s3] =	ssyncset.done $0x0  }
0x5c: {  	s16 =	simm.s32 $0x500;
	s31 =	rddreg [dreg:$0x9];
	[sflag:s3] =	ssyncadd.s32 $0xFFFFFF00  }
0x5d: {  	[tilespmem:s16], [sflag:$0x4] =	stream.strided.gather [hbm4b:s31+s2], $0x100, s20, s2, $0x38;
	[tilespmem:$0x18C00] =	vst v63  }
0x5e: {  	_ =	swait.ge [sflag:s3], $0x100  }
0x5f: {  	[sflag:s3] =	ssyncset.done $0x0  }
0x60: {  	s17 =	simm.s32 $0x600;
	s31 =	rddreg [dreg:$0xa];
	[sflag:s3] =	ssyncadd.s32 $0xFFFFFF00  }
0x61: {  	[tilespmem:s17], [sflag:$0x4] =	stream.strided.gather [hbm4b:s31+s2], $0x100, s20, s2, $0x38;
	[tilespmem:$0x18C00] =	vst v63  }
0x62: {  	_ =	swait.ge [sflag:s3], $0x100  }
0x63: {  	[sflag:s3] =	ssyncset.done $0x0  }
0x64: {  	s31 =	rddreg [dreg:$0xb];
	[sflag:s3] =	ssyncadd.s32 $0xFFFFFF00  }
0x65: {  	[tilespmem:s30], [sflag:$0x4] =	stream.strided.gather [hbm4b:s31+s2], $0x100, s20, s2, $0x38;
	[tilespmem:$0x18C00] =	vst v63  }
0x66: {  	_ =	swait.ge [sflag:s3], $0x100  }
0x67: {  	[sflag:s3] =	ssyncset.done $0x0;
	s31 =	sld [smem:$0x7EF]  }
0x68: {  	s11 =	simm.s32 $0x8C00;
	s30 =	sld [smem:$0x7EE];
	[sflag:s3] =	ssyncadd.s32 $0xFFFFFF00  }
0x69: {  	[tilespmem:s11], [sflag:$0x2] =	stream.indirect.gather [hbm4b:s12+s2], $0x20, s0, s2, $0xb8;
	[tilespmem:$0x18C00] =	vst v63  }
0x6a: {  	s0 =	sld [smem:$0x7F1]  }
0x6b: {  	[tilespmem:s31], [sflag:$0x2] =	stream.indirect.gather [hbm4b:s12+s2], $0x20, s30, s2, $0xb8;
	[tilespmem:$0x18C00] =	vst v63  }
0x6c: {  	s1 =	simm.s32 $0xAC00;
	s30 =	sld [smem:$0x7F0]  }
0x6d: {  	[tilespmem:s1], [sflag:$0x2] =	stream.indirect.gather [hbm4b:s13+s2], $0x20, s16, s2, $0xb8;
	[tilespmem:$0x18C00] =	vst v63  }
0x6e: {  	s31 =	sld [smem:$0x7F3]  }
0x6f: {  	[tilespmem:s0], [sflag:$0x2] =	stream.indirect.gather [hbm4b:s13+s2], $0x20, s30, s2, $0xb8;
	[tilespmem:$0x18C00] =	vst v63  }
0x70: {  	s6 =	simm.s32 $0xCC00;
	s30 =	sld [smem:$0x7F2]  }
0x71: {  	[tilespmem:s6], [sflag:$0x2] =	stream.indirect.gather [hbm4b:s15+s2], $0x20, s17, s2, $0xb8;
	[tilespmem:$0x18C00] =	vst v63  }
0x72: {  	s1 =	sld [smem:$0x7F5]  }
0x73: {  	[tilespmem:s31], [sflag:$0x2] =	stream.indirect.gather [hbm4b:s15+s2], $0x20, s30, s2, $0xb8;
	[tilespmem:$0x18C00] =	vst v63  }
0x74: {  	s4 =	simm.s32 $0xEC00;
	s23 =	simm.s32 $0x700;
	s30 =	sld [smem:$0x7F4]  }
0x75: {  	[tilespmem:s4], [sflag:$0x2] =	stream.indirect.gather [hbm4b:s18+s2], $0x20, s23, s2, $0xb8;
	[tilespmem:$0x18C00] =	vst v63  }
0x76: {  	_ = 	snop  }
0x77: {  	[tilespmem:s1], [sflag:$0x2] =	stream.indirect.gather [hbm4b:s18+s2], $0x20, s30, s2, $0xb8;
	[tilespmem:$0x18C00] =	vst v63  }
0x78: {  	s16 =	simm.s32 $0x800;
	s31 =	rddreg [dreg:$0xc]  }
0x79: {  	[tilespmem:s16], [sflag:$0x4] =	stream.strided.gather [hbm4b:s31+s2], $0x100, s20, s2, $0x38;
	[tilespmem:$0x18C00] =	vst v63  }
0x7a: {  	_ =	swait.ge [sflag:s3], $0x100  }
0x7b: {  	[sflag:s3] =	ssyncset.done $0x0  }
0x7c: {  	s17 =	simm.s32 $0x900;
	s30 =	rddreg [dreg:$0xd];
	[sflag:s3] =	ssyncadd.s32 $0xFFFFFF00  }
0x7d: {  	[tilespmem:s17], [sflag:$0x4] =	stream.strided.gather [hbm4b:s30+s2], $0x100, s20, s2, $0x38;
	[tilespmem:$0x18C00] =	vst v63  }
0x7e: {  	_ =	swait.ge [sflag:s3], $0x100  }
0x7f: {  	[sflag:s3] =	ssyncset.done $0x0  }
0x80: {  	s0 =	simm.s32 $0xA00;
	s30 =	rddreg [dreg:$0xe];
	[sflag:s3] =	ssyncadd.s32 $0xFFFFFF00  }
0x81: {  	[tilespmem:s0], [sflag:$0x4] =	stream.strided.gather [hbm4b:s30+s2], $0x100, s20, s2, $0x38;
	[tilespmem:$0x18C00] =	vst v63  }
0x82: {  	_ =	swait.ge [sflag:s3], $0x100  }
0x83: {  	[sflag:s3] =	ssyncset.done $0x0  }
0x84: {  	s1 =	simm.s32 $0xB00;
	s30 =	rddreg [dreg:$0xf];
	[sflag:s3] =	ssyncadd.s32 $0xFFFFFF00  }
0x85: {  	[tilespmem:s1], [sflag:$0x4] =	stream.strided.gather [hbm4b:s30+s2], $0x100, s20, s2, $0x38;
	[tilespmem:$0x18C00] =	vst v63  }
0x86: {  	_ =	swait.ge [sflag:s3], $0x100  }
0x87: {  	[sflag:s3] =	ssyncset.done $0x0;
	s30 =	sld [smem:$0x7F7]  }
0x88: {  	s8 =	simm.s32 $0x10C00;
	s31 =	sld [smem:$0x7F6];
	[sflag:s3] =	ssyncadd.s32 $0xFFFFFF00  }
0x89: {  	[tilespmem:s8], [sflag:$0x3] =	stream.indirect.gather [hbm4b:s12+s2], $0x20, s16, s2, $0xb8;
	[tilespmem:$0x18C00] =	vst v63  }
0x8a: {  	_ = 	snop  }
0x8b: {  	[tilespmem:s30], [sflag:$0x3] =	stream.indirect.gather [hbm4b:s12+s2], $0x20, s31, s2, $0xb8;
	[tilespmem:$0x18C00] =	vst v63  }
0x8c: {  	s30 =	sld [smem:$0x7F9]  }
0x8d: {  	s24 =	simm.s32 $0x12C00;
	s31 =	sld [smem:$0x7F8]  }
0x8e: {  	[tilespmem:s24], [sflag:$0x3] =	stream.indirect.gather [hbm4b:s13+s2], $0x20, s17, s2, $0xb8;
	[tilespmem:$0x18C00] =	vst v63  }
0x8f: {  	_ = 	snop  }
0x90: {  	[tilespmem:s30], [sflag:$0x3] =	stream.indirect.gather [hbm4b:s13+s2], $0x20, s31, s2, $0xb8;
	[tilespmem:$0x18C00] =	vst v63  }
0x91: {  	s30 =	sld [smem:$0x7FB]  }
0x92: {  	s21 =	simm.s32 $0x14C00;
	s31 =	sld [smem:$0x7FA]  }
0x93: {  	[tilespmem:s21], [sflag:$0x3] =	stream.indirect.gather [hbm4b:s15+s2], $0x20, s0, s2, $0xb8;
	[tilespmem:$0x18C00] =	vst v63  }
0x94: {  	_ = 	snop  }
0x95: {  	[tilespmem:s30], [sflag:$0x3] =	stream.indirect.gather [hbm4b:s15+s2], $0x20, s31, s2, $0xb8;
	[tilespmem:$0x18C00] =	vst v63  }
0x96: {  	s30 =	sld [smem:$0x7FD]  }
0x97: {  	s21 =	simm.s32 $0x16C00;
	s31 =	sld [smem:$0x7FC]  }
0x98: {  	[tilespmem:s21], [sflag:$0x3] =	stream.indirect.gather [hbm4b:s18+s2], $0x20, s1, s2, $0xb8;
	[tilespmem:$0x18C00] =	vst v63  }
0x99: {  	_ = 	snop  }
0x9a: {  	[tilespmem:s30], [sflag:$0x3] =	stream.indirect.gather [hbm4b:s18+s2], $0x20, s31, s2, $0xb8;
	[tilespmem:$0x18C00] =	vst v63  }
0x9b: {  	_ =	swait.ge [sflag:s10], $0x1000  }
0x9c: {  	[sflag:s10] =	ssyncset.done $0x0  }
0x9d: {  	[sflag:s10] =	ssyncadd.s32 $0xFFFFF000  }
0x9e: {  	_ =	swait.ge [sflag:s10], $0x1000  }
0x9f: {  	[sflag:s10] =	ssyncset.done $0x0  }
0xa0: {  	[sflag:s10] =	ssyncadd.s32 $0xFFFFF000  }
0xa1: {  	_ =	swait.ge [sflag:s10], $0x1000  }
0xa2: {  	[sflag:s10] =	ssyncset.done $0x0  }
0xa3: {  	[sflag:s10] =	ssyncadd.s32 $0xFFFFF000  }
0xa4: {  	_ =	swait.ge [sflag:s10], $0x1000  }
0xa5: {  	[sflag:s10] =	ssyncset.done $0x0  }
0xa6: {  	[sflag:s10] =	ssyncadd.s32 $0xFFFFF000  }
0xa7: {  	_ =	swait.ge [sflag:s10], $0x1000  }
0xa8: {  	[sflag:s10] =	ssyncset.done $0x0  }
0xa9: {  	[sflag:s10] =	ssyncadd.s32 $0xFFFFF000  }
0xaa: {  	_ =	swait.ge [sflag:s10], $0x1000  }
0xab: {  	[sflag:s10] =	ssyncset.done $0x0  }
0xac: {  	[sflag:s10] =	ssyncadd.s32 $0xFFFFF000  }
0xad: {  	_ =	swait.ge [sflag:s10], $0x1000  }
0xae: {  	[sflag:s10] =	ssyncset.done $0x0  }
0xaf: {  	[sflag:s10] =	ssyncadd.s32 $0xFFFFF000  }
0xb0: {  	_ =	swait.ge [sflag:s10], $0x1000  }
0xb1: {  	[sflag:s10] =	ssyncset.done $0x0  }
0xb2: {  	s30 =	rddreg [dreg:$0x10];
	[sflag:s10] =	ssyncadd.s32 $0xFFFFF000  }
0xb3: {  	[hbm4b:s30+s9] =	stream.strided.scatter [tilespmem:s5], [sflag:$0x4], $0x2000, s2, s9, $0x38;
	[tilespmem:$0x18C00] =	vst v63  }
0xb4: {  	_ =	swait.ge [sflag:s3], $0x2000  }
0xb5: {  	[sflag:s3] =	ssyncset.done $0x0  }
0xb6: {  	s1 =	simm.s32 $0x2C00;
	s30 =	rddreg [dreg:$0x11];
	[sflag:s3] =	ssyncadd.s32 $0xFFFFE000  }
0xb7: {  	[hbm4b:s30+s9] =	stream.strided.scatter [tilespmem:s1], [sflag:$0x4], $0x2000, s2, s9, $0x38;
	[tilespmem:$0x18C00] =	vst v63  }
0xb8: {  	_ =	swait.ge [sflag:s3], $0x2000  }
0xb9: {  	[sflag:s3] =	ssyncset.done $0x0  }
0xba: {  	s30 =	rddreg [dreg:$0x12];
	[sflag:s3] =	ssyncadd.s32 $0xFFFFE000  }
0xbb: {  	[hbm4b:s30+s9] =	stream.strided.scatter [tilespmem:s29], [sflag:$0x4], $0x2000, s2, s9, $0x38;
	[tilespmem:$0x18C00] =	vst v63  }
0xbc: {  	_ =	swait.ge [sflag:s3], $0x2000  }
0xbd: {  	[sflag:s3] =	ssyncset.done $0x0  }
0xbe: {  	s30 =	rddreg [dreg:$0x13];
	[sflag:s3] =	ssyncadd.s32 $0xFFFFE000  }
0xbf: {  	[hbm4b:s30+s9] =	stream.strided.scatter [tilespmem:s7], [sflag:$0x4], $0x2000, s2, s9, $0x38;
	[tilespmem:$0x18C00] =	vst v63  }
0xc0: {  	_ =	swait.ge [sflag:s3], $0x2000  }
0xc1: {  	[sflag:s3] =	ssyncset.done $0x0  }
0xc2: {  	s24 =	simm.s32 $0x0;
	s30 =	rddreg [dreg:$0x14];
	[sflag:s3] =	ssyncadd.s32 $0xFFFFE000  }
0xc3: {  	[tilespmem:s24], [sflag:$0x4] =	stream.strided.gather [hbm4b:s30+s2], $0x100, s20, s2, $0x38;
	[tilespmem:$0x18C00] =	vst v63  }
0xc4: {  	_ =	swait.ge [sflag:s3], $0x100  }
0xc5: {  	[sflag:s3] =	ssyncset.done $0x0  }
0xc6: {  	s30 =	rddreg [dreg:$0x15];
	[sflag:s3] =	ssyncadd.s32 $0xFFFFFF00  }
0xc7: {  	[tilespmem:s22], [sflag:$0x4] =	stream.strided.gather [hbm4b:s30+s2], $0x100, s20, s2, $0x38;
	[tilespmem:$0x18C00] =	vst v63  }
0xc8: {  	_ =	swait.ge [sflag:s3], $0x100  }
0xc9: {  	[sflag:s3] =	ssyncset.done $0x0  }
0xca: {  	s30 =	rddreg [dreg:$0x16];
	[sflag:s3] =	ssyncadd.s32 $0xFFFFFF00  }
0xcb: {  	[tilespmem:s20], [sflag:$0x4] =	stream.strided.gather [hbm4b:s30+s2], $0x100, s20, s2, $0x38;
	[tilespmem:$0x18C00] =	vst v63  }
0xcc: {  	_ =	swait.ge [sflag:s3], $0x100  }
0xcd: {  	[sflag:s3] =	ssyncset.done $0x0  }
0xce: {  	s17 =	simm.s32 $0x300;
	s30 =	rddreg [dreg:$0x17];
	[sflag:s3] =	ssyncadd.s32 $0xFFFFFF00  }
0xcf: {  	[tilespmem:s17], [sflag:$0x4] =	stream.strided.gather [hbm4b:s30+s2], $0x100, s20, s2, $0x38;
	[tilespmem:$0x18C00] =	vst v63  }
0xd0: {  	_ =	swait.ge [sflag:s3], $0x100  }
0xd1: {  	[sflag:s3] =	ssyncset.done $0x0  }
0xd2: {  	[sflag:s3] =	ssyncadd.s32 $0xFFFFFF00  }
0xd3: {  	[tilespmem:s5], [sflag:$0x1] =	stream.indirect.gather [hbm4b:s12+s2], $0x20, s24, s2, $0xb8;
	[tilespmem:$0x18C00] =	vst v63  }
0xd4: {  	_ = 	snop  }
0xd5: {  	[tilespmem:s26], [sflag:$0x1] =	stream.indirect.gather [hbm4b:s12+s2], $0x20, s2, s2, $0xb8;
	[tilespmem:$0x18C00] =	vst v63  }
0xd6: {  	_ = 	snop  }
0xd7: {  	[tilespmem:s1], [sflag:$0x1] =	stream.indirect.gather [hbm4b:s13+s2], $0x20, s22, s2, $0xb8;
	[tilespmem:$0x18C00] =	vst v63  }
0xd8: {  	_ = 	snop  }
0xd9: {  	[tilespmem:s28], [sflag:$0x1] =	stream.indirect.gather [hbm4b:s13+s2], $0x20, s25, s2, $0xb8;
	[tilespmem:$0x18C00] =	vst v63  }
0xda: {  	_ = 	snop  }
0xdb: {  	[tilespmem:s29], [sflag:$0x1] =	stream.indirect.gather [hbm4b:s15+s2], $0x20, s20, s2, $0xb8;
	[tilespmem:$0x18C00] =	vst v63  }
0xdc: {  	s25 =	simm.s32 $0x5C00;
	s28 =	simm.s32 $0x280  }
0xdd: {  	[tilespmem:s25], [sflag:$0x1] =	stream.indirect.gather [hbm4b:s15+s2], $0x20, s28, s2, $0xb8;
	[tilespmem:$0x18C00] =	vst v63  }
0xde: {  	_ = 	snop  }
0xdf: {  	[tilespmem:s7], [sflag:$0x1] =	stream.indirect.gather [hbm4b:s18+s2], $0x20, s17, s2, $0xb8;
	[tilespmem:$0x18C00] =	vst v63  }
0xe0: {  	s24 =	simm.s32 $0x380;
	s25 =	simm.s32 $0x7C00  }
0xe1: {  	[tilespmem:s25], [sflag:$0x1] =	stream.indirect.gather [hbm4b:s18+s2], $0x20, s24, s2, $0xb8;
	[tilespmem:$0x18C00] =	vst v63  }
0xe2: {  	_ =	swait.ge [sflag:s14], $0x1000  }
0xe3: {  	[sflag:s14] =	ssyncset.done $0x0  }
0xe4: {  	[sflag:s14] =	ssyncadd.s32 $0xFFFFF000  }
0xe5: {  	_ =	swait.ge [sflag:s14], $0x1000  }
0xe6: {  	[sflag:s14] =	ssyncset.done $0x0  }
0xe7: {  	[sflag:s14] =	ssyncadd.s32 $0xFFFFF000  }
0xe8: {  	_ =	swait.ge [sflag:s14], $0x1000  }
0xe9: {  	[sflag:s14] =	ssyncset.done $0x0  }
0xea: {  	[sflag:s14] =	ssyncadd.s32 $0xFFFFF000  }
0xeb: {  	_ =	swait.ge [sflag:s14], $0x1000  }
0xec: {  	[sflag:s14] =	ssyncset.done $0x0  }
0xed: {  	[sflag:s14] =	ssyncadd.s32 $0xFFFFF000  }
0xee: {  	_ =	swait.ge [sflag:s14], $0x1000  }
0xef: {  	[sflag:s14] =	ssyncset.done $0x0  }
0xf0: {  	[sflag:s14] =	ssyncadd.s32 $0xFFFFF000  }
0xf1: {  	_ =	swait.ge [sflag:s14], $0x1000  }
0xf2: {  	[sflag:s14] =	ssyncset.done $0x0  }
0xf3: {  	[sflag:s14] =	ssyncadd.s32 $0xFFFFF000  }
0xf4: {  	_ =	swait.ge [sflag:s14], $0x1000  }
0xf5: {  	[sflag:s14] =	ssyncset.done $0x0  }
0xf6: {  	[sflag:s14] =	ssyncadd.s32 $0xFFFFF000  }
0xf7: {  	_ =	swait.ge [sflag:s14], $0x1000  }
0xf8: {  	[sflag:s14] =	ssyncset.done $0x0  }
0xf9: {  	s28 =	simm.s32 $0x8C00;
	s30 =	rddreg [dreg:$0x18];
	[sflag:s14] =	ssyncadd.s32 $0xFFFFF000  }
0xfa: {  	[hbm4b:s30+s9] =	stream.strided.scatter [tilespmem:s28], [sflag:$0x4], $0x2000, s2, s9, $0x38;
	[tilespmem:$0x18C00] =	vst v63  }
0xfb: {  	_ =	swait.ge [sflag:s3], $0x2000  }
0xfc: {  	[sflag:s3] =	ssyncset.done $0x0  }
0xfd: {  	s11 =	simm.s32 $0xAC00;
	s30 =	rddreg [dreg:$0x19];
	[sflag:s3] =	ssyncadd.s32 $0xFFFFE000  }
0xfe: {  	[hbm4b:s30+s9] =	stream.strided.scatter [tilespmem:s11], [sflag:$0x4], $0x2000, s2, s9, $0x38;
	[tilespmem:$0x18C00] =	vst v63  }
0xff: {  	_ =	swait.ge [sflag:s3], $0x2000  }
0x100: {  	[sflag:s3] =	ssyncset.done $0x0  }
0x101: {  	s6 =	simm.s32 $0xCC00;
	s30 =	rddreg [dreg:$0x1a];
	[sflag:s3] =	ssyncadd.s32 $0xFFFFE000  }
0x102: {  	[hbm4b:s30+s9] =	stream.strided.scatter [tilespmem:s6], [sflag:$0x4], $0x2000, s2, s9, $0x38;
	[tilespmem:$0x18C00] =	vst v63  }
0x103: {  	_ =	swait.ge [sflag:s3], $0x2000  }
0x104: {  	[sflag:s3] =	ssyncset.done $0x0  }
0x105: {  	s4 =	simm.s32 $0xEC00;
	s30 =	rddreg [dreg:$0x1b];
	[sflag:s3] =	ssyncadd.s32 $0xFFFFE000  }
0x106: {  	[hbm4b:s30+s9] =	stream.strided.scatter [tilespmem:s4], [sflag:$0x4], $0x2000, s2, s9, $0x38;
	[tilespmem:$0x18C00] =	vst v63  }
0x107: {  	_ =	swait.ge [sflag:s3], $0x2000  }
0x108: {  	[sflag:s3] =	ssyncset.done $0x0  }
0x109: {  	[sflag:s3] =	ssyncadd.s32 $0xFFFFE000  }
0x10a: {  	_ =	swait.ge [sflag:s19], $0x1000  }
0x10b: {  	[sflag:s19] =	ssyncset.done $0x0  }
0x10c: {  	[sflag:s19] =	ssyncadd.s32 $0xFFFFF000  }
0x10d: {  	_ =	swait.ge [sflag:s19], $0x1000  }
0x10e: {  	[sflag:s19] =	ssyncset.done $0x0  }
0x10f: {  	[sflag:s19] =	ssyncadd.s32 $0xFFFFF000  }
0x110: {  	_ =	swait.ge [sflag:s19], $0x1000  }
0x111: {  	[sflag:s19] =	ssyncset.done $0x0  }
0x112: {  	[sflag:s19] =	ssyncadd.s32 $0xFFFFF000  }
0x113: {  	_ =	swait.ge [sflag:s19], $0x1000  }
0x114: {  	[sflag:s19] =	ssyncset.done $0x0  }
0x115: {  	[sflag:s19] =	ssyncadd.s32 $0xFFFFF000  }
0x116: {  	_ =	swait.ge [sflag:s19], $0x1000  }
0x117: {  	[sflag:s19] =	ssyncset.done $0x0  }
0x118: {  	[sflag:s19] =	ssyncadd.s32 $0xFFFFF000  }
0x119: {  	_ =	swait.ge [sflag:s19], $0x1000  }
0x11a: {  	[sflag:s19] =	ssyncset.done $0x0  }
0x11b: {  	[sflag:s19] =	ssyncadd.s32 $0xFFFFF000  }
0x11c: {  	_ =	swait.ge [sflag:s19], $0x1000  }
0x11d: {  	[sflag:s19] =	ssyncset.done $0x0  }
0x11e: {  	[sflag:s19] =	ssyncadd.s32 $0xFFFFF000  }
0x11f: {  	_ =	swait.ge [sflag:s19], $0x1000  }
0x120: {  	[sflag:s19] =	ssyncset.done $0x0  }
0x121: {  	s23 =	simm.s32 $0x10C00;
	s30 =	rddreg [dreg:$0x1c];
	[sflag:s19] =	ssyncadd.s32 $0xFFFFF000  }
0x122: {  	[hbm4b:s30+s9] =	stream.strided.scatter [tilespmem:s23], [sflag:$0x4], $0x2000, s2, s9, $0x38;
	[tilespmem:$0x18C00] =	vst v63  }
0x123: {  	_ =	swait.ge [sflag:s3], $0x2000  }
0x124: {  	[sflag:s3] =	ssyncset.done $0x0  }
0x125: {  	s8 =	simm.s32 $0x12C00;
	s30 =	rddreg [dreg:$0x1d];
	[sflag:s3] =	ssyncadd.s32 $0xFFFFE000  }
0x126: {  	[hbm4b:s30+s9] =	stream.strided.scatter [tilespmem:s8], [sflag:$0x4], $0x2000, s2, s9, $0x38;
	[tilespmem:$0x18C00] =	vst v63  }
0x127: {  	_ =	swait.ge [sflag:s3], $0x2000  }
0x128: {  	[sflag:s3] =	ssyncset.done $0x0  }
0x129: {  	s16 =	simm.s32 $0x14C00;
	s30 =	rddreg [dreg:$0x1e];
	[sflag:s3] =	ssyncadd.s32 $0xFFFFE000  }
0x12a: {  	[hbm4b:s30+s9] =	stream.strided.scatter [tilespmem:s16], [sflag:$0x4], $0x2000, s2, s9, $0x38;
	[tilespmem:$0x18C00] =	vst v63  }
0x12b: {  	_ =	swait.ge [sflag:s3], $0x2000  }
0x12c: {  	[sflag:s3] =	ssyncset.done $0x0  }
0x12d: {  	s0 =	simm.s32 $0x16C00;
	s30 =	rddreg [dreg:$0x1f];
	[sflag:s3] =	ssyncadd.s32 $0xFFFFE000  }
0x12e: {  	[hbm4b:s30+s9] =	stream.strided.scatter [tilespmem:s0], [sflag:$0x4], $0x2000, s2, s9, $0x38;
	[tilespmem:$0x18C00] =	vst v63  }
0x12f: {  	_ =	swait.ge [sflag:s3], $0x2000  }
0x130: {  	[sflag:s3] =	ssyncset.done $0x0  }
0x131: {  	[sflag:s3] =	ssyncadd.s32 $0xFFFFE000  }
0x132: {  	_ =	swait.ge [sflag:s10], $0x1000  }
0x133: {  	[sflag:s10] =	ssyncset.done $0x0  }
0x134: {  	[sflag:s10] =	ssyncadd.s32 $0xFFFFF000  }
0x135: {  	_ =	swait.ge [sflag:s10], $0x1000  }
0x136: {  	[sflag:s10] =	ssyncset.done $0x0  }
0x137: {  	[sflag:s10] =	ssyncadd.s32 $0xFFFFF000  }
0x138: {  	_ =	swait.ge [sflag:s10], $0x1000  }
0x139: {  	[sflag:s10] =	ssyncset.done $0x0  }
0x13a: {  	[sflag:s10] =	ssyncadd.s32 $0xFFFFF000  }
0x13b: {  	_ =	swait.ge [sflag:s10], $0x1000  }
0x13c: {  	[sflag:s10] =	ssyncset.done $0x0  }
0x13d: {  	[sflag:s10] =	ssyncadd.s32 $0xFFFFF000  }
0x13e: {  	_ =	swait.ge [sflag:s10], $0x1000  }
0x13f: {  	[sflag:s10] =	ssyncset.done $0x0  }
0x140: {  	[sflag:s10] =	ssyncadd.s32 $0xFFFFF000  }
0x141: {  	_ =	swait.ge [sflag:s10], $0x1000  }
0x142: {  	[sflag:s10] =	ssyncset.done $0x0  }
0x143: {  	[sflag:s10] =	ssyncadd.s32 $0xFFFFF000  }
0x144: {  	_ =	swait.ge [sflag:s10], $0x1000  }
0x145: {  	[sflag:s10] =	ssyncset.done $0x0  }
0x146: {  	[sflag:s10] =	ssyncadd.s32 $0xFFFFF000  }
0x147: {  	_ =	swait.ge [sflag:s10], $0x1000  }
0x148: {  	s30 =	sld [smem:$0x7EA]  }
0x149: {  	[sflag:s10] =	ssyncset.done $0x0  }
0x14a: {  	[sflag:s10] =	ssyncadd.s32 $0xFFFFF000  }
0x14b: {  	[hbm4b:s30+s9] =	stream.strided.scatter [tilespmem:s5], [sflag:$0x4], $0x2000, s2, s9, $0x38;
	[tilespmem:$0x18C00] =	vst v63  }
0x14c: {  	_ =	swait.ge [sflag:s3], $0x2000  }
0x14d: {  	s30 =	sld [smem:$0x7EB]  }
0x14e: {  	[sflag:s3] =	ssyncset.done $0x0  }
0x14f: {  	s1 =	simm.s32 $0x2C00;
	[sflag:s3] =	ssyncadd.s32 $0xFFFFE000  }
0x150: {  	[hbm4b:s30+s9] =	stream.strided.scatter [tilespmem:s1], [sflag:$0x4], $0x2000, s2, s9, $0x38;
	[tilespmem:$0x18C00] =	vst v63  }
0x151: {  	_ =	swait.ge [sflag:s3], $0x2000  }
0x152: {  	s30 =	sld [smem:$0x7EC]  }
0x153: {  	[sflag:s3] =	ssyncset.done $0x0  }
0x154: {  	[sflag:s3] =	ssyncadd.s32 $0xFFFFE000  }
0x155: {  	[hbm4b:s30+s9] =	stream.strided.scatter [tilespmem:s29], [sflag:$0x4], $0x2000, s2, s9, $0x38;
	[tilespmem:$0x18C00] =	vst v63  }
0x156: {  	_ =	swait.ge [sflag:s3], $0x2000  }
0x157: {  	s29 =	sld [smem:$0x7E9];
	_ =	sdelay $0x2  }
0x158: {  	s30 =	sld [smem:$0x7ED];
	p1 =	sne.s32 s29, $0x1  }
.Ltmp1:
0x159: {  	[sflag:s3] =	ssyncset.done $0x0;
	(pc) =	sbr.rel @!p1 .LBB2_7-.Ltmp1, $4  }
0x15a: {  	[sflag:s3] =	ssyncadd.s32 $0xFFFFE000  }
0x15b: {  	[hbm4b:s30+s9] =	stream.strided.scatter [tilespmem:s7], [sflag:$0x4], $0x2000, s2, s9, $0x38;
	[tilespmem:$0x18C00] =	vst v63  }
0x15c: {  	p0 =	por $0x1, $0x1;
	s25 =	simm.s32 $0x0;
	_ =	swait.ge [sflag:s3], $0x2000  }
0x15d: {  	s30 =	sadd.s32 $0xFFFFFFFF, s29;
	s31 =	rddreg [dreg:$0x4];
	[sflag:s3] =	ssyncset.done $0x0  }
0x15e: {  	s6 =	simm.s32 $0x3C00  }
0x15f: {  	s11 =	simm.s32 $0x280;
	s23 =	simm.s32 $0x380;
	s24 =	simm.s32 $0x7C00  }
0x160: {  	s8 =	simm.s32 $0x8C00;
	s21 =	simm.s32 $0xAC00;
	s16 =	simm.s32 $0xCC00  }
.LBB2_4:
0x161: {  	[sflag:s3] =	ssyncadd.s32 $0xFFFFE000  }
0x162: {  	[tilespmem:s25], [sflag:$0x4] =	stream.strided.gather [hbm4b:s31+s2], $0x100, s20, s2, $0x38;
	[tilespmem:$0x18C00] =	vst v63  }
0x163: {  	_ =	swait.ge [sflag:s3], $0x100  }
0x164: {  	[sflag:s3] =	ssyncset.done $0x0  }
0x165: {  	s31 =	rddreg [dreg:$0x5];
	[sflag:s3] =	ssyncadd.s32 $0xFFFFFF00  }
0x166: {  	[tilespmem:s22], [sflag:$0x4] =	stream.strided.gather [hbm4b:s31+s2], $0x100, s20, s2, $0x38;
	[tilespmem:$0x18C00] =	vst v63  }
0x167: {  	_ =	swait.ge [sflag:s3], $0x100  }
0x168: {  	[sflag:s3] =	ssyncset.done $0x0  }
0x169: {  	s31 =	rddreg [dreg:$0x6];
	[sflag:s3] =	ssyncadd.s32 $0xFFFFFF00  }
0x16a: {  	[tilespmem:s20], [sflag:$0x4] =	stream.strided.gather [hbm4b:s31+s2], $0x100, s20, s2, $0x38;
	[tilespmem:$0x18C00] =	vst v63  }
0x16b: {  	_ =	swait.ge [sflag:s3], $0x100  }
0x16c: {  	[sflag:s3] =	ssyncset.done $0x0  }
0x16d: {  	s31 =	rddreg [dreg:$0x7];
	[sflag:s3] =	ssyncadd.s32 $0xFFFFFF00  }
0x16e: {  	[tilespmem:s17], [sflag:$0x4] =	stream.strided.gather [hbm4b:s31+s2], $0x100, s20, s2, $0x38;
	[tilespmem:$0x18C00] =	vst v63  }
0x16f: {  	_ =	swait.ge [sflag:s3], $0x100  }
0x170: {  	[sflag:s3] =	ssyncset.done $0x0  }
0x171: {  	s0 =	simm.s32 $0xC00;
	[sflag:s3] =	ssyncadd.s32 $0xFFFFFF00  }
0x172: {  	[tilespmem:s0], [sflag:$0x1] =	stream.indirect.gather [hbm4b:s12+s2], $0x20, s25, s2, $0xb8;
	[tilespmem:$0x18C00] =	vst v63  }
0x173: {  	_ = 	snop  }
0x174: {  	[tilespmem:s26], [sflag:$0x1] =	stream.indirect.gather [hbm4b:s12+s2], $0x20, s2, s2, $0xb8;
	[tilespmem:$0x18C00] =	vst v63  }
0x175: {  	s26 =	simm.s32 $0x2C00  }
0x176: {  	[tilespmem:s26], [sflag:$0x1] =	stream.indirect.gather [hbm4b:s13+s2], $0x20, s22, s2, $0xb8;
	[tilespmem:$0x18C00] =	vst v63  }
0x177: {  	s5 =	simm.s32 $0x180  }
0x178: {  	[tilespmem:s6], [sflag:$0x1] =	stream.indirect.gather [hbm4b:s13+s2], $0x20, s5, s2, $0xb8;
	[tilespmem:$0x18C00] =	vst v63  }
0x179: {  	s28 =	simm.s32 $0x4C00  }
0x17a: {  	[tilespmem:s28], [sflag:$0x1] =	stream.indirect.gather [hbm4b:s15+s2], $0x20, s20, s2, $0xb8;
	[tilespmem:$0x18C00] =	vst v63  }
0x17b: {  	s17 =	simm.s32 $0x5C00  }
0x17c: {  	[tilespmem:s17], [sflag:$0x1] =	stream.indirect.gather [hbm4b:s15+s2], $0x20, s11, s2, $0xb8;
	[tilespmem:$0x18C00] =	vst v63  }
0x17d: {  	s22 =	simm.s32 $0x300  }
0x17e: {  	[tilespmem:s7], [sflag:$0x1] =	stream.indirect.gather [hbm4b:s18+s2], $0x20, s22, s2, $0xb8;
	[tilespmem:$0x18C00] =	vst v63  }
0x17f: {  	_ = 	snop  }
0x180: {  	[tilespmem:s24], [sflag:$0x1] =	stream.indirect.gather [hbm4b:s18+s2], $0x20, s23, s2, $0xb8;
	[tilespmem:$0x18C00] =	vst v63  }
0x181: {  	s29 =	simm.s32 $0x400;
	s31 =	rddreg [dreg:$0x8]  }
0x182: {  	[tilespmem:s29], [sflag:$0x4] =	stream.strided.gather [hbm4b:s31+s2], $0x100, s20, s2, $0x38;
	[tilespmem:$0x18C00] =	vst v63  }
0x183: {  	_ =	swait.ge [sflag:s3], $0x100  }
0x184: {  	[sflag:s3] =	ssyncset.done $0x0  }
0x185: {  	s4 =	simm.s32 $0x500;
	s31 =	rddreg [dreg:$0x9];
	[sflag:s3] =	ssyncadd.s32 $0xFFFFFF00  }
0x186: {  	[tilespmem:s4], [sflag:$0x4] =	stream.strided.gather [hbm4b:s31+s2], $0x100, s20, s2, $0x38;
	[tilespmem:$0x18C00] =	vst v63  }
0x187: {  	_ =	swait.ge [sflag:s3], $0x100  }
0x188: {  	[sflag:s3] =	ssyncset.done $0x0  }
0x189: {  	s25 =	simm.s32 $0x600;
	s31 =	rddreg [dreg:$0xa];
	[sflag:s3] =	ssyncadd.s32 $0xFFFFFF00  }
0x18a: {  	[tilespmem:s25], [sflag:$0x4] =	stream.strided.gather [hbm4b:s31+s2], $0x100, s20, s2, $0x38;
	[tilespmem:$0x18C00] =	vst v63  }
0x18b: {  	_ =	swait.ge [sflag:s3], $0x100  }
0x18c: {  	[sflag:s3] =	ssyncset.done $0x0  }
0x18d: {  	s26 =	simm.s32 $0x700;
	s31 =	rddreg [dreg:$0xb];
	[sflag:s3] =	ssyncadd.s32 $0xFFFFFF00  }
0x18e: {  	[tilespmem:s26], [sflag:$0x4] =	stream.strided.gather [hbm4b:s31+s2], $0x100, s20, s2, $0x38;
	[tilespmem:$0x18C00] =	vst v63  }
0x18f: {  	_ =	swait.ge [sflag:s3], $0x100  }
0x190: {  	[sflag:s3] =	ssyncset.done $0x0;
	s31 =	sld [smem:$0x7EF]  }
0x191: {  	s1 =	sld [smem:$0x7EE];
	[sflag:s3] =	ssyncadd.s32 $0xFFFFFF00  }
0x192: {  	[tilespmem:s8], [sflag:$0x2] =	stream.indirect.gather [hbm4b:s12+s2], $0x20, s29, s2, $0xb8;
	[tilespmem:$0x18C00] =	vst v63  }
0x193: {  	s28 =	sld [smem:$0x7F1]  }
0x194: {  	[tilespmem:s31], [sflag:$0x2] =	stream.indirect.gather [hbm4b:s12+s2], $0x20, s1, s2, $0xb8;
	[tilespmem:$0x18C00] =	vst v63  }
0x195: {  	s29 =	sld [smem:$0x7F0]  }
0x196: {  	[tilespmem:s21], [sflag:$0x2] =	stream.indirect.gather [hbm4b:s13+s2], $0x20, s4, s2, $0xb8;
	[tilespmem:$0x18C00] =	vst v63  }
0x197: {  	s31 =	sld [smem:$0x7F3]  }
0x198: {  	[tilespmem:s28], [sflag:$0x2] =	stream.indirect.gather [hbm4b:s13+s2], $0x20, s29, s2, $0xb8;
	[tilespmem:$0x18C00] =	vst v63  }
0x199: {  	s4 =	sld [smem:$0x7F2]  }
0x19a: {  	[tilespmem:s16], [sflag:$0x2] =	stream.indirect.gather [hbm4b:s15+s2], $0x20, s25, s2, $0xb8;
	[tilespmem:$0x18C00] =	vst v63  }
0x19b: {  	s28 =	sld [smem:$0x7F5]  }
0x19c: {  	[tilespmem:s31], [sflag:$0x2] =	stream.indirect.gather [hbm4b:s15+s2], $0x20, s4, s2, $0xb8;
	[tilespmem:$0x18C00] =	vst v63  }
0x19d: {  	s29 =	sld [smem:$0x7F4];
	s4 =	simm.s32 $0xEC00  }
0x19e: {  	[tilespmem:s4], [sflag:$0x2] =	stream.indirect.gather [hbm4b:s18+s2], $0x20, s26, s2, $0xb8;
	[tilespmem:$0x18C00] =	vst v63  }
0x19f: {  	_ = 	snop  }
0x1a0: {  	[tilespmem:s28], [sflag:$0x2] =	stream.indirect.gather [hbm4b:s18+s2], $0x20, s29, s2, $0xb8;
	[tilespmem:$0x18C00] =	vst v63  }
0x1a1: {  	s31 =	rddreg [dreg:$0xc];
	s29 =	simm.s32 $0x800  }
0x1a2: {  	[tilespmem:s29], [sflag:$0x4] =	stream.strided.gather [hbm4b:s31+s2], $0x100, s20, s2, $0x38;
	[tilespmem:$0x18C00] =	vst v63  }
0x1a3: {  	_ =	swait.ge [sflag:s3], $0x100  }
0x1a4: {  	[sflag:s3] =	ssyncset.done $0x0  }
0x1a5: {  	s26 =	simm.s32 $0x900;
	s4 =	rddreg [dreg:$0xd];
	[sflag:s3] =	ssyncadd.s32 $0xFFFFFF00  }
0x1a6: {  	[tilespmem:s26], [sflag:$0x4] =	stream.strided.gather [hbm4b:s4+s2], $0x100, s20, s2, $0x38;
	[tilespmem:$0x18C00] =	vst v63  }
0x1a7: {  	_ =	swait.ge [sflag:s3], $0x100  }
0x1a8: {  	[sflag:s3] =	ssyncset.done $0x0  }
0x1a9: {  	s28 =	simm.s32 $0xA00;
	s25 =	rddreg [dreg:$0xe];
	[sflag:s3] =	ssyncadd.s32 $0xFFFFFF00  }
0x1aa: {  	[tilespmem:s28], [sflag:$0x4] =	stream.strided.gather [hbm4b:s25+s2], $0x100, s20, s2, $0x38;
	[tilespmem:$0x18C00] =	vst v63  }
0x1ab: {  	_ =	swait.ge [sflag:s3], $0x100  }
0x1ac: {  	[sflag:s3] =	ssyncset.done $0x0  }
0x1ad: {  	s25 =	simm.s32 $0xB00;
	s1 =	rddreg [dreg:$0xf];
	[sflag:s3] =	ssyncadd.s32 $0xFFFFFF00  }
0x1ae: {  	[tilespmem:s25], [sflag:$0x4] =	stream.strided.gather [hbm4b:s1+s2], $0x100, s20, s2, $0x38;
	[tilespmem:$0x18C00] =	vst v63  }
0x1af: {  	_ =	swait.ge [sflag:s3], $0x100  }
0x1b0: {  	[sflag:s3] =	ssyncset.done $0x0;
	s0 =	sld [smem:$0x7F7]  }
0x1b1: {  	s4 =	simm.s32 $0x10C00;
	s1 =	sld [smem:$0x7F6];
	[sflag:s3] =	ssyncadd.s32 $0xFFFFFF00  }
0x1b2: {  	[tilespmem:s4], [sflag:$0x3] =	stream.indirect.gather [hbm4b:s12+s2], $0x20, s29, s2, $0xb8;
	[tilespmem:$0x18C00] =	vst v63  }
0x1b3: {  	s31 =	sld [smem:$0x7F9]  }
0x1b4: {  	[tilespmem:s0], [sflag:$0x3] =	stream.indirect.gather [hbm4b:s12+s2], $0x20, s1, s2, $0xb8;
	[tilespmem:$0x18C00] =	vst v63  }
0x1b5: {  	s4 =	sld [smem:$0x7F8];
	s29 =	simm.s32 $0x12C00  }
0x1b6: {  	[tilespmem:s29], [sflag:$0x3] =	stream.indirect.gather [hbm4b:s13+s2], $0x20, s26, s2, $0xb8;
	[tilespmem:$0x18C00] =	vst v63  }
0x1b7: {  	s1 =	sld [smem:$0x7FB]  }
0x1b8: {  	[tilespmem:s31], [sflag:$0x3] =	stream.indirect.gather [hbm4b:s13+s2], $0x20, s4, s2, $0xb8;
	[tilespmem:$0x18C00] =	vst v63  }
0x1b9: {  	s0 =	sld [smem:$0x7FA];
	s26 =	simm.s32 $0x14C00  }
0x1ba: {  	[tilespmem:s26], [sflag:$0x3] =	stream.indirect.gather [hbm4b:s15+s2], $0x20, s28, s2, $0xb8;
	[tilespmem:$0x18C00] =	vst v63  }
0x1bb: {  	s31 =	sld [smem:$0x7FD]  }
0x1bc: {  	[tilespmem:s1], [sflag:$0x3] =	stream.indirect.gather [hbm4b:s15+s2], $0x20, s0, s2, $0xb8;
	[tilespmem:$0x18C00] =	vst v63  }
0x1bd: {  	s4 =	sld [smem:$0x7FC];
	s28 =	simm.s32 $0x16C00  }
0x1be: {  	[tilespmem:s28], [sflag:$0x3] =	stream.indirect.gather [hbm4b:s18+s2], $0x20, s25, s2, $0xb8;
	[tilespmem:$0x18C00] =	vst v63  }
0x1bf: {  	_ = 	snop  }
0x1c0: {  	[tilespmem:s31], [sflag:$0x3] =	stream.indirect.gather [hbm4b:s18+s2], $0x20, s4, s2, $0xb8;
	[tilespmem:$0x18C00] =	vst v63  }
0x1c1: {  	_ =	swait.ge [sflag:s10], $0x1000  }
0x1c2: {  	[sflag:s10] =	ssyncset.done $0x0  }
0x1c3: {  	[sflag:s10] =	ssyncadd.s32 $0xFFFFF000  }
0x1c4: {  	_ =	swait.ge [sflag:s10], $0x1000  }
0x1c5: {  	[sflag:s10] =	ssyncset.done $0x0  }
0x1c6: {  	[sflag:s10] =	ssyncadd.s32 $0xFFFFF000  }
0x1c7: {  	_ =	swait.ge [sflag:s10], $0x1000  }
0x1c8: {  	[sflag:s10] =	ssyncset.done $0x0  }
0x1c9: {  	[sflag:s10] =	ssyncadd.s32 $0xFFFFF000  }
0x1ca: {  	_ =	swait.ge [sflag:s10], $0x1000  }
0x1cb: {  	[sflag:s10] =	ssyncset.done $0x0  }
0x1cc: {  	[sflag:s10] =	ssyncadd.s32 $0xFFFFF000  }
0x1cd: {  	_ =	swait.ge [sflag:s10], $0x1000  }
0x1ce: {  	[sflag:s10] =	ssyncset.done $0x0  }
0x1cf: {  	[sflag:s10] =	ssyncadd.s32 $0xFFFFF000  }
0x1d0: {  	_ =	swait.ge [sflag:s10], $0x1000  }
0x1d1: {  	[sflag:s10] =	ssyncset.done $0x0  }
0x1d2: {  	[sflag:s10] =	ssyncadd.s32 $0xFFFFF000  }
0x1d3: {  	_ =	swait.ge [sflag:s10], $0x1000  }
0x1d4: {  	[sflag:s10] =	ssyncset.done $0x0  }
0x1d5: {  	[sflag:s10] =	ssyncadd.s32 $0xFFFFF000  }
0x1d6: {  	_ =	swait.ge [sflag:s10], $0x1000  }
0x1d7: {  	[sflag:s10] =	ssyncset.done $0x0  }
0x1d8: {  	s4 =	simm.s32 $0xC00;
	s1 =	rddreg [dreg:$0x10];
	[sflag:s10] =	ssyncadd.s32 $0xFFFFF000  }
0x1d9: {  	[hbm4b:s1+s9] =	stream.strided.scatter [tilespmem:s4], [sflag:$0x4], $0x2000, s2, s9, $0x38;
	[tilespmem:$0x18C00] =	vst v63  }
0x1da: {  	_ =	swait.ge [sflag:s3], $0x2000  }
0x1db: {  	[sflag:s3] =	ssyncset.done $0x0  }
0x1dc: {  	s1 =	simm.s32 $0x2C00;
	s28 =	rddreg [dreg:$0x11];
	[sflag:s3] =	ssyncadd.s32 $0xFFFFE000  }
0x1dd: {  	[hbm4b:s28+s9] =	stream.strided.scatter [tilespmem:s1], [sflag:$0x4], $0x2000, s2, s9, $0x38;
	[tilespmem:$0x18C00] =	vst v63  }
0x1de: {  	_ =	swait.ge [sflag:s3], $0x2000  }
0x1df: {  	[sflag:s3] =	ssyncset.done $0x0  }
0x1e0: {  	s31 =	simm.s32 $0x4C00;
	s28 =	rddreg [dreg:$0x12];
	[sflag:s3] =	ssyncadd.s32 $0xFFFFE000  }
0x1e1: {  	[hbm4b:s28+s9] =	stream.strided.scatter [tilespmem:s31], [sflag:$0x4], $0x2000, s2, s9, $0x38;
	[tilespmem:$0x18C00] =	vst v63  }
0x1e2: {  	_ =	swait.ge [sflag:s3], $0x2000  }
0x1e3: {  	[sflag:s3] =	ssyncset.done $0x0  }
0x1e4: {  	s7 =	simm.s32 $0x6C00;
	s28 =	rddreg [dreg:$0x13];
	[sflag:s3] =	ssyncadd.s32 $0xFFFFE000  }
0x1e5: {  	[hbm4b:s28+s9] =	stream.strided.scatter [tilespmem:s7], [sflag:$0x4], $0x2000, s2, s9, $0x38;
	[tilespmem:$0x18C00] =	vst v63  }
0x1e6: {  	_ =	swait.ge [sflag:s3], $0x2000  }
0x1e7: {  	[sflag:s3] =	ssyncset.done $0x0  }
0x1e8: {  	s25 =	simm.s32 $0x0;
	s28 =	rddreg [dreg:$0x14];
	[sflag:s3] =	ssyncadd.s32 $0xFFFFE000  }
0x1e9: {  	[tilespmem:s25], [sflag:$0x4] =	stream.strided.gather [hbm4b:s28+s2], $0x100, s20, s2, $0x38;
	[tilespmem:$0x18C00] =	vst v63  }
0x1ea: {  	_ =	swait.ge [sflag:s3], $0x100  }
0x1eb: {  	[sflag:s3] =	ssyncset.done $0x0  }
0x1ec: {  	s28 =	simm.s32 $0x100;
	s0 =	rddreg [dreg:$0x15];
	[sflag:s3] =	ssyncadd.s32 $0xFFFFFF00  }
0x1ed: {  	[tilespmem:s28], [sflag:$0x4] =	stream.strided.gather [hbm4b:s0+s2], $0x100, s20, s2, $0x38;
	[tilespmem:$0x18C00] =	vst v63  }
0x1ee: {  	_ =	swait.ge [sflag:s3], $0x100  }
0x1ef: {  	[sflag:s3] =	ssyncset.done $0x0  }
0x1f0: {  	s28 =	rddreg [dreg:$0x16];
	[sflag:s3] =	ssyncadd.s32 $0xFFFFFF00  }
0x1f1: {  	[tilespmem:s20], [sflag:$0x4] =	stream.strided.gather [hbm4b:s28+s2], $0x100, s20, s2, $0x38;
	[tilespmem:$0x18C00] =	vst v63  }
0x1f2: {  	_ =	swait.ge [sflag:s3], $0x100  }
0x1f3: {  	[sflag:s3] =	ssyncset.done $0x0  }
0x1f4: {  	s28 =	rddreg [dreg:$0x17];
	[sflag:s3] =	ssyncadd.s32 $0xFFFFFF00  }
0x1f5: {  	[tilespmem:s22], [sflag:$0x4] =	stream.strided.gather [hbm4b:s28+s2], $0x100, s20, s2, $0x38;
	[tilespmem:$0x18C00] =	vst v63  }
0x1f6: {  	_ =	swait.ge [sflag:s3], $0x100  }
0x1f7: {  	[sflag:s3] =	ssyncset.done $0x0  }
0x1f8: {  	[sflag:s3] =	ssyncadd.s32 $0xFFFFFF00  }
0x1f9: {  	[tilespmem:s4], [sflag:$0x1] =	stream.indirect.gather [hbm4b:s12+s2], $0x20, s25, s2, $0xb8;
	[tilespmem:$0x18C00] =	vst v63  }
0x1fa: {  	s26 =	simm.s32 $0x1C00  }
0x1fb: {  	[tilespmem:s26], [sflag:$0x1] =	stream.indirect.gather [hbm4b:s12+s2], $0x20, s2, s2, $0xb8;
	[tilespmem:$0x18C00] =	vst v63  }
0x1fc: {  	s22 =	simm.s32 $0x100  }
0x1fd: {  	[tilespmem:s1], [sflag:$0x1] =	stream.indirect.gather [hbm4b:s13+s2], $0x20, s22, s2, $0xb8;
	[tilespmem:$0x18C00] =	vst v63  }
0x1fe: {  	_ = 	snop  }
0x1ff: {  	[tilespmem:s6], [sflag:$0x1] =	stream.indirect.gather [hbm4b:s13+s2], $0x20, s5, s2, $0xb8;
	[tilespmem:$0x18C00] =	vst v63  }
0x200: {  	_ = 	snop  }
0x201: {  	[tilespmem:s31], [sflag:$0x1] =	stream.indirect.gather [hbm4b:s15+s2], $0x20, s20, s2, $0xb8;
	[tilespmem:$0x18C00] =	vst v63  }
0x202: {  	_ = 	snop  }
0x203: {  	[tilespmem:s17], [sflag:$0x1] =	stream.indirect.gather [hbm4b:s15+s2], $0x20, s11, s2, $0xb8;
	[tilespmem:$0x18C00] =	vst v63  }
0x204: {  	s17 =	simm.s32 $0x300  }
0x205: {  	[tilespmem:s7], [sflag:$0x1] =	stream.indirect.gather [hbm4b:s18+s2], $0x20, s17, s2, $0xb8;
	[tilespmem:$0x18C00] =	vst v63  }
0x206: {  	_ = 	snop  }
0x207: {  	[tilespmem:s24], [sflag:$0x1] =	stream.indirect.gather [hbm4b:s18+s2], $0x20, s23, s2, $0xb8;
	[tilespmem:$0x18C00] =	vst v63  }
0x208: {  	_ =	swait.ge [sflag:s14], $0x1000  }
0x209: {  	[sflag:s14] =	ssyncset.done $0x0  }
0x20a: {  	[sflag:s14] =	ssyncadd.s32 $0xFFFFF000  }
0x20b: {  	_ =	swait.ge [sflag:s14], $0x1000  }
0x20c: {  	[sflag:s14] =	ssyncset.done $0x0  }
0x20d: {  	[sflag:s14] =	ssyncadd.s32 $0xFFFFF000  }
0x20e: {  	_ =	swait.ge [sflag:s14], $0x1000  }
0x20f: {  	[sflag:s14] =	ssyncset.done $0x0  }
0x210: {  	[sflag:s14] =	ssyncadd.s32 $0xFFFFF000  }
0x211: {  	_ =	swait.ge [sflag:s14], $0x1000  }
0x212: {  	[sflag:s14] =	ssyncset.done $0x0  }
0x213: {  	[sflag:s14] =	ssyncadd.s32 $0xFFFFF000  }
0x214: {  	_ =	swait.ge [sflag:s14], $0x1000  }
0x215: {  	[sflag:s14] =	ssyncset.done $0x0  }
0x216: {  	[sflag:s14] =	ssyncadd.s32 $0xFFFFF000  }
0x217: {  	_ =	swait.ge [sflag:s14], $0x1000  }
0x218: {  	[sflag:s14] =	ssyncset.done $0x0  }
0x219: {  	[sflag:s14] =	ssyncadd.s32 $0xFFFFF000  }
0x21a: {  	_ =	swait.ge [sflag:s14], $0x1000  }
0x21b: {  	[sflag:s14] =	ssyncset.done $0x0  }
0x21c: {  	[sflag:s14] =	ssyncadd.s32 $0xFFFFF000  }
0x21d: {  	_ =	swait.ge [sflag:s14], $0x1000  }
0x21e: {  	[sflag:s14] =	ssyncset.done $0x0  }
0x21f: {  	s5 =	rddreg [dreg:$0x18];
	[sflag:s14] =	ssyncadd.s32 $0xFFFFF000  }
0x220: {  	[hbm4b:s5+s9] =	stream.strided.scatter [tilespmem:s8], [sflag:$0x4], $0x2000, s2, s9, $0x38;
	[tilespmem:$0x18C00] =	vst v63  }
0x221: {  	_ =	swait.ge [sflag:s3], $0x2000  }
0x222: {  	[sflag:s3] =	ssyncset.done $0x0  }
0x223: {  	s5 =	rddreg [dreg:$0x19];
	[sflag:s3] =	ssyncadd.s32 $0xFFFFE000  }
0x224: {  	[hbm4b:s5+s9] =	stream.strided.scatter [tilespmem:s21], [sflag:$0x4], $0x2000, s2, s9, $0x38;
	[tilespmem:$0x18C00] =	vst v63  }
0x225: {  	_ =	swait.ge [sflag:s3], $0x2000  }
0x226: {  	[sflag:s3] =	ssyncset.done $0x0  }
0x227: {  	s5 =	rddreg [dreg:$0x1a];
	[sflag:s3] =	ssyncadd.s32 $0xFFFFE000  }
0x228: {  	[hbm4b:s5+s9] =	stream.strided.scatter [tilespmem:s16], [sflag:$0x4], $0x2000, s2, s9, $0x38;
	[tilespmem:$0x18C00] =	vst v63  }
0x229: {  	_ =	swait.ge [sflag:s3], $0x2000  }
0x22a: {  	[sflag:s3] =	ssyncset.done $0x0  }
0x22b: {  	s5 =	simm.s32 $0xEC00;
	s0 =	rddreg [dreg:$0x1b];
	[sflag:s3] =	ssyncadd.s32 $0xFFFFE000  }
0x22c: {  	[hbm4b:s0+s9] =	stream.strided.scatter [tilespmem:s5], [sflag:$0x4], $0x2000, s2, s9, $0x38;
	[tilespmem:$0x18C00] =	vst v63  }
0x22d: {  	_ =	swait.ge [sflag:s3], $0x2000  }
0x22e: {  	[sflag:s3] =	ssyncset.done $0x0  }
0x22f: {  	[sflag:s3] =	ssyncadd.s32 $0xFFFFE000  }
0x230: {  	_ =	swait.ge [sflag:s19], $0x1000  }
0x231: {  	[sflag:s19] =	ssyncset.done $0x0  }
0x232: {  	[sflag:s19] =	ssyncadd.s32 $0xFFFFF000  }
0x233: {  	_ =	swait.ge [sflag:s19], $0x1000  }
0x234: {  	[sflag:s19] =	ssyncset.done $0x0  }
0x235: {  	[sflag:s19] =	ssyncadd.s32 $0xFFFFF000  }
0x236: {  	_ =	swait.ge [sflag:s19], $0x1000  }
0x237: {  	[sflag:s19] =	ssyncset.done $0x0  }
0x238: {  	[sflag:s19] =	ssyncadd.s32 $0xFFFFF000  }
0x239: {  	_ =	swait.ge [sflag:s19], $0x1000  }
0x23a: {  	[sflag:s19] =	ssyncset.done $0x0  }
0x23b: {  	[sflag:s19] =	ssyncadd.s32 $0xFFFFF000  }
0x23c: {  	_ =	swait.ge [sflag:s19], $0x1000  }
0x23d: {  	[sflag:s19] =	ssyncset.done $0x0  }
0x23e: {  	[sflag:s19] =	ssyncadd.s32 $0xFFFFF000  }
0x23f: {  	_ =	swait.ge [sflag:s19], $0x1000  }
0x240: {  	[sflag:s19] =	ssyncset.done $0x0  }
0x241: {  	[sflag:s19] =	ssyncadd.s32 $0xFFFFF000  }
0x242: {  	_ =	swait.ge [sflag:s19], $0x1000  }
0x243: {  	[sflag:s19] =	ssyncset.done $0x0  }
0x244: {  	[sflag:s19] =	ssyncadd.s32 $0xFFFFF000  }
0x245: {  	_ =	swait.ge [sflag:s19], $0x1000  }
0x246: {  	[sflag:s19] =	ssyncset.done $0x0  }
0x247: {  	s5 =	simm.s32 $0x10C00;
	s0 =	rddreg [dreg:$0x1c];
	[sflag:s19] =	ssyncadd.s32 $0xFFFFF000  }
0x248: {  	[hbm4b:s0+s9] =	stream.strided.scatter [tilespmem:s5], [sflag:$0x4], $0x2000, s2, s9, $0x38;
	[tilespmem:$0x18C00] =	vst v63  }
0x249: {  	_ =	swait.ge [sflag:s3], $0x2000  }
0x24a: {  	[sflag:s3] =	ssyncset.done $0x0  }
0x24b: {  	s5 =	rddreg [dreg:$0x1d];
	[sflag:s3] =	ssyncadd.s32 $0xFFFFE000  }
0x24c: {  	[hbm4b:s5+s9] =	stream.strided.scatter [tilespmem:s29], [sflag:$0x4], $0x2000, s2, s9, $0x38;
	[tilespmem:$0x18C00] =	vst v63  }
0x24d: {  	_ =	swait.ge [sflag:s3], $0x2000  }
0x24e: {  	[sflag:s3] =	ssyncset.done $0x0  }
0x24f: {  	s29 =	simm.s32 $0x14C00;
	s5 =	rddreg [dreg:$0x1e];
	[sflag:s3] =	ssyncadd.s32 $0xFFFFE000  }
0x250: {  	[hbm4b:s5+s9] =	stream.strided.scatter [tilespmem:s29], [sflag:$0x4], $0x2000, s2, s9, $0x38;
	[tilespmem:$0x18C00] =	vst v63  }
0x251: {  	_ =	swait.ge [sflag:s3], $0x2000  }
0x252: {  	[sflag:s3] =	ssyncset.done $0x0  }
0x253: {  	s29 =	simm.s32 $0x16C00;
	s5 =	rddreg [dreg:$0x1f];
	[sflag:s3] =	ssyncadd.s32 $0xFFFFE000  }
0x254: {  	[hbm4b:s5+s9] =	stream.strided.scatter [tilespmem:s29], [sflag:$0x4], $0x2000, s2, s9, $0x38;
	[tilespmem:$0x18C00] =	vst v63  }
0x255: {  	_ =	swait.ge [sflag:s3], $0x2000  }
0x256: {  	[sflag:s3] =	ssyncset.done $0x0  }
0x257: {  	[sflag:s3] =	ssyncadd.s32 $0xFFFFE000  }
0x258: {  	_ =	swait.ge [sflag:s10], $0x1000  }
0x259: {  	[sflag:s10] =	ssyncset.done $0x0  }
0x25a: {  	[sflag:s10] =	ssyncadd.s32 $0xFFFFF000  }
0x25b: {  	_ =	swait.ge [sflag:s10], $0x1000  }
0x25c: {  	[sflag:s10] =	ssyncset.done $0x0  }
0x25d: {  	[sflag:s10] =	ssyncadd.s32 $0xFFFFF000  }
0x25e: {  	_ =	swait.ge [sflag:s10], $0x1000  }
0x25f: {  	[sflag:s10] =	ssyncset.done $0x0  }
0x260: {  	[sflag:s10] =	ssyncadd.s32 $0xFFFFF000  }
0x261: {  	_ =	swait.ge [sflag:s10], $0x1000  }
0x262: {  	[sflag:s10] =	ssyncset.done $0x0  }
0x263: {  	[sflag:s10] =	ssyncadd.s32 $0xFFFFF000  }
0x264: {  	_ =	swait.ge [sflag:s10], $0x1000  }
0x265: {  	[sflag:s10] =	ssyncset.done $0x0  }
0x266: {  	[sflag:s10] =	ssyncadd.s32 $0xFFFFF000  }
0x267: {  	_ =	swait.ge [sflag:s10], $0x1000  }
0x268: {  	[sflag:s10] =	ssyncset.done $0x0  }
0x269: {  	[sflag:s10] =	ssyncadd.s32 $0xFFFFF000  }
0x26a: {  	_ =	swait.ge [sflag:s10], $0x1000  }
0x26b: {  	[sflag:s10] =	ssyncset.done $0x0  }
0x26c: {  	[sflag:s10] =	ssyncadd.s32 $0xFFFFF000  }
0x26d: {  	_ =	swait.ge [sflag:s10], $0x1000  }
0x26e: {  	s29 =	sld [smem:$0x7EA]  }
0x26f: {  	[sflag:s10] =	ssyncset.done $0x0  }
0x270: {  	s28 =	simm.s32 $0xC00;
	[sflag:s10] =	ssyncadd.s32 $0xFFFFF000  }
0x271: {  	[hbm4b:s29+s9] =	stream.strided.scatter [tilespmem:s28], [sflag:$0x4], $0x2000, s2, s9, $0x38;
	[tilespmem:$0x18C00] =	vst v63  }
0x272: {  	_ =	swait.ge [sflag:s3], $0x2000  }
0x273: {  	s5 =	sld [smem:$0x7EB]  }
0x274: {  	[sflag:s3] =	ssyncset.done $0x0  }
0x275: {  	s1 =	simm.s32 $0x2C00;
	[sflag:s3] =	ssyncadd.s32 $0xFFFFE000  }
0x276: {  	[hbm4b:s5+s9] =	stream.strided.scatter [tilespmem:s1], [sflag:$0x4], $0x2000, s2, s9, $0x38;
	[tilespmem:$0x18C00] =	vst v63  }
0x277: {  	_ =	swait.ge [sflag:s3], $0x2000  }
0x278: {  	s28 =	sld [smem:$0x7EC]  }
0x279: {  	[sflag:s3] =	ssyncset.done $0x0  }
0x27a: {  	s4 =	simm.s32 $0x4C00;
	[sflag:s3] =	ssyncadd.s32 $0xFFFFE000  }
0x27b: {  	[hbm4b:s28+s9] =	stream.strided.scatter [tilespmem:s4], [sflag:$0x4], $0x2000, s2, s9, $0x38;
	[tilespmem:$0x18C00] =	vst v63  }
0x27c: {  	_ =	swait.ge [sflag:s3], $0x2000  }
0x27d: {  	p1 =	sne.s32 s30, $0x1;
	s29 =	sld [smem:$0x7ED]  }
.Ltmp2:
0x27e: {  	[sflag:s3] =	ssyncset.done $0x0;
	(pc) =	sbr.rel @p1 .LBB2_4-.Ltmp2, $4  }
0x27f: {  	[sflag:s3] =	ssyncadd.s32 $0xFFFFE000  }
0x280: {  	[hbm4b:s29+s9] =	stream.strided.scatter [tilespmem:s7], [sflag:$0x4], $0x2000, s2, s9, $0x38;
	[tilespmem:$0x18C00] =	vst v63  }
0x281: {  	_ =	swait.ge [sflag:s3], $0x2000  }
0x282: {  	s30 =	sadd.s32 $0xFFFFFFFF, s30;
	s31 =	rddreg [dreg:$0x4];
	[sflag:s3] =	ssyncset.done $0x0  }
0x283: {  	s16 =	simm.s32 $0x14C00;
	s8 =	simm.s32 $0x10C00;
	s24 =	simm.s32 $0xEC00  }
0x284: {  	s21 =	simm.s32 $0xCC00;
	s25 =	simm.s32 $0x180;
	s23 =	simm.s32 $0xAC00  }
0x285: {  	s28 =	simm.s32 $0x3C00;
	s4 =	simm.s32 $0x8C00;
	s5 =	simm.s32 $0xC00  }
0x286: {  	s6 =	simm.s32 $0x2C00;
	s29 =	simm.s32 $0x4C00;
	s30 =	simm.s32 $0x700  }
.LBB2_6:
0x287: {  	[sflag:s3] =	ssyncadd.s32 @p0 $0xFFFFE000;
	s0 =	simm.s32 $0x0  }
0x288: {  	[tilespmem:s0], [sflag:$0x4] =	stream.strided.gather [hbm4b:s31+s2], $0x100, s20, s2, $0x38;
	[tilespmem:$0x18C00] =	vst v63  }
0x289: {  	_ =	swait.ge [sflag:s3], $0x100  }
0x28a: {  	[sflag:s3] =	ssyncset.done $0x0  }
0x28b: {  	s11 =	rddreg [dreg:$0x5];
	[sflag:s3] =	ssyncadd.s32 $0xFFFFFF00  }
0x28c: {  	[tilespmem:s22], [sflag:$0x4] =	stream.strided.gather [hbm4b:s11+s2], $0x100, s20, s2, $0x38;
	[tilespmem:$0x18C00] =	vst v63  }
0x28d: {  	_ =	swait.ge [sflag:s3], $0x100  }
0x28e: {  	[sflag:s3] =	ssyncset.done $0x0  }
0x28f: {  	s1 =	rddreg [dreg:$0x6];
	[sflag:s3] =	ssyncadd.s32 $0xFFFFFF00  }
0x290: {  	[tilespmem:s20], [sflag:$0x4] =	stream.strided.gather [hbm4b:s1+s2], $0x100, s20, s2, $0x38;
	[tilespmem:$0x18C00] =	vst v63  }
0x291: {  	_ =	swait.ge [sflag:s3], $0x100  }
0x292: {  	[sflag:s3] =	ssyncset.done $0x0  }
0x293: {  	s11 =	rddreg [dreg:$0x7];
	[sflag:s3] =	ssyncadd.s32 $0xFFFFFF00  }
0x294: {  	[tilespmem:s17], [sflag:$0x4] =	stream.strided.gather [hbm4b:s11+s2], $0x100, s20, s2, $0x38;
	[tilespmem:$0x18C00] =	vst v63  }
0x295: {  	_ =	swait.ge [sflag:s3], $0x100  }
0x296: {  	[sflag:s3] =	ssyncset.done $0x0  }
0x297: {  	s31 =	simm.s32 $0x0;
	[sflag:s3] =	ssyncadd.s32 $0xFFFFFF00  }
0x298: {  	[tilespmem:s5], [sflag:$0x1] =	stream.indirect.gather [hbm4b:s12+s2], $0x20, s31, s2, $0xb8;
	[tilespmem:$0x18C00] =	vst v63  }
0x299: {  	_ = 	snop  }
0x29a: {  	[tilespmem:s26], [sflag:$0x1] =	stream.indirect.gather [hbm4b:s12+s2], $0x20, s2, s2, $0xb8;
	[tilespmem:$0x18C00] =	vst v63  }
0x29b: {  	_ = 	snop  }
0x29c: {  	[tilespmem:s6], [sflag:$0x1] =	stream.indirect.gather [hbm4b:s13+s2], $0x20, s22, s2, $0xb8;
	[tilespmem:$0x18C00] =	vst v63  }
0x29d: {  	_ = 	snop  }
0x29e: {  	[tilespmem:s28], [sflag:$0x1] =	stream.indirect.gather [hbm4b:s13+s2], $0x20, s25, s2, $0xb8;
	[tilespmem:$0x18C00] =	vst v63  }
0x29f: {  	_ = 	snop  }
0x2a0: {  	[tilespmem:s29], [sflag:$0x1] =	stream.indirect.gather [hbm4b:s15+s2], $0x20, s20, s2, $0xb8;
	[tilespmem:$0x18C00] =	vst v63  }
0x2a1: {  	s26 =	simm.s32 $0x280;
	s29 =	simm.s32 $0x5C00  }
0x2a2: {  	[tilespmem:s29], [sflag:$0x1] =	stream.indirect.gather [hbm4b:s15+s2], $0x20, s26, s2, $0xb8;
	[tilespmem:$0x18C00] =	vst v63  }
0x2a3: {  	_ = 	snop  }
0x2a4: {  	[tilespmem:s7], [sflag:$0x1] =	stream.indirect.gather [hbm4b:s18+s2], $0x20, s17, s2, $0xb8;
	[tilespmem:$0x18C00] =	vst v63  }
0x2a5: {  	s6 =	simm.s32 $0x7C00;
	s28 =	simm.s32 $0x380  }
0x2a6: {  	[tilespmem:s6], [sflag:$0x1] =	stream.indirect.gather [hbm4b:s18+s2], $0x20, s28, s2, $0xb8;
	[tilespmem:$0x18C00] =	vst v63  }
0x2a7: {  	s1 =	rddreg [dreg:$0x8];
	s5 =	simm.s32 $0x400  }
0x2a8: {  	[tilespmem:s5], [sflag:$0x4] =	stream.strided.gather [hbm4b:s1+s2], $0x100, s20, s2, $0x38;
	[tilespmem:$0x18C00] =	vst v63  }
0x2a9: {  	_ =	swait.ge [sflag:s3], $0x100  }
0x2aa: {  	[sflag:s3] =	ssyncset.done $0x0  }
0x2ab: {  	s25 =	simm.s32 $0x500;
	s11 =	rddreg [dreg:$0x9];
	[sflag:s3] =	ssyncadd.s32 $0xFFFFFF00  }
0x2ac: {  	[tilespmem:s25], [sflag:$0x4] =	stream.strided.gather [hbm4b:s11+s2], $0x100, s20, s2, $0x38;
	[tilespmem:$0x18C00] =	vst v63  }
0x2ad: {  	_ =	swait.ge [sflag:s3], $0x100  }
0x2ae: {  	[sflag:s3] =	ssyncset.done $0x0  }
0x2af: {  	s11 =	simm.s32 $0x600;
	s17 =	rddreg [dreg:$0xa];
	[sflag:s3] =	ssyncadd.s32 $0xFFFFFF00  }
0x2b0: {  	[tilespmem:s11], [sflag:$0x4] =	stream.strided.gather [hbm4b:s17+s2], $0x100, s20, s2, $0x38;
	[tilespmem:$0x18C00] =	vst v63  }
0x2b1: {  	_ =	swait.ge [sflag:s3], $0x100  }
0x2b2: {  	[sflag:s3] =	ssyncset.done $0x0  }
0x2b3: {  	s1 =	rddreg [dreg:$0xb];
	[sflag:s3] =	ssyncadd.s32 $0xFFFFFF00  }
0x2b4: {  	[tilespmem:s30], [sflag:$0x4] =	stream.strided.gather [hbm4b:s1+s2], $0x100, s20, s2, $0x38;
	[tilespmem:$0x18C00] =	vst v63  }
0x2b5: {  	_ =	swait.ge [sflag:s3], $0x100  }
0x2b6: {  	[sflag:s3] =	ssyncset.done $0x0;
	s17 =	sld [smem:$0x7EF]  }
0x2b7: {  	s1 =	sld [smem:$0x7EE];
	[sflag:s3] =	ssyncadd.s32 $0xFFFFFF00  }
0x2b8: {  	[tilespmem:s4], [sflag:$0x2] =	stream.indirect.gather [hbm4b:s12+s2], $0x20, s5, s2, $0xb8;
	[tilespmem:$0x18C00] =	vst v63  }
0x2b9: {  	s5 =	sld [smem:$0x7F1]  }
0x2ba: {  	[tilespmem:s17], [sflag:$0x2] =	stream.indirect.gather [hbm4b:s12+s2], $0x20, s1, s2, $0xb8;
	[tilespmem:$0x18C00] =	vst v63  }
0x2bb: {  	s17 =	sld [smem:$0x7F0]  }
0x2bc: {  	[tilespmem:s23], [sflag:$0x2] =	stream.indirect.gather [hbm4b:s13+s2], $0x20, s25, s2, $0xb8;
	[tilespmem:$0x18C00] =	vst v63  }
0x2bd: {  	s4 =	sld [smem:$0x7F2]  }
0x2be: {  	[tilespmem:s5], [sflag:$0x2] =	stream.indirect.gather [hbm4b:s13+s2], $0x20, s17, s2, $0xb8;
	[tilespmem:$0x18C00] =	vst v63  }
0x2bf: {  	s1 =	sld [smem:$0x7F3]  }
0x2c0: {  	[tilespmem:s21], [sflag:$0x2] =	stream.indirect.gather [hbm4b:s15+s2], $0x20, s11, s2, $0xb8;
	[tilespmem:$0x18C00] =	vst v63  }
0x2c1: {  	s5 =	sld [smem:$0x7F5]  }
0x2c2: {  	[tilespmem:s1], [sflag:$0x2] =	stream.indirect.gather [hbm4b:s15+s2], $0x20, s4, s2, $0xb8;
	[tilespmem:$0x18C00] =	vst v63  }
0x2c3: {  	s11 =	sld [smem:$0x7F4]  }
0x2c4: {  	[tilespmem:s24], [sflag:$0x2] =	stream.indirect.gather [hbm4b:s18+s2], $0x20, s30, s2, $0xb8;
	[tilespmem:$0x18C00] =	vst v63  }
0x2c5: {  	_ = 	snop  }
0x2c6: {  	[tilespmem:s5], [sflag:$0x2] =	stream.indirect.gather [hbm4b:s18+s2], $0x20, s11, s2, $0xb8;
	[tilespmem:$0x18C00] =	vst v63  }
0x2c7: {  	s17 =	rddreg [dreg:$0xc];
	s30 =	simm.s32 $0x800  }
0x2c8: {  	[tilespmem:s30], [sflag:$0x4] =	stream.strided.gather [hbm4b:s17+s2], $0x100, s20, s2, $0x38;
	[tilespmem:$0x18C00] =	vst v63  }
0x2c9: {  	_ =	swait.ge [sflag:s3], $0x100  }
0x2ca: {  	[sflag:s3] =	ssyncset.done $0x0  }
0x2cb: {  	s5 =	simm.s32 $0x900;
	s4 =	rddreg [dreg:$0xd];
	[sflag:s3] =	ssyncadd.s32 $0xFFFFFF00  }
0x2cc: {  	[tilespmem:s5], [sflag:$0x4] =	stream.strided.gather [hbm4b:s4+s2], $0x100, s20, s2, $0x38;
	[tilespmem:$0x18C00] =	vst v63  }
0x2cd: {  	_ =	swait.ge [sflag:s3], $0x100  }
0x2ce: {  	[sflag:s3] =	ssyncset.done $0x0  }
0x2cf: {  	s25 =	simm.s32 $0xA00;
	s11 =	rddreg [dreg:$0xe];
	[sflag:s3] =	ssyncadd.s32 $0xFFFFFF00  }
0x2d0: {  	[tilespmem:s25], [sflag:$0x4] =	stream.strided.gather [hbm4b:s11+s2], $0x100, s20, s2, $0x38;
	[tilespmem:$0x18C00] =	vst v63  }
0x2d1: {  	_ =	swait.ge [sflag:s3], $0x100  }
0x2d2: {  	[sflag:s3] =	ssyncset.done $0x0  }
0x2d3: {  	s4 =	simm.s32 $0xB00;
	s17 =	rddreg [dreg:$0xf];
	[sflag:s3] =	ssyncadd.s32 $0xFFFFFF00  }
0x2d4: {  	[tilespmem:s4], [sflag:$0x4] =	stream.strided.gather [hbm4b:s17+s2], $0x100, s20, s2, $0x38;
	[tilespmem:$0x18C00] =	vst v63  }
0x2d5: {  	_ =	swait.ge [sflag:s3], $0x100  }
0x2d6: {  	[sflag:s3] =	ssyncset.done $0x0;
	s1 =	sld [smem:$0x7F7]  }
0x2d7: {  	s11 =	sld [smem:$0x7F6];
	[sflag:s3] =	ssyncadd.s32 $0xFFFFFF00  }
0x2d8: {  	[tilespmem:s8], [sflag:$0x3] =	stream.indirect.gather [hbm4b:s12+s2], $0x20, s30, s2, $0xb8;
	[tilespmem:$0x18C00] =	vst v63  }
0x2d9: {  	s17 =	sld [smem:$0x7F9]  }
0x2da: {  	[tilespmem:s1], [sflag:$0x3] =	stream.indirect.gather [hbm4b:s12+s2], $0x20, s11, s2, $0xb8;
	[tilespmem:$0x18C00] =	vst v63  }
0x2db: {  	s30 =	sld [smem:$0x7F8];
	s11 =	simm.s32 $0x12C00  }
0x2dc: {  	[tilespmem:s11], [sflag:$0x3] =	stream.indirect.gather [hbm4b:s13+s2], $0x20, s5, s2, $0xb8;
	[tilespmem:$0x18C00] =	vst v63  }
0x2dd: {  	_ = 	snop  }
0x2de: {  	[tilespmem:s17], [sflag:$0x3] =	stream.indirect.gather [hbm4b:s13+s2], $0x20, s30, s2, $0xb8;
	[tilespmem:$0x18C00] =	vst v63  }
0x2df: {  	s17 =	sld [smem:$0x7FB]  }
0x2e0: {  	s30 =	sld [smem:$0x7FA]  }
0x2e1: {  	[tilespmem:s16], [sflag:$0x3] =	stream.indirect.gather [hbm4b:s15+s2], $0x20, s25, s2, $0xb8;
	[tilespmem:$0x18C00] =	vst v63  }
0x2e2: {  	s0 =	sld [smem:$0x7FD]  }
0x2e3: {  	[tilespmem:s17], [sflag:$0x3] =	stream.indirect.gather [hbm4b:s15+s2], $0x20, s30, s2, $0xb8;
	[tilespmem:$0x18C00] =	vst v63  }
0x2e4: {  	s1 =	sld [smem:$0x7FC];
	s11 =	simm.s32 $0x16C00  }
0x2e5: {  	[tilespmem:s11], [sflag:$0x3] =	stream.indirect.gather [hbm4b:s18+s2], $0x20, s4, s2, $0xb8;
	[tilespmem:$0x18C00] =	vst v63  }
0x2e6: {  	_ = 	snop  }
0x2e7: {  	[tilespmem:s0], [sflag:$0x3] =	stream.indirect.gather [hbm4b:s18+s2], $0x20, s1, s2, $0xb8;
	[tilespmem:$0x18C00] =	vst v63  }
0x2e8: {  	_ =	swait.ge [sflag:s10], $0x1000  }
0x2e9: {  	[sflag:s10] =	ssyncset.done $0x0  }
0x2ea: {  	[sflag:s10] =	ssyncadd.s32 $0xFFFFF000  }
0x2eb: {  	_ =	swait.ge [sflag:s10], $0x1000  }
0x2ec: {  	[sflag:s10] =	ssyncset.done $0x0  }
0x2ed: {  	[sflag:s10] =	ssyncadd.s32 $0xFFFFF000  }
0x2ee: {  	_ =	swait.ge [sflag:s10], $0x1000  }
0x2ef: {  	[sflag:s10] =	ssyncset.done $0x0  }
0x2f0: {  	[sflag:s10] =	ssyncadd.s32 $0xFFFFF000  }
0x2f1: {  	_ =	swait.ge [sflag:s10], $0x1000  }
0x2f2: {  	[sflag:s10] =	ssyncset.done $0x0  }
0x2f3: {  	[sflag:s10] =	ssyncadd.s32 $0xFFFFF000  }
0x2f4: {  	_ =	swait.ge [sflag:s10], $0x1000  }
0x2f5: {  	[sflag:s10] =	ssyncset.done $0x0  }
0x2f6: {  	[sflag:s10] =	ssyncadd.s32 $0xFFFFF000  }
0x2f7: {  	_ =	swait.ge [sflag:s10], $0x1000  }
0x2f8: {  	[sflag:s10] =	ssyncset.done $0x0  }
0x2f9: {  	[sflag:s10] =	ssyncadd.s32 $0xFFFFF000  }
0x2fa: {  	_ =	swait.ge [sflag:s10], $0x1000  }
0x2fb: {  	[sflag:s10] =	ssyncset.done $0x0  }
0x2fc: {  	[sflag:s10] =	ssyncadd.s32 $0xFFFFF000  }
0x2fd: {  	_ =	swait.ge [sflag:s10], $0x1000  }
0x2fe: {  	[sflag:s10] =	ssyncset.done $0x0  }
0x2ff: {  	s21 =	simm.s32 $0xC00;
	s1 =	rddreg [dreg:$0x10];
	[sflag:s10] =	ssyncadd.s32 $0xFFFFF000  }
0x300: {  	[hbm4b:s1+s9] =	stream.strided.scatter [tilespmem:s21], [sflag:$0x4], $0x2000, s2, s9, $0x38;
	[tilespmem:$0x18C00] =	vst v63  }
0x301: {  	_ =	swait.ge [sflag:s3], $0x2000  }
0x302: {  	[sflag:s3] =	ssyncset.done $0x0  }
0x303: {  	s24 =	simm.s32 $0x2C00;
	s4 =	rddreg [dreg:$0x11];
	[sflag:s3] =	ssyncadd.s32 $0xFFFFE000  }
0x304: {  	[hbm4b:s4+s9] =	stream.strided.scatter [tilespmem:s24], [sflag:$0x4], $0x2000, s2, s9, $0x38;
	[tilespmem:$0x18C00] =	vst v63  }
0x305: {  	_ =	swait.ge [sflag:s3], $0x2000  }
0x306: {  	[sflag:s3] =	ssyncset.done $0x0  }
0x307: {  	s23 =	simm.s32 $0x4C00;
	s1 =	rddreg [dreg:$0x12];
	[sflag:s3] =	ssyncadd.s32 $0xFFFFE000  }
0x308: {  	[hbm4b:s1+s9] =	stream.strided.scatter [tilespmem:s23], [sflag:$0x4], $0x2000, s2, s9, $0x38;
	[tilespmem:$0x18C00] =	vst v63  }
0x309: {  	_ =	swait.ge [sflag:s3], $0x2000  }
0x30a: {  	[sflag:s3] =	ssyncset.done $0x0  }
0x30b: {  	s4 =	rddreg [dreg:$0x13];
	[sflag:s3] =	ssyncadd.s32 $0xFFFFE000  }
0x30c: {  	[hbm4b:s4+s9] =	stream.strided.scatter [tilespmem:s7], [sflag:$0x4], $0x2000, s2, s9, $0x38;
	[tilespmem:$0x18C00] =	vst v63  }
0x30d: {  	_ =	swait.ge [sflag:s3], $0x2000  }
0x30e: {  	[sflag:s3] =	ssyncset.done $0x0  }
0x30f: {  	s1 =	rddreg [dreg:$0x14];
	[sflag:s3] =	ssyncadd.s32 $0xFFFFE000  }
0x310: {  	[tilespmem:s31], [sflag:$0x4] =	stream.strided.gather [hbm4b:s1+s2], $0x100, s20, s2, $0x38;
	[tilespmem:$0x18C00] =	vst v63  }
0x311: {  	_ =	swait.ge [sflag:s3], $0x100  }
0x312: {  	[sflag:s3] =	ssyncset.done $0x0  }
0x313: {  	s4 =	rddreg [dreg:$0x15];
	[sflag:s3] =	ssyncadd.s32 $0xFFFFFF00  }
0x314: {  	[tilespmem:s22], [sflag:$0x4] =	stream.strided.gather [hbm4b:s4+s2], $0x100, s20, s2, $0x38;
	[tilespmem:$0x18C00] =	vst v63  }
0x315: {  	_ =	swait.ge [sflag:s3], $0x100  }
0x316: {  	[sflag:s3] =	ssyncset.done $0x0  }
0x317: {  	s1 =	rddreg [dreg:$0x16];
	[sflag:s3] =	ssyncadd.s32 $0xFFFFFF00  }
0x318: {  	[tilespmem:s20], [sflag:$0x4] =	stream.strided.gather [hbm4b:s1+s2], $0x100, s20, s2, $0x38;
	[tilespmem:$0x18C00] =	vst v63  }
0x319: {  	_ =	swait.ge [sflag:s3], $0x100  }
0x31a: {  	[sflag:s3] =	ssyncset.done $0x0  }
0x31b: {  	s5 =	simm.s32 $0x300;
	s4 =	rddreg [dreg:$0x17];
	[sflag:s3] =	ssyncadd.s32 $0xFFFFFF00  }
0x31c: {  	[tilespmem:s5], [sflag:$0x4] =	stream.strided.gather [hbm4b:s4+s2], $0x100, s20, s2, $0x38;
	[tilespmem:$0x18C00] =	vst v63  }
0x31d: {  	_ =	swait.ge [sflag:s3], $0x100  }
0x31e: {  	[sflag:s3] =	ssyncset.done $0x0  }
0x31f: {  	[sflag:s3] =	ssyncadd.s32 $0xFFFFFF00  }
0x320: {  	[tilespmem:s21], [sflag:$0x1] =	stream.indirect.gather [hbm4b:s12+s2], $0x20, s31, s2, $0xb8;
	[tilespmem:$0x18C00] =	vst v63  }
0x321: {  	s31 =	simm.s32 $0x1C00  }
0x322: {  	[tilespmem:s31], [sflag:$0x1] =	stream.indirect.gather [hbm4b:s12+s2], $0x20, s2, s2, $0xb8;
	[tilespmem:$0x18C00] =	vst v63  }
0x323: {  	_ = 	snop  }
0x324: {  	[tilespmem:s24], [sflag:$0x1] =	stream.indirect.gather [hbm4b:s13+s2], $0x20, s22, s2, $0xb8;
	[tilespmem:$0x18C00] =	vst v63  }
0x325: {  	s1 =	simm.s32 $0x3C00;
	s4 =	simm.s32 $0x180  }
0x326: {  	[tilespmem:s1], [sflag:$0x1] =	stream.indirect.gather [hbm4b:s13+s2], $0x20, s4, s2, $0xb8;
	[tilespmem:$0x18C00] =	vst v63  }
0x327: {  	_ = 	snop  }
0x328: {  	[tilespmem:s23], [sflag:$0x1] =	stream.indirect.gather [hbm4b:s15+s2], $0x20, s20, s2, $0xb8;
	[tilespmem:$0x18C00] =	vst v63  }
0x329: {  	_ = 	snop  }
0x32a: {  	[tilespmem:s29], [sflag:$0x1] =	stream.indirect.gather [hbm4b:s15+s2], $0x20, s26, s2, $0xb8;
	[tilespmem:$0x18C00] =	vst v63  }
0x32b: {  	_ = 	snop  }
0x32c: {  	[tilespmem:s7], [sflag:$0x1] =	stream.indirect.gather [hbm4b:s18+s2], $0x20, s5, s2, $0xb8;
	[tilespmem:$0x18C00] =	vst v63  }
0x32d: {  	_ = 	snop  }
0x32e: {  	[tilespmem:s6], [sflag:$0x1] =	stream.indirect.gather [hbm4b:s18+s2], $0x20, s28, s2, $0xb8;
	[tilespmem:$0x18C00] =	vst v63  }
0x32f: {  	_ =	swait.ge [sflag:s14], $0x1000  }
0x330: {  	[sflag:s14] =	ssyncset.done $0x0  }
0x331: {  	[sflag:s14] =	ssyncadd.s32 $0xFFFFF000  }
0x332: {  	_ =	swait.ge [sflag:s14], $0x1000  }
0x333: {  	[sflag:s14] =	ssyncset.done $0x0  }
0x334: {  	[sflag:s14] =	ssyncadd.s32 $0xFFFFF000  }
0x335: {  	_ =	swait.ge [sflag:s14], $0x1000  }
0x336: {  	[sflag:s14] =	ssyncset.done $0x0  }
0x337: {  	[sflag:s14] =	ssyncadd.s32 $0xFFFFF000  }
0x338: {  	_ =	swait.ge [sflag:s14], $0x1000  }
0x339: {  	[sflag:s14] =	ssyncset.done $0x0  }
0x33a: {  	[sflag:s14] =	ssyncadd.s32 $0xFFFFF000  }
0x33b: {  	_ =	swait.ge [sflag:s14], $0x1000  }
0x33c: {  	[sflag:s14] =	ssyncset.done $0x0  }
0x33d: {  	[sflag:s14] =	ssyncadd.s32 $0xFFFFF000  }
0x33e: {  	_ =	swait.ge [sflag:s14], $0x1000  }
0x33f: {  	[sflag:s14] =	ssyncset.done $0x0  }
0x340: {  	[sflag:s14] =	ssyncadd.s32 $0xFFFFF000  }
0x341: {  	_ =	swait.ge [sflag:s14], $0x1000  }
0x342: {  	[sflag:s14] =	ssyncset.done $0x0  }
0x343: {  	[sflag:s14] =	ssyncadd.s32 $0xFFFFF000  }
0x344: {  	_ =	swait.ge [sflag:s14], $0x1000  }
0x345: {  	[sflag:s14] =	ssyncset.done $0x0  }
0x346: {  	s6 =	simm.s32 $0x8C00;
	s5 =	rddreg [dreg:$0x18];
	[sflag:s14] =	ssyncadd.s32 $0xFFFFF000  }
0x347: {  	[hbm4b:s5+s9] =	stream.strided.scatter [tilespmem:s6], [sflag:$0x4], $0x2000, s2, s9, $0x38;
	[tilespmem:$0x18C00] =	vst v63  }
0x348: {  	_ =	swait.ge [sflag:s3], $0x2000  }
0x349: {  	[sflag:s3] =	ssyncset.done $0x0  }
0x34a: {  	s13 =	simm.s32 $0xAC00;
	s12 =	rddreg [dreg:$0x19];
	[sflag:s3] =	ssyncadd.s32 $0xFFFFE000  }
0x34b: {  	[hbm4b:s12+s9] =	stream.strided.scatter [tilespmem:s13], [sflag:$0x4], $0x2000, s2, s9, $0x38;
	[tilespmem:$0x18C00] =	vst v63  }
0x34c: {  	_ =	swait.ge [sflag:s3], $0x2000  }
0x34d: {  	[sflag:s3] =	ssyncset.done $0x0  }
0x34e: {  	s25 =	simm.s32 $0xCC00;
	s14 =	rddreg [dreg:$0x1a];
	[sflag:s3] =	ssyncadd.s32 $0xFFFFE000  }
0x34f: {  	[hbm4b:s14+s9] =	stream.strided.scatter [tilespmem:s25], [sflag:$0x4], $0x2000, s2, s9, $0x38;
	[tilespmem:$0x18C00] =	vst v63  }
0x350: {  	_ =	swait.ge [sflag:s3], $0x2000  }
0x351: {  	[sflag:s3] =	ssyncset.done $0x0  }
0x352: {  	s16 =	simm.s32 $0xEC00;
	s15 =	rddreg [dreg:$0x1b];
	[sflag:s3] =	ssyncadd.s32 $0xFFFFE000  }
0x353: {  	[hbm4b:s15+s9] =	stream.strided.scatter [tilespmem:s16], [sflag:$0x4], $0x2000, s2, s9, $0x38;
	[tilespmem:$0x18C00] =	vst v63  }
0x354: {  	_ =	swait.ge [sflag:s3], $0x2000  }
0x355: {  	[sflag:s3] =	ssyncset.done $0x0  }
0x356: {  	[sflag:s3] =	ssyncadd.s32 $0xFFFFE000  }
0x357: {  	_ =	swait.ge [sflag:s19], $0x1000  }
0x358: {  	[sflag:s19] =	ssyncset.done $0x0  }
0x359: {  	[sflag:s19] =	ssyncadd.s32 $0xFFFFF000  }
0x35a: {  	_ =	swait.ge [sflag:s19], $0x1000  }
0x35b: {  	[sflag:s19] =	ssyncset.done $0x0  }
0x35c: {  	[sflag:s19] =	ssyncadd.s32 $0xFFFFF000  }
0x35d: {  	_ =	swait.ge [sflag:s19], $0x1000  }
0x35e: {  	[sflag:s19] =	ssyncset.done $0x0  }
0x35f: {  	[sflag:s19] =	ssyncadd.s32 $0xFFFFF000  }
0x360: {  	_ =	swait.ge [sflag:s19], $0x1000  }
0x361: {  	[sflag:s19] =	ssyncset.done $0x0  }
0x362: {  	[sflag:s19] =	ssyncadd.s32 $0xFFFFF000  }
0x363: {  	_ =	swait.ge [sflag:s19], $0x1000  }
0x364: {  	[sflag:s19] =	ssyncset.done $0x0  }
0x365: {  	[sflag:s19] =	ssyncadd.s32 $0xFFFFF000  }
0x366: {  	_ =	swait.ge [sflag:s19], $0x1000  }
0x367: {  	[sflag:s19] =	ssyncset.done $0x0  }
0x368: {  	[sflag:s19] =	ssyncadd.s32 $0xFFFFF000  }
0x369: {  	_ =	swait.ge [sflag:s19], $0x1000  }
0x36a: {  	[sflag:s19] =	ssyncset.done $0x0  }
0x36b: {  	[sflag:s19] =	ssyncadd.s32 $0xFFFFF000  }
0x36c: {  	_ =	swait.ge [sflag:s19], $0x1000  }
0x36d: {  	[sflag:s19] =	ssyncset.done $0x0  }
0x36e: {  	s17 =	simm.s32 $0x10C00;
	s18 =	rddreg [dreg:$0x1c];
	[sflag:s19] =	ssyncadd.s32 $0xFFFFF000  }
0x36f: {  	[hbm4b:s18+s9] =	stream.strided.scatter [tilespmem:s17], [sflag:$0x4], $0x2000, s2, s9, $0x38;
	[tilespmem:$0x18C00] =	vst v63  }
0x370: {  	_ =	swait.ge [sflag:s3], $0x2000  }
0x371: {  	[sflag:s3] =	ssyncset.done $0x0  }
0x372: {  	s30 =	simm.s32 $0x12C00;
	s20 =	rddreg [dreg:$0x1d];
	[sflag:s3] =	ssyncadd.s32 $0xFFFFE000  }
0x373: {  	[hbm4b:s20+s9] =	stream.strided.scatter [tilespmem:s30], [sflag:$0x4], $0x2000, s2, s9, $0x38;
	[tilespmem:$0x18C00] =	vst v63  }
0x374: {  	_ =	swait.ge [sflag:s3], $0x2000  }
0x375: {  	[sflag:s3] =	ssyncset.done $0x0  }
0x376: {  	s8 =	simm.s32 $0x14C00;
	s22 =	rddreg [dreg:$0x1e];
	[sflag:s3] =	ssyncadd.s32 $0xFFFFE000  }
0x377: {  	[hbm4b:s22+s9] =	stream.strided.scatter [tilespmem:s8], [sflag:$0x4], $0x2000, s2, s9, $0x38;
	[tilespmem:$0x18C00] =	vst v63  }
0x378: {  	_ =	swait.ge [sflag:s3], $0x2000  }
0x379: {  	[sflag:s3] =	ssyncset.done $0x0  }
0x37a: {  	s25 =	rddreg [dreg:$0x1f];
	[sflag:s3] =	ssyncadd.s32 $0xFFFFE000  }
0x37b: {  	[hbm4b:s25+s9] =	stream.strided.scatter [tilespmem:s11], [sflag:$0x4], $0x2000, s2, s9, $0x38;
	[tilespmem:$0x18C00] =	vst v63  }
0x37c: {  	_ =	swait.ge [sflag:s3], $0x2000  }
0x37d: {  	[sflag:s3] =	ssyncset.done $0x0  }
0x37e: {  	[sflag:s3] =	ssyncadd.s32 $0xFFFFE000  }
0x37f: {  	_ =	swait.ge [sflag:s10], $0x1000  }
0x380: {  	[sflag:s10] =	ssyncset.done $0x0  }
0x381: {  	[sflag:s10] =	ssyncadd.s32 $0xFFFFF000  }
0x382: {  	_ =	swait.ge [sflag:s10], $0x1000  }
0x383: {  	[sflag:s10] =	ssyncset.done $0x0  }
0x384: {  	[sflag:s10] =	ssyncadd.s32 $0xFFFFF000  }
0x385: {  	_ =	swait.ge [sflag:s10], $0x1000  }
0x386: {  	[sflag:s10] =	ssyncset.done $0x0  }
0x387: {  	[sflag:s10] =	ssyncadd.s32 $0xFFFFF000  }
0x388: {  	_ =	swait.ge [sflag:s10], $0x1000  }
0x389: {  	[sflag:s10] =	ssyncset.done $0x0  }
0x38a: {  	[sflag:s10] =	ssyncadd.s32 $0xFFFFF000  }
0x38b: {  	_ =	swait.ge [sflag:s10], $0x1000  }
0x38c: {  	[sflag:s10] =	ssyncset.done $0x0  }
0x38d: {  	[sflag:s10] =	ssyncadd.s32 $0xFFFFF000  }
0x38e: {  	_ =	swait.ge [sflag:s10], $0x1000  }
0x38f: {  	[sflag:s10] =	ssyncset.done $0x0  }
0x390: {  	[sflag:s10] =	ssyncadd.s32 $0xFFFFF000  }
0x391: {  	_ =	swait.ge [sflag:s10], $0x1000  }
0x392: {  	[sflag:s10] =	ssyncset.done $0x0  }
0x393: {  	[sflag:s10] =	ssyncadd.s32 $0xFFFFF000  }
0x394: {  	_ =	swait.ge [sflag:s10], $0x1000  }
0x395: {  	s26 =	sld [smem:$0x7EA]  }
0x396: {  	[sflag:s10] =	ssyncset.done $0x0  }
0x397: {  	[sflag:s10] =	ssyncadd.s32 $0xFFFFF000  }
0x398: {  	[hbm4b:s26+s9] =	stream.strided.scatter [tilespmem:s21], [sflag:$0x4], $0x2000, s2, s9, $0x38;
	[tilespmem:$0x18C00] =	vst v63  }
0x399: {  	_ =	swait.ge [sflag:s3], $0x2000  }
0x39a: {  	s28 =	sld [smem:$0x7EB]  }
0x39b: {  	[sflag:s3] =	ssyncset.done $0x0  }
0x39c: {  	[sflag:s3] =	ssyncadd.s32 $0xFFFFE000  }
0x39d: {  	[hbm4b:s28+s9] =	stream.strided.scatter [tilespmem:s24], [sflag:$0x4], $0x2000, s2, s9, $0x38;
	[tilespmem:$0x18C00] =	vst v63  }
0x39e: {  	_ =	swait.ge [sflag:s3], $0x2000  }
0x39f: {  	s29 =	sld [smem:$0x7EC]  }
0x3a0: {  	[sflag:s3] =	ssyncset.done $0x0  }
0x3a1: {  	[sflag:s3] =	ssyncadd.s32 $0xFFFFE000  }
0x3a2: {  	[hbm4b:s29+s9] =	stream.strided.scatter [tilespmem:s23], [sflag:$0x4], $0x2000, s2, s9, $0x38;
	[tilespmem:$0x18C00] =	vst v63  }
0x3a3: {  	_ =	swait.ge [sflag:s3], $0x2000  }
0x3a4: {  	s30 =	sld [smem:$0x7ED]  }
0x3a5: {  	[sflag:s3] =	ssyncset.done $0x0  }
0x3a6: {  	[sflag:s3] =	ssyncadd.s32 $0xFFFFE000  }
0x3a7: {  	[hbm4b:s30+s9] =	stream.strided.scatter [tilespmem:s7], [sflag:$0x4], $0x2000, s2, s9, $0x38;
	[tilespmem:$0x18C00] =	vst v63  }
0x3a8: {  	_ =	swait.ge [sflag:s3], $0x2000  }
0x3a9: {  	[sflag:s3] =	ssyncset.done $0x0  }
0x3aa: {  	[sflag:s3] =	ssyncadd.s32 $0xFFFFE000  }
0x3ab: {  	_ =	sfence.sel $0x180000  }
0x3ac: {  	[bflag:$0x0] =	sbarrier.arrive $0xFFFF  }
0x3ad: {  	_ =	strace $0x90000047  }
0x3ae: {  	s31 =	stileid.u32;
	[bflag:$0x2] =	sbarrier.arrive $0xFFFF  }
0x3af: {  	p0 =	sne.s32 s31, $0x0;
	s0 =	rddreg [dreg:$0x3]  }
0x3b0: {  	s0 =	sadd.s32 @!p0 $0x100000, s0  }
0x3b1: {  	[sflag:s0] =	ssyncadd.tile.s32 @!p0 $0x1;
	_ =	shalt  }
.LBB2_1:
.Ltmp3:
0x3b2: {  	(pc) =	sbr.rel .LBB2_6-.Ltmp3, $3  }
0x3b3: {  	_ =	sdelay $0x1  }
0x3b4: {  	s8 =	simm.s32 $0x10C00  }
0x3b5: {  	s23 =	simm.s32 $0xAC00;
	s21 =	simm.s32 $0xCC00;
	s24 =	simm.s32 $0xEC00  }
.LBB2_7:
.Ltmp4:
0x3b6: {  	(pc) =	sbr.rel .LBB2_6-.Ltmp4, $4  }
0x3b7: {  	s16 =	simm.s32 $0x14C00;
	s8 =	simm.s32 $0x10C00;
	s24 =	simm.s32 $0xEC00  }
0x3b8: {  	s21 =	simm.s32 $0xCC00;
	s25 =	simm.s32 $0x180;
	s23 =	simm.s32 $0xAC00  }
0x3b9: {  	s28 =	simm.s32 $0x3C00;
	s4 =	simm.s32 $0x8C00;
	s5 =	simm.s32 $0xC00  }
0x3ba: {  	s6 =	simm.s32 $0x2C00;
	s29 =	simm.s32 $0x4C00;
	s30 =	simm.s32 $0x700  }
.Lfunc_end2:
_tile_overlayer_lowered:
.L_overlay_start_2:
0x3bb: {  	(tag) =	ssettag $0x2  }
0x3bc: {  	s0 =	rddreg [dreg:$0x0];
	s2 =	stileid.u32  }
0x3bd: {  	s1 =	rddreg [dreg:$0x1];
	p0 =	sne.s32 s2, $0x0  }
0x3be: {  	s3 =	rddreg [dreg:$0x2];
	[bflag:$0x3] =	sbarrier.arrive $0xFFFF;
	s2 =	simm.s32 @!p0 $0x1C04  }
0x3bf: {  	[timem:s3], [sflag:s2] =	dma.local @!p0 [hbm:s0], s1  }
0x3c0: {  	s0 =	simm.s32 @!p0 $0x4  }
0x3c1: {  	_ =	swait.ge @!p0 [sflag:s0], s1  }
0x3c2: {  	s1 =	ssub.s32 @!p0 $0x0, s1;
	[sflag:s0] =	ssyncset.done @!p0 $0x0  }
0x3c3: {  	[sflag:s0] =	ssyncadd.s32 @!p0 s1  }
0x3c4: {  	[bflag:$0x3] =	sbarrier.arrive $0xFFFF  }
0x3c5: {  	_ =	shalt  }

</sc_bundles>
